<compile_context>
chip_gen: v7x
topology: tpu7x:2x2x1
jax: 0.10.2.dev20260603
libtpu: 0.0.44.dev20260713+nightly
codegen_flags: <defaults>
</compile_context>

<pallas_src>
import functools

import jax
import jax.numpy as jnp
from jax import lax
from jax.experimental import pallas as pl
from jax.experimental.pallas import tpu as pltpu
from jax.experimental.pallas import tpu_sc as plsc

N = 10000
E = 320000
D = 128

CB = 128
ROWS = (E + CB - 1) // CB
ROWS_PAD = ((ROWS + 255) // 256) * 256
E_PAD = ROWS_PAD * CB
NPAD = E_PAD - E
NTRASH = 16
NA = 10112
NB = NA // 128
IB = 8
EIB = 40
HALF = NA // 2
LBUF = 16 * HALF

_mesh = plsc.VectorSubcoreMesh(core_axis_name="c", subcore_axis_name="s")


@functools.partial(
    pl.kernel,
    out_type=jax.ShapeDtypeStruct((2, 16, NB, 128), jnp.float32),
    mesh=_mesh,
    scratch_types=[
        pltpu.VMEM((ROWS_PAD // 16, CB), jnp.int32),
        pltpu.VMEM((LBUF,), jnp.float32),
        pltpu.VMEM((NB, 128), jnp.float32),
        pltpu.SemaphoreType.DMA,
    ],
    compiler_params=pltpu.CompilerParams(needs_layout_passes=False),
)
def _sc_hist(idx_hbm, hist_hbm, idxbuf, lhist, histloc, isem):
    c = lax.axis_index("c")
    s = lax.axis_index("s")
    rpt = ROWS_PAD // 16
    lane = lax.iota(jnp.int32, 16) * HALF
    ones = jnp.ones((16,), jnp.float32)
    zero16 = jnp.zeros((16,), jnp.float32)
    idx_src = idx_hbm.at[c].at[pl.ds(s * rpt, rpt)]
    pltpu.async_copy(idx_src, idxbuf, isem)

    for p in range(2):
        base = p * HALF

        def zero(i, _):
            for k in range(16):
                lhist[pl.ds(i * 256 + k * 16, 16)] = zero16
            return 0

        lax.fori_loop(0, LBUF // 256, zero, 0)
        if p == 0:
            pltpu.make_async_copy(idx_src, idxbuf, isem).wait()

        def scatter_row(r, _):
            for k in range(CB // 16):
                idxv = idxbuf[r, pl.ds(k * 16, 16)]
                inr = (idxv >= base) & (idxv < base + HALF)
                addr = lane + (idxv - base)
                plsc.addupdate_scatter(lhist, [addr], ones, mask=inr)
            return 0

        lax.fori_loop(0, rpt, scatter_row, 0)

        def drain(ci, _):
            flat = base + ci * 16
            acc = lhist[pl.ds(ci * 16, 16)]
            for l in range(1, 16):
                acc = acc + lhist[pl.ds(ci * 16 + l * HALF, 16)]
            histloc[flat // 128, pl.ds(flat % 128, 16)] = acc
            return 0

        lax.fori_loop(0, HALF // 16, drain, 0)

    pltpu.sync_copy(histloc, hist_hbm.at[c].at[s])


@functools.partial(
    pl.kernel,
    out_type=jax.ShapeDtypeStruct((2, NA, D), jnp.float32),
    mesh=_mesh,
    scratch_types=[
        pltpu.VMEM((EIB, CB), jnp.int32),
        pltpu.VMEM((EIB, CB), jnp.int32),
        pltpu.VMEM((CB, D), jnp.float32),
        pltpu.VMEM((CB, D), jnp.float32),
        pltpu.VMEM_SHARED((NA, D), jnp.float32),
        pltpu.SemaphoreType.DMA,
        pltpu.SemaphoreType.DMA,
        pltpu.SemaphoreType.DMA,
        pltpu.SemaphoreType.DMA,
    ],
)
def _sc_edges(xs_hbm, idx3_hbm, part_hbm,
              sbuf, rbuf, rows0, rows1, accsp, gsem0, gsem1, ssem0, ssem1):
    c = lax.axis_index("c")
    s = lax.axis_index("s")
    npt = NA // 16
    rpt = ROWS_PAD // 32
    base = c * (ROWS_PAD // 2) + s * rpt

    zero16 = jnp.zeros((16,), jnp.float32)

    def zrow(i, _):
        for k in range(D // 16):
            rows0[i, pl.ds(k * 16, 16)] = zero16
        return 0

    lax.fori_loop(0, CB, zrow, 0)
    for k in range(npt // CB):
        pltpu.sync_copy(rows0, accsp.at[pl.ds(s * npt + k * CB, CB)])
    rem = npt % CB
    if rem:
        pltpu.sync_copy(rows0.at[pl.ds(0, rem)],
                        accsp.at[pl.ds(s * npt + (npt // CB) * CB, rem)])
    plsc.subcore_barrier()

    rows = (rows0, rows1)
    gsem = (gsem0, gsem1)
    ssem = (ssem0, ssem1)

    def group(o, _):
        row0 = base + o * EIB
        pltpu.sync_copy(idx3_hbm.at[0].at[pl.ds(row0, EIB)], sbuf)
        pltpu.sync_copy(idx3_hbm.at[1].at[pl.ds(row0, EIB)], rbuf)
        pltpu.async_copy(xs_hbm.at[sbuf.at[0]], rows[0], gsem[0])
        for j in range(EIB):
            b, nb = j % 2, (j + 1) % 2
            if j + 1 < EIB:
                if j >= 1:
                    pltpu.make_async_copy(
                        rows[nb], accsp.at[rbuf.at[j - 1]], ssem[nb]).wait()
                pltpu.async_copy(xs_hbm.at[sbuf.at[j + 1]], rows[nb], gsem[nb])
            pltpu.make_async_copy(
                xs_hbm.at[sbuf.at[j]], rows[b], gsem[b]).wait()
            pltpu.async_copy(rows[b], accsp.at[rbuf.at[j]], ssem[b], add=True)
        pltpu.make_async_copy(
            rows[(EIB - 2) % 2], accsp.at[rbuf.at[EIB - 2]],
            ssem[(EIB - 2) % 2]).wait()
        pltpu.make_async_copy(
            rows[(EIB - 1) % 2], accsp.at[rbuf.at[EIB - 1]],
            ssem[(EIB - 1) % 2]).wait()
        return 0

    lax.fori_loop(0, rpt // EIB, group, 0)
    plsc.subcore_barrier()
    pltpu.sync_copy(accsp.at[pl.ds(s * npt, npt)],
                    part_hbm.at[c].at[pl.ds(s * npt, npt)])


def _mm_body(nodes_ref, wt_ref, b_ref, o_ref):
    o_ref[...] = jnp.dot(nodes_ref[...], wt_ref[...],
                         preferred_element_type=jnp.float32) + b_ref[...]


def _scale_body(y_ref, hs_ref, o_ref):
    deg = jnp.sum(hs_ref[0], axis=0) + 1.0
    o_ref[...] = y_ref[...] * lax.rsqrt(deg)[:, None]


def _final_body(p_ref, xs_ref, hr_ref, o_ref):
    t = p_ref[0] + p_ref[1] + xs_ref[...]
    rdeg = jnp.sum(hr_ref[0], axis=0) + 1.0
    t = t * lax.rsqrt(rdeg)[:, None]
    o_ref[...] = jnp.where(t >= 0.0, t, 0.01 * t)


def kernel(nodes, senders, receivers, W, b):
    senders = senders.astype(jnp.int32)
    receivers = receivers.astype(jnp.int32)
    trash = (N + (jnp.arange(NPAD, dtype=jnp.int32) % NTRASH))
    s_trash = jnp.concatenate([senders, trash])
    r_trash = jnp.concatenate([receivers, trash])
    idx_hist = jnp.stack([s_trash, r_trash]).reshape(2, ROWS_PAD, CB)

    hist = _sc_hist(idx_hist).reshape(2, 16, NA)

    wt = W.T
    b2 = b.reshape(1, D)
    y = pl.pallas_call(
        _mm_body,
        out_shape=jax.ShapeDtypeStruct((NA, D), jnp.float32),
        grid=(NB,),
        in_specs=[
            pl.BlockSpec((128, D), lambda i: (i, 0)),
            pl.BlockSpec((D, D), lambda i: (0, 0)),
            pl.BlockSpec((1, D), lambda i: (0, 0)),
        ],
        out_specs=pl.BlockSpec((128, D), lambda i: (i, 0)),
    )(nodes, wt, b2)
    xs = pl.pallas_call(
        _scale_body,
        out_shape=jax.ShapeDtypeStruct((NA, D), jnp.float32),
        grid=(NB,),
        in_specs=[
            pl.BlockSpec((128, D), lambda i: (i, 0)),
            pl.BlockSpec((1, 16, 128), lambda i: (0, 0, i)),
        ],
        out_specs=pl.BlockSpec((128, D), lambda i: (i, 0)),
    )(y, hist)

    part = _sc_edges(xs, idx_hist)

    out = pl.pallas_call(
        _final_body,
        out_shape=jax.ShapeDtypeStruct((N, D), jnp.float32),
        grid=(NB,),
        in_specs=[
            pl.BlockSpec((2, 128, D), lambda i: (0, i, 0)),
            pl.BlockSpec((128, D), lambda i: (i, 0)),
            pl.BlockSpec((1, 16, 128), lambda i: (1, 0, i)),
        ],
        out_specs=pl.BlockSpec((128, D), lambda i: (i, 0)),
    )(part, xs, hist)
    return out

# --- scband reference (transcript-rebuilt; emitter-appended) ---
"""Pipeline reference for scband-graph-conv-layer-45612552684102 (READ-ONLY COPY).

The authoritative reference and input builder live on the scoring server;
editing this copy changes nothing except your own understanding.
"""

import jax, jax.numpy as jnp
import numpy as np

N_NODES = 10000
N_EDGES = 320000
D_IN = 128
D_OUT = 128


def setup_inputs(seed: int = 0) -> dict:
    key = jax.random.key(seed)
    k1, k2, k3, k4, k5 = jax.random.split(key, 5)
    nodes = jax.random.normal(k1, (N_NODES, D_IN), dtype=jnp.float32)
    senders = jax.random.randint(k2, (N_EDGES,), 0, N_NODES, dtype=jnp.int32)
    receivers = jax.random.randint(k3, (N_EDGES,), 0, N_NODES, dtype=jnp.int32)
    # eqx.nn.Linear params: weight [out, in], bias [out], uniform(-lim, lim), lim=1/sqrt(in)
    lim = 1.0 / np.sqrt(D_IN)
    W = jax.random.uniform(k4, (D_OUT, D_IN), dtype=jnp.float32, minval=-lim, maxval=lim)
    b = jax.random.uniform(k5, (D_OUT,), dtype=jnp.float32, minval=-lim, maxval=lim)
    return {"nodes": nodes, "senders": senders, "receivers": receivers, "W": W, "b": b}


def reference(nodes, senders, receivers, W, b):
    # jraph.GraphConvolution: update_node_fn applied FIRST
    x = nodes @ W.T + b  # vmap(eqx.nn.Linear)
    n = x.shape[0]
    # add_self_edges=True
    self_idx = jnp.arange(n, dtype=senders.dtype)
    conv_senders = jnp.concatenate([senders, self_idx], axis=0)
    conv_receivers = jnp.concatenate([receivers, self_idx], axis=0)
    # symmetric_normalization=True
    ones = jnp.ones(conv_senders.shape[0], dtype=jnp.float32)
    sender_degree = jax.ops.segment_sum(ones, conv_senders, num_segments=n)
    receiver_degree = jax.ops.segment_sum(ones, conv_receivers, num_segments=n)
    x = x * jax.lax.rsqrt(jnp.maximum(sender_degree, 1.0))[:, None]
    x = jax.ops.segment_sum(x[conv_senders], conv_receivers, num_segments=n)
    x = x * jax.lax.rsqrt(jnp.maximum(receiver_degree, 1.0))[:, None]
    # use_activation=True -> leaky_relu (default negative_slope=0.01)
    return jax.nn.leaky_relu(x)

if __name__ == "__main__":
    import jax
    _d = setup_inputs()
    print(jax.jit(kernel)(*tuple(_d.values())))

</pallas_src>

<mosaic_0001>
#map = affine_map<(d0, d1) -> (0, 0, 0)>
#map1 = affine_map<(d0, d1) -> (0, 0, 0, 0)>
module attributes {stable_mosaic.version = 14 : i64} {
  func.func @_sc_hist(%arg0: i32, %arg1: i32, %arg2: memref<2x2560x128xi32, #tpu.memory_space<hbm>>, %arg3: memref<2x16x79x128xf32, #tpu.memory_space<hbm>>, %arg4: memref<160x128xi32, #tpu.memory_space<vmem>>, %arg5: memref<80896xf32, #tpu.memory_space<vmem>>, %arg6: memref<79x128xf32, #tpu.memory_space<vmem>>, %arg7: memref<!tpu.dma_semaphore, #tpu.memory_space<semaphore_mem>>) attributes {dimension_semantics = [#tpu.dimension_semantics<core_parallel>, #tpu.dimension_semantics<subcore_parallel>], iteration_bounds = array<i64: 2, 16>, scalar_prefetch = 0 : i64, scratch_operands = 4 : i64, tpu.core_type = #tpu.core_type<sc_vector_subcore>, window_params = [{transform_indices = #map}, {transform_indices = #map1}]} {
    %iota3A = tpu.iota {dimensions = array<i32: 0>} : vector<16xi32>
    %mul3A = arith.constant 5056 : i32
    %mul3A_0 = vector.broadcast %mul3A : i32 to vector<16xi32>
    %mul3A_1 = arith.muli %iota3A, %mul3A_0 : vector<16xi32>
    %broadcast_in_dim3A = arith.constant 1.000000e+00 : f32
    %broadcast_in_dim3A_2 = vector.broadcast %broadcast_in_dim3A : f32 to vector<16xf32>
    %broadcast_in_dim3A_3 = arith.constant 0.000000e+00 : f32
    %broadcast_in_dim3A_4 = vector.broadcast %broadcast_in_dim3A_3 : f32 to vector<16xf32>
    %mul3A_5 = arith.constant 160 : i32
    %mul3A_6 = arith.muli %arg1, %mul3A_5 : i32
    %dma_start3A = arith.constant 0 : i32
    %dma_start3A_7 = arith.constant 0 : i32
    %dma_start3A_8 = tpu.memref_slice %arg2[%arg0, %dma_start3A, %dma_start3A_7] : memref<2x2560x128xi32, #tpu.memory_space<hbm>> -> memref<1x2560x128xi32, #tpu.memory_space<hbm>>
    %dma_start3A_9 = tpu.memref_squeeze %dma_start3A_8 : memref<1x2560x128xi32, #tpu.memory_space<hbm>> -> memref<2560x128xi32, #tpu.memory_space<hbm>>
    %dma_start3A_10 = arith.constant 0 : i32
    %dma_start3A_11 = tpu.memref_slice %dma_start3A_9[%mul3A_6, %dma_start3A_10] : memref<2560x128xi32, #tpu.memory_space<hbm>> -> memref<160x128xi32, #tpu.memory_space<hbm>>
    %dma_start3A_12 = arith.constant 0 : i32
    %dma_start3A_13 = arith.constant 0 : i32
    %dma_start3A_14 = tpu.memref_slice %arg2[%arg0, %dma_start3A_12, %dma_start3A_13] : memref<2x2560x128xi32, #tpu.memory_space<hbm>> -> memref<1x2560x128xi32, #tpu.memory_space<hbm>>
    %dma_start3A_15 = tpu.memref_squeeze %dma_start3A_14 : memref<1x2560x128xi32, #tpu.memory_space<hbm>> -> memref<2560x128xi32, #tpu.memory_space<hbm>>
    %dma_start3A_16 = arith.constant 0 : i32
    %dma_start3A_17 = tpu.memref_slice %dma_start3A_15[%mul3A_6, %dma_start3A_16] : memref<2560x128xi32, #tpu.memory_space<hbm>> -> memref<160x128xi32, #tpu.memory_space<hbm>>
    tpu.enqueue_dma source(%dma_start3A_17 : memref<160x128xi32, #tpu.memory_space<hbm>>) target(%arg4 : memref<160x128xi32, #tpu.memory_space<vmem>>) target_semaphore(%arg7 : memref<!tpu.dma_semaphore, #tpu.memory_space<semaphore_mem>>)
    %scan3A = arith.constant 0 : i32
    %scan3A_18 = arith.constant 0 : i32
    %scan3A_19 = arith.constant 316 : i32
    %scan3A_20 = arith.addi %scan3A_18, %scan3A_19 : i32
    %scan3A_21 = arith.constant 1 : i32
    %scan3A_22 = scf.for %scan3A_70 = %scan3A_18 to %scan3A_20 step %scan3A_21 iter_args(%scan3A_71 = %scan3A) -> (i32)  : i32 {
      %mul3A_72 = arith.constant 256 : i32
      %mul3A_73 = arith.muli %scan3A_70, %mul3A_72 : i32
      %add3A = arith.constant 0 : i32
      %add3A_74 = arith.addi %mul3A_73, %add3A : i32
      %swap3A = arith.index_cast %add3A_74 : i32 to index
      %swap3A_75 = tpu.vector_load %arg5[%swap3A] {strides = array<i32>} : memref<80896xf32, #tpu.memory_space<vmem>>, vector<16xf32>,
      tpu.vector_store %arg5[%swap3A], %broadcast_in_dim3A_4 {strides = array<i32>} : memref<80896xf32, #tpu.memory_space<vmem>>, vector<16xf32>,
      %mul3A_76 = arith.constant 256 : i32
      %mul3A_77 = arith.muli %scan3A_70, %mul3A_76 : i32
      %add3A_78 = arith.constant 16 : i32
      %add3A_79 = arith.addi %mul3A_77, %add3A_78 : i32
      %swap3A_80 = arith.index_cast %add3A_79 : i32 to index
      %swap3A_81 = tpu.vector_load %arg5[%swap3A_80] {strides = array<i32>} : memref<80896xf32, #tpu.memory_space<vmem>>, vector<16xf32>,
      tpu.vector_store %arg5[%swap3A_80], %broadcast_in_dim3A_4 {strides = array<i32>} : memref<80896xf32, #tpu.memory_space<vmem>>, vector<16xf32>,
      %mul3A_82 = arith.constant 256 : i32
      %mul3A_83 = arith.muli %scan3A_70, %mul3A_82 : i32
      %add3A_84 = arith.constant 32 : i32
      %add3A_85 = arith.addi %mul3A_83, %add3A_84 : i32
      %swap3A_86 = arith.index_cast %add3A_85 : i32 to index
      %swap3A_87 = tpu.vector_load %arg5[%swap3A_86] {strides = array<i32>} : memref<80896xf32, #tpu.memory_space<vmem>>, vector<16xf32>,
      tpu.vector_store %arg5[%swap3A_86], %broadcast_in_dim3A_4 {strides = array<i32>} : memref<80896xf32, #tpu.memory_space<vmem>>, vector<16xf32>,
      %mul3A_88 = arith.constant 256 : i32
      %mul3A_89 = arith.muli %scan3A_70, %mul3A_88 : i32
      %add3A_90 = arith.constant 48 : i32
      %add3A_91 = arith.addi %mul3A_89, %add3A_90 : i32
      %swap3A_92 = arith.index_cast %add3A_91 : i32 to index
      %swap3A_93 = tpu.vector_load %arg5[%swap3A_92] {strides = array<i32>} : memref<80896xf32, #tpu.memory_space<vmem>>, vector<16xf32>,
      tpu.vector_store %arg5[%swap3A_92], %broadcast_in_dim3A_4 {strides = array<i32>} : memref<80896xf32, #tpu.memory_space<vmem>>, vector<16xf32>,
      %mul3A_94 = arith.constant 256 : i32
      %mul3A_95 = arith.muli %scan3A_70, %mul3A_94 : i32
      %add3A_96 = arith.constant 64 : i32
      %add3A_97 = arith.addi %mul3A_95, %add3A_96 : i32
      %swap3A_98 = arith.index_cast %add3A_97 : i32 to index
      %swap3A_99 = tpu.vector_load %arg5[%swap3A_98] {strides = array<i32>} : memref<80896xf32, #tpu.memory_space<vmem>>, vector<16xf32>,
      tpu.vector_store %arg5[%swap3A_98], %broadcast_in_dim3A_4 {strides = array<i32>} : memref<80896xf32, #tpu.memory_space<vmem>>, vector<16xf32>,
      %mul3A_100 = arith.constant 256 : i32
      %mul3A_101 = arith.muli %scan3A_70, %mul3A_100 : i32
      %add3A_102 = arith.constant 80 : i32
      %add3A_103 = arith.addi %mul3A_101, %add3A_102 : i32
      %swap3A_104 = arith.index_cast %add3A_103 : i32 to index
      %swap3A_105 = tpu.vector_load %arg5[%swap3A_104] {strides = array<i32>} : memref<80896xf32, #tpu.memory_space<vmem>>, vector<16xf32>,
      tpu.vector_store %arg5[%swap3A_104], %broadcast_in_dim3A_4 {strides = array<i32>} : memref<80896xf32, #tpu.memory_space<vmem>>, vector<16xf32>,
      %mul3A_106 = arith.constant 256 : i32
      %mul3A_107 = arith.muli %scan3A_70, %mul3A_106 : i32
      %add3A_108 = arith.constant 96 : i32
      %add3A_109 = arith.addi %mul3A_107, %add3A_108 : i32
      %swap3A_110 = arith.index_cast %add3A_109 : i32 to index
      %swap3A_111 = tpu.vector_load %arg5[%swap3A_110] {strides = array<i32>} : memref<80896xf32, #tpu.memory_space<vmem>>, vector<16xf32>,
      tpu.vector_store %arg5[%swap3A_110], %broadcast_in_dim3A_4 {strides = array<i32>} : memref<80896xf32, #tpu.memory_space<vmem>>, vector<16xf32>,
      %mul3A_112 = arith.constant 256 : i32
      %mul3A_113 = arith.muli %scan3A_70, %mul3A_112 : i32
      %add3A_114 = arith.constant 112 : i32
      %add3A_115 = arith.addi %mul3A_113, %add3A_114 : i32
      %swap3A_116 = arith.index_cast %add3A_115 : i32 to index
      %swap3A_117 = tpu.vector_load %arg5[%swap3A_116] {strides = array<i32>} : memref<80896xf32, #tpu.memory_space<vmem>>, vector<16xf32>,
      tpu.vector_store %arg5[%swap3A_116], %broadcast_in_dim3A_4 {strides = array<i32>} : memref<80896xf32, #tpu.memory_space<vmem>>, vector<16xf32>,
      %mul3A_118 = arith.constant 256 : i32
      %mul3A_119 = arith.muli %scan3A_70, %mul3A_118 : i32
      %add3A_120 = arith.constant 128 : i32
      %add3A_121 = arith.addi %mul3A_119, %add3A_120 : i32
      %swap3A_122 = arith.index_cast %add3A_121 : i32 to index
      %swap3A_123 = tpu.vector_load %arg5[%swap3A_122] {strides = array<i32>} : memref<80896xf32, #tpu.memory_space<vmem>>, vector<16xf32>,
      tpu.vector_store %arg5[%swap3A_122], %broadcast_in_dim3A_4 {strides = array<i32>} : memref<80896xf32, #tpu.memory_space<vmem>>, vector<16xf32>,
      %mul3A_124 = arith.constant 256 : i32
      %mul3A_125 = arith.muli %scan3A_70, %mul3A_124 : i32
      %add3A_126 = arith.constant 144 : i32
      %add3A_127 = arith.addi %mul3A_125, %add3A_126 : i32
      %swap3A_128 = arith.index_cast %add3A_127 : i32 to index
      %swap3A_129 = tpu.vector_load %arg5[%swap3A_128] {strides = array<i32>} : memref<80896xf32, #tpu.memory_space<vmem>>, vector<16xf32>,
      tpu.vector_store %arg5[%swap3A_128], %broadcast_in_dim3A_4 {strides = array<i32>} : memref<80896xf32, #tpu.memory_space<vmem>>, vector<16xf32>,
      %mul3A_130 = arith.constant 256 : i32
      %mul3A_131 = arith.muli %scan3A_70, %mul3A_130 : i32
      %add3A_132 = arith.constant 160 : i32
      %add3A_133 = arith.addi %mul3A_131, %add3A_132 : i32
      %swap3A_134 = arith.index_cast %add3A_133 : i32 to index
      %swap3A_135 = tpu.vector_load %arg5[%swap3A_134] {strides = array<i32>} : memref<80896xf32, #tpu.memory_space<vmem>>, vector<16xf32>,
      tpu.vector_store %arg5[%swap3A_134], %broadcast_in_dim3A_4 {strides = array<i32>} : memref<80896xf32, #tpu.memory_space<vmem>>, vector<16xf32>,
      %mul3A_136 = arith.constant 256 : i32
      %mul3A_137 = arith.muli %scan3A_70, %mul3A_136 : i32
      %add3A_138 = arith.constant 176 : i32
      %add3A_139 = arith.addi %mul3A_137, %add3A_138 : i32
      %swap3A_140 = arith.index_cast %add3A_139 : i32 to index
      %swap3A_141 = tpu.vector_load %arg5[%swap3A_140] {strides = array<i32>} : memref<80896xf32, #tpu.memory_space<vmem>>, vector<16xf32>,
      tpu.vector_store %arg5[%swap3A_140], %broadcast_in_dim3A_4 {strides = array<i32>} : memref<80896xf32, #tpu.memory_space<vmem>>, vector<16xf32>,
      %mul3A_142 = arith.constant 256 : i32
      %mul3A_143 = arith.muli %scan3A_70, %mul3A_142 : i32
      %add3A_144 = arith.constant 192 : i32
      %add3A_145 = arith.addi %mul3A_143, %add3A_144 : i32
      %swap3A_146 = arith.index_cast %add3A_145 : i32 to index
      %swap3A_147 = tpu.vector_load %arg5[%swap3A_146] {strides = array<i32>} : memref<80896xf32, #tpu.memory_space<vmem>>, vector<16xf32>,
      tpu.vector_store %arg5[%swap3A_146], %broadcast_in_dim3A_4 {strides = array<i32>} : memref<80896xf32, #tpu.memory_space<vmem>>, vector<16xf32>,
      %mul3A_148 = arith.constant 256 : i32
      %mul3A_149 = arith.muli %scan3A_70, %mul3A_148 : i32
      %add3A_150 = arith.constant 208 : i32
      %add3A_151 = arith.addi %mul3A_149, %add3A_150 : i32
      %swap3A_152 = arith.index_cast %add3A_151 : i32 to index
      %swap3A_153 = tpu.vector_load %arg5[%swap3A_152] {strides = array<i32>} : memref<80896xf32, #tpu.memory_space<vmem>>, vector<16xf32>,
      tpu.vector_store %arg5[%swap3A_152], %broadcast_in_dim3A_4 {strides = array<i32>} : memref<80896xf32, #tpu.memory_space<vmem>>, vector<16xf32>,
      %mul3A_154 = arith.constant 256 : i32
      %mul3A_155 = arith.muli %scan3A_70, %mul3A_154 : i32
      %add3A_156 = arith.constant 224 : i32
      %add3A_157 = arith.addi %mul3A_155, %add3A_156 : i32
      %swap3A_158 = arith.index_cast %add3A_157 : i32 to index
      %swap3A_159 = tpu.vector_load %arg5[%swap3A_158] {strides = array<i32>} : memref<80896xf32, #tpu.memory_space<vmem>>, vector<16xf32>,
      tpu.vector_store %arg5[%swap3A_158], %broadcast_in_dim3A_4 {strides = array<i32>} : memref<80896xf32, #tpu.memory_space<vmem>>, vector<16xf32>,
      %mul3A_160 = arith.constant 256 : i32
      %mul3A_161 = arith.muli %scan3A_70, %mul3A_160 : i32
      %add3A_162 = arith.constant 240 : i32
      %add3A_163 = arith.addi %mul3A_161, %add3A_162 : i32
      %swap3A_164 = arith.index_cast %add3A_163 : i32 to index
      %swap3A_165 = tpu.vector_load %arg5[%swap3A_164] {strides = array<i32>} : memref<80896xf32, #tpu.memory_space<vmem>>, vector<16xf32>,
      tpu.vector_store %arg5[%swap3A_164], %broadcast_in_dim3A_4 {strides = array<i32>} : memref<80896xf32, #tpu.memory_space<vmem>>, vector<16xf32>,
      %scan3A_166 = arith.constant 0 : i32
      scf.yield %scan3A_166 : i32
    }
    %scan3A_23 = arith.constant 316 : i32
    %dma_wait3A = arith.constant 0 : i32
    %dma_wait3A_24 = arith.constant 0 : i32
    %dma_wait3A_25 = tpu.memref_slice %arg2[%arg0, %dma_wait3A, %dma_wait3A_24] : memref<2x2560x128xi32, #tpu.memory_space<hbm>> -> memref<1x2560x128xi32, #tpu.memory_space<hbm>>
    %dma_wait3A_26 = tpu.memref_squeeze %dma_wait3A_25 : memref<1x2560x128xi32, #tpu.memory_space<hbm>> -> memref<2560x128xi32, #tpu.memory_space<hbm>>
    %dma_wait3A_27 = arith.constant 0 : i32
    %dma_wait3A_28 = tpu.memref_slice %dma_wait3A_26[%mul3A_6, %dma_wait3A_27] : memref<2560x128xi32, #tpu.memory_space<hbm>> -> memref<160x128xi32, #tpu.memory_space<hbm>>
    %dma_wait3A_29 = arith.constant 0 : i32
    %dma_wait3A_30 = arith.constant 0 : i32
    %dma_wait3A_31 = tpu.memref_slice %arg2[%arg0, %dma_wait3A_29, %dma_wait3A_30] : memref<2x2560x128xi32, #tpu.memory_space<hbm>> -> memref<1x2560x128xi32, #tpu.memory_space<hbm>>
    %dma_wait3A_32 = tpu.memref_squeeze %dma_wait3A_31 : memref<1x2560x128xi32, #tpu.memory_space<hbm>> -> memref<2560x128xi32, #tpu.memory_space<hbm>>
    %dma_wait3A_33 = arith.constant 0 : i32
    %dma_wait3A_34 = tpu.memref_slice %dma_wait3A_32[%mul3A_6, %dma_wait3A_33] : memref<2560x128xi32, #tpu.memory_space<hbm>> -> memref<160x128xi32, #tpu.memory_space<hbm>>
    tpu.wait_dma2 semaphore(%arg7 : memref<!tpu.dma_semaphore, #tpu.memory_space<semaphore_mem>>) src(%dma_wait3A_34 : memref<160x128xi32, #tpu.memory_space<hbm>>) dst(%arg4 : memref<160x128xi32, #tpu.memory_space<vmem>>)
    %scan3A_35 = arith.constant 0 : i32
    %scan3A_36 = arith.constant 0 : i32
    %scan3A_37 = arith.constant 160 : i32
    %scan3A_38 = arith.addi %scan3A_36, %scan3A_37 : i32
    %scan3A_39 = arith.constant 1 : i32
    %scan3A_40 = scf.for %scan3A_70 = %scan3A_36 to %scan3A_38 step %scan3A_39 iter_args(%scan3A_71 = %scan3A_35) -> (i32)  : i32 {
      %get3A = arith.index_cast %scan3A_70 : i32 to index
      %get3A_72 = arith.constant 0 : index
      %get3A_73 = tpu.vector_load %arg4[%get3A, %get3A_72] {strides = array<i32>} : memref<160x128xi32, #tpu.memory_space<vmem>>, vector<16xi32>,
      %ge3A = arith.constant 0 : i32
      %ge3A_74 = vector.broadcast %ge3A : i32 to vector<16xi32>
      %ge3A_75 = arith.cmpi sge, %get3A_73, %ge3A_74 : vector<16xi32>
      %lt3A = arith.constant 5056 : i32
      %lt3A_76 = vector.broadcast %lt3A : i32 to vector<16xi32>
      %lt3A_77 = arith.cmpi slt, %get3A_73, %lt3A_76 : vector<16xi32>
      %and3A = arith.andi %ge3A_75, %lt3A_77 : vector<16xi1>
      %sub3A = arith.constant 0 : i32
      %sub3A_78 = vector.broadcast %sub3A : i32 to vector<16xi32>
      %sub3A_79 = arith.subi %get3A_73, %sub3A_78 : vector<16xi32>
      %add3A = arith.addi %mul3A_1, %sub3A_79 : vector<16xi32>
      tpu.vector_store_idx %arg5[%add3A], %broadcast_in_dim3A_2 masked %and3A {add = true} : memref<80896xf32, #tpu.memory_space<vmem>>[vector<16xi32>], vector<16xf32>, vector<16xi1>
      %get3A_80 = arith.index_cast %scan3A_70 : i32 to index
      %get3A_81 = arith.constant 16 : index
      %get3A_82 = tpu.vector_load %arg4[%get3A_80, %get3A_81] {strides = array<i32>} : memref<160x128xi32, #tpu.memory_space<vmem>>, vector<16xi32>,
      %ge3A_83 = arith.constant 0 : i32
      %ge3A_84 = vector.broadcast %ge3A_83 : i32 to vector<16xi32>
      %ge3A_85 = arith.cmpi sge, %get3A_82, %ge3A_84 : vector<16xi32>
      %lt3A_86 = arith.constant 5056 : i32
      %lt3A_87 = vector.broadcast %lt3A_86 : i32 to vector<16xi32>
      %lt3A_88 = arith.cmpi slt, %get3A_82, %lt3A_87 : vector<16xi32>
      %and3A_89 = arith.andi %ge3A_85, %lt3A_88 : vector<16xi1>
      %sub3A_90 = arith.constant 0 : i32
      %sub3A_91 = vector.broadcast %sub3A_90 : i32 to vector<16xi32>
      %sub3A_92 = arith.subi %get3A_82, %sub3A_91 : vector<16xi32>
      %add3A_93 = arith.addi %mul3A_1, %sub3A_92 : vector<16xi32>
      tpu.vector_store_idx %arg5[%add3A_93], %broadcast_in_dim3A_2 masked %and3A_89 {add = true} : memref<80896xf32, #tpu.memory_space<vmem>>[vector<16xi32>], vector<16xf32>, vector<16xi1>
      %get3A_94 = arith.index_cast %scan3A_70 : i32 to index
      %get3A_95 = arith.constant 32 : index
      %get3A_96 = tpu.vector_load %arg4[%get3A_94, %get3A_95] {strides = array<i32>} : memref<160x128xi32, #tpu.memory_space<vmem>>, vector<16xi32>,
      %ge3A_97 = arith.constant 0 : i32
      %ge3A_98 = vector.broadcast %ge3A_97 : i32 to vector<16xi32>
      %ge3A_99 = arith.cmpi sge, %get3A_96, %ge3A_98 : vector<16xi32>
      %lt3A_100 = arith.constant 5056 : i32
      %lt3A_101 = vector.broadcast %lt3A_100 : i32 to vector<16xi32>
      %lt3A_102 = arith.cmpi slt, %get3A_96, %lt3A_101 : vector<16xi32>
      %and3A_103 = arith.andi %ge3A_99, %lt3A_102 : vector<16xi1>
      %sub3A_104 = arith.constant 0 : i32
      %sub3A_105 = vector.broadcast %sub3A_104 : i32 to vector<16xi32>
      %sub3A_106 = arith.subi %get3A_96, %sub3A_105 : vector<16xi32>
      %add3A_107 = arith.addi %mul3A_1, %sub3A_106 : vector<16xi32>
      tpu.vector_store_idx %arg5[%add3A_107], %broadcast_in_dim3A_2 masked %and3A_103 {add = true} : memref<80896xf32, #tpu.memory_space<vmem>>[vector<16xi32>], vector<16xf32>, vector<16xi1>
      %get3A_108 = arith.index_cast %scan3A_70 : i32 to index
      %get3A_109 = arith.constant 48 : index
      %get3A_110 = tpu.vector_load %arg4[%get3A_108, %get3A_109] {strides = array<i32>} : memref<160x128xi32, #tpu.memory_space<vmem>>, vector<16xi32>,
      %ge3A_111 = arith.constant 0 : i32
      %ge3A_112 = vector.broadcast %ge3A_111 : i32 to vector<16xi32>
      %ge3A_113 = arith.cmpi sge, %get3A_110, %ge3A_112 : vector<16xi32>
      %lt3A_114 = arith.constant 5056 : i32
      %lt3A_115 = vector.broadcast %lt3A_114 : i32 to vector<16xi32>
      %lt3A_116 = arith.cmpi slt, %get3A_110, %lt3A_115 : vector<16xi32>
      %and3A_117 = arith.andi %ge3A_113, %lt3A_116 : vector<16xi1>
      %sub3A_118 = arith.constant 0 : i32
      %sub3A_119 = vector.broadcast %sub3A_118 : i32 to vector<16xi32>
      %sub3A_120 = arith.subi %get3A_110, %sub3A_119 : vector<16xi32>
      %add3A_121 = arith.addi %mul3A_1, %sub3A_120 : vector<16xi32>
      tpu.vector_store_idx %arg5[%add3A_121], %broadcast_in_dim3A_2 masked %and3A_117 {add = true} : memref<80896xf32, #tpu.memory_space<vmem>>[vector<16xi32>], vector<16xf32>, vector<16xi1>
      %get3A_122 = arith.index_cast %scan3A_70 : i32 to index
      %get3A_123 = arith.constant 64 : index
      %get3A_124 = tpu.vector_load %arg4[%get3A_122, %get3A_123] {strides = array<i32>} : memref<160x128xi32, #tpu.memory_space<vmem>>, vector<16xi32>,
      %ge3A_125 = arith.constant 0 : i32
      %ge3A_126 = vector.broadcast %ge3A_125 : i32 to vector<16xi32>
      %ge3A_127 = arith.cmpi sge, %get3A_124, %ge3A_126 : vector<16xi32>
      %lt3A_128 = arith.constant 5056 : i32
      %lt3A_129 = vector.broadcast %lt3A_128 : i32 to vector<16xi32>
      %lt3A_130 = arith.cmpi slt, %get3A_124, %lt3A_129 : vector<16xi32>
      %and3A_131 = arith.andi %ge3A_127, %lt3A_130 : vector<16xi1>
      %sub3A_132 = arith.constant 0 : i32
      %sub3A_133 = vector.broadcast %sub3A_132 : i32 to vector<16xi32>
      %sub3A_134 = arith.subi %get3A_124, %sub3A_133 : vector<16xi32>
      %add3A_135 = arith.addi %mul3A_1, %sub3A_134 : vector<16xi32>
      tpu.vector_store_idx %arg5[%add3A_135], %broadcast_in_dim3A_2 masked %and3A_131 {add = true} : memref<80896xf32, #tpu.memory_space<vmem>>[vector<16xi32>], vector<16xf32>, vector<16xi1>
      %get3A_136 = arith.index_cast %scan3A_70 : i32 to index
      %get3A_137 = arith.constant 80 : index
      %get3A_138 = tpu.vector_load %arg4[%get3A_136, %get3A_137] {strides = array<i32>} : memref<160x128xi32, #tpu.memory_space<vmem>>, vector<16xi32>,
      %ge3A_139 = arith.constant 0 : i32
      %ge3A_140 = vector.broadcast %ge3A_139 : i32 to vector<16xi32>
      %ge3A_141 = arith.cmpi sge, %get3A_138, %ge3A_140 : vector<16xi32>
      %lt3A_142 = arith.constant 5056 : i32
      %lt3A_143 = vector.broadcast %lt3A_142 : i32 to vector<16xi32>
      %lt3A_144 = arith.cmpi slt, %get3A_138, %lt3A_143 : vector<16xi32>
      %and3A_145 = arith.andi %ge3A_141, %lt3A_144 : vector<16xi1>
      %sub3A_146 = arith.constant 0 : i32
      %sub3A_147 = vector.broadcast %sub3A_146 : i32 to vector<16xi32>
      %sub3A_148 = arith.subi %get3A_138, %sub3A_147 : vector<16xi32>
      %add3A_149 = arith.addi %mul3A_1, %sub3A_148 : vector<16xi32>
      tpu.vector_store_idx %arg5[%add3A_149], %broadcast_in_dim3A_2 masked %and3A_145 {add = true} : memref<80896xf32, #tpu.memory_space<vmem>>[vector<16xi32>], vector<16xf32>, vector<16xi1>
      %get3A_150 = arith.index_cast %scan3A_70 : i32 to index
      %get3A_151 = arith.constant 96 : index
      %get3A_152 = tpu.vector_load %arg4[%get3A_150, %get3A_151] {strides = array<i32>} : memref<160x128xi32, #tpu.memory_space<vmem>>, vector<16xi32>,
      %ge3A_153 = arith.constant 0 : i32
      %ge3A_154 = vector.broadcast %ge3A_153 : i32 to vector<16xi32>
      %ge3A_155 = arith.cmpi sge, %get3A_152, %ge3A_154 : vector<16xi32>
      %lt3A_156 = arith.constant 5056 : i32
      %lt3A_157 = vector.broadcast %lt3A_156 : i32 to vector<16xi32>
      %lt3A_158 = arith.cmpi slt, %get3A_152, %lt3A_157 : vector<16xi32>
      %and3A_159 = arith.andi %ge3A_155, %lt3A_158 : vector<16xi1>
      %sub3A_160 = arith.constant 0 : i32
      %sub3A_161 = vector.broadcast %sub3A_160 : i32 to vector<16xi32>
      %sub3A_162 = arith.subi %get3A_152, %sub3A_161 : vector<16xi32>
      %add3A_163 = arith.addi %mul3A_1, %sub3A_162 : vector<16xi32>
      tpu.vector_store_idx %arg5[%add3A_163], %broadcast_in_dim3A_2 masked %and3A_159 {add = true} : memref<80896xf32, #tpu.memory_space<vmem>>[vector<16xi32>], vector<16xf32>, vector<16xi1>
      %get3A_164 = arith.index_cast %scan3A_70 : i32 to index
      %get3A_165 = arith.constant 112 : index
      %get3A_166 = tpu.vector_load %arg4[%get3A_164, %get3A_165] {strides = array<i32>} : memref<160x128xi32, #tpu.memory_space<vmem>>, vector<16xi32>,
      %ge3A_167 = arith.constant 0 : i32
      %ge3A_168 = vector.broadcast %ge3A_167 : i32 to vector<16xi32>
      %ge3A_169 = arith.cmpi sge, %get3A_166, %ge3A_168 : vector<16xi32>
      %lt3A_170 = arith.constant 5056 : i32
      %lt3A_171 = vector.broadcast %lt3A_170 : i32 to vector<16xi32>
      %lt3A_172 = arith.cmpi slt, %get3A_166, %lt3A_171 : vector<16xi32>
      %and3A_173 = arith.andi %ge3A_169, %lt3A_172 : vector<16xi1>
      %sub3A_174 = arith.constant 0 : i32
      %sub3A_175 = vector.broadcast %sub3A_174 : i32 to vector<16xi32>
      %sub3A_176 = arith.subi %get3A_166, %sub3A_175 : vector<16xi32>
      %add3A_177 = arith.addi %mul3A_1, %sub3A_176 : vector<16xi32>
      tpu.vector_store_idx %arg5[%add3A_177], %broadcast_in_dim3A_2 masked %and3A_173 {add = true} : memref<80896xf32, #tpu.memory_space<vmem>>[vector<16xi32>], vector<16xf32>, vector<16xi1>
      %scan3A_178 = arith.constant 0 : i32
      scf.yield %scan3A_178 : i32
    }
    %scan3A_41 = arith.constant 160 : i32
    %scan3A_42 = arith.constant 0 : i32
    %scan3A_43 = arith.constant 0 : i32
    %scan3A_44 = arith.constant 316 : i32
    %scan3A_45 = arith.addi %scan3A_43, %scan3A_44 : i32
    %scan3A_46 = arith.constant 1 : i32
    %scan3A_47 = scf.for %scan3A_70 = %scan3A_43 to %scan3A_45 step %scan3A_46 iter_args(%scan3A_71 = %scan3A_42) -> (i32)  : i32 {
      %mul3A_72 = arith.constant 16 : i32
      %mul3A_73 = arith.muli %scan3A_70, %mul3A_72 : i32
      %add3A = arith.constant 0 : i32
      %add3A_74 = arith.addi %add3A, %mul3A_73 : i32
      %mul3A_75 = arith.constant 16 : i32
      %mul3A_76 = arith.muli %scan3A_70, %mul3A_75 : i32
      %get3A = arith.index_cast %mul3A_76 : i32 to index
      %get3A_77 = tpu.vector_load %arg5[%get3A] {strides = array<i32>} : memref<80896xf32, #tpu.memory_space<vmem>>, vector<16xf32>,
      %mul3A_78 = arith.constant 16 : i32
      %mul3A_79 = arith.muli %scan3A_70, %mul3A_78 : i32
      %add3A_80 = arith.constant 5056 : i32
      %add3A_81 = arith.addi %mul3A_79, %add3A_80 : i32
      %get3A_82 = arith.index_cast %add3A_81 : i32 to index
      %get3A_83 = tpu.vector_load %arg5[%get3A_82] {strides = array<i32>} : memref<80896xf32, #tpu.memory_space<vmem>>, vector<16xf32>,
      %add3A_84 = arith.addf %get3A_77, %get3A_83 : vector<16xf32>
      %mul3A_85 = arith.constant 16 : i32
      %mul3A_86 = arith.muli %scan3A_70, %mul3A_85 : i32
      %add3A_87 = arith.constant 10112 : i32
      %add3A_88 = arith.addi %mul3A_86, %add3A_87 : i32
      %get3A_89 = arith.index_cast %add3A_88 : i32 to index
      %get3A_90 = tpu.vector_load %arg5[%get3A_89] {strides = array<i32>} : memref<80896xf32, #tpu.memory_space<vmem>>, vector<16xf32>,
      %add3A_91 = arith.addf %add3A_84, %get3A_90 : vector<16xf32>
      %mul3A_92 = arith.constant 16 : i32
      %mul3A_93 = arith.muli %scan3A_70, %mul3A_92 : i32
      %add3A_94 = arith.constant 15168 : i32
      %add3A_95 = arith.addi %mul3A_93, %add3A_94 : i32
      %get3A_96 = arith.index_cast %add3A_95 : i32 to index
      %get3A_97 = tpu.vector_load %arg5[%get3A_96] {strides = array<i32>} : memref<80896xf32, #tpu.memory_space<vmem>>, vector<16xf32>,
      %add3A_98 = arith.addf %add3A_91, %get3A_97 : vector<16xf32>
      %mul3A_99 = arith.constant 16 : i32
      %mul3A_100 = arith.muli %scan3A_70, %mul3A_99 : i32
      %add3A_101 = arith.constant 20224 : i32
      %add3A_102 = arith.addi %mul3A_100, %add3A_101 : i32
      %get3A_103 = arith.index_cast %add3A_102 : i32 to index
      %get3A_104 = tpu.vector_load %arg5[%get3A_103] {strides = array<i32>} : memref<80896xf32, #tpu.memory_space<vmem>>, vector<16xf32>,
      %add3A_105 = arith.addf %add3A_98, %get3A_104 : vector<16xf32>
      %mul3A_106 = arith.constant 16 : i32
      %mul3A_107 = arith.muli %scan3A_70, %mul3A_106 : i32
      %add3A_108 = arith.constant 25280 : i32
      %add3A_109 = arith.addi %mul3A_107, %add3A_108 : i32
      %get3A_110 = arith.index_cast %add3A_109 : i32 to index
      %get3A_111 = tpu.vector_load %arg5[%get3A_110] {strides = array<i32>} : memref<80896xf32, #tpu.memory_space<vmem>>, vector<16xf32>,
      %add3A_112 = arith.addf %add3A_105, %get3A_111 : vector<16xf32>
      %mul3A_113 = arith.constant 16 : i32
      %mul3A_114 = arith.muli %scan3A_70, %mul3A_113 : i32
      %add3A_115 = arith.constant 30336 : i32
      %add3A_116 = arith.addi %mul3A_114, %add3A_115 : i32
      %get3A_117 = arith.index_cast %add3A_116 : i32 to index
      %get3A_118 = tpu.vector_load %arg5[%get3A_117] {strides = array<i32>} : memref<80896xf32, #tpu.memory_space<vmem>>, vector<16xf32>,
      %add3A_119 = arith.addf %add3A_112, %get3A_118 : vector<16xf32>
      %mul3A_120 = arith.constant 16 : i32
      %mul3A_121 = arith.muli %scan3A_70, %mul3A_120 : i32
      %add3A_122 = arith.constant 35392 : i32
      %add3A_123 = arith.addi %mul3A_121, %add3A_122 : i32
      %get3A_124 = arith.index_cast %add3A_123 : i32 to index
      %get3A_125 = tpu.vector_load %arg5[%get3A_124] {strides = array<i32>} : memref<80896xf32, #tpu.memory_space<vmem>>, vector<16xf32>,
      %add3A_126 = arith.addf %add3A_119, %get3A_125 : vector<16xf32>
      %mul3A_127 = arith.constant 16 : i32
      %mul3A_128 = arith.muli %scan3A_70, %mul3A_127 : i32
      %add3A_129 = arith.constant 40448 : i32
      %add3A_130 = arith.addi %mul3A_128, %add3A_129 : i32
      %get3A_131 = arith.index_cast %add3A_130 : i32 to index
      %get3A_132 = tpu.vector_load %arg5[%get3A_131] {strides = array<i32>} : memref<80896xf32, #tpu.memory_space<vmem>>, vector<16xf32>,
      %add3A_133 = arith.addf %add3A_126, %get3A_132 : vector<16xf32>
      %mul3A_134 = arith.constant 16 : i32
      %mul3A_135 = arith.muli %scan3A_70, %mul3A_134 : i32
      %add3A_136 = arith.constant 45504 : i32
      %add3A_137 = arith.addi %mul3A_135, %add3A_136 : i32
      %get3A_138 = arith.index_cast %add3A_137 : i32 to index
      %get3A_139 = tpu.vector_load %arg5[%get3A_138] {strides = array<i32>} : memref<80896xf32, #tpu.memory_space<vmem>>, vector<16xf32>,
      %add3A_140 = arith.addf %add3A_133, %get3A_139 : vector<16xf32>
      %mul3A_141 = arith.constant 16 : i32
      %mul3A_142 = arith.muli %scan3A_70, %mul3A_141 : i32
      %add3A_143 = arith.constant 50560 : i32
      %add3A_144 = arith.addi %mul3A_142, %add3A_143 : i32
      %get3A_145 = arith.index_cast %add3A_144 : i32 to index
      %get3A_146 = tpu.vector_load %arg5[%get3A_145] {strides = array<i32>} : memref<80896xf32, #tpu.memory_space<vmem>>, vector<16xf32>,
      %add3A_147 = arith.addf %add3A_140, %get3A_146 : vector<16xf32>
      %mul3A_148 = arith.constant 16 : i32
      %mul3A_149 = arith.muli %scan3A_70, %mul3A_148 : i32
      %add3A_150 = arith.constant 55616 : i32
      %add3A_151 = arith.addi %mul3A_149, %add3A_150 : i32
      %get3A_152 = arith.index_cast %add3A_151 : i32 to index
      %get3A_153 = tpu.vector_load %arg5[%get3A_152] {strides = array<i32>} : memref<80896xf32, #tpu.memory_space<vmem>>, vector<16xf32>,
      %add3A_154 = arith.addf %add3A_147, %get3A_153 : vector<16xf32>
      %mul3A_155 = arith.constant 16 : i32
      %mul3A_156 = arith.muli %scan3A_70, %mul3A_155 : i32
      %add3A_157 = arith.constant 60672 : i32
      %add3A_158 = arith.addi %mul3A_156, %add3A_157 : i32
      %get3A_159 = arith.index_cast %add3A_158 : i32 to index
      %get3A_160 = tpu.vector_load %arg5[%get3A_159] {strides = array<i32>} : memref<80896xf32, #tpu.memory_space<vmem>>, vector<16xf32>,
      %add3A_161 = arith.addf %add3A_154, %get3A_160 : vector<16xf32>
      %mul3A_162 = arith.constant 16 : i32
      %mul3A_163 = arith.muli %scan3A_70, %mul3A_162 : i32
      %add3A_164 = arith.constant 65728 : i32
      %add3A_165 = arith.addi %mul3A_163, %add3A_164 : i32
      %get3A_166 = arith.index_cast %add3A_165 : i32 to index
      %get3A_167 = tpu.vector_load %arg5[%get3A_166] {strides = array<i32>} : memref<80896xf32, #tpu.memory_space<vmem>>, vector<16xf32>,
      %add3A_168 = arith.addf %add3A_161, %get3A_167 : vector<16xf32>
      %mul3A_169 = arith.constant 16 : i32
      %mul3A_170 = arith.muli %scan3A_70, %mul3A_169 : i32
      %add3A_171 = arith.constant 70784 : i32
      %add3A_172 = arith.addi %mul3A_170, %add3A_171 : i32
      %get3A_173 = arith.index_cast %add3A_172 : i32 to index
      %get3A_174 = tpu.vector_load %arg5[%get3A_173] {strides = array<i32>} : memref<80896xf32, #tpu.memory_space<vmem>>, vector<16xf32>,
      %add3A_175 = arith.addf %add3A_168, %get3A_174 : vector<16xf32>
      %mul3A_176 = arith.constant 16 : i32
      %mul3A_177 = arith.muli %scan3A_70, %mul3A_176 : i32
      %add3A_178 = arith.constant 75840 : i32
      %add3A_179 = arith.addi %mul3A_177, %add3A_178 : i32
      %get3A_180 = arith.index_cast %add3A_179 : i32 to index
      %get3A_181 = tpu.vector_load %arg5[%get3A_180] {strides = array<i32>} : memref<80896xf32, #tpu.memory_space<vmem>>, vector<16xf32>,
      %add3A_182 = arith.addf %add3A_175, %get3A_181 : vector<16xf32>
      %jit3A = arith.constant 128 : i32
      %div3A = arith.divsi %add3A_74, %jit3A : i32
      %sign3A = arith.constant 0 : i32
      %sign3A_183 = arith.cmpi sgt, %add3A_74, %sign3A : i32
      %sign3A_184 = arith.extui %sign3A_183 : i1 to i32
      %sign3A_185 = arith.constant 0 : i32
      %sign3A_186 = arith.cmpi slt, %add3A_74, %sign3A_185 : i32
      %sign3A_187 = arith.extui %sign3A_186 : i1 to i32
      %sign3A_188 = arith.subi %sign3A_184, %sign3A_187 : i32
      %sign3A_189 = arith.constant 0 : i32
      %sign3A_190 = arith.cmpi sgt, %jit3A, %sign3A_189 : i32
      %sign3A_191 = arith.extui %sign3A_190 : i1 to i32
      %sign3A_192 = arith.constant 0 : i32
      %sign3A_193 = arith.cmpi slt, %jit3A, %sign3A_192 : i32
      %sign3A_194 = arith.extui %sign3A_193 : i1 to i32
      %sign3A_195 = arith.subi %sign3A_191, %sign3A_194 : i32
      %ne3A = arith.cmpi ne, %sign3A_188, %sign3A_195 : i32
      %rem3A = arith.remsi %add3A_74, %jit3A : i32
      %ne3A_196 = arith.constant 0 : i32
      %ne3A_197 = arith.cmpi ne, %rem3A, %ne3A_196 : i32
      %and3A = arith.andi %ne3A, %ne3A_197 : i1
      %sub3A = arith.constant 1 : i32
      %sub3A_198 = arith.subi %div3A, %sub3A : i32
      %select_n3A = arith.select %and3A, %sub3A_198, %div3A : i32
      %jit3A_199 = arith.constant 128 : i32
      %eq3A = arith.constant 0 : i32
      %eq3A_200 = arith.cmpi eq, %jit3A_199, %eq3A : i32
      %jit3A_201 = arith.constant 1 : i32
      %select_n3A_202 = arith.select %eq3A_200, %jit3A_201, %jit3A_199 : i32
      %rem3A_203 = arith.remsi %add3A_74, %select_n3A_202 : i32
      %ne3A_204 = arith.constant 0 : i32
      %ne3A_205 = arith.cmpi ne, %rem3A_203, %ne3A_204 : i32
      %lt3A = arith.constant 0 : i32
      %lt3A_206 = arith.cmpi slt, %rem3A_203, %lt3A : i32
      %lt3A_207 = arith.constant 0 : i32
      %lt3A_208 = arith.cmpi slt, %select_n3A_202, %lt3A_207 : i32
      %ne3A_209 = arith.xori %lt3A_206, %lt3A_208 : i1
      %and3A_210 = arith.andi %ne3A_209, %ne3A_205 : i1
      %add3A_211 = arith.addi %rem3A_203, %select_n3A_202 : i32
      %select_n3A_212 = arith.select %and3A_210, %add3A_211, %rem3A_203 : i32
      %swap3A = arith.index_cast %select_n3A : i32 to index
      %swap3A_213 = arith.index_cast %select_n3A_212 : i32 to index
      %swap3A_214 = tpu.vector_load %arg6[%swap3A, %swap3A_213] {strides = array<i32>} : memref<79x128xf32, #tpu.memory_space<vmem>>, vector<16xf32>,
      tpu.vector_store %arg6[%swap3A, %swap3A_213], %add3A_182 {strides = array<i32>} : memref<79x128xf32, #tpu.memory_space<vmem>>, vector<16xf32>,
      %scan3A_215 = arith.constant 0 : i32
      scf.yield %scan3A_215 : i32
    }
    %scan3A_48 = arith.constant 316 : i32
    %scan3A_49 = arith.constant 0 : i32
    %scan3A_50 = arith.constant 0 : i32
    %scan3A_51 = arith.constant 316 : i32
    %scan3A_52 = arith.addi %scan3A_50, %scan3A_51 : i32
    %scan3A_53 = arith.constant 1 : i32
    %scan3A_54 = scf.for %scan3A_70 = %scan3A_50 to %scan3A_52 step %scan3A_53 iter_args(%scan3A_71 = %scan3A_49) -> (i32)  : i32 {
      %mul3A_72 = arith.constant 256 : i32
      %mul3A_73 = arith.muli %scan3A_70, %mul3A_72 : i32
      %add3A = arith.constant 0 : i32
      %add3A_74 = arith.addi %mul3A_73, %add3A : i32
      %swap3A = arith.index_cast %add3A_74 : i32 to index
      %swap3A_75 = tpu.vector_load %arg5[%swap3A] {strides = array<i32>} : memref<80896xf32, #tpu.memory_space<vmem>>, vector<16xf32>,
      tpu.vector_store %arg5[%swap3A], %broadcast_in_dim3A_4 {strides = array<i32>} : memref<80896xf32, #tpu.memory_space<vmem>>, vector<16xf32>,
      %mul3A_76 = arith.constant 256 : i32
      %mul3A_77 = arith.muli %scan3A_70, %mul3A_76 : i32
      %add3A_78 = arith.constant 16 : i32
      %add3A_79 = arith.addi %mul3A_77, %add3A_78 : i32
      %swap3A_80 = arith.index_cast %add3A_79 : i32 to index
      %swap3A_81 = tpu.vector_load %arg5[%swap3A_80] {strides = array<i32>} : memref<80896xf32, #tpu.memory_space<vmem>>, vector<16xf32>,
      tpu.vector_store %arg5[%swap3A_80], %broadcast_in_dim3A_4 {strides = array<i32>} : memref<80896xf32, #tpu.memory_space<vmem>>, vector<16xf32>,
      %mul3A_82 = arith.constant 256 : i32
      %mul3A_83 = arith.muli %scan3A_70, %mul3A_82 : i32
      %add3A_84 = arith.constant 32 : i32
      %add3A_85 = arith.addi %mul3A_83, %add3A_84 : i32
      %swap3A_86 = arith.index_cast %add3A_85 : i32 to index
      %swap3A_87 = tpu.vector_load %arg5[%swap3A_86] {strides = array<i32>} : memref<80896xf32, #tpu.memory_space<vmem>>, vector<16xf32>,
      tpu.vector_store %arg5[%swap3A_86], %broadcast_in_dim3A_4 {strides = array<i32>} : memref<80896xf32, #tpu.memory_space<vmem>>, vector<16xf32>,
      %mul3A_88 = arith.constant 256 : i32
      %mul3A_89 = arith.muli %scan3A_70, %mul3A_88 : i32
      %add3A_90 = arith.constant 48 : i32
      %add3A_91 = arith.addi %mul3A_89, %add3A_90 : i32
      %swap3A_92 = arith.index_cast %add3A_91 : i32 to index
      %swap3A_93 = tpu.vector_load %arg5[%swap3A_92] {strides = array<i32>} : memref<80896xf32, #tpu.memory_space<vmem>>, vector<16xf32>,
      tpu.vector_store %arg5[%swap3A_92], %broadcast_in_dim3A_4 {strides = array<i32>} : memref<80896xf32, #tpu.memory_space<vmem>>, vector<16xf32>,
      %mul3A_94 = arith.constant 256 : i32
      %mul3A_95 = arith.muli %scan3A_70, %mul3A_94 : i32
      %add3A_96 = arith.constant 64 : i32
      %add3A_97 = arith.addi %mul3A_95, %add3A_96 : i32
      %swap3A_98 = arith.index_cast %add3A_97 : i32 to index
      %swap3A_99 = tpu.vector_load %arg5[%swap3A_98] {strides = array<i32>} : memref<80896xf32, #tpu.memory_space<vmem>>, vector<16xf32>,
      tpu.vector_store %arg5[%swap3A_98], %broadcast_in_dim3A_4 {strides = array<i32>} : memref<80896xf32, #tpu.memory_space<vmem>>, vector<16xf32>,
      %mul3A_100 = arith.constant 256 : i32
      %mul3A_101 = arith.muli %scan3A_70, %mul3A_100 : i32
      %add3A_102 = arith.constant 80 : i32
      %add3A_103 = arith.addi %mul3A_101, %add3A_102 : i32
      %swap3A_104 = arith.index_cast %add3A_103 : i32 to index
      %swap3A_105 = tpu.vector_load %arg5[%swap3A_104] {strides = array<i32>} : memref<80896xf32, #tpu.memory_space<vmem>>, vector<16xf32>,
      tpu.vector_store %arg5[%swap3A_104], %broadcast_in_dim3A_4 {strides = array<i32>} : memref<80896xf32, #tpu.memory_space<vmem>>, vector<16xf32>,
      %mul3A_106 = arith.constant 256 : i32
      %mul3A_107 = arith.muli %scan3A_70, %mul3A_106 : i32
      %add3A_108 = arith.constant 96 : i32
      %add3A_109 = arith.addi %mul3A_107, %add3A_108 : i32
      %swap3A_110 = arith.index_cast %add3A_109 : i32 to index
      %swap3A_111 = tpu.vector_load %arg5[%swap3A_110] {strides = array<i32>} : memref<80896xf32, #tpu.memory_space<vmem>>, vector<16xf32>,
      tpu.vector_store %arg5[%swap3A_110], %broadcast_in_dim3A_4 {strides = array<i32>} : memref<80896xf32, #tpu.memory_space<vmem>>, vector<16xf32>,
      %mul3A_112 = arith.constant 256 : i32
      %mul3A_113 = arith.muli %scan3A_70, %mul3A_112 : i32
      %add3A_114 = arith.constant 112 : i32
      %add3A_115 = arith.addi %mul3A_113, %add3A_114 : i32
      %swap3A_116 = arith.index_cast %add3A_115 : i32 to index
      %swap3A_117 = tpu.vector_load %arg5[%swap3A_116] {strides = array<i32>} : memref<80896xf32, #tpu.memory_space<vmem>>, vector<16xf32>,
      tpu.vector_store %arg5[%swap3A_116], %broadcast_in_dim3A_4 {strides = array<i32>} : memref<80896xf32, #tpu.memory_space<vmem>>, vector<16xf32>,
      %mul3A_118 = arith.constant 256 : i32
      %mul3A_119 = arith.muli %scan3A_70, %mul3A_118 : i32
      %add3A_120 = arith.constant 128 : i32
      %add3A_121 = arith.addi %mul3A_119, %add3A_120 : i32
      %swap3A_122 = arith.index_cast %add3A_121 : i32 to index
      %swap3A_123 = tpu.vector_load %arg5[%swap3A_122] {strides = array<i32>} : memref<80896xf32, #tpu.memory_space<vmem>>, vector<16xf32>,
      tpu.vector_store %arg5[%swap3A_122], %broadcast_in_dim3A_4 {strides = array<i32>} : memref<80896xf32, #tpu.memory_space<vmem>>, vector<16xf32>,
      %mul3A_124 = arith.constant 256 : i32
      %mul3A_125 = arith.muli %scan3A_70, %mul3A_124 : i32
      %add3A_126 = arith.constant 144 : i32
      %add3A_127 = arith.addi %mul3A_125, %add3A_126 : i32
      %swap3A_128 = arith.index_cast %add3A_127 : i32 to index
      %swap3A_129 = tpu.vector_load %arg5[%swap3A_128] {strides = array<i32>} : memref<80896xf32, #tpu.memory_space<vmem>>, vector<16xf32>,
      tpu.vector_store %arg5[%swap3A_128], %broadcast_in_dim3A_4 {strides = array<i32>} : memref<80896xf32, #tpu.memory_space<vmem>>, vector<16xf32>,
      %mul3A_130 = arith.constant 256 : i32
      %mul3A_131 = arith.muli %scan3A_70, %mul3A_130 : i32
      %add3A_132 = arith.constant 160 : i32
      %add3A_133 = arith.addi %mul3A_131, %add3A_132 : i32
      %swap3A_134 = arith.index_cast %add3A_133 : i32 to index
      %swap3A_135 = tpu.vector_load %arg5[%swap3A_134] {strides = array<i32>} : memref<80896xf32, #tpu.memory_space<vmem>>, vector<16xf32>,
      tpu.vector_store %arg5[%swap3A_134], %broadcast_in_dim3A_4 {strides = array<i32>} : memref<80896xf32, #tpu.memory_space<vmem>>, vector<16xf32>,
      %mul3A_136 = arith.constant 256 : i32
      %mul3A_137 = arith.muli %scan3A_70, %mul3A_136 : i32
      %add3A_138 = arith.constant 176 : i32
      %add3A_139 = arith.addi %mul3A_137, %add3A_138 : i32
      %swap3A_140 = arith.index_cast %add3A_139 : i32 to index
      %swap3A_141 = tpu.vector_load %arg5[%swap3A_140] {strides = array<i32>} : memref<80896xf32, #tpu.memory_space<vmem>>, vector<16xf32>,
      tpu.vector_store %arg5[%swap3A_140], %broadcast_in_dim3A_4 {strides = array<i32>} : memref<80896xf32, #tpu.memory_space<vmem>>, vector<16xf32>,
      %mul3A_142 = arith.constant 256 : i32
      %mul3A_143 = arith.muli %scan3A_70, %mul3A_142 : i32
      %add3A_144 = arith.constant 192 : i32
      %add3A_145 = arith.addi %mul3A_143, %add3A_144 : i32
      %swap3A_146 = arith.index_cast %add3A_145 : i32 to index
      %swap3A_147 = tpu.vector_load %arg5[%swap3A_146] {strides = array<i32>} : memref<80896xf32, #tpu.memory_space<vmem>>, vector<16xf32>,
      tpu.vector_store %arg5[%swap3A_146], %broadcast_in_dim3A_4 {strides = array<i32>} : memref<80896xf32, #tpu.memory_space<vmem>>, vector<16xf32>,
      %mul3A_148 = arith.constant 256 : i32
      %mul3A_149 = arith.muli %scan3A_70, %mul3A_148 : i32
      %add3A_150 = arith.constant 208 : i32
      %add3A_151 = arith.addi %mul3A_149, %add3A_150 : i32
      %swap3A_152 = arith.index_cast %add3A_151 : i32 to index
      %swap3A_153 = tpu.vector_load %arg5[%swap3A_152] {strides = array<i32>} : memref<80896xf32, #tpu.memory_space<vmem>>, vector<16xf32>,
      tpu.vector_store %arg5[%swap3A_152], %broadcast_in_dim3A_4 {strides = array<i32>} : memref<80896xf32, #tpu.memory_space<vmem>>, vector<16xf32>,
      %mul3A_154 = arith.constant 256 : i32
      %mul3A_155 = arith.muli %scan3A_70, %mul3A_154 : i32
      %add3A_156 = arith.constant 224 : i32
      %add3A_157 = arith.addi %mul3A_155, %add3A_156 : i32
      %swap3A_158 = arith.index_cast %add3A_157 : i32 to index
      %swap3A_159 = tpu.vector_load %arg5[%swap3A_158] {strides = array<i32>} : memref<80896xf32, #tpu.memory_space<vmem>>, vector<16xf32>,
      tpu.vector_store %arg5[%swap3A_158], %broadcast_in_dim3A_4 {strides = array<i32>} : memref<80896xf32, #tpu.memory_space<vmem>>, vector<16xf32>,
      %mul3A_160 = arith.constant 256 : i32
      %mul3A_161 = arith.muli %scan3A_70, %mul3A_160 : i32
      %add3A_162 = arith.constant 240 : i32
      %add3A_163 = arith.addi %mul3A_161, %add3A_162 : i32
      %swap3A_164 = arith.index_cast %add3A_163 : i32 to index
      %swap3A_165 = tpu.vector_load %arg5[%swap3A_164] {strides = array<i32>} : memref<80896xf32, #tpu.memory_space<vmem>>, vector<16xf32>,
      tpu.vector_store %arg5[%swap3A_164], %broadcast_in_dim3A_4 {strides = array<i32>} : memref<80896xf32, #tpu.memory_space<vmem>>, vector<16xf32>,
      %scan3A_166 = arith.constant 0 : i32
      scf.yield %scan3A_166 : i32
    }
    %scan3A_55 = arith.constant 316 : i32
    %scan3A_56 = arith.constant 0 : i32
    %scan3A_57 = arith.constant 0 : i32
    %scan3A_58 = arith.constant 160 : i32
    %scan3A_59 = arith.addi %scan3A_57, %scan3A_58 : i32
    %scan3A_60 = arith.constant 1 : i32
    %scan3A_61 = scf.for %scan3A_70 = %scan3A_57 to %scan3A_59 step %scan3A_60 iter_args(%scan3A_71 = %scan3A_56) -> (i32)  : i32 {
      %get3A = arith.index_cast %scan3A_70 : i32 to index
      %get3A_72 = arith.constant 0 : index
      %get3A_73 = tpu.vector_load %arg4[%get3A, %get3A_72] {strides = array<i32>} : memref<160x128xi32, #tpu.memory_space<vmem>>, vector<16xi32>,
      %ge3A = arith.constant 5056 : i32
      %ge3A_74 = vector.broadcast %ge3A : i32 to vector<16xi32>
      %ge3A_75 = arith.cmpi sge, %get3A_73, %ge3A_74 : vector<16xi32>
      %lt3A = arith.constant 10112 : i32
      %lt3A_76 = vector.broadcast %lt3A : i32 to vector<16xi32>
      %lt3A_77 = arith.cmpi slt, %get3A_73, %lt3A_76 : vector<16xi32>
      %and3A = arith.andi %ge3A_75, %lt3A_77 : vector<16xi1>
      %sub3A = arith.constant 5056 : i32
      %sub3A_78 = vector.broadcast %sub3A : i32 to vector<16xi32>
      %sub3A_79 = arith.subi %get3A_73, %sub3A_78 : vector<16xi32>
      %add3A = arith.addi %mul3A_1, %sub3A_79 : vector<16xi32>
      tpu.vector_store_idx %arg5[%add3A], %broadcast_in_dim3A_2 masked %and3A {add = true} : memref<80896xf32, #tpu.memory_space<vmem>>[vector<16xi32>], vector<16xf32>, vector<16xi1>
      %get3A_80 = arith.index_cast %scan3A_70 : i32 to index
      %get3A_81 = arith.constant 16 : index
      %get3A_82 = tpu.vector_load %arg4[%get3A_80, %get3A_81] {strides = array<i32>} : memref<160x128xi32, #tpu.memory_space<vmem>>, vector<16xi32>,
      %ge3A_83 = arith.constant 5056 : i32
      %ge3A_84 = vector.broadcast %ge3A_83 : i32 to vector<16xi32>
      %ge3A_85 = arith.cmpi sge, %get3A_82, %ge3A_84 : vector<16xi32>
      %lt3A_86 = arith.constant 10112 : i32
      %lt3A_87 = vector.broadcast %lt3A_86 : i32 to vector<16xi32>
      %lt3A_88 = arith.cmpi slt, %get3A_82, %lt3A_87 : vector<16xi32>
      %and3A_89 = arith.andi %ge3A_85, %lt3A_88 : vector<16xi1>
      %sub3A_90 = arith.constant 5056 : i32
      %sub3A_91 = vector.broadcast %sub3A_90 : i32 to vector<16xi32>
      %sub3A_92 = arith.subi %get3A_82, %sub3A_91 : vector<16xi32>
      %add3A_93 = arith.addi %mul3A_1, %sub3A_92 : vector<16xi32>
      tpu.vector_store_idx %arg5[%add3A_93], %broadcast_in_dim3A_2 masked %and3A_89 {add = true} : memref<80896xf32, #tpu.memory_space<vmem>>[vector<16xi32>], vector<16xf32>, vector<16xi1>
      %get3A_94 = arith.index_cast %scan3A_70 : i32 to index
      %get3A_95 = arith.constant 32 : index
      %get3A_96 = tpu.vector_load %arg4[%get3A_94, %get3A_95] {strides = array<i32>} : memref<160x128xi32, #tpu.memory_space<vmem>>, vector<16xi32>,
      %ge3A_97 = arith.constant 5056 : i32
      %ge3A_98 = vector.broadcast %ge3A_97 : i32 to vector<16xi32>
      %ge3A_99 = arith.cmpi sge, %get3A_96, %ge3A_98 : vector<16xi32>
      %lt3A_100 = arith.constant 10112 : i32
      %lt3A_101 = vector.broadcast %lt3A_100 : i32 to vector<16xi32>
      %lt3A_102 = arith.cmpi slt, %get3A_96, %lt3A_101 : vector<16xi32>
      %and3A_103 = arith.andi %ge3A_99, %lt3A_102 : vector<16xi1>
      %sub3A_104 = arith.constant 5056 : i32
      %sub3A_105 = vector.broadcast %sub3A_104 : i32 to vector<16xi32>
      %sub3A_106 = arith.subi %get3A_96, %sub3A_105 : vector<16xi32>
      %add3A_107 = arith.addi %mul3A_1, %sub3A_106 : vector<16xi32>
      tpu.vector_store_idx %arg5[%add3A_107], %broadcast_in_dim3A_2 masked %and3A_103 {add = true} : memref<80896xf32, #tpu.memory_space<vmem>>[vector<16xi32>], vector<16xf32>, vector<16xi1>
      %get3A_108 = arith.index_cast %scan3A_70 : i32 to index
      %get3A_109 = arith.constant 48 : index
      %get3A_110 = tpu.vector_load %arg4[%get3A_108, %get3A_109] {strides = array<i32>} : memref<160x128xi32, #tpu.memory_space<vmem>>, vector<16xi32>,
      %ge3A_111 = arith.constant 5056 : i32
      %ge3A_112 = vector.broadcast %ge3A_111 : i32 to vector<16xi32>
      %ge3A_113 = arith.cmpi sge, %get3A_110, %ge3A_112 : vector<16xi32>
      %lt3A_114 = arith.constant 10112 : i32
      %lt3A_115 = vector.broadcast %lt3A_114 : i32 to vector<16xi32>
      %lt3A_116 = arith.cmpi slt, %get3A_110, %lt3A_115 : vector<16xi32>
      %and3A_117 = arith.andi %ge3A_113, %lt3A_116 : vector<16xi1>
      %sub3A_118 = arith.constant 5056 : i32
      %sub3A_119 = vector.broadcast %sub3A_118 : i32 to vector<16xi32>
      %sub3A_120 = arith.subi %get3A_110, %sub3A_119 : vector<16xi32>
      %add3A_121 = arith.addi %mul3A_1, %sub3A_120 : vector<16xi32>
      tpu.vector_store_idx %arg5[%add3A_121], %broadcast_in_dim3A_2 masked %and3A_117 {add = true} : memref<80896xf32, #tpu.memory_space<vmem>>[vector<16xi32>], vector<16xf32>, vector<16xi1>
      %get3A_122 = arith.index_cast %scan3A_70 : i32 to index
      %get3A_123 = arith.constant 64 : index
      %get3A_124 = tpu.vector_load %arg4[%get3A_122, %get3A_123] {strides = array<i32>} : memref<160x128xi32, #tpu.memory_space<vmem>>, vector<16xi32>,
      %ge3A_125 = arith.constant 5056 : i32
      %ge3A_126 = vector.broadcast %ge3A_125 : i32 to vector<16xi32>
      %ge3A_127 = arith.cmpi sge, %get3A_124, %ge3A_126 : vector<16xi32>
      %lt3A_128 = arith.constant 10112 : i32
      %lt3A_129 = vector.broadcast %lt3A_128 : i32 to vector<16xi32>
      %lt3A_130 = arith.cmpi slt, %get3A_124, %lt3A_129 : vector<16xi32>
      %and3A_131 = arith.andi %ge3A_127, %lt3A_130 : vector<16xi1>
      %sub3A_132 = arith.constant 5056 : i32
      %sub3A_133 = vector.broadcast %sub3A_132 : i32 to vector<16xi32>
      %sub3A_134 = arith.subi %get3A_124, %sub3A_133 : vector<16xi32>
      %add3A_135 = arith.addi %mul3A_1, %sub3A_134 : vector<16xi32>
      tpu.vector_store_idx %arg5[%add3A_135], %broadcast_in_dim3A_2 masked %and3A_131 {add = true} : memref<80896xf32, #tpu.memory_space<vmem>>[vector<16xi32>], vector<16xf32>, vector<16xi1>
      %get3A_136 = arith.index_cast %scan3A_70 : i32 to index
      %get3A_137 = arith.constant 80 : index
      %get3A_138 = tpu.vector_load %arg4[%get3A_136, %get3A_137] {strides = array<i32>} : memref<160x128xi32, #tpu.memory_space<vmem>>, vector<16xi32>,
      %ge3A_139 = arith.constant 5056 : i32
      %ge3A_140 = vector.broadcast %ge3A_139 : i32 to vector<16xi32>
      %ge3A_141 = arith.cmpi sge, %get3A_138, %ge3A_140 : vector<16xi32>
      %lt3A_142 = arith.constant 10112 : i32
      %lt3A_143 = vector.broadcast %lt3A_142 : i32 to vector<16xi32>
      %lt3A_144 = arith.cmpi slt, %get3A_138, %lt3A_143 : vector<16xi32>
      %and3A_145 = arith.andi %ge3A_141, %lt3A_144 : vector<16xi1>
      %sub3A_146 = arith.constant 5056 : i32
      %sub3A_147 = vector.broadcast %sub3A_146 : i32 to vector<16xi32>
      %sub3A_148 = arith.subi %get3A_138, %sub3A_147 : vector<16xi32>
      %add3A_149 = arith.addi %mul3A_1, %sub3A_148 : vector<16xi32>
      tpu.vector_store_idx %arg5[%add3A_149], %broadcast_in_dim3A_2 masked %and3A_145 {add = true} : memref<80896xf32, #tpu.memory_space<vmem>>[vector<16xi32>], vector<16xf32>, vector<16xi1>
      %get3A_150 = arith.index_cast %scan3A_70 : i32 to index
      %get3A_151 = arith.constant 96 : index
      %get3A_152 = tpu.vector_load %arg4[%get3A_150, %get3A_151] {strides = array<i32>} : memref<160x128xi32, #tpu.memory_space<vmem>>, vector<16xi32>,
      %ge3A_153 = arith.constant 5056 : i32
      %ge3A_154 = vector.broadcast %ge3A_153 : i32 to vector<16xi32>
      %ge3A_155 = arith.cmpi sge, %get3A_152, %ge3A_154 : vector<16xi32>
      %lt3A_156 = arith.constant 10112 : i32
      %lt3A_157 = vector.broadcast %lt3A_156 : i32 to vector<16xi32>
      %lt3A_158 = arith.cmpi slt, %get3A_152, %lt3A_157 : vector<16xi32>
      %and3A_159 = arith.andi %ge3A_155, %lt3A_158 : vector<16xi1>
      %sub3A_160 = arith.constant 5056 : i32
      %sub3A_161 = vector.broadcast %sub3A_160 : i32 to vector<16xi32>
      %sub3A_162 = arith.subi %get3A_152, %sub3A_161 : vector<16xi32>
      %add3A_163 = arith.addi %mul3A_1, %sub3A_162 : vector<16xi32>
      tpu.vector_store_idx %arg5[%add3A_163], %broadcast_in_dim3A_2 masked %and3A_159 {add = true} : memref<80896xf32, #tpu.memory_space<vmem>>[vector<16xi32>], vector<16xf32>, vector<16xi1>
      %get3A_164 = arith.index_cast %scan3A_70 : i32 to index
      %get3A_165 = arith.constant 112 : index
      %get3A_166 = tpu.vector_load %arg4[%get3A_164, %get3A_165] {strides = array<i32>} : memref<160x128xi32, #tpu.memory_space<vmem>>, vector<16xi32>,
      %ge3A_167 = arith.constant 5056 : i32
      %ge3A_168 = vector.broadcast %ge3A_167 : i32 to vector<16xi32>
      %ge3A_169 = arith.cmpi sge, %get3A_166, %ge3A_168 : vector<16xi32>
      %lt3A_170 = arith.constant 10112 : i32
      %lt3A_171 = vector.broadcast %lt3A_170 : i32 to vector<16xi32>
      %lt3A_172 = arith.cmpi slt, %get3A_166, %lt3A_171 : vector<16xi32>
      %and3A_173 = arith.andi %ge3A_169, %lt3A_172 : vector<16xi1>
      %sub3A_174 = arith.constant 5056 : i32
      %sub3A_175 = vector.broadcast %sub3A_174 : i32 to vector<16xi32>
      %sub3A_176 = arith.subi %get3A_166, %sub3A_175 : vector<16xi32>
      %add3A_177 = arith.addi %mul3A_1, %sub3A_176 : vector<16xi32>
      tpu.vector_store_idx %arg5[%add3A_177], %broadcast_in_dim3A_2 masked %and3A_173 {add = true} : memref<80896xf32, #tpu.memory_space<vmem>>[vector<16xi32>], vector<16xf32>, vector<16xi1>
      %scan3A_178 = arith.constant 0 : i32
      scf.yield %scan3A_178 : i32
    }
    %scan3A_62 = arith.constant 160 : i32
    %scan3A_63 = arith.constant 0 : i32
    %scan3A_64 = arith.constant 0 : i32
    %scan3A_65 = arith.constant 316 : i32
    %scan3A_66 = arith.addi %scan3A_64, %scan3A_65 : i32
    %scan3A_67 = arith.constant 1 : i32
    %scan3A_68 = scf.for %scan3A_70 = %scan3A_64 to %scan3A_66 step %scan3A_67 iter_args(%scan3A_71 = %scan3A_63) -> (i32)  : i32 {
      %mul3A_72 = arith.constant 16 : i32
      %mul3A_73 = arith.muli %scan3A_70, %mul3A_72 : i32
      %add3A = arith.constant 5056 : i32
      %add3A_74 = arith.addi %add3A, %mul3A_73 : i32
      %mul3A_75 = arith.constant 16 : i32
      %mul3A_76 = arith.muli %scan3A_70, %mul3A_75 : i32
      %get3A = arith.index_cast %mul3A_76 : i32 to index
      %get3A_77 = tpu.vector_load %arg5[%get3A] {strides = array<i32>} : memref<80896xf32, #tpu.memory_space<vmem>>, vector<16xf32>,
      %mul3A_78 = arith.constant 16 : i32
      %mul3A_79 = arith.muli %scan3A_70, %mul3A_78 : i32
      %add3A_80 = arith.constant 5056 : i32
      %add3A_81 = arith.addi %mul3A_79, %add3A_80 : i32
      %get3A_82 = arith.index_cast %add3A_81 : i32 to index
      %get3A_83 = tpu.vector_load %arg5[%get3A_82] {strides = array<i32>} : memref<80896xf32, #tpu.memory_space<vmem>>, vector<16xf32>,
      %add3A_84 = arith.addf %get3A_77, %get3A_83 : vector<16xf32>
      %mul3A_85 = arith.constant 16 : i32
      %mul3A_86 = arith.muli %scan3A_70, %mul3A_85 : i32
      %add3A_87 = arith.constant 10112 : i32
      %add3A_88 = arith.addi %mul3A_86, %add3A_87 : i32
      %get3A_89 = arith.index_cast %add3A_88 : i32 to index
      %get3A_90 = tpu.vector_load %arg5[%get3A_89] {strides = array<i32>} : memref<80896xf32, #tpu.memory_space<vmem>>, vector<16xf32>,
      %add3A_91 = arith.addf %add3A_84, %get3A_90 : vector<16xf32>
      %mul3A_92 = arith.constant 16 : i32
      %mul3A_93 = arith.muli %scan3A_70, %mul3A_92 : i32
      %add3A_94 = arith.constant 15168 : i32
      %add3A_95 = arith.addi %mul3A_93, %add3A_94 : i32
      %get3A_96 = arith.index_cast %add3A_95 : i32 to index
      %get3A_97 = tpu.vector_load %arg5[%get3A_96] {strides = array<i32>} : memref<80896xf32, #tpu.memory_space<vmem>>, vector<16xf32>,
      %add3A_98 = arith.addf %add3A_91, %get3A_97 : vector<16xf32>
      %mul3A_99 = arith.constant 16 : i32
      %mul3A_100 = arith.muli %scan3A_70, %mul3A_99 : i32
      %add3A_101 = arith.constant 20224 : i32
      %add3A_102 = arith.addi %mul3A_100, %add3A_101 : i32
      %get3A_103 = arith.index_cast %add3A_102 : i32 to index
      %get3A_104 = tpu.vector_load %arg5[%get3A_103] {strides = array<i32>} : memref<80896xf32, #tpu.memory_space<vmem>>, vector<16xf32>,
      %add3A_105 = arith.addf %add3A_98, %get3A_104 : vector<16xf32>
      %mul3A_106 = arith.constant 16 : i32
      %mul3A_107 = arith.muli %scan3A_70, %mul3A_106 : i32
      %add3A_108 = arith.constant 25280 : i32
      %add3A_109 = arith.addi %mul3A_107, %add3A_108 : i32
      %get3A_110 = arith.index_cast %add3A_109 : i32 to index
      %get3A_111 = tpu.vector_load %arg5[%get3A_110] {strides = array<i32>} : memref<80896xf32, #tpu.memory_space<vmem>>, vector<16xf32>,
      %add3A_112 = arith.addf %add3A_105, %get3A_111 : vector<16xf32>
      %mul3A_113 = arith.constant 16 : i32
      %mul3A_114 = arith.muli %scan3A_70, %mul3A_113 : i32
      %add3A_115 = arith.constant 30336 : i32
      %add3A_116 = arith.addi %mul3A_114, %add3A_115 : i32
      %get3A_117 = arith.index_cast %add3A_116 : i32 to index
      %get3A_118 = tpu.vector_load %arg5[%get3A_117] {strides = array<i32>} : memref<80896xf32, #tpu.memory_space<vmem>>, vector<16xf32>,
      %add3A_119 = arith.addf %add3A_112, %get3A_118 : vector<16xf32>
      %mul3A_120 = arith.constant 16 : i32
      %mul3A_121 = arith.muli %scan3A_70, %mul3A_120 : i32
      %add3A_122 = arith.constant 35392 : i32
      %add3A_123 = arith.addi %mul3A_121, %add3A_122 : i32
      %get3A_124 = arith.index_cast %add3A_123 : i32 to index
      %get3A_125 = tpu.vector_load %arg5[%get3A_124] {strides = array<i32>} : memref<80896xf32, #tpu.memory_space<vmem>>, vector<16xf32>,
      %add3A_126 = arith.addf %add3A_119, %get3A_125 : vector<16xf32>
      %mul3A_127 = arith.constant 16 : i32
      %mul3A_128 = arith.muli %scan3A_70, %mul3A_127 : i32
      %add3A_129 = arith.constant 40448 : i32
      %add3A_130 = arith.addi %mul3A_128, %add3A_129 : i32
      %get3A_131 = arith.index_cast %add3A_130 : i32 to index
      %get3A_132 = tpu.vector_load %arg5[%get3A_131] {strides = array<i32>} : memref<80896xf32, #tpu.memory_space<vmem>>, vector<16xf32>,
      %add3A_133 = arith.addf %add3A_126, %get3A_132 : vector<16xf32>
      %mul3A_134 = arith.constant 16 : i32
      %mul3A_135 = arith.muli %scan3A_70, %mul3A_134 : i32
      %add3A_136 = arith.constant 45504 : i32
      %add3A_137 = arith.addi %mul3A_135, %add3A_136 : i32
      %get3A_138 = arith.index_cast %add3A_137 : i32 to index
      %get3A_139 = tpu.vector_load %arg5[%get3A_138] {strides = array<i32>} : memref<80896xf32, #tpu.memory_space<vmem>>, vector<16xf32>,
      %add3A_140 = arith.addf %add3A_133, %get3A_139 : vector<16xf32>
      %mul3A_141 = arith.constant 16 : i32
      %mul3A_142 = arith.muli %scan3A_70, %mul3A_141 : i32
      %add3A_143 = arith.constant 50560 : i32
      %add3A_144 = arith.addi %mul3A_142, %add3A_143 : i32
      %get3A_145 = arith.index_cast %add3A_144 : i32 to index
      %get3A_146 = tpu.vector_load %arg5[%get3A_145] {strides = array<i32>} : memref<80896xf32, #tpu.memory_space<vmem>>, vector<16xf32>,
      %add3A_147 = arith.addf %add3A_140, %get3A_146 : vector<16xf32>
      %mul3A_148 = arith.constant 16 : i32
      %mul3A_149 = arith.muli %scan3A_70, %mul3A_148 : i32
      %add3A_150 = arith.constant 55616 : i32
      %add3A_151 = arith.addi %mul3A_149, %add3A_150 : i32
      %get3A_152 = arith.index_cast %add3A_151 : i32 to index
      %get3A_153 = tpu.vector_load %arg5[%get3A_152] {strides = array<i32>} : memref<80896xf32, #tpu.memory_space<vmem>>, vector<16xf32>,
      %add3A_154 = arith.addf %add3A_147, %get3A_153 : vector<16xf32>
      %mul3A_155 = arith.constant 16 : i32
      %mul3A_156 = arith.muli %scan3A_70, %mul3A_155 : i32
      %add3A_157 = arith.constant 60672 : i32
      %add3A_158 = arith.addi %mul3A_156, %add3A_157 : i32
      %get3A_159 = arith.index_cast %add3A_158 : i32 to index
      %get3A_160 = tpu.vector_load %arg5[%get3A_159] {strides = array<i32>} : memref<80896xf32, #tpu.memory_space<vmem>>, vector<16xf32>,
      %add3A_161 = arith.addf %add3A_154, %get3A_160 : vector<16xf32>
      %mul3A_162 = arith.constant 16 : i32
      %mul3A_163 = arith.muli %scan3A_70, %mul3A_162 : i32
      %add3A_164 = arith.constant 65728 : i32
      %add3A_165 = arith.addi %mul3A_163, %add3A_164 : i32
      %get3A_166 = arith.index_cast %add3A_165 : i32 to index
      %get3A_167 = tpu.vector_load %arg5[%get3A_166] {strides = array<i32>} : memref<80896xf32, #tpu.memory_space<vmem>>, vector<16xf32>,
      %add3A_168 = arith.addf %add3A_161, %get3A_167 : vector<16xf32>
      %mul3A_169 = arith.constant 16 : i32
      %mul3A_170 = arith.muli %scan3A_70, %mul3A_169 : i32
      %add3A_171 = arith.constant 70784 : i32
      %add3A_172 = arith.addi %mul3A_170, %add3A_171 : i32
      %get3A_173 = arith.index_cast %add3A_172 : i32 to index
      %get3A_174 = tpu.vector_load %arg5[%get3A_173] {strides = array<i32>} : memref<80896xf32, #tpu.memory_space<vmem>>, vector<16xf32>,
      %add3A_175 = arith.addf %add3A_168, %get3A_174 : vector<16xf32>
      %mul3A_176 = arith.constant 16 : i32
      %mul3A_177 = arith.muli %scan3A_70, %mul3A_176 : i32
      %add3A_178 = arith.constant 75840 : i32
      %add3A_179 = arith.addi %mul3A_177, %add3A_178 : i32
      %get3A_180 = arith.index_cast %add3A_179 : i32 to index
      %get3A_181 = tpu.vector_load %arg5[%get3A_180] {strides = array<i32>} : memref<80896xf32, #tpu.memory_space<vmem>>, vector<16xf32>,
      %add3A_182 = arith.addf %add3A_175, %get3A_181 : vector<16xf32>
      %jit3A = arith.constant 128 : i32
      %div3A = arith.divsi %add3A_74, %jit3A : i32
      %sign3A = arith.constant 0 : i32
      %sign3A_183 = arith.cmpi sgt, %add3A_74, %sign3A : i32
      %sign3A_184 = arith.extui %sign3A_183 : i1 to i32
      %sign3A_185 = arith.constant 0 : i32
      %sign3A_186 = arith.cmpi slt, %add3A_74, %sign3A_185 : i32
      %sign3A_187 = arith.extui %sign3A_186 : i1 to i32
      %sign3A_188 = arith.subi %sign3A_184, %sign3A_187 : i32
      %sign3A_189 = arith.constant 0 : i32
      %sign3A_190 = arith.cmpi sgt, %jit3A, %sign3A_189 : i32
      %sign3A_191 = arith.extui %sign3A_190 : i1 to i32
      %sign3A_192 = arith.constant 0 : i32
      %sign3A_193 = arith.cmpi slt, %jit3A, %sign3A_192 : i32
      %sign3A_194 = arith.extui %sign3A_193 : i1 to i32
      %sign3A_195 = arith.subi %sign3A_191, %sign3A_194 : i32
      %ne3A = arith.cmpi ne, %sign3A_188, %sign3A_195 : i32
      %rem3A = arith.remsi %add3A_74, %jit3A : i32
      %ne3A_196 = arith.constant 0 : i32
      %ne3A_197 = arith.cmpi ne, %rem3A, %ne3A_196 : i32
      %and3A = arith.andi %ne3A, %ne3A_197 : i1
      %sub3A = arith.constant 1 : i32
      %sub3A_198 = arith.subi %div3A, %sub3A : i32
      %select_n3A = arith.select %and3A, %sub3A_198, %div3A : i32
      %jit3A_199 = arith.constant 128 : i32
      %eq3A = arith.constant 0 : i32
      %eq3A_200 = arith.cmpi eq, %jit3A_199, %eq3A : i32
      %jit3A_201 = arith.constant 1 : i32
      %select_n3A_202 = arith.select %eq3A_200, %jit3A_201, %jit3A_199 : i32
      %rem3A_203 = arith.remsi %add3A_74, %select_n3A_202 : i32
      %ne3A_204 = arith.constant 0 : i32
      %ne3A_205 = arith.cmpi ne, %rem3A_203, %ne3A_204 : i32
      %lt3A = arith.constant 0 : i32
      %lt3A_206 = arith.cmpi slt, %rem3A_203, %lt3A : i32
      %lt3A_207 = arith.constant 0 : i32
      %lt3A_208 = arith.cmpi slt, %select_n3A_202, %lt3A_207 : i32
      %ne3A_209 = arith.xori %lt3A_206, %lt3A_208 : i1
      %and3A_210 = arith.andi %ne3A_209, %ne3A_205 : i1
      %add3A_211 = arith.addi %rem3A_203, %select_n3A_202 : i32
      %select_n3A_212 = arith.select %and3A_210, %add3A_211, %rem3A_203 : i32
      %swap3A = arith.index_cast %select_n3A : i32 to index
      %swap3A_213 = arith.index_cast %select_n3A_212 : i32 to index
      %swap3A_214 = tpu.vector_load %arg6[%swap3A, %swap3A_213] {strides = array<i32>} : memref<79x128xf32, #tpu.memory_space<vmem>>, vector<16xf32>,
      tpu.vector_store %arg6[%swap3A, %swap3A_213], %add3A_182 {strides = array<i32>} : memref<79x128xf32, #tpu.memory_space<vmem>>, vector<16xf32>,
      %scan3A_215 = arith.constant 0 : i32
      scf.yield %scan3A_215 : i32
    }
    %scan3A_69 = arith.constant 316 : i32
    "tpu.region"() ({
      %run_scoped3A = tpu.sem_alloc : memref<!tpu.dma_semaphore, #tpu.memory_space<semaphore_mem>>
      %dma_start3A_70 = arith.constant 0 : i32
      %dma_start3A_71 = arith.constant 0 : i32
      %dma_start3A_72 = arith.constant 0 : i32
      %dma_start3A_73 = tpu.memref_slice %arg3[%arg0, %dma_start3A_70, %dma_start3A_71, %dma_start3A_72] : memref<2x16x79x128xf32, #tpu.memory_space<hbm>> -> memref<1x16x79x128xf32, #tpu.memory_space<hbm>>
      %dma_start3A_74 = tpu.memref_squeeze %dma_start3A_73 : memref<1x16x79x128xf32, #tpu.memory_space<hbm>> -> memref<16x79x128xf32, #tpu.memory_space<hbm>>
      %dma_start3A_75 = arith.constant 0 : i32
      %dma_start3A_76 = arith.constant 0 : i32
      %dma_start3A_77 = tpu.memref_slice %dma_start3A_74[%arg1, %dma_start3A_75, %dma_start3A_76] : memref<16x79x128xf32, #tpu.memory_space<hbm>> -> memref<1x79x128xf32, #tpu.memory_space<hbm>>
      %dma_start3A_78 = tpu.memref_squeeze %dma_start3A_77 : memref<1x79x128xf32, #tpu.memory_space<hbm>> -> memref<79x128xf32, #tpu.memory_space<hbm>>
      %dma_start3A_79 = arith.constant 0 : i32
      %dma_start3A_80 = arith.constant 0 : i32
      %dma_start3A_81 = arith.constant 0 : i32
      %dma_start3A_82 = tpu.memref_slice %arg3[%arg0, %dma_start3A_79, %dma_start3A_80, %dma_start3A_81] : memref<2x16x79x128xf32, #tpu.memory_space<hbm>> -> memref<1x16x79x128xf32, #tpu.memory_space<hbm>>
      %dma_start3A_83 = tpu.memref_squeeze %dma_start3A_82 : memref<1x16x79x128xf32, #tpu.memory_space<hbm>> -> memref<16x79x128xf32, #tpu.memory_space<hbm>>
      %dma_start3A_84 = arith.constant 0 : i32
      %dma_start3A_85 = arith.constant 0 : i32
      %dma_start3A_86 = tpu.memref_slice %dma_start3A_83[%arg1, %dma_start3A_84, %dma_start3A_85] : memref<16x79x128xf32, #tpu.memory_space<hbm>> -> memref<1x79x128xf32, #tpu.memory_space<hbm>>
      %dma_start3A_87 = tpu.memref_squeeze %dma_start3A_86 : memref<1x79x128xf32, #tpu.memory_space<hbm>> -> memref<79x128xf32, #tpu.memory_space<hbm>>
      tpu.enqueue_dma source(%arg6 : memref<79x128xf32, #tpu.memory_space<vmem>>) target(%dma_start3A_87 : memref<79x128xf32, #tpu.memory_space<hbm>>) target_semaphore(%run_scoped3A : memref<!tpu.dma_semaphore, #tpu.memory_space<semaphore_mem>>)
      %dma_wait3A_88 = arith.constant 0 : i32
      %dma_wait3A_89 = arith.constant 0 : i32
      %dma_wait3A_90 = arith.constant 0 : i32
      %dma_wait3A_91 = tpu.memref_slice %arg3[%arg0, %dma_wait3A_88, %dma_wait3A_89, %dma_wait3A_90] : memref<2x16x79x128xf32, #tpu.memory_space<hbm>> -> memref<1x16x79x128xf32, #tpu.memory_space<hbm>>
      %dma_wait3A_92 = tpu.memref_squeeze %dma_wait3A_91 : memref<1x16x79x128xf32, #tpu.memory_space<hbm>> -> memref<16x79x128xf32, #tpu.memory_space<hbm>>
      %dma_wait3A_93 = arith.constant 0 : i32
      %dma_wait3A_94 = arith.constant 0 : i32
      %dma_wait3A_95 = tpu.memref_slice %dma_wait3A_92[%arg1, %dma_wait3A_93, %dma_wait3A_94] : memref<16x79x128xf32, #tpu.memory_space<hbm>> -> memref<1x79x128xf32, #tpu.memory_space<hbm>>
      %dma_wait3A_96 = tpu.memref_squeeze %dma_wait3A_95 : memref<1x79x128xf32, #tpu.memory_space<hbm>> -> memref<79x128xf32, #tpu.memory_space<hbm>>
      %dma_wait3A_97 = arith.constant 0 : i32
      %dma_wait3A_98 = arith.constant 0 : i32
      %dma_wait3A_99 = arith.constant 0 : i32
      %dma_wait3A_100 = tpu.memref_slice %arg3[%arg0, %dma_wait3A_97, %dma_wait3A_98, %dma_wait3A_99] : memref<2x16x79x128xf32, #tpu.memory_space<hbm>> -> memref<1x16x79x128xf32, #tpu.memory_space<hbm>>
      %dma_wait3A_101 = tpu.memref_squeeze %dma_wait3A_100 : memref<1x16x79x128xf32, #tpu.memory_space<hbm>> -> memref<16x79x128xf32, #tpu.memory_space<hbm>>
      %dma_wait3A_102 = arith.constant 0 : i32
      %dma_wait3A_103 = arith.constant 0 : i32
      %dma_wait3A_104 = tpu.memref_slice %dma_wait3A_101[%arg1, %dma_wait3A_102, %dma_wait3A_103] : memref<16x79x128xf32, #tpu.memory_space<hbm>> -> memref<1x79x128xf32, #tpu.memory_space<hbm>>
      %dma_wait3A_105 = tpu.memref_squeeze %dma_wait3A_104 : memref<1x79x128xf32, #tpu.memory_space<hbm>> -> memref<79x128xf32, #tpu.memory_space<hbm>>
      tpu.wait_dma2 semaphore(%run_scoped3A : memref<!tpu.dma_semaphore, #tpu.memory_space<semaphore_mem>>) src(%arg6 : memref<79x128xf32, #tpu.memory_space<vmem>>) dst(%dma_wait3A_105 : memref<79x128xf32, #tpu.memory_space<hbm>>)
      tpu.yield
    }) : () -> ()
    return
  }
}

#map = affine_map<(d0, d1) -> (0, 0)>
#map1 = affine_map<(d0, d1) -> (0, 0, 0)>
module attributes {stable_mosaic.version = 14 : i64} {
  func.func @_sc_edges(%arg0: i32, %arg1: i32, %arg2: memref<10112x128xf32, #tpu.memory_space<hbm>>, %arg3: memref<2x2560x128xi32, #tpu.memory_space<hbm>>, %arg4: memref<2x10112x128xf32, #tpu.memory_space<hbm>>, %arg5: memref<40x128xi32, #tpu.memory_space<vmem>>, %arg6: memref<40x128xi32, #tpu.memory_space<vmem>>, %arg7: memref<128x128xf32, #tpu.memory_space<vmem>>, %arg8: memref<128x128xf32, #tpu.memory_space<vmem>>, %arg9: memref<10112x128xf32, #tpu.memory_space<vmem_shared>>, %arg10: memref<!tpu.dma_semaphore, #tpu.memory_space<semaphore_mem>>, %arg11: memref<!tpu.dma_semaphore, #tpu.memory_space<semaphore_mem>>, %arg12: memref<!tpu.dma_semaphore, #tpu.memory_space<semaphore_mem>>, %arg13: memref<!tpu.dma_semaphore, #tpu.memory_space<semaphore_mem>>) attributes {dimension_semantics = [#tpu.dimension_semantics<core_parallel>, #tpu.dimension_semantics<subcore_parallel>], iteration_bounds = array<i64: 2, 16>, scalar_prefetch = 0 : i64, scratch_operands = 9 : i64, tpu.core_type = #tpu.core_type<sc_vector_subcore>, window_params = [{transform_indices = #map}, {transform_indices = #map1}, {transform_indices = #map1}]} {
    %mul3A = arith.constant 1280 : i32
    %mul3A_0 = arith.muli %arg0, %mul3A : i32
    %mul3A_1 = arith.constant 80 : i32
    %mul3A_2 = arith.muli %arg1, %mul3A_1 : i32
    %add3A = arith.addi %mul3A_0, %mul3A_2 : i32
    %broadcast_in_dim3A = arith.constant 0.000000e+00 : f32
    %broadcast_in_dim3A_3 = vector.broadcast %broadcast_in_dim3A : f32 to vector<16xf32>
    %scan3A = arith.constant 0 : i32
    %scan3A_4 = arith.constant 0 : i32
    %scan3A_5 = arith.constant 128 : i32
    %scan3A_6 = arith.addi %scan3A_4, %scan3A_5 : i32
    %scan3A_7 = arith.constant 1 : i32
    %scan3A_8 = scf.for %scan3A_42 = %scan3A_4 to %scan3A_6 step %scan3A_7 iter_args(%scan3A_43 = %scan3A) -> (i32)  : i32 {
      %swap3A = arith.index_cast %scan3A_42 : i32 to index
      %swap3A_44 = arith.constant 0 : index
      %swap3A_45 = tpu.vector_load %arg7[%swap3A, %swap3A_44] {strides = array<i32>} : memref<128x128xf32, #tpu.memory_space<vmem>>, vector<1x16xf32>,
      %swap3A_46 = vector.shape_cast %swap3A_45 : vector<1x16xf32> to vector<16xf32>
      %swap3A_47 = vector.shape_cast %broadcast_in_dim3A_3 : vector<16xf32> to vector<1x16xf32>
      tpu.vector_store %arg7[%swap3A, %swap3A_44], %swap3A_47 {strides = array<i32>} : memref<128x128xf32, #tpu.memory_space<vmem>>, vector<1x16xf32>,
      %swap3A_48 = arith.index_cast %scan3A_42 : i32 to index
      %swap3A_49 = arith.constant 16 : index
      %swap3A_50 = tpu.vector_load %arg7[%swap3A_48, %swap3A_49] {strides = array<i32>} : memref<128x128xf32, #tpu.memory_space<vmem>>, vector<1x16xf32>,
      %swap3A_51 = vector.shape_cast %swap3A_50 : vector<1x16xf32> to vector<16xf32>
      %swap3A_52 = vector.shape_cast %broadcast_in_dim3A_3 : vector<16xf32> to vector<1x16xf32>
      tpu.vector_store %arg7[%swap3A_48, %swap3A_49], %swap3A_52 {strides = array<i32>} : memref<128x128xf32, #tpu.memory_space<vmem>>, vector<1x16xf32>,
      %swap3A_53 = arith.index_cast %scan3A_42 : i32 to index
      %swap3A_54 = arith.constant 32 : index
      %swap3A_55 = tpu.vector_load %arg7[%swap3A_53, %swap3A_54] {strides = array<i32>} : memref<128x128xf32, #tpu.memory_space<vmem>>, vector<1x16xf32>,
      %swap3A_56 = vector.shape_cast %swap3A_55 : vector<1x16xf32> to vector<16xf32>
      %swap3A_57 = vector.shape_cast %broadcast_in_dim3A_3 : vector<16xf32> to vector<1x16xf32>
      tpu.vector_store %arg7[%swap3A_53, %swap3A_54], %swap3A_57 {strides = array<i32>} : memref<128x128xf32, #tpu.memory_space<vmem>>, vector<1x16xf32>,
      %swap3A_58 = arith.index_cast %scan3A_42 : i32 to index
      %swap3A_59 = arith.constant 48 : index
      %swap3A_60 = tpu.vector_load %arg7[%swap3A_58, %swap3A_59] {strides = array<i32>} : memref<128x128xf32, #tpu.memory_space<vmem>>, vector<1x16xf32>,
      %swap3A_61 = vector.shape_cast %swap3A_60 : vector<1x16xf32> to vector<16xf32>
      %swap3A_62 = vector.shape_cast %broadcast_in_dim3A_3 : vector<16xf32> to vector<1x16xf32>
      tpu.vector_store %arg7[%swap3A_58, %swap3A_59], %swap3A_62 {strides = array<i32>} : memref<128x128xf32, #tpu.memory_space<vmem>>, vector<1x16xf32>,
      %swap3A_63 = arith.index_cast %scan3A_42 : i32 to index
      %swap3A_64 = arith.constant 64 : index
      %swap3A_65 = tpu.vector_load %arg7[%swap3A_63, %swap3A_64] {strides = array<i32>} : memref<128x128xf32, #tpu.memory_space<vmem>>, vector<1x16xf32>,
      %swap3A_66 = vector.shape_cast %swap3A_65 : vector<1x16xf32> to vector<16xf32>
      %swap3A_67 = vector.shape_cast %broadcast_in_dim3A_3 : vector<16xf32> to vector<1x16xf32>
      tpu.vector_store %arg7[%swap3A_63, %swap3A_64], %swap3A_67 {strides = array<i32>} : memref<128x128xf32, #tpu.memory_space<vmem>>, vector<1x16xf32>,
      %swap3A_68 = arith.index_cast %scan3A_42 : i32 to index
      %swap3A_69 = arith.constant 80 : index
      %swap3A_70 = tpu.vector_load %arg7[%swap3A_68, %swap3A_69] {strides = array<i32>} : memref<128x128xf32, #tpu.memory_space<vmem>>, vector<1x16xf32>,
      %swap3A_71 = vector.shape_cast %swap3A_70 : vector<1x16xf32> to vector<16xf32>
      %swap3A_72 = vector.shape_cast %broadcast_in_dim3A_3 : vector<16xf32> to vector<1x16xf32>
      tpu.vector_store %arg7[%swap3A_68, %swap3A_69], %swap3A_72 {strides = array<i32>} : memref<128x128xf32, #tpu.memory_space<vmem>>, vector<1x16xf32>,
      %swap3A_73 = arith.index_cast %scan3A_42 : i32 to index
      %swap3A_74 = arith.constant 96 : index
      %swap3A_75 = tpu.vector_load %arg7[%swap3A_73, %swap3A_74] {strides = array<i32>} : memref<128x128xf32, #tpu.memory_space<vmem>>, vector<1x16xf32>,
      %swap3A_76 = vector.shape_cast %swap3A_75 : vector<1x16xf32> to vector<16xf32>
      %swap3A_77 = vector.shape_cast %broadcast_in_dim3A_3 : vector<16xf32> to vector<1x16xf32>
      tpu.vector_store %arg7[%swap3A_73, %swap3A_74], %swap3A_77 {strides = array<i32>} : memref<128x128xf32, #tpu.memory_space<vmem>>, vector<1x16xf32>,
      %swap3A_78 = arith.index_cast %scan3A_42 : i32 to index
      %swap3A_79 = arith.constant 112 : index
      %swap3A_80 = tpu.vector_load %arg7[%swap3A_78, %swap3A_79] {strides = array<i32>} : memref<128x128xf32, #tpu.memory_space<vmem>>, vector<1x16xf32>,
      %swap3A_81 = vector.shape_cast %swap3A_80 : vector<1x16xf32> to vector<16xf32>
      %swap3A_82 = vector.shape_cast %broadcast_in_dim3A_3 : vector<16xf32> to vector<1x16xf32>
      tpu.vector_store %arg7[%swap3A_78, %swap3A_79], %swap3A_82 {strides = array<i32>} : memref<128x128xf32, #tpu.memory_space<vmem>>, vector<1x16xf32>,
      %scan3A_83 = arith.constant 0 : i32
      scf.yield %scan3A_83 : i32
    }
    %scan3A_9 = arith.constant 128 : i32
    %mul3A_10 = arith.constant 632 : i32
    %mul3A_11 = arith.muli %arg1, %mul3A_10 : i32
    %add3A_12 = arith.constant 0 : i32
    %add3A_13 = arith.addi %mul3A_11, %add3A_12 : i32
    "tpu.region"() ({
      %run_scoped3A = tpu.sem_alloc : memref<!tpu.dma_semaphore, #tpu.memory_space<semaphore_mem>>
      %dma_start3A = arith.constant 0 : i32
      %dma_start3A_42 = tpu.memref_slice %arg9[%add3A_13, %dma_start3A] : memref<10112x128xf32, #tpu.memory_space<vmem_shared>> -> memref<128x128xf32, #tpu.memory_space<vmem_shared>>
      %dma_start3A_43 = arith.constant 0 : i32
      %dma_start3A_44 = tpu.memref_slice %arg9[%add3A_13, %dma_start3A_43] : memref<10112x128xf32, #tpu.memory_space<vmem_shared>> -> memref<128x128xf32, #tpu.memory_space<vmem_shared>>
      tpu.enqueue_dma source(%arg7 : memref<128x128xf32, #tpu.memory_space<vmem>>) target(%dma_start3A_44 : memref<128x128xf32, #tpu.memory_space<vmem_shared>>) target_semaphore(%run_scoped3A : memref<!tpu.dma_semaphore, #tpu.memory_space<semaphore_mem>>)
      %dma_wait3A = arith.constant 0 : i32
      %dma_wait3A_45 = tpu.memref_slice %arg9[%add3A_13, %dma_wait3A] : memref<10112x128xf32, #tpu.memory_space<vmem_shared>> -> memref<128x128xf32, #tpu.memory_space<vmem_shared>>
      %dma_wait3A_46 = arith.constant 0 : i32
      %dma_wait3A_47 = tpu.memref_slice %arg9[%add3A_13, %dma_wait3A_46] : memref<10112x128xf32, #tpu.memory_space<vmem_shared>> -> memref<128x128xf32, #tpu.memory_space<vmem_shared>>
      tpu.wait_dma2 semaphore(%run_scoped3A : memref<!tpu.dma_semaphore, #tpu.memory_space<semaphore_mem>>) src(%arg7 : memref<128x128xf32, #tpu.memory_space<vmem>>) dst(%dma_wait3A_47 : memref<128x128xf32, #tpu.memory_space<vmem_shared>>)
      tpu.yield
    }) : () -> ()
    %mul3A_14 = arith.constant 632 : i32
    %mul3A_15 = arith.muli %arg1, %mul3A_14 : i32
    %add3A_16 = arith.constant 128 : i32
    %add3A_17 = arith.addi %mul3A_15, %add3A_16 : i32
    "tpu.region"() ({
      %run_scoped3A = tpu.sem_alloc : memref<!tpu.dma_semaphore, #tpu.memory_space<semaphore_mem>>
      %dma_start3A = arith.constant 0 : i32
      %dma_start3A_42 = tpu.memref_slice %arg9[%add3A_17, %dma_start3A] : memref<10112x128xf32, #tpu.memory_space<vmem_shared>> -> memref<128x128xf32, #tpu.memory_space<vmem_shared>>
      %dma_start3A_43 = arith.constant 0 : i32
      %dma_start3A_44 = tpu.memref_slice %arg9[%add3A_17, %dma_start3A_43] : memref<10112x128xf32, #tpu.memory_space<vmem_shared>> -> memref<128x128xf32, #tpu.memory_space<vmem_shared>>
      tpu.enqueue_dma source(%arg7 : memref<128x128xf32, #tpu.memory_space<vmem>>) target(%dma_start3A_44 : memref<128x128xf32, #tpu.memory_space<vmem_shared>>) target_semaphore(%run_scoped3A : memref<!tpu.dma_semaphore, #tpu.memory_space<semaphore_mem>>)
      %dma_wait3A = arith.constant 0 : i32
      %dma_wait3A_45 = tpu.memref_slice %arg9[%add3A_17, %dma_wait3A] : memref<10112x128xf32, #tpu.memory_space<vmem_shared>> -> memref<128x128xf32, #tpu.memory_space<vmem_shared>>
      %dma_wait3A_46 = arith.constant 0 : i32
      %dma_wait3A_47 = tpu.memref_slice %arg9[%add3A_17, %dma_wait3A_46] : memref<10112x128xf32, #tpu.memory_space<vmem_shared>> -> memref<128x128xf32, #tpu.memory_space<vmem_shared>>
      tpu.wait_dma2 semaphore(%run_scoped3A : memref<!tpu.dma_semaphore, #tpu.memory_space<semaphore_mem>>) src(%arg7 : memref<128x128xf32, #tpu.memory_space<vmem>>) dst(%dma_wait3A_47 : memref<128x128xf32, #tpu.memory_space<vmem_shared>>)
      tpu.yield
    }) : () -> ()
    %mul3A_18 = arith.constant 632 : i32
    %mul3A_19 = arith.muli %arg1, %mul3A_18 : i32
    %add3A_20 = arith.constant 256 : i32
    %add3A_21 = arith.addi %mul3A_19, %add3A_20 : i32
    "tpu.region"() ({
      %run_scoped3A = tpu.sem_alloc : memref<!tpu.dma_semaphore, #tpu.memory_space<semaphore_mem>>
      %dma_start3A = arith.constant 0 : i32
      %dma_start3A_42 = tpu.memref_slice %arg9[%add3A_21, %dma_start3A] : memref<10112x128xf32, #tpu.memory_space<vmem_shared>> -> memref<128x128xf32, #tpu.memory_space<vmem_shared>>
      %dma_start3A_43 = arith.constant 0 : i32
      %dma_start3A_44 = tpu.memref_slice %arg9[%add3A_21, %dma_start3A_43] : memref<10112x128xf32, #tpu.memory_space<vmem_shared>> -> memref<128x128xf32, #tpu.memory_space<vmem_shared>>
      tpu.enqueue_dma source(%arg7 : memref<128x128xf32, #tpu.memory_space<vmem>>) target(%dma_start3A_44 : memref<128x128xf32, #tpu.memory_space<vmem_shared>>) target_semaphore(%run_scoped3A : memref<!tpu.dma_semaphore, #tpu.memory_space<semaphore_mem>>)
      %dma_wait3A = arith.constant 0 : i32
      %dma_wait3A_45 = tpu.memref_slice %arg9[%add3A_21, %dma_wait3A] : memref<10112x128xf32, #tpu.memory_space<vmem_shared>> -> memref<128x128xf32, #tpu.memory_space<vmem_shared>>
      %dma_wait3A_46 = arith.constant 0 : i32
      %dma_wait3A_47 = tpu.memref_slice %arg9[%add3A_21, %dma_wait3A_46] : memref<10112x128xf32, #tpu.memory_space<vmem_shared>> -> memref<128x128xf32, #tpu.memory_space<vmem_shared>>
      tpu.wait_dma2 semaphore(%run_scoped3A : memref<!tpu.dma_semaphore, #tpu.memory_space<semaphore_mem>>) src(%arg7 : memref<128x128xf32, #tpu.memory_space<vmem>>) dst(%dma_wait3A_47 : memref<128x128xf32, #tpu.memory_space<vmem_shared>>)
      tpu.yield
    }) : () -> ()
    %mul3A_22 = arith.constant 632 : i32
    %mul3A_23 = arith.muli %arg1, %mul3A_22 : i32
    %add3A_24 = arith.constant 384 : i32
    %add3A_25 = arith.addi %mul3A_23, %add3A_24 : i32
    "tpu.region"() ({
      %run_scoped3A = tpu.sem_alloc : memref<!tpu.dma_semaphore, #tpu.memory_space<semaphore_mem>>
      %dma_start3A = arith.constant 0 : i32
      %dma_start3A_42 = tpu.memref_slice %arg9[%add3A_25, %dma_start3A] : memref<10112x128xf32, #tpu.memory_space<vmem_shared>> -> memref<128x128xf32, #tpu.memory_space<vmem_shared>>
      %dma_start3A_43 = arith.constant 0 : i32
      %dma_start3A_44 = tpu.memref_slice %arg9[%add3A_25, %dma_start3A_43] : memref<10112x128xf32, #tpu.memory_space<vmem_shared>> -> memref<128x128xf32, #tpu.memory_space<vmem_shared>>
      tpu.enqueue_dma source(%arg7 : memref<128x128xf32, #tpu.memory_space<vmem>>) target(%dma_start3A_44 : memref<128x128xf32, #tpu.memory_space<vmem_shared>>) target_semaphore(%run_scoped3A : memref<!tpu.dma_semaphore, #tpu.memory_space<semaphore_mem>>)
      %dma_wait3A = arith.constant 0 : i32
      %dma_wait3A_45 = tpu.memref_slice %arg9[%add3A_25, %dma_wait3A] : memref<10112x128xf32, #tpu.memory_space<vmem_shared>> -> memref<128x128xf32, #tpu.memory_space<vmem_shared>>
      %dma_wait3A_46 = arith.constant 0 : i32
      %dma_wait3A_47 = tpu.memref_slice %arg9[%add3A_25, %dma_wait3A_46] : memref<10112x128xf32, #tpu.memory_space<vmem_shared>> -> memref<128x128xf32, #tpu.memory_space<vmem_shared>>
      tpu.wait_dma2 semaphore(%run_scoped3A : memref<!tpu.dma_semaphore, #tpu.memory_space<semaphore_mem>>) src(%arg7 : memref<128x128xf32, #tpu.memory_space<vmem>>) dst(%dma_wait3A_47 : memref<128x128xf32, #tpu.memory_space<vmem_shared>>)
      tpu.yield
    }) : () -> ()
    %mul3A_26 = arith.constant 632 : i32
    %mul3A_27 = arith.muli %arg1, %mul3A_26 : i32
    %add3A_28 = arith.constant 512 : i32
    %add3A_29 = arith.addi %mul3A_27, %add3A_28 : i32
    "tpu.region"() ({
      %run_scoped3A = tpu.sem_alloc : memref<!tpu.dma_semaphore, #tpu.memory_space<semaphore_mem>>
      %dma_start3A = arith.constant 0 : i32
      %dma_start3A_42 = arith.constant 0 : i32
      %dma_start3A_43 = tpu.memref_slice %arg7[%dma_start3A, %dma_start3A_42] : memref<128x128xf32, #tpu.memory_space<vmem>> -> memref<120x128xf32, #tpu.memory_space<vmem>>
      %dma_start3A_44 = arith.constant 0 : i32
      %dma_start3A_45 = tpu.memref_slice %arg9[%add3A_29, %dma_start3A_44] : memref<10112x128xf32, #tpu.memory_space<vmem_shared>> -> memref<120x128xf32, #tpu.memory_space<vmem_shared>>
      %dma_start3A_46 = arith.constant 0 : i32
      %dma_start3A_47 = tpu.memref_slice %arg9[%add3A_29, %dma_start3A_46] : memref<10112x128xf32, #tpu.memory_space<vmem_shared>> -> memref<120x128xf32, #tpu.memory_space<vmem_shared>>
      %dma_start3A_48 = arith.constant 0 : i32
      %dma_start3A_49 = arith.constant 0 : i32
      %dma_start3A_50 = tpu.memref_slice %arg7[%dma_start3A_48, %dma_start3A_49] : memref<128x128xf32, #tpu.memory_space<vmem>> -> memref<120x128xf32, #tpu.memory_space<vmem>>
      tpu.enqueue_dma source(%dma_start3A_50 : memref<120x128xf32, #tpu.memory_space<vmem>>) target(%dma_start3A_47 : memref<120x128xf32, #tpu.memory_space<vmem_shared>>) target_semaphore(%run_scoped3A : memref<!tpu.dma_semaphore, #tpu.memory_space<semaphore_mem>>)
      %dma_wait3A = arith.constant 0 : i32
      %dma_wait3A_51 = arith.constant 0 : i32
      %dma_wait3A_52 = tpu.memref_slice %arg7[%dma_wait3A, %dma_wait3A_51] : memref<128x128xf32, #tpu.memory_space<vmem>> -> memref<120x128xf32, #tpu.memory_space<vmem>>
      %dma_wait3A_53 = arith.constant 0 : i32
      %dma_wait3A_54 = tpu.memref_slice %arg9[%add3A_29, %dma_wait3A_53] : memref<10112x128xf32, #tpu.memory_space<vmem_shared>> -> memref<120x128xf32, #tpu.memory_space<vmem_shared>>
      %dma_wait3A_55 = arith.constant 0 : i32
      %dma_wait3A_56 = tpu.memref_slice %arg9[%add3A_29, %dma_wait3A_55] : memref<10112x128xf32, #tpu.memory_space<vmem_shared>> -> memref<120x128xf32, #tpu.memory_space<vmem_shared>>
      %dma_wait3A_57 = arith.constant 0 : i32
      %dma_wait3A_58 = arith.constant 0 : i32
      %dma_wait3A_59 = tpu.memref_slice %arg7[%dma_wait3A_57, %dma_wait3A_58] : memref<128x128xf32, #tpu.memory_space<vmem>> -> memref<120x128xf32, #tpu.memory_space<vmem>>
      tpu.wait_dma2 semaphore(%run_scoped3A : memref<!tpu.dma_semaphore, #tpu.memory_space<semaphore_mem>>) src(%dma_wait3A_59 : memref<120x128xf32, #tpu.memory_space<vmem>>) dst(%dma_wait3A_56 : memref<120x128xf32, #tpu.memory_space<vmem_shared>>)
      tpu.yield
    }) : () -> ()
    %barrier3A = arith.constant 0 : index
    tpu.barrier barrier_id(%barrier3A)
    %scan3A_30 = arith.constant 0 : i32
    %scan3A_31 = arith.constant 0 : i32
    %scan3A_32 = arith.constant 2 : i32
    %scan3A_33 = arith.addi %scan3A_31, %scan3A_32 : i32
    %scan3A_34 = arith.constant 1 : i32
    %scan3A_35 = scf.for %scan3A_42 = %scan3A_31 to %scan3A_33 step %scan3A_34 iter_args(%scan3A_43 = %scan3A_30) -> (i32)  : i32 {
      %mul3A_44 = arith.constant 40 : i32
      %mul3A_45 = arith.muli %scan3A_42, %mul3A_44 : i32
      %add3A_46 = arith.addi %add3A, %mul3A_45 : i32
      %run_scoped3A = arith.constant 0 : i32
      "tpu.region"() ({
        %run_scoped3A_1167 = tpu.sem_alloc : memref<!tpu.dma_semaphore, #tpu.memory_space<semaphore_mem>>
        %dma_start3A_1168 = arith.constant 0 : i32
        %dma_start3A_1169 = arith.constant 0 : i32
        %dma_start3A_1170 = tpu.memref_slice %arg3[%run_scoped3A, %dma_start3A_1168, %dma_start3A_1169] : memref<2x2560x128xi32, #tpu.memory_space<hbm>> -> memref<1x2560x128xi32, #tpu.memory_space<hbm>>
        %dma_start3A_1171 = tpu.memref_squeeze %dma_start3A_1170 : memref<1x2560x128xi32, #tpu.memory_space<hbm>> -> memref<2560x128xi32, #tpu.memory_space<hbm>>
        %dma_start3A_1172 = arith.constant 0 : i32
        %dma_start3A_1173 = tpu.memref_slice %dma_start3A_1171[%add3A_46, %dma_start3A_1172] : memref<2560x128xi32, #tpu.memory_space<hbm>> -> memref<40x128xi32, #tpu.memory_space<hbm>>
        %dma_start3A_1174 = arith.constant 0 : i32
        %dma_start3A_1175 = arith.constant 0 : i32
        %dma_start3A_1176 = tpu.memref_slice %arg3[%run_scoped3A, %dma_start3A_1174, %dma_start3A_1175] : memref<2x2560x128xi32, #tpu.memory_space<hbm>> -> memref<1x2560x128xi32, #tpu.memory_space<hbm>>
        %dma_start3A_1177 = tpu.memref_squeeze %dma_start3A_1176 : memref<1x2560x128xi32, #tpu.memory_space<hbm>> -> memref<2560x128xi32, #tpu.memory_space<hbm>>
        %dma_start3A_1178 = arith.constant 0 : i32
        %dma_start3A_1179 = tpu.memref_slice %dma_start3A_1177[%add3A_46, %dma_start3A_1178] : memref<2560x128xi32, #tpu.memory_space<hbm>> -> memref<40x128xi32, #tpu.memory_space<hbm>>
        tpu.enqueue_dma source(%dma_start3A_1179 : memref<40x128xi32, #tpu.memory_space<hbm>>) target(%arg5 : memref<40x128xi32, #tpu.memory_space<vmem>>) target_semaphore(%run_scoped3A_1167 : memref<!tpu.dma_semaphore, #tpu.memory_space<semaphore_mem>>)
        %dma_wait3A_1180 = arith.constant 0 : i32
        %dma_wait3A_1181 = arith.constant 0 : i32
        %dma_wait3A_1182 = tpu.memref_slice %arg3[%run_scoped3A, %dma_wait3A_1180, %dma_wait3A_1181] : memref<2x2560x128xi32, #tpu.memory_space<hbm>> -> memref<1x2560x128xi32, #tpu.memory_space<hbm>>
        %dma_wait3A_1183 = tpu.memref_squeeze %dma_wait3A_1182 : memref<1x2560x128xi32, #tpu.memory_space<hbm>> -> memref<2560x128xi32, #tpu.memory_space<hbm>>
        %dma_wait3A_1184 = arith.constant 0 : i32
        %dma_wait3A_1185 = tpu.memref_slice %dma_wait3A_1183[%add3A_46, %dma_wait3A_1184] : memref<2560x128xi32, #tpu.memory_space<hbm>> -> memref<40x128xi32, #tpu.memory_space<hbm>>
        %dma_wait3A_1186 = arith.constant 0 : i32
        %dma_wait3A_1187 = arith.constant 0 : i32
        %dma_wait3A_1188 = tpu.memref_slice %arg3[%run_scoped3A, %dma_wait3A_1186, %dma_wait3A_1187] : memref<2x2560x128xi32, #tpu.memory_space<hbm>> -> memref<1x2560x128xi32, #tpu.memory_space<hbm>>
        %dma_wait3A_1189 = tpu.memref_squeeze %dma_wait3A_1188 : memref<1x2560x128xi32, #tpu.memory_space<hbm>> -> memref<2560x128xi32, #tpu.memory_space<hbm>>
        %dma_wait3A_1190 = arith.constant 0 : i32
        %dma_wait3A_1191 = tpu.memref_slice %dma_wait3A_1189[%add3A_46, %dma_wait3A_1190] : memref<2560x128xi32, #tpu.memory_space<hbm>> -> memref<40x128xi32, #tpu.memory_space<hbm>>
        tpu.wait_dma2 semaphore(%run_scoped3A_1167 : memref<!tpu.dma_semaphore, #tpu.memory_space<semaphore_mem>>) src(%dma_wait3A_1191 : memref<40x128xi32, #tpu.memory_space<hbm>>) dst(%arg5 : memref<40x128xi32, #tpu.memory_space<vmem>>)
        tpu.yield
      }) : () -> ()
      %run_scoped3A_47 = arith.constant 1 : i32
      "tpu.region"() ({
        %run_scoped3A_1167 = tpu.sem_alloc : memref<!tpu.dma_semaphore, #tpu.memory_space<semaphore_mem>>
        %dma_start3A_1168 = arith.constant 0 : i32
        %dma_start3A_1169 = arith.constant 0 : i32
        %dma_start3A_1170 = tpu.memref_slice %arg3[%run_scoped3A_47, %dma_start3A_1168, %dma_start3A_1169] : memref<2x2560x128xi32, #tpu.memory_space<hbm>> -> memref<1x2560x128xi32, #tpu.memory_space<hbm>>
        %dma_start3A_1171 = tpu.memref_squeeze %dma_start3A_1170 : memref<1x2560x128xi32, #tpu.memory_space<hbm>> -> memref<2560x128xi32, #tpu.memory_space<hbm>>
        %dma_start3A_1172 = arith.constant 0 : i32
        %dma_start3A_1173 = tpu.memref_slice %dma_start3A_1171[%add3A_46, %dma_start3A_1172] : memref<2560x128xi32, #tpu.memory_space<hbm>> -> memref<40x128xi32, #tpu.memory_space<hbm>>
        %dma_start3A_1174 = arith.constant 0 : i32
        %dma_start3A_1175 = arith.constant 0 : i32
        %dma_start3A_1176 = tpu.memref_slice %arg3[%run_scoped3A_47, %dma_start3A_1174, %dma_start3A_1175] : memref<2x2560x128xi32, #tpu.memory_space<hbm>> -> memref<1x2560x128xi32, #tpu.memory_space<hbm>>
        %dma_start3A_1177 = tpu.memref_squeeze %dma_start3A_1176 : memref<1x2560x128xi32, #tpu.memory_space<hbm>> -> memref<2560x128xi32, #tpu.memory_space<hbm>>
        %dma_start3A_1178 = arith.constant 0 : i32
        %dma_start3A_1179 = tpu.memref_slice %dma_start3A_1177[%add3A_46, %dma_start3A_1178] : memref<2560x128xi32, #tpu.memory_space<hbm>> -> memref<40x128xi32, #tpu.memory_space<hbm>>
        tpu.enqueue_dma source(%dma_start3A_1179 : memref<40x128xi32, #tpu.memory_space<hbm>>) target(%arg6 : memref<40x128xi32, #tpu.memory_space<vmem>>) target_semaphore(%run_scoped3A_1167 : memref<!tpu.dma_semaphore, #tpu.memory_space<semaphore_mem>>)
        %dma_wait3A_1180 = arith.constant 0 : i32
        %dma_wait3A_1181 = arith.constant 0 : i32
        %dma_wait3A_1182 = tpu.memref_slice %arg3[%run_scoped3A_47, %dma_wait3A_1180, %dma_wait3A_1181] : memref<2x2560x128xi32, #tpu.memory_space<hbm>> -> memref<1x2560x128xi32, #tpu.memory_space<hbm>>
        %dma_wait3A_1183 = tpu.memref_squeeze %dma_wait3A_1182 : memref<1x2560x128xi32, #tpu.memory_space<hbm>> -> memref<2560x128xi32, #tpu.memory_space<hbm>>
        %dma_wait3A_1184 = arith.constant 0 : i32
        %dma_wait3A_1185 = tpu.memref_slice %dma_wait3A_1183[%add3A_46, %dma_wait3A_1184] : memref<2560x128xi32, #tpu.memory_space<hbm>> -> memref<40x128xi32, #tpu.memory_space<hbm>>
        %dma_wait3A_1186 = arith.constant 0 : i32
        %dma_wait3A_1187 = arith.constant 0 : i32
        %dma_wait3A_1188 = tpu.memref_slice %arg3[%run_scoped3A_47, %dma_wait3A_1186, %dma_wait3A_1187] : memref<2x2560x128xi32, #tpu.memory_space<hbm>> -> memref<1x2560x128xi32, #tpu.memory_space<hbm>>
        %dma_wait3A_1189 = tpu.memref_squeeze %dma_wait3A_1188 : memref<1x2560x128xi32, #tpu.memory_space<hbm>> -> memref<2560x128xi32, #tpu.memory_space<hbm>>
        %dma_wait3A_1190 = arith.constant 0 : i32
        %dma_wait3A_1191 = tpu.memref_slice %dma_wait3A_1189[%add3A_46, %dma_wait3A_1190] : memref<2560x128xi32, #tpu.memory_space<hbm>> -> memref<40x128xi32, #tpu.memory_space<hbm>>
        tpu.wait_dma2 semaphore(%run_scoped3A_1167 : memref<!tpu.dma_semaphore, #tpu.memory_space<semaphore_mem>>) src(%dma_wait3A_1191 : memref<40x128xi32, #tpu.memory_space<hbm>>) dst(%arg6 : memref<40x128xi32, #tpu.memory_space<vmem>>)
        tpu.yield
      }) : () -> ()
      %dma_start3A = arith.constant 0 : i32
      %dma_start3A_48 = arith.constant 0 : i32
      %dma_start3A_49 = tpu.memref_slice %arg5[%dma_start3A, %dma_start3A_48] : memref<40x128xi32, #tpu.memory_space<vmem>> -> memref<1x128xi32, #tpu.memory_space<vmem>>
      %dma_start3A_50 = tpu.memref_squeeze %dma_start3A_49 : memref<1x128xi32, #tpu.memory_space<vmem>> -> memref<128xi32, #tpu.memory_space<vmem>>
      %dma_start3A_51 = arith.constant 0 : i32
      %dma_start3A_52 = arith.constant 0 : i32
      %dma_start3A_53 = tpu.memref_slice %arg2[%dma_start3A_51, %dma_start3A_52] : memref<10112x128xf32, #tpu.memory_space<hbm>> -> memref<10112x128xf32, #tpu.memory_space<hbm>>
      tpu.enqueue_indirect_dma source(%dma_start3A_53 : memref<10112x128xf32, #tpu.memory_space<hbm>>) target(%arg7 : memref<128x128xf32, #tpu.memory_space<vmem>>) offsets(%dma_start3A_50 : memref<128xi32, #tpu.memory_space<vmem>>) semaphore(%arg10 : memref<!tpu.dma_semaphore, #tpu.memory_space<semaphore_mem>>)
      %dma_start3A_54 = arith.constant 1 : i32
      %dma_start3A_55 = arith.constant 0 : i32
      %dma_start3A_56 = tpu.memref_slice %arg5[%dma_start3A_54, %dma_start3A_55] : memref<40x128xi32, #tpu.memory_space<vmem>> -> memref<1x128xi32, #tpu.memory_space<vmem>>
      %dma_start3A_57 = tpu.memref_squeeze %dma_start3A_56 : memref<1x128xi32, #tpu.memory_space<vmem>> -> memref<128xi32, #tpu.memory_space<vmem>>
      %dma_start3A_58 = arith.constant 0 : i32
      %dma_start3A_59 = arith.constant 0 : i32
      %dma_start3A_60 = tpu.memref_slice %arg2[%dma_start3A_58, %dma_start3A_59] : memref<10112x128xf32, #tpu.memory_space<hbm>> -> memref<10112x128xf32, #tpu.memory_space<hbm>>
      tpu.enqueue_indirect_dma source(%dma_start3A_60 : memref<10112x128xf32, #tpu.memory_space<hbm>>) target(%arg8 : memref<128x128xf32, #tpu.memory_space<vmem>>) offsets(%dma_start3A_57 : memref<128xi32, #tpu.memory_space<vmem>>) semaphore(%arg11 : memref<!tpu.dma_semaphore, #tpu.memory_space<semaphore_mem>>)
      %dma_wait3A = arith.constant 0 : i32
      %dma_wait3A_61 = arith.constant 0 : i32
      %dma_wait3A_62 = tpu.memref_slice %arg5[%dma_wait3A, %dma_wait3A_61] : memref<40x128xi32, #tpu.memory_space<vmem>> -> memref<1x128xi32, #tpu.memory_space<vmem>>
      %dma_wait3A_63 = tpu.memref_squeeze %dma_wait3A_62 : memref<1x128xi32, #tpu.memory_space<vmem>> -> memref<128xi32, #tpu.memory_space<vmem>>
      %dma_wait3A_64 = arith.constant 0 : i32
      %dma_wait3A_65 = arith.constant 0 : i32
      %dma_wait3A_66 = tpu.memref_slice %arg2[%dma_wait3A_64, %dma_wait3A_65] : memref<10112x128xf32, #tpu.memory_space<hbm>> -> memref<10112x128xf32, #tpu.memory_space<hbm>>
      tpu.wait_indirect_dma semaphore(%arg10 : memref<!tpu.dma_semaphore, #tpu.memory_space<semaphore_mem>>) src(%dma_wait3A_66 : memref<10112x128xf32, #tpu.memory_space<hbm>>) dst(%arg7 : memref<128x128xf32, #tpu.memory_space<vmem>>)
      %dma_start3A_67 = arith.constant 0 : i32
      %dma_start3A_68 = arith.constant 0 : i32
      %dma_start3A_69 = tpu.memref_slice %arg6[%dma_start3A_67, %dma_start3A_68] : memref<40x128xi32, #tpu.memory_space<vmem>> -> memref<1x128xi32, #tpu.memory_space<vmem>>
      %dma_start3A_70 = tpu.memref_squeeze %dma_start3A_69 : memref<1x128xi32, #tpu.memory_space<vmem>> -> memref<128xi32, #tpu.memory_space<vmem>>
      %dma_start3A_71 = arith.constant 0 : i32
      %dma_start3A_72 = arith.constant 0 : i32
      %dma_start3A_73 = tpu.memref_slice %arg9[%dma_start3A_71, %dma_start3A_72] : memref<10112x128xf32, #tpu.memory_space<vmem_shared>> -> memref<10112x128xf32, #tpu.memory_space<vmem_shared>>
      tpu.enqueue_indirect_dma source(%arg7 : memref<128x128xf32, #tpu.memory_space<vmem>>) target(%dma_start3A_73 : memref<10112x128xf32, #tpu.memory_space<vmem_shared>>) offsets(%dma_start3A_70 : memref<128xi32, #tpu.memory_space<vmem>>) semaphore(%arg12 : memref<!tpu.dma_semaphore, #tpu.memory_space<semaphore_mem>>) {add = true}
      %dma_wait3A_74 = arith.constant 0 : i32
      %dma_wait3A_75 = arith.constant 0 : i32
      %dma_wait3A_76 = tpu.memref_slice %arg6[%dma_wait3A_74, %dma_wait3A_75] : memref<40x128xi32, #tpu.memory_space<vmem>> -> memref<1x128xi32, #tpu.memory_space<vmem>>
      %dma_wait3A_77 = tpu.memref_squeeze %dma_wait3A_76 : memref<1x128xi32, #tpu.memory_space<vmem>> -> memref<128xi32, #tpu.memory_space<vmem>>
      %dma_wait3A_78 = arith.constant 0 : i32
      %dma_wait3A_79 = arith.constant 0 : i32
      %dma_wait3A_80 = tpu.memref_slice %arg9[%dma_wait3A_78, %dma_wait3A_79] : memref<10112x128xf32, #tpu.memory_space<vmem_shared>> -> memref<10112x128xf32, #tpu.memory_space<vmem_shared>>
      tpu.wait_indirect_dma semaphore(%arg12 : memref<!tpu.dma_semaphore, #tpu.memory_space<semaphore_mem>>) src(%arg7 : memref<128x128xf32, #tpu.memory_space<vmem>>) dst(%dma_wait3A_80 : memref<10112x128xf32, #tpu.memory_space<vmem_shared>>)
      %dma_start3A_81 = arith.constant 2 : i32
      %dma_start3A_82 = arith.constant 0 : i32
      %dma_start3A_83 = tpu.memref_slice %arg5[%dma_start3A_81, %dma_start3A_82] : memref<40x128xi32, #tpu.memory_space<vmem>> -> memref<1x128xi32, #tpu.memory_space<vmem>>
      %dma_start3A_84 = tpu.memref_squeeze %dma_start3A_83 : memref<1x128xi32, #tpu.memory_space<vmem>> -> memref<128xi32, #tpu.memory_space<vmem>>
      %dma_start3A_85 = arith.constant 0 : i32
      %dma_start3A_86 = arith.constant 0 : i32
      %dma_start3A_87 = tpu.memref_slice %arg2[%dma_start3A_85, %dma_start3A_86] : memref<10112x128xf32, #tpu.memory_space<hbm>> -> memref<10112x128xf32, #tpu.memory_space<hbm>>
      tpu.enqueue_indirect_dma source(%dma_start3A_87 : memref<10112x128xf32, #tpu.memory_space<hbm>>) target(%arg7 : memref<128x128xf32, #tpu.memory_space<vmem>>) offsets(%dma_start3A_84 : memref<128xi32, #tpu.memory_space<vmem>>) semaphore(%arg10 : memref<!tpu.dma_semaphore, #tpu.memory_space<semaphore_mem>>)
      %dma_wait3A_88 = arith.constant 1 : i32
      %dma_wait3A_89 = arith.constant 0 : i32
      %dma_wait3A_90 = tpu.memref_slice %arg5[%dma_wait3A_88, %dma_wait3A_89] : memref<40x128xi32, #tpu.memory_space<vmem>> -> memref<1x128xi32, #tpu.memory_space<vmem>>
      %dma_wait3A_91 = tpu.memref_squeeze %dma_wait3A_90 : memref<1x128xi32, #tpu.memory_space<vmem>> -> memref<128xi32, #tpu.memory_space<vmem>>
      %dma_wait3A_92 = arith.constant 0 : i32
      %dma_wait3A_93 = arith.constant 0 : i32
      %dma_wait3A_94 = tpu.memref_slice %arg2[%dma_wait3A_92, %dma_wait3A_93] : memref<10112x128xf32, #tpu.memory_space<hbm>> -> memref<10112x128xf32, #tpu.memory_space<hbm>>
      tpu.wait_indirect_dma semaphore(%arg11 : memref<!tpu.dma_semaphore, #tpu.memory_space<semaphore_mem>>) src(%dma_wait3A_94 : memref<10112x128xf32, #tpu.memory_space<hbm>>) dst(%arg8 : memref<128x128xf32, #tpu.memory_space<vmem>>)
      %dma_start3A_95 = arith.constant 1 : i32
      %dma_start3A_96 = arith.constant 0 : i32
      %dma_start3A_97 = tpu.memref_slice %arg6[%dma_start3A_95, %dma_start3A_96] : memref<40x128xi32, #tpu.memory_space<vmem>> -> memref<1x128xi32, #tpu.memory_space<vmem>>
      %dma_start3A_98 = tpu.memref_squeeze %dma_start3A_97 : memref<1x128xi32, #tpu.memory_space<vmem>> -> memref<128xi32, #tpu.memory_space<vmem>>
      %dma_start3A_99 = arith.constant 0 : i32
      %dma_start3A_100 = arith.constant 0 : i32
      %dma_start3A_101 = tpu.memref_slice %arg9[%dma_start3A_99, %dma_start3A_100] : memref<10112x128xf32, #tpu.memory_space<vmem_shared>> -> memref<10112x128xf32, #tpu.memory_space<vmem_shared>>
      tpu.enqueue_indirect_dma source(%arg8 : memref<128x128xf32, #tpu.memory_space<vmem>>) target(%dma_start3A_101 : memref<10112x128xf32, #tpu.memory_space<vmem_shared>>) offsets(%dma_start3A_98 : memref<128xi32, #tpu.memory_space<vmem>>) semaphore(%arg13 : memref<!tpu.dma_semaphore, #tpu.memory_space<semaphore_mem>>) {add = true}
      %dma_wait3A_102 = arith.constant 1 : i32
      %dma_wait3A_103 = arith.constant 0 : i32
      %dma_wait3A_104 = tpu.memref_slice %arg6[%dma_wait3A_102, %dma_wait3A_103] : memref<40x128xi32, #tpu.memory_space<vmem>> -> memref<1x128xi32, #tpu.memory_space<vmem>>
      %dma_wait3A_105 = tpu.memref_squeeze %dma_wait3A_104 : memref<1x128xi32, #tpu.memory_space<vmem>> -> memref<128xi32, #tpu.memory_space<vmem>>
      %dma_wait3A_106 = arith.constant 0 : i32
      %dma_wait3A_107 = arith.constant 0 : i32
      %dma_wait3A_108 = tpu.memref_slice %arg9[%dma_wait3A_106, %dma_wait3A_107] : memref<10112x128xf32, #tpu.memory_space<vmem_shared>> -> memref<10112x128xf32, #tpu.memory_space<vmem_shared>>
      tpu.wait_indirect_dma semaphore(%arg13 : memref<!tpu.dma_semaphore, #tpu.memory_space<semaphore_mem>>) src(%arg8 : memref<128x128xf32, #tpu.memory_space<vmem>>) dst(%dma_wait3A_108 : memref<10112x128xf32, #tpu.memory_space<vmem_shared>>)
      %dma_start3A_109 = arith.constant 3 : i32
      %dma_start3A_110 = arith.constant 0 : i32
      %dma_start3A_111 = tpu.memref_slice %arg5[%dma_start3A_109, %dma_start3A_110] : memref<40x128xi32, #tpu.memory_space<vmem>> -> memref<1x128xi32, #tpu.memory_space<vmem>>
      %dma_start3A_112 = tpu.memref_squeeze %dma_start3A_111 : memref<1x128xi32, #tpu.memory_space<vmem>> -> memref<128xi32, #tpu.memory_space<vmem>>
      %dma_start3A_113 = arith.constant 0 : i32
      %dma_start3A_114 = arith.constant 0 : i32
      %dma_start3A_115 = tpu.memref_slice %arg2[%dma_start3A_113, %dma_start3A_114] : memref<10112x128xf32, #tpu.memory_space<hbm>> -> memref<10112x128xf32, #tpu.memory_space<hbm>>
      tpu.enqueue_indirect_dma source(%dma_start3A_115 : memref<10112x128xf32, #tpu.memory_space<hbm>>) target(%arg8 : memref<128x128xf32, #tpu.memory_space<vmem>>) offsets(%dma_start3A_112 : memref<128xi32, #tpu.memory_space<vmem>>) semaphore(%arg11 : memref<!tpu.dma_semaphore, #tpu.memory_space<semaphore_mem>>)
      %dma_wait3A_116 = arith.constant 2 : i32
      %dma_wait3A_117 = arith.constant 0 : i32
      %dma_wait3A_118 = tpu.memref_slice %arg5[%dma_wait3A_116, %dma_wait3A_117] : memref<40x128xi32, #tpu.memory_space<vmem>> -> memref<1x128xi32, #tpu.memory_space<vmem>>
      %dma_wait3A_119 = tpu.memref_squeeze %dma_wait3A_118 : memref<1x128xi32, #tpu.memory_space<vmem>> -> memref<128xi32, #tpu.memory_space<vmem>>
      %dma_wait3A_120 = arith.constant 0 : i32
      %dma_wait3A_121 = arith.constant 0 : i32
      %dma_wait3A_122 = tpu.memref_slice %arg2[%dma_wait3A_120, %dma_wait3A_121] : memref<10112x128xf32, #tpu.memory_space<hbm>> -> memref<10112x128xf32, #tpu.memory_space<hbm>>
      tpu.wait_indirect_dma semaphore(%arg10 : memref<!tpu.dma_semaphore, #tpu.memory_space<semaphore_mem>>) src(%dma_wait3A_122 : memref<10112x128xf32, #tpu.memory_space<hbm>>) dst(%arg7 : memref<128x128xf32, #tpu.memory_space<vmem>>)
      %dma_start3A_123 = arith.constant 2 : i32
      %dma_start3A_124 = arith.constant 0 : i32
      %dma_start3A_125 = tpu.memref_slice %arg6[%dma_start3A_123, %dma_start3A_124] : memref<40x128xi32, #tpu.memory_space<vmem>> -> memref<1x128xi32, #tpu.memory_space<vmem>>
      %dma_start3A_126 = tpu.memref_squeeze %dma_start3A_125 : memref<1x128xi32, #tpu.memory_space<vmem>> -> memref<128xi32, #tpu.memory_space<vmem>>
      %dma_start3A_127 = arith.constant 0 : i32
      %dma_start3A_128 = arith.constant 0 : i32
      %dma_start3A_129 = tpu.memref_slice %arg9[%dma_start3A_127, %dma_start3A_128] : memref<10112x128xf32, #tpu.memory_space<vmem_shared>> -> memref<10112x128xf32, #tpu.memory_space<vmem_shared>>
      tpu.enqueue_indirect_dma source(%arg7 : memref<128x128xf32, #tpu.memory_space<vmem>>) target(%dma_start3A_129 : memref<10112x128xf32, #tpu.memory_space<vmem_shared>>) offsets(%dma_start3A_126 : memref<128xi32, #tpu.memory_space<vmem>>) semaphore(%arg12 : memref<!tpu.dma_semaphore, #tpu.memory_space<semaphore_mem>>) {add = true}
      %dma_wait3A_130 = arith.constant 2 : i32
      %dma_wait3A_131 = arith.constant 0 : i32
      %dma_wait3A_132 = tpu.memref_slice %arg6[%dma_wait3A_130, %dma_wait3A_131] : memref<40x128xi32, #tpu.memory_space<vmem>> -> memref<1x128xi32, #tpu.memory_space<vmem>>
      %dma_wait3A_133 = tpu.memref_squeeze %dma_wait3A_132 : memref<1x128xi32, #tpu.memory_space<vmem>> -> memref<128xi32, #tpu.memory_space<vmem>>
      %dma_wait3A_134 = arith.constant 0 : i32
      %dma_wait3A_135 = arith.constant 0 : i32
      %dma_wait3A_136 = tpu.memref_slice %arg9[%dma_wait3A_134, %dma_wait3A_135] : memref<10112x128xf32, #tpu.memory_space<vmem_shared>> -> memref<10112x128xf32, #tpu.memory_space<vmem_shared>>
      tpu.wait_indirect_dma semaphore(%arg12 : memref<!tpu.dma_semaphore, #tpu.memory_space<semaphore_mem>>) src(%arg7 : memref<128x128xf32, #tpu.memory_space<vmem>>) dst(%dma_wait3A_136 : memref<10112x128xf32, #tpu.memory_space<vmem_shared>>)
      %dma_start3A_137 = arith.constant 4 : i32
      %dma_start3A_138 = arith.constant 0 : i32
      %dma_start3A_139 = tpu.memref_slice %arg5[%dma_start3A_137, %dma_start3A_138] : memref<40x128xi32, #tpu.memory_space<vmem>> -> memref<1x128xi32, #tpu.memory_space<vmem>>
      %dma_start3A_140 = tpu.memref_squeeze %dma_start3A_139 : memref<1x128xi32, #tpu.memory_space<vmem>> -> memref<128xi32, #tpu.memory_space<vmem>>
      %dma_start3A_141 = arith.constant 0 : i32
      %dma_start3A_142 = arith.constant 0 : i32
      %dma_start3A_143 = tpu.memref_slice %arg2[%dma_start3A_141, %dma_start3A_142] : memref<10112x128xf32, #tpu.memory_space<hbm>> -> memref<10112x128xf32, #tpu.memory_space<hbm>>
      tpu.enqueue_indirect_dma source(%dma_start3A_143 : memref<10112x128xf32, #tpu.memory_space<hbm>>) target(%arg7 : memref<128x128xf32, #tpu.memory_space<vmem>>) offsets(%dma_start3A_140 : memref<128xi32, #tpu.memory_space<vmem>>) semaphore(%arg10 : memref<!tpu.dma_semaphore, #tpu.memory_space<semaphore_mem>>)
      %dma_wait3A_144 = arith.constant 3 : i32
      %dma_wait3A_145 = arith.constant 0 : i32
      %dma_wait3A_146 = tpu.memref_slice %arg5[%dma_wait3A_144, %dma_wait3A_145] : memref<40x128xi32, #tpu.memory_space<vmem>> -> memref<1x128xi32, #tpu.memory_space<vmem>>
      %dma_wait3A_147 = tpu.memref_squeeze %dma_wait3A_146 : memref<1x128xi32, #tpu.memory_space<vmem>> -> memref<128xi32, #tpu.memory_space<vmem>>
      %dma_wait3A_148 = arith.constant 0 : i32
      %dma_wait3A_149 = arith.constant 0 : i32
      %dma_wait3A_150 = tpu.memref_slice %arg2[%dma_wait3A_148, %dma_wait3A_149] : memref<10112x128xf32, #tpu.memory_space<hbm>> -> memref<10112x128xf32, #tpu.memory_space<hbm>>
      tpu.wait_indirect_dma semaphore(%arg11 : memref<!tpu.dma_semaphore, #tpu.memory_space<semaphore_mem>>) src(%dma_wait3A_150 : memref<10112x128xf32, #tpu.memory_space<hbm>>) dst(%arg8 : memref<128x128xf32, #tpu.memory_space<vmem>>)
      %dma_start3A_151 = arith.constant 3 : i32
      %dma_start3A_152 = arith.constant 0 : i32
      %dma_start3A_153 = tpu.memref_slice %arg6[%dma_start3A_151, %dma_start3A_152] : memref<40x128xi32, #tpu.memory_space<vmem>> -> memref<1x128xi32, #tpu.memory_space<vmem>>
      %dma_start3A_154 = tpu.memref_squeeze %dma_start3A_153 : memref<1x128xi32, #tpu.memory_space<vmem>> -> memref<128xi32, #tpu.memory_space<vmem>>
      %dma_start3A_155 = arith.constant 0 : i32
      %dma_start3A_156 = arith.constant 0 : i32
      %dma_start3A_157 = tpu.memref_slice %arg9[%dma_start3A_155, %dma_start3A_156] : memref<10112x128xf32, #tpu.memory_space<vmem_shared>> -> memref<10112x128xf32, #tpu.memory_space<vmem_shared>>
      tpu.enqueue_indirect_dma source(%arg8 : memref<128x128xf32, #tpu.memory_space<vmem>>) target(%dma_start3A_157 : memref<10112x128xf32, #tpu.memory_space<vmem_shared>>) offsets(%dma_start3A_154 : memref<128xi32, #tpu.memory_space<vmem>>) semaphore(%arg13 : memref<!tpu.dma_semaphore, #tpu.memory_space<semaphore_mem>>) {add = true}
      %dma_wait3A_158 = arith.constant 3 : i32
      %dma_wait3A_159 = arith.constant 0 : i32
      %dma_wait3A_160 = tpu.memref_slice %arg6[%dma_wait3A_158, %dma_wait3A_159] : memref<40x128xi32, #tpu.memory_space<vmem>> -> memref<1x128xi32, #tpu.memory_space<vmem>>
      %dma_wait3A_161 = tpu.memref_squeeze %dma_wait3A_160 : memref<1x128xi32, #tpu.memory_space<vmem>> -> memref<128xi32, #tpu.memory_space<vmem>>
      %dma_wait3A_162 = arith.constant 0 : i32
      %dma_wait3A_163 = arith.constant 0 : i32
      %dma_wait3A_164 = tpu.memref_slice %arg9[%dma_wait3A_162, %dma_wait3A_163] : memref<10112x128xf32, #tpu.memory_space<vmem_shared>> -> memref<10112x128xf32, #tpu.memory_space<vmem_shared>>
      tpu.wait_indirect_dma semaphore(%arg13 : memref<!tpu.dma_semaphore, #tpu.memory_space<semaphore_mem>>) src(%arg8 : memref<128x128xf32, #tpu.memory_space<vmem>>) dst(%dma_wait3A_164 : memref<10112x128xf32, #tpu.memory_space<vmem_shared>>)
      %dma_start3A_165 = arith.constant 5 : i32
      %dma_start3A_166 = arith.constant 0 : i32
      %dma_start3A_167 = tpu.memref_slice %arg5[%dma_start3A_165, %dma_start3A_166] : memref<40x128xi32, #tpu.memory_space<vmem>> -> memref<1x128xi32, #tpu.memory_space<vmem>>
      %dma_start3A_168 = tpu.memref_squeeze %dma_start3A_167 : memref<1x128xi32, #tpu.memory_space<vmem>> -> memref<128xi32, #tpu.memory_space<vmem>>
      %dma_start3A_169 = arith.constant 0 : i32
      %dma_start3A_170 = arith.constant 0 : i32
      %dma_start3A_171 = tpu.memref_slice %arg2[%dma_start3A_169, %dma_start3A_170] : memref<10112x128xf32, #tpu.memory_space<hbm>> -> memref<10112x128xf32, #tpu.memory_space<hbm>>
      tpu.enqueue_indirect_dma source(%dma_start3A_171 : memref<10112x128xf32, #tpu.memory_space<hbm>>) target(%arg8 : memref<128x128xf32, #tpu.memory_space<vmem>>) offsets(%dma_start3A_168 : memref<128xi32, #tpu.memory_space<vmem>>) semaphore(%arg11 : memref<!tpu.dma_semaphore, #tpu.memory_space<semaphore_mem>>)
      %dma_wait3A_172 = arith.constant 4 : i32
      %dma_wait3A_173 = arith.constant 0 : i32
      %dma_wait3A_174 = tpu.memref_slice %arg5[%dma_wait3A_172, %dma_wait3A_173] : memref<40x128xi32, #tpu.memory_space<vmem>> -> memref<1x128xi32, #tpu.memory_space<vmem>>
      %dma_wait3A_175 = tpu.memref_squeeze %dma_wait3A_174 : memref<1x128xi32, #tpu.memory_space<vmem>> -> memref<128xi32, #tpu.memory_space<vmem>>
      %dma_wait3A_176 = arith.constant 0 : i32
      %dma_wait3A_177 = arith.constant 0 : i32
      %dma_wait3A_178 = tpu.memref_slice %arg2[%dma_wait3A_176, %dma_wait3A_177] : memref<10112x128xf32, #tpu.memory_space<hbm>> -> memref<10112x128xf32, #tpu.memory_space<hbm>>
      tpu.wait_indirect_dma semaphore(%arg10 : memref<!tpu.dma_semaphore, #tpu.memory_space<semaphore_mem>>) src(%dma_wait3A_178 : memref<10112x128xf32, #tpu.memory_space<hbm>>) dst(%arg7 : memref<128x128xf32, #tpu.memory_space<vmem>>)
      %dma_start3A_179 = arith.constant 4 : i32
      %dma_start3A_180 = arith.constant 0 : i32
      %dma_start3A_181 = tpu.memref_slice %arg6[%dma_start3A_179, %dma_start3A_180] : memref<40x128xi32, #tpu.memory_space<vmem>> -> memref<1x128xi32, #tpu.memory_space<vmem>>
      %dma_start3A_182 = tpu.memref_squeeze %dma_start3A_181 : memref<1x128xi32, #tpu.memory_space<vmem>> -> memref<128xi32, #tpu.memory_space<vmem>>
      %dma_start3A_183 = arith.constant 0 : i32
      %dma_start3A_184 = arith.constant 0 : i32
      %dma_start3A_185 = tpu.memref_slice %arg9[%dma_start3A_183, %dma_start3A_184] : memref<10112x128xf32, #tpu.memory_space<vmem_shared>> -> memref<10112x128xf32, #tpu.memory_space<vmem_shared>>
      tpu.enqueue_indirect_dma source(%arg7 : memref<128x128xf32, #tpu.memory_space<vmem>>) target(%dma_start3A_185 : memref<10112x128xf32, #tpu.memory_space<vmem_shared>>) offsets(%dma_start3A_182 : memref<128xi32, #tpu.memory_space<vmem>>) semaphore(%arg12 : memref<!tpu.dma_semaphore, #tpu.memory_space<semaphore_mem>>) {add = true}
      %dma_wait3A_186 = arith.constant 4 : i32
      %dma_wait3A_187 = arith.constant 0 : i32
      %dma_wait3A_188 = tpu.memref_slice %arg6[%dma_wait3A_186, %dma_wait3A_187] : memref<40x128xi32, #tpu.memory_space<vmem>> -> memref<1x128xi32, #tpu.memory_space<vmem>>
      %dma_wait3A_189 = tpu.memref_squeeze %dma_wait3A_188 : memref<1x128xi32, #tpu.memory_space<vmem>> -> memref<128xi32, #tpu.memory_space<vmem>>
      %dma_wait3A_190 = arith.constant 0 : i32
      %dma_wait3A_191 = arith.constant 0 : i32
      %dma_wait3A_192 = tpu.memref_slice %arg9[%dma_wait3A_190, %dma_wait3A_191] : memref<10112x128xf32, #tpu.memory_space<vmem_shared>> -> memref<10112x128xf32, #tpu.memory_space<vmem_shared>>
      tpu.wait_indirect_dma semaphore(%arg12 : memref<!tpu.dma_semaphore, #tpu.memory_space<semaphore_mem>>) src(%arg7 : memref<128x128xf32, #tpu.memory_space<vmem>>) dst(%dma_wait3A_192 : memref<10112x128xf32, #tpu.memory_space<vmem_shared>>)
      %dma_start3A_193 = arith.constant 6 : i32
      %dma_start3A_194 = arith.constant 0 : i32
      %dma_start3A_195 = tpu.memref_slice %arg5[%dma_start3A_193, %dma_start3A_194] : memref<40x128xi32, #tpu.memory_space<vmem>> -> memref<1x128xi32, #tpu.memory_space<vmem>>
      %dma_start3A_196 = tpu.memref_squeeze %dma_start3A_195 : memref<1x128xi32, #tpu.memory_space<vmem>> -> memref<128xi32, #tpu.memory_space<vmem>>
      %dma_start3A_197 = arith.constant 0 : i32
      %dma_start3A_198 = arith.constant 0 : i32
      %dma_start3A_199 = tpu.memref_slice %arg2[%dma_start3A_197, %dma_start3A_198] : memref<10112x128xf32, #tpu.memory_space<hbm>> -> memref<10112x128xf32, #tpu.memory_space<hbm>>
      tpu.enqueue_indirect_dma source(%dma_start3A_199 : memref<10112x128xf32, #tpu.memory_space<hbm>>) target(%arg7 : memref<128x128xf32, #tpu.memory_space<vmem>>) offsets(%dma_start3A_196 : memref<128xi32, #tpu.memory_space<vmem>>) semaphore(%arg10 : memref<!tpu.dma_semaphore, #tpu.memory_space<semaphore_mem>>)
      %dma_wait3A_200 = arith.constant 5 : i32
      %dma_wait3A_201 = arith.constant 0 : i32
      %dma_wait3A_202 = tpu.memref_slice %arg5[%dma_wait3A_200, %dma_wait3A_201] : memref<40x128xi32, #tpu.memory_space<vmem>> -> memref<1x128xi32, #tpu.memory_space<vmem>>
      %dma_wait3A_203 = tpu.memref_squeeze %dma_wait3A_202 : memref<1x128xi32, #tpu.memory_space<vmem>> -> memref<128xi32, #tpu.memory_space<vmem>>
      %dma_wait3A_204 = arith.constant 0 : i32
      %dma_wait3A_205 = arith.constant 0 : i32
      %dma_wait3A_206 = tpu.memref_slice %arg2[%dma_wait3A_204, %dma_wait3A_205] : memref<10112x128xf32, #tpu.memory_space<hbm>> -> memref<10112x128xf32, #tpu.memory_space<hbm>>
      tpu.wait_indirect_dma semaphore(%arg11 : memref<!tpu.dma_semaphore, #tpu.memory_space<semaphore_mem>>) src(%dma_wait3A_206 : memref<10112x128xf32, #tpu.memory_space<hbm>>) dst(%arg8 : memref<128x128xf32, #tpu.memory_space<vmem>>)
      %dma_start3A_207 = arith.constant 5 : i32
      %dma_start3A_208 = arith.constant 0 : i32
      %dma_start3A_209 = tpu.memref_slice %arg6[%dma_start3A_207, %dma_start3A_208] : memref<40x128xi32, #tpu.memory_space<vmem>> -> memref<1x128xi32, #tpu.memory_space<vmem>>
      %dma_start3A_210 = tpu.memref_squeeze %dma_start3A_209 : memref<1x128xi32, #tpu.memory_space<vmem>> -> memref<128xi32, #tpu.memory_space<vmem>>
      %dma_start3A_211 = arith.constant 0 : i32
      %dma_start3A_212 = arith.constant 0 : i32
      %dma_start3A_213 = tpu.memref_slice %arg9[%dma_start3A_211, %dma_start3A_212] : memref<10112x128xf32, #tpu.memory_space<vmem_shared>> -> memref<10112x128xf32, #tpu.memory_space<vmem_shared>>
      tpu.enqueue_indirect_dma source(%arg8 : memref<128x128xf32, #tpu.memory_space<vmem>>) target(%dma_start3A_213 : memref<10112x128xf32, #tpu.memory_space<vmem_shared>>) offsets(%dma_start3A_210 : memref<128xi32, #tpu.memory_space<vmem>>) semaphore(%arg13 : memref<!tpu.dma_semaphore, #tpu.memory_space<semaphore_mem>>) {add = true}
      %dma_wait3A_214 = arith.constant 5 : i32
      %dma_wait3A_215 = arith.constant 0 : i32
      %dma_wait3A_216 = tpu.memref_slice %arg6[%dma_wait3A_214, %dma_wait3A_215] : memref<40x128xi32, #tpu.memory_space<vmem>> -> memref<1x128xi32, #tpu.memory_space<vmem>>
      %dma_wait3A_217 = tpu.memref_squeeze %dma_wait3A_216 : memref<1x128xi32, #tpu.memory_space<vmem>> -> memref<128xi32, #tpu.memory_space<vmem>>
      %dma_wait3A_218 = arith.constant 0 : i32
      %dma_wait3A_219 = arith.constant 0 : i32
      %dma_wait3A_220 = tpu.memref_slice %arg9[%dma_wait3A_218, %dma_wait3A_219] : memref<10112x128xf32, #tpu.memory_space<vmem_shared>> -> memref<10112x128xf32, #tpu.memory_space<vmem_shared>>
      tpu.wait_indirect_dma semaphore(%arg13 : memref<!tpu.dma_semaphore, #tpu.memory_space<semaphore_mem>>) src(%arg8 : memref<128x128xf32, #tpu.memory_space<vmem>>) dst(%dma_wait3A_220 : memref<10112x128xf32, #tpu.memory_space<vmem_shared>>)
      %dma_start3A_221 = arith.constant 7 : i32
      %dma_start3A_222 = arith.constant 0 : i32
      %dma_start3A_223 = tpu.memref_slice %arg5[%dma_start3A_221, %dma_start3A_222] : memref<40x128xi32, #tpu.memory_space<vmem>> -> memref<1x128xi32, #tpu.memory_space<vmem>>
      %dma_start3A_224 = tpu.memref_squeeze %dma_start3A_223 : memref<1x128xi32, #tpu.memory_space<vmem>> -> memref<128xi32, #tpu.memory_space<vmem>>
      %dma_start3A_225 = arith.constant 0 : i32
      %dma_start3A_226 = arith.constant 0 : i32
      %dma_start3A_227 = tpu.memref_slice %arg2[%dma_start3A_225, %dma_start3A_226] : memref<10112x128xf32, #tpu.memory_space<hbm>> -> memref<10112x128xf32, #tpu.memory_space<hbm>>
      tpu.enqueue_indirect_dma source(%dma_start3A_227 : memref<10112x128xf32, #tpu.memory_space<hbm>>) target(%arg8 : memref<128x128xf32, #tpu.memory_space<vmem>>) offsets(%dma_start3A_224 : memref<128xi32, #tpu.memory_space<vmem>>) semaphore(%arg11 : memref<!tpu.dma_semaphore, #tpu.memory_space<semaphore_mem>>)
      %dma_wait3A_228 = arith.constant 6 : i32
      %dma_wait3A_229 = arith.constant 0 : i32
      %dma_wait3A_230 = tpu.memref_slice %arg5[%dma_wait3A_228, %dma_wait3A_229] : memref<40x128xi32, #tpu.memory_space<vmem>> -> memref<1x128xi32, #tpu.memory_space<vmem>>
      %dma_wait3A_231 = tpu.memref_squeeze %dma_wait3A_230 : memref<1x128xi32, #tpu.memory_space<vmem>> -> memref<128xi32, #tpu.memory_space<vmem>>
      %dma_wait3A_232 = arith.constant 0 : i32
      %dma_wait3A_233 = arith.constant 0 : i32
      %dma_wait3A_234 = tpu.memref_slice %arg2[%dma_wait3A_232, %dma_wait3A_233] : memref<10112x128xf32, #tpu.memory_space<hbm>> -> memref<10112x128xf32, #tpu.memory_space<hbm>>
      tpu.wait_indirect_dma semaphore(%arg10 : memref<!tpu.dma_semaphore, #tpu.memory_space<semaphore_mem>>) src(%dma_wait3A_234 : memref<10112x128xf32, #tpu.memory_space<hbm>>) dst(%arg7 : memref<128x128xf32, #tpu.memory_space<vmem>>)
      %dma_start3A_235 = arith.constant 6 : i32
      %dma_start3A_236 = arith.constant 0 : i32
      %dma_start3A_237 = tpu.memref_slice %arg6[%dma_start3A_235, %dma_start3A_236] : memref<40x128xi32, #tpu.memory_space<vmem>> -> memref<1x128xi32, #tpu.memory_space<vmem>>
      %dma_start3A_238 = tpu.memref_squeeze %dma_start3A_237 : memref<1x128xi32, #tpu.memory_space<vmem>> -> memref<128xi32, #tpu.memory_space<vmem>>
      %dma_start3A_239 = arith.constant 0 : i32
      %dma_start3A_240 = arith.constant 0 : i32
      %dma_start3A_241 = tpu.memref_slice %arg9[%dma_start3A_239, %dma_start3A_240] : memref<10112x128xf32, #tpu.memory_space<vmem_shared>> -> memref<10112x128xf32, #tpu.memory_space<vmem_shared>>
      tpu.enqueue_indirect_dma source(%arg7 : memref<128x128xf32, #tpu.memory_space<vmem>>) target(%dma_start3A_241 : memref<10112x128xf32, #tpu.memory_space<vmem_shared>>) offsets(%dma_start3A_238 : memref<128xi32, #tpu.memory_space<vmem>>) semaphore(%arg12 : memref<!tpu.dma_semaphore, #tpu.memory_space<semaphore_mem>>) {add = true}
      %dma_wait3A_242 = arith.constant 6 : i32
      %dma_wait3A_243 = arith.constant 0 : i32
      %dma_wait3A_244 = tpu.memref_slice %arg6[%dma_wait3A_242, %dma_wait3A_243] : memref<40x128xi32, #tpu.memory_space<vmem>> -> memref<1x128xi32, #tpu.memory_space<vmem>>
      %dma_wait3A_245 = tpu.memref_squeeze %dma_wait3A_244 : memref<1x128xi32, #tpu.memory_space<vmem>> -> memref<128xi32, #tpu.memory_space<vmem>>
      %dma_wait3A_246 = arith.constant 0 : i32
      %dma_wait3A_247 = arith.constant 0 : i32
      %dma_wait3A_248 = tpu.memref_slice %arg9[%dma_wait3A_246, %dma_wait3A_247] : memref<10112x128xf32, #tpu.memory_space<vmem_shared>> -> memref<10112x128xf32, #tpu.memory_space<vmem_shared>>
      tpu.wait_indirect_dma semaphore(%arg12 : memref<!tpu.dma_semaphore, #tpu.memory_space<semaphore_mem>>) src(%arg7 : memref<128x128xf32, #tpu.memory_space<vmem>>) dst(%dma_wait3A_248 : memref<10112x128xf32, #tpu.memory_space<vmem_shared>>)
      %dma_start3A_249 = arith.constant 8 : i32
      %dma_start3A_250 = arith.constant 0 : i32
      %dma_start3A_251 = tpu.memref_slice %arg5[%dma_start3A_249, %dma_start3A_250] : memref<40x128xi32, #tpu.memory_space<vmem>> -> memref<1x128xi32, #tpu.memory_space<vmem>>
      %dma_start3A_252 = tpu.memref_squeeze %dma_start3A_251 : memref<1x128xi32, #tpu.memory_space<vmem>> -> memref<128xi32, #tpu.memory_space<vmem>>
      %dma_start3A_253 = arith.constant 0 : i32
      %dma_start3A_254 = arith.constant 0 : i32
      %dma_start3A_255 = tpu.memref_slice %arg2[%dma_start3A_253, %dma_start3A_254] : memref<10112x128xf32, #tpu.memory_space<hbm>> -> memref<10112x128xf32, #tpu.memory_space<hbm>>
      tpu.enqueue_indirect_dma source(%dma_start3A_255 : memref<10112x128xf32, #tpu.memory_space<hbm>>) target(%arg7 : memref<128x128xf32, #tpu.memory_space<vmem>>) offsets(%dma_start3A_252 : memref<128xi32, #tpu.memory_space<vmem>>) semaphore(%arg10 : memref<!tpu.dma_semaphore, #tpu.memory_space<semaphore_mem>>)
      %dma_wait3A_256 = arith.constant 7 : i32
      %dma_wait3A_257 = arith.constant 0 : i32
      %dma_wait3A_258 = tpu.memref_slice %arg5[%dma_wait3A_256, %dma_wait3A_257] : memref<40x128xi32, #tpu.memory_space<vmem>> -> memref<1x128xi32, #tpu.memory_space<vmem>>
      %dma_wait3A_259 = tpu.memref_squeeze %dma_wait3A_258 : memref<1x128xi32, #tpu.memory_space<vmem>> -> memref<128xi32, #tpu.memory_space<vmem>>
      %dma_wait3A_260 = arith.constant 0 : i32
      %dma_wait3A_261 = arith.constant 0 : i32
      %dma_wait3A_262 = tpu.memref_slice %arg2[%dma_wait3A_260, %dma_wait3A_261] : memref<10112x128xf32, #tpu.memory_space<hbm>> -> memref<10112x128xf32, #tpu.memory_space<hbm>>
      tpu.wait_indirect_dma semaphore(%arg11 : memref<!tpu.dma_semaphore, #tpu.memory_space<semaphore_mem>>) src(%dma_wait3A_262 : memref<10112x128xf32, #tpu.memory_space<hbm>>) dst(%arg8 : memref<128x128xf32, #tpu.memory_space<vmem>>)
      %dma_start3A_263 = arith.constant 7 : i32
      %dma_start3A_264 = arith.constant 0 : i32
      %dma_start3A_265 = tpu.memref_slice %arg6[%dma_start3A_263, %dma_start3A_264] : memref<40x128xi32, #tpu.memory_space<vmem>> -> memref<1x128xi32, #tpu.memory_space<vmem>>
      %dma_start3A_266 = tpu.memref_squeeze %dma_start3A_265 : memref<1x128xi32, #tpu.memory_space<vmem>> -> memref<128xi32, #tpu.memory_space<vmem>>
      %dma_start3A_267 = arith.constant 0 : i32
      %dma_start3A_268 = arith.constant 0 : i32
      %dma_start3A_269 = tpu.memref_slice %arg9[%dma_start3A_267, %dma_start3A_268] : memref<10112x128xf32, #tpu.memory_space<vmem_shared>> -> memref<10112x128xf32, #tpu.memory_space<vmem_shared>>
      tpu.enqueue_indirect_dma source(%arg8 : memref<128x128xf32, #tpu.memory_space<vmem>>) target(%dma_start3A_269 : memref<10112x128xf32, #tpu.memory_space<vmem_shared>>) offsets(%dma_start3A_266 : memref<128xi32, #tpu.memory_space<vmem>>) semaphore(%arg13 : memref<!tpu.dma_semaphore, #tpu.memory_space<semaphore_mem>>) {add = true}
      %dma_wait3A_270 = arith.constant 7 : i32
      %dma_wait3A_271 = arith.constant 0 : i32
      %dma_wait3A_272 = tpu.memref_slice %arg6[%dma_wait3A_270, %dma_wait3A_271] : memref<40x128xi32, #tpu.memory_space<vmem>> -> memref<1x128xi32, #tpu.memory_space<vmem>>
      %dma_wait3A_273 = tpu.memref_squeeze %dma_wait3A_272 : memref<1x128xi32, #tpu.memory_space<vmem>> -> memref<128xi32, #tpu.memory_space<vmem>>
      %dma_wait3A_274 = arith.constant 0 : i32
      %dma_wait3A_275 = arith.constant 0 : i32
      %dma_wait3A_276 = tpu.memref_slice %arg9[%dma_wait3A_274, %dma_wait3A_275] : memref<10112x128xf32, #tpu.memory_space<vmem_shared>> -> memref<10112x128xf32, #tpu.memory_space<vmem_shared>>
      tpu.wait_indirect_dma semaphore(%arg13 : memref<!tpu.dma_semaphore, #tpu.memory_space<semaphore_mem>>) src(%arg8 : memref<128x128xf32, #tpu.memory_space<vmem>>) dst(%dma_wait3A_276 : memref<10112x128xf32, #tpu.memory_space<vmem_shared>>)
      %dma_start3A_277 = arith.constant 9 : i32
      %dma_start3A_278 = arith.constant 0 : i32
      %dma_start3A_279 = tpu.memref_slice %arg5[%dma_start3A_277, %dma_start3A_278] : memref<40x128xi32, #tpu.memory_space<vmem>> -> memref<1x128xi32, #tpu.memory_space<vmem>>
      %dma_start3A_280 = tpu.memref_squeeze %dma_start3A_279 : memref<1x128xi32, #tpu.memory_space<vmem>> -> memref<128xi32, #tpu.memory_space<vmem>>
      %dma_start3A_281 = arith.constant 0 : i32
      %dma_start3A_282 = arith.constant 0 : i32
      %dma_start3A_283 = tpu.memref_slice %arg2[%dma_start3A_281, %dma_start3A_282] : memref<10112x128xf32, #tpu.memory_space<hbm>> -> memref<10112x128xf32, #tpu.memory_space<hbm>>
      tpu.enqueue_indirect_dma source(%dma_start3A_283 : memref<10112x128xf32, #tpu.memory_space<hbm>>) target(%arg8 : memref<128x128xf32, #tpu.memory_space<vmem>>) offsets(%dma_start3A_280 : memref<128xi32, #tpu.memory_space<vmem>>) semaphore(%arg11 : memref<!tpu.dma_semaphore, #tpu.memory_space<semaphore_mem>>)
      %dma_wait3A_284 = arith.constant 8 : i32
      %dma_wait3A_285 = arith.constant 0 : i32
      %dma_wait3A_286 = tpu.memref_slice %arg5[%dma_wait3A_284, %dma_wait3A_285] : memref<40x128xi32, #tpu.memory_space<vmem>> -> memref<1x128xi32, #tpu.memory_space<vmem>>
      %dma_wait3A_287 = tpu.memref_squeeze %dma_wait3A_286 : memref<1x128xi32, #tpu.memory_space<vmem>> -> memref<128xi32, #tpu.memory_space<vmem>>
      %dma_wait3A_288 = arith.constant 0 : i32
      %dma_wait3A_289 = arith.constant 0 : i32
      %dma_wait3A_290 = tpu.memref_slice %arg2[%dma_wait3A_288, %dma_wait3A_289] : memref<10112x128xf32, #tpu.memory_space<hbm>> -> memref<10112x128xf32, #tpu.memory_space<hbm>>
      tpu.wait_indirect_dma semaphore(%arg10 : memref<!tpu.dma_semaphore, #tpu.memory_space<semaphore_mem>>) src(%dma_wait3A_290 : memref<10112x128xf32, #tpu.memory_space<hbm>>) dst(%arg7 : memref<128x128xf32, #tpu.memory_space<vmem>>)
      %dma_start3A_291 = arith.constant 8 : i32
      %dma_start3A_292 = arith.constant 0 : i32
      %dma_start3A_293 = tpu.memref_slice %arg6[%dma_start3A_291, %dma_start3A_292] : memref<40x128xi32, #tpu.memory_space<vmem>> -> memref<1x128xi32, #tpu.memory_space<vmem>>
      %dma_start3A_294 = tpu.memref_squeeze %dma_start3A_293 : memref<1x128xi32, #tpu.memory_space<vmem>> -> memref<128xi32, #tpu.memory_space<vmem>>
      %dma_start3A_295 = arith.constant 0 : i32
      %dma_start3A_296 = arith.constant 0 : i32
      %dma_start3A_297 = tpu.memref_slice %arg9[%dma_start3A_295, %dma_start3A_296] : memref<10112x128xf32, #tpu.memory_space<vmem_shared>> -> memref<10112x128xf32, #tpu.memory_space<vmem_shared>>
      tpu.enqueue_indirect_dma source(%arg7 : memref<128x128xf32, #tpu.memory_space<vmem>>) target(%dma_start3A_297 : memref<10112x128xf32, #tpu.memory_space<vmem_shared>>) offsets(%dma_start3A_294 : memref<128xi32, #tpu.memory_space<vmem>>) semaphore(%arg12 : memref<!tpu.dma_semaphore, #tpu.memory_space<semaphore_mem>>) {add = true}
      %dma_wait3A_298 = arith.constant 8 : i32
      %dma_wait3A_299 = arith.constant 0 : i32
      %dma_wait3A_300 = tpu.memref_slice %arg6[%dma_wait3A_298, %dma_wait3A_299] : memref<40x128xi32, #tpu.memory_space<vmem>> -> memref<1x128xi32, #tpu.memory_space<vmem>>
      %dma_wait3A_301 = tpu.memref_squeeze %dma_wait3A_300 : memref<1x128xi32, #tpu.memory_space<vmem>> -> memref<128xi32, #tpu.memory_space<vmem>>
      %dma_wait3A_302 = arith.constant 0 : i32
      %dma_wait3A_303 = arith.constant 0 : i32
      %dma_wait3A_304 = tpu.memref_slice %arg9[%dma_wait3A_302, %dma_wait3A_303] : memref<10112x128xf32, #tpu.memory_space<vmem_shared>> -> memref<10112x128xf32, #tpu.memory_space<vmem_shared>>
      tpu.wait_indirect_dma semaphore(%arg12 : memref<!tpu.dma_semaphore, #tpu.memory_space<semaphore_mem>>) src(%arg7 : memref<128x128xf32, #tpu.memory_space<vmem>>) dst(%dma_wait3A_304 : memref<10112x128xf32, #tpu.memory_space<vmem_shared>>)
      %dma_start3A_305 = arith.constant 10 : i32
      %dma_start3A_306 = arith.constant 0 : i32
      %dma_start3A_307 = tpu.memref_slice %arg5[%dma_start3A_305, %dma_start3A_306] : memref<40x128xi32, #tpu.memory_space<vmem>> -> memref<1x128xi32, #tpu.memory_space<vmem>>
      %dma_start3A_308 = tpu.memref_squeeze %dma_start3A_307 : memref<1x128xi32, #tpu.memory_space<vmem>> -> memref<128xi32, #tpu.memory_space<vmem>>
      %dma_start3A_309 = arith.constant 0 : i32
      %dma_start3A_310 = arith.constant 0 : i32
      %dma_start3A_311 = tpu.memref_slice %arg2[%dma_start3A_309, %dma_start3A_310] : memref<10112x128xf32, #tpu.memory_space<hbm>> -> memref<10112x128xf32, #tpu.memory_space<hbm>>
      tpu.enqueue_indirect_dma source(%dma_start3A_311 : memref<10112x128xf32, #tpu.memory_space<hbm>>) target(%arg7 : memref<128x128xf32, #tpu.memory_space<vmem>>) offsets(%dma_start3A_308 : memref<128xi32, #tpu.memory_space<vmem>>) semaphore(%arg10 : memref<!tpu.dma_semaphore, #tpu.memory_space<semaphore_mem>>)
      %dma_wait3A_312 = arith.constant 9 : i32
      %dma_wait3A_313 = arith.constant 0 : i32
      %dma_wait3A_314 = tpu.memref_slice %arg5[%dma_wait3A_312, %dma_wait3A_313] : memref<40x128xi32, #tpu.memory_space<vmem>> -> memref<1x128xi32, #tpu.memory_space<vmem>>
      %dma_wait3A_315 = tpu.memref_squeeze %dma_wait3A_314 : memref<1x128xi32, #tpu.memory_space<vmem>> -> memref<128xi32, #tpu.memory_space<vmem>>
      %dma_wait3A_316 = arith.constant 0 : i32
      %dma_wait3A_317 = arith.constant 0 : i32
      %dma_wait3A_318 = tpu.memref_slice %arg2[%dma_wait3A_316, %dma_wait3A_317] : memref<10112x128xf32, #tpu.memory_space<hbm>> -> memref<10112x128xf32, #tpu.memory_space<hbm>>
      tpu.wait_indirect_dma semaphore(%arg11 : memref<!tpu.dma_semaphore, #tpu.memory_space<semaphore_mem>>) src(%dma_wait3A_318 : memref<10112x128xf32, #tpu.memory_space<hbm>>) dst(%arg8 : memref<128x128xf32, #tpu.memory_space<vmem>>)
      %dma_start3A_319 = arith.constant 9 : i32
      %dma_start3A_320 = arith.constant 0 : i32
      %dma_start3A_321 = tpu.memref_slice %arg6[%dma_start3A_319, %dma_start3A_320] : memref<40x128xi32, #tpu.memory_space<vmem>> -> memref<1x128xi32, #tpu.memory_space<vmem>>
      %dma_start3A_322 = tpu.memref_squeeze %dma_start3A_321 : memref<1x128xi32, #tpu.memory_space<vmem>> -> memref<128xi32, #tpu.memory_space<vmem>>
      %dma_start3A_323 = arith.constant 0 : i32
      %dma_start3A_324 = arith.constant 0 : i32
      %dma_start3A_325 = tpu.memref_slice %arg9[%dma_start3A_323, %dma_start3A_324] : memref<10112x128xf32, #tpu.memory_space<vmem_shared>> -> memref<10112x128xf32, #tpu.memory_space<vmem_shared>>
      tpu.enqueue_indirect_dma source(%arg8 : memref<128x128xf32, #tpu.memory_space<vmem>>) target(%dma_start3A_325 : memref<10112x128xf32, #tpu.memory_space<vmem_shared>>) offsets(%dma_start3A_322 : memref<128xi32, #tpu.memory_space<vmem>>) semaphore(%arg13 : memref<!tpu.dma_semaphore, #tpu.memory_space<semaphore_mem>>) {add = true}
      %dma_wait3A_326 = arith.constant 9 : i32
      %dma_wait3A_327 = arith.constant 0 : i32
      %dma_wait3A_328 = tpu.memref_slice %arg6[%dma_wait3A_326, %dma_wait3A_327] : memref<40x128xi32, #tpu.memory_space<vmem>> -> memref<1x128xi32, #tpu.memory_space<vmem>>
      %dma_wait3A_329 = tpu.memref_squeeze %dma_wait3A_328 : memref<1x128xi32, #tpu.memory_space<vmem>> -> memref<128xi32, #tpu.memory_space<vmem>>
      %dma_wait3A_330 = arith.constant 0 : i32
      %dma_wait3A_331 = arith.constant 0 : i32
      %dma_wait3A_332 = tpu.memref_slice %arg9[%dma_wait3A_330, %dma_wait3A_331] : memref<10112x128xf32, #tpu.memory_space<vmem_shared>> -> memref<10112x128xf32, #tpu.memory_space<vmem_shared>>
      tpu.wait_indirect_dma semaphore(%arg13 : memref<!tpu.dma_semaphore, #tpu.memory_space<semaphore_mem>>) src(%arg8 : memref<128x128xf32, #tpu.memory_space<vmem>>) dst(%dma_wait3A_332 : memref<10112x128xf32, #tpu.memory_space<vmem_shared>>)
      %dma_start3A_333 = arith.constant 11 : i32
      %dma_start3A_334 = arith.constant 0 : i32
      %dma_start3A_335 = tpu.memref_slice %arg5[%dma_start3A_333, %dma_start3A_334] : memref<40x128xi32, #tpu.memory_space<vmem>> -> memref<1x128xi32, #tpu.memory_space<vmem>>
      %dma_start3A_336 = tpu.memref_squeeze %dma_start3A_335 : memref<1x128xi32, #tpu.memory_space<vmem>> -> memref<128xi32, #tpu.memory_space<vmem>>
      %dma_start3A_337 = arith.constant 0 : i32
      %dma_start3A_338 = arith.constant 0 : i32
      %dma_start3A_339 = tpu.memref_slice %arg2[%dma_start3A_337, %dma_start3A_338] : memref<10112x128xf32, #tpu.memory_space<hbm>> -> memref<10112x128xf32, #tpu.memory_space<hbm>>
      tpu.enqueue_indirect_dma source(%dma_start3A_339 : memref<10112x128xf32, #tpu.memory_space<hbm>>) target(%arg8 : memref<128x128xf32, #tpu.memory_space<vmem>>) offsets(%dma_start3A_336 : memref<128xi32, #tpu.memory_space<vmem>>) semaphore(%arg11 : memref<!tpu.dma_semaphore, #tpu.memory_space<semaphore_mem>>)
      %dma_wait3A_340 = arith.constant 10 : i32
      %dma_wait3A_341 = arith.constant 0 : i32
      %dma_wait3A_342 = tpu.memref_slice %arg5[%dma_wait3A_340, %dma_wait3A_341] : memref<40x128xi32, #tpu.memory_space<vmem>> -> memref<1x128xi32, #tpu.memory_space<vmem>>
      %dma_wait3A_343 = tpu.memref_squeeze %dma_wait3A_342 : memref<1x128xi32, #tpu.memory_space<vmem>> -> memref<128xi32, #tpu.memory_space<vmem>>
      %dma_wait3A_344 = arith.constant 0 : i32
      %dma_wait3A_345 = arith.constant 0 : i32
      %dma_wait3A_346 = tpu.memref_slice %arg2[%dma_wait3A_344, %dma_wait3A_345] : memref<10112x128xf32, #tpu.memory_space<hbm>> -> memref<10112x128xf32, #tpu.memory_space<hbm>>
      tpu.wait_indirect_dma semaphore(%arg10 : memref<!tpu.dma_semaphore, #tpu.memory_space<semaphore_mem>>) src(%dma_wait3A_346 : memref<10112x128xf32, #tpu.memory_space<hbm>>) dst(%arg7 : memref<128x128xf32, #tpu.memory_space<vmem>>)
      %dma_start3A_347 = arith.constant 10 : i32
      %dma_start3A_348 = arith.constant 0 : i32
      %dma_start3A_349 = tpu.memref_slice %arg6[%dma_start3A_347, %dma_start3A_348] : memref<40x128xi32, #tpu.memory_space<vmem>> -> memref<1x128xi32, #tpu.memory_space<vmem>>
      %dma_start3A_350 = tpu.memref_squeeze %dma_start3A_349 : memref<1x128xi32, #tpu.memory_space<vmem>> -> memref<128xi32, #tpu.memory_space<vmem>>
      %dma_start3A_351 = arith.constant 0 : i32
      %dma_start3A_352 = arith.constant 0 : i32
      %dma_start3A_353 = tpu.memref_slice %arg9[%dma_start3A_351, %dma_start3A_352] : memref<10112x128xf32, #tpu.memory_space<vmem_shared>> -> memref<10112x128xf32, #tpu.memory_space<vmem_shared>>
      tpu.enqueue_indirect_dma source(%arg7 : memref<128x128xf32, #tpu.memory_space<vmem>>) target(%dma_start3A_353 : memref<10112x128xf32, #tpu.memory_space<vmem_shared>>) offsets(%dma_start3A_350 : memref<128xi32, #tpu.memory_space<vmem>>) semaphore(%arg12 : memref<!tpu.dma_semaphore, #tpu.memory_space<semaphore_mem>>) {add = true}
      %dma_wait3A_354 = arith.constant 10 : i32
      %dma_wait3A_355 = arith.constant 0 : i32
      %dma_wait3A_356 = tpu.memref_slice %arg6[%dma_wait3A_354, %dma_wait3A_355] : memref<40x128xi32, #tpu.memory_space<vmem>> -> memref<1x128xi32, #tpu.memory_space<vmem>>
      %dma_wait3A_357 = tpu.memref_squeeze %dma_wait3A_356 : memref<1x128xi32, #tpu.memory_space<vmem>> -> memref<128xi32, #tpu.memory_space<vmem>>
      %dma_wait3A_358 = arith.constant 0 : i32
      %dma_wait3A_359 = arith.constant 0 : i32
      %dma_wait3A_360 = tpu.memref_slice %arg9[%dma_wait3A_358, %dma_wait3A_359] : memref<10112x128xf32, #tpu.memory_space<vmem_shared>> -> memref<10112x128xf32, #tpu.memory_space<vmem_shared>>
      tpu.wait_indirect_dma semaphore(%arg12 : memref<!tpu.dma_semaphore, #tpu.memory_space<semaphore_mem>>) src(%arg7 : memref<128x128xf32, #tpu.memory_space<vmem>>) dst(%dma_wait3A_360 : memref<10112x128xf32, #tpu.memory_space<vmem_shared>>)
      %dma_start3A_361 = arith.constant 12 : i32
      %dma_start3A_362 = arith.constant 0 : i32
      %dma_start3A_363 = tpu.memref_slice %arg5[%dma_start3A_361, %dma_start3A_362] : memref<40x128xi32, #tpu.memory_space<vmem>> -> memref<1x128xi32, #tpu.memory_space<vmem>>
      %dma_start3A_364 = tpu.memref_squeeze %dma_start3A_363 : memref<1x128xi32, #tpu.memory_space<vmem>> -> memref<128xi32, #tpu.memory_space<vmem>>
      %dma_start3A_365 = arith.constant 0 : i32
      %dma_start3A_366 = arith.constant 0 : i32
      %dma_start3A_367 = tpu.memref_slice %arg2[%dma_start3A_365, %dma_start3A_366] : memref<10112x128xf32, #tpu.memory_space<hbm>> -> memref<10112x128xf32, #tpu.memory_space<hbm>>
      tpu.enqueue_indirect_dma source(%dma_start3A_367 : memref<10112x128xf32, #tpu.memory_space<hbm>>) target(%arg7 : memref<128x128xf32, #tpu.memory_space<vmem>>) offsets(%dma_start3A_364 : memref<128xi32, #tpu.memory_space<vmem>>) semaphore(%arg10 : memref<!tpu.dma_semaphore, #tpu.memory_space<semaphore_mem>>)
      %dma_wait3A_368 = arith.constant 11 : i32
      %dma_wait3A_369 = arith.constant 0 : i32
      %dma_wait3A_370 = tpu.memref_slice %arg5[%dma_wait3A_368, %dma_wait3A_369] : memref<40x128xi32, #tpu.memory_space<vmem>> -> memref<1x128xi32, #tpu.memory_space<vmem>>
      %dma_wait3A_371 = tpu.memref_squeeze %dma_wait3A_370 : memref<1x128xi32, #tpu.memory_space<vmem>> -> memref<128xi32, #tpu.memory_space<vmem>>
      %dma_wait3A_372 = arith.constant 0 : i32
      %dma_wait3A_373 = arith.constant 0 : i32
      %dma_wait3A_374 = tpu.memref_slice %arg2[%dma_wait3A_372, %dma_wait3A_373] : memref<10112x128xf32, #tpu.memory_space<hbm>> -> memref<10112x128xf32, #tpu.memory_space<hbm>>
      tpu.wait_indirect_dma semaphore(%arg11 : memref<!tpu.dma_semaphore, #tpu.memory_space<semaphore_mem>>) src(%dma_wait3A_374 : memref<10112x128xf32, #tpu.memory_space<hbm>>) dst(%arg8 : memref<128x128xf32, #tpu.memory_space<vmem>>)
      %dma_start3A_375 = arith.constant 11 : i32
      %dma_start3A_376 = arith.constant 0 : i32
      %dma_start3A_377 = tpu.memref_slice %arg6[%dma_start3A_375, %dma_start3A_376] : memref<40x128xi32, #tpu.memory_space<vmem>> -> memref<1x128xi32, #tpu.memory_space<vmem>>
      %dma_start3A_378 = tpu.memref_squeeze %dma_start3A_377 : memref<1x128xi32, #tpu.memory_space<vmem>> -> memref<128xi32, #tpu.memory_space<vmem>>
      %dma_start3A_379 = arith.constant 0 : i32
      %dma_start3A_380 = arith.constant 0 : i32
      %dma_start3A_381 = tpu.memref_slice %arg9[%dma_start3A_379, %dma_start3A_380] : memref<10112x128xf32, #tpu.memory_space<vmem_shared>> -> memref<10112x128xf32, #tpu.memory_space<vmem_shared>>
      tpu.enqueue_indirect_dma source(%arg8 : memref<128x128xf32, #tpu.memory_space<vmem>>) target(%dma_start3A_381 : memref<10112x128xf32, #tpu.memory_space<vmem_shared>>) offsets(%dma_start3A_378 : memref<128xi32, #tpu.memory_space<vmem>>) semaphore(%arg13 : memref<!tpu.dma_semaphore, #tpu.memory_space<semaphore_mem>>) {add = true}
      %dma_wait3A_382 = arith.constant 11 : i32
      %dma_wait3A_383 = arith.constant 0 : i32
      %dma_wait3A_384 = tpu.memref_slice %arg6[%dma_wait3A_382, %dma_wait3A_383] : memref<40x128xi32, #tpu.memory_space<vmem>> -> memref<1x128xi32, #tpu.memory_space<vmem>>
      %dma_wait3A_385 = tpu.memref_squeeze %dma_wait3A_384 : memref<1x128xi32, #tpu.memory_space<vmem>> -> memref<128xi32, #tpu.memory_space<vmem>>
      %dma_wait3A_386 = arith.constant 0 : i32
      %dma_wait3A_387 = arith.constant 0 : i32
      %dma_wait3A_388 = tpu.memref_slice %arg9[%dma_wait3A_386, %dma_wait3A_387] : memref<10112x128xf32, #tpu.memory_space<vmem_shared>> -> memref<10112x128xf32, #tpu.memory_space<vmem_shared>>
      tpu.wait_indirect_dma semaphore(%arg13 : memref<!tpu.dma_semaphore, #tpu.memory_space<semaphore_mem>>) src(%arg8 : memref<128x128xf32, #tpu.memory_space<vmem>>) dst(%dma_wait3A_388 : memref<10112x128xf32, #tpu.memory_space<vmem_shared>>)
      %dma_start3A_389 = arith.constant 13 : i32
      %dma_start3A_390 = arith.constant 0 : i32
      %dma_start3A_391 = tpu.memref_slice %arg5[%dma_start3A_389, %dma_start3A_390] : memref<40x128xi32, #tpu.memory_space<vmem>> -> memref<1x128xi32, #tpu.memory_space<vmem>>
      %dma_start3A_392 = tpu.memref_squeeze %dma_start3A_391 : memref<1x128xi32, #tpu.memory_space<vmem>> -> memref<128xi32, #tpu.memory_space<vmem>>
      %dma_start3A_393 = arith.constant 0 : i32
      %dma_start3A_394 = arith.constant 0 : i32
      %dma_start3A_395 = tpu.memref_slice %arg2[%dma_start3A_393, %dma_start3A_394] : memref<10112x128xf32, #tpu.memory_space<hbm>> -> memref<10112x128xf32, #tpu.memory_space<hbm>>
      tpu.enqueue_indirect_dma source(%dma_start3A_395 : memref<10112x128xf32, #tpu.memory_space<hbm>>) target(%arg8 : memref<128x128xf32, #tpu.memory_space<vmem>>) offsets(%dma_start3A_392 : memref<128xi32, #tpu.memory_space<vmem>>) semaphore(%arg11 : memref<!tpu.dma_semaphore, #tpu.memory_space<semaphore_mem>>)
      %dma_wait3A_396 = arith.constant 12 : i32
      %dma_wait3A_397 = arith.constant 0 : i32
      %dma_wait3A_398 = tpu.memref_slice %arg5[%dma_wait3A_396, %dma_wait3A_397] : memref<40x128xi32, #tpu.memory_space<vmem>> -> memref<1x128xi32, #tpu.memory_space<vmem>>
      %dma_wait3A_399 = tpu.memref_squeeze %dma_wait3A_398 : memref<1x128xi32, #tpu.memory_space<vmem>> -> memref<128xi32, #tpu.memory_space<vmem>>
      %dma_wait3A_400 = arith.constant 0 : i32
      %dma_wait3A_401 = arith.constant 0 : i32
      %dma_wait3A_402 = tpu.memref_slice %arg2[%dma_wait3A_400, %dma_wait3A_401] : memref<10112x128xf32, #tpu.memory_space<hbm>> -> memref<10112x128xf32, #tpu.memory_space<hbm>>
      tpu.wait_indirect_dma semaphore(%arg10 : memref<!tpu.dma_semaphore, #tpu.memory_space<semaphore_mem>>) src(%dma_wait3A_402 : memref<10112x128xf32, #tpu.memory_space<hbm>>) dst(%arg7 : memref<128x128xf32, #tpu.memory_space<vmem>>)
      %dma_start3A_403 = arith.constant 12 : i32
      %dma_start3A_404 = arith.constant 0 : i32
      %dma_start3A_405 = tpu.memref_slice %arg6[%dma_start3A_403, %dma_start3A_404] : memref<40x128xi32, #tpu.memory_space<vmem>> -> memref<1x128xi32, #tpu.memory_space<vmem>>
      %dma_start3A_406 = tpu.memref_squeeze %dma_start3A_405 : memref<1x128xi32, #tpu.memory_space<vmem>> -> memref<128xi32, #tpu.memory_space<vmem>>
      %dma_start3A_407 = arith.constant 0 : i32
      %dma_start3A_408 = arith.constant 0 : i32
      %dma_start3A_409 = tpu.memref_slice %arg9[%dma_start3A_407, %dma_start3A_408] : memref<10112x128xf32, #tpu.memory_space<vmem_shared>> -> memref<10112x128xf32, #tpu.memory_space<vmem_shared>>
      tpu.enqueue_indirect_dma source(%arg7 : memref<128x128xf32, #tpu.memory_space<vmem>>) target(%dma_start3A_409 : memref<10112x128xf32, #tpu.memory_space<vmem_shared>>) offsets(%dma_start3A_406 : memref<128xi32, #tpu.memory_space<vmem>>) semaphore(%arg12 : memref<!tpu.dma_semaphore, #tpu.memory_space<semaphore_mem>>) {add = true}
      %dma_wait3A_410 = arith.constant 12 : i32
      %dma_wait3A_411 = arith.constant 0 : i32
      %dma_wait3A_412 = tpu.memref_slice %arg6[%dma_wait3A_410, %dma_wait3A_411] : memref<40x128xi32, #tpu.memory_space<vmem>> -> memref<1x128xi32, #tpu.memory_space<vmem>>
      %dma_wait3A_413 = tpu.memref_squeeze %dma_wait3A_412 : memref<1x128xi32, #tpu.memory_space<vmem>> -> memref<128xi32, #tpu.memory_space<vmem>>
      %dma_wait3A_414 = arith.constant 0 : i32
      %dma_wait3A_415 = arith.constant 0 : i32
      %dma_wait3A_416 = tpu.memref_slice %arg9[%dma_wait3A_414, %dma_wait3A_415] : memref<10112x128xf32, #tpu.memory_space<vmem_shared>> -> memref<10112x128xf32, #tpu.memory_space<vmem_shared>>
      tpu.wait_indirect_dma semaphore(%arg12 : memref<!tpu.dma_semaphore, #tpu.memory_space<semaphore_mem>>) src(%arg7 : memref<128x128xf32, #tpu.memory_space<vmem>>) dst(%dma_wait3A_416 : memref<10112x128xf32, #tpu.memory_space<vmem_shared>>)
      %dma_start3A_417 = arith.constant 14 : i32
      %dma_start3A_418 = arith.constant 0 : i32
      %dma_start3A_419 = tpu.memref_slice %arg5[%dma_start3A_417, %dma_start3A_418] : memref<40x128xi32, #tpu.memory_space<vmem>> -> memref<1x128xi32, #tpu.memory_space<vmem>>
      %dma_start3A_420 = tpu.memref_squeeze %dma_start3A_419 : memref<1x128xi32, #tpu.memory_space<vmem>> -> memref<128xi32, #tpu.memory_space<vmem>>
      %dma_start3A_421 = arith.constant 0 : i32
      %dma_start3A_422 = arith.constant 0 : i32
      %dma_start3A_423 = tpu.memref_slice %arg2[%dma_start3A_421, %dma_start3A_422] : memref<10112x128xf32, #tpu.memory_space<hbm>> -> memref<10112x128xf32, #tpu.memory_space<hbm>>
      tpu.enqueue_indirect_dma source(%dma_start3A_423 : memref<10112x128xf32, #tpu.memory_space<hbm>>) target(%arg7 : memref<128x128xf32, #tpu.memory_space<vmem>>) offsets(%dma_start3A_420 : memref<128xi32, #tpu.memory_space<vmem>>) semaphore(%arg10 : memref<!tpu.dma_semaphore, #tpu.memory_space<semaphore_mem>>)
      %dma_wait3A_424 = arith.constant 13 : i32
      %dma_wait3A_425 = arith.constant 0 : i32
      %dma_wait3A_426 = tpu.memref_slice %arg5[%dma_wait3A_424, %dma_wait3A_425] : memref<40x128xi32, #tpu.memory_space<vmem>> -> memref<1x128xi32, #tpu.memory_space<vmem>>
      %dma_wait3A_427 = tpu.memref_squeeze %dma_wait3A_426 : memref<1x128xi32, #tpu.memory_space<vmem>> -> memref<128xi32, #tpu.memory_space<vmem>>
      %dma_wait3A_428 = arith.constant 0 : i32
      %dma_wait3A_429 = arith.constant 0 : i32
      %dma_wait3A_430 = tpu.memref_slice %arg2[%dma_wait3A_428, %dma_wait3A_429] : memref<10112x128xf32, #tpu.memory_space<hbm>> -> memref<10112x128xf32, #tpu.memory_space<hbm>>
      tpu.wait_indirect_dma semaphore(%arg11 : memref<!tpu.dma_semaphore, #tpu.memory_space<semaphore_mem>>) src(%dma_wait3A_430 : memref<10112x128xf32, #tpu.memory_space<hbm>>) dst(%arg8 : memref<128x128xf32, #tpu.memory_space<vmem>>)
      %dma_start3A_431 = arith.constant 13 : i32
      %dma_start3A_432 = arith.constant 0 : i32
      %dma_start3A_433 = tpu.memref_slice %arg6[%dma_start3A_431, %dma_start3A_432] : memref<40x128xi32, #tpu.memory_space<vmem>> -> memref<1x128xi32, #tpu.memory_space<vmem>>
      %dma_start3A_434 = tpu.memref_squeeze %dma_start3A_433 : memref<1x128xi32, #tpu.memory_space<vmem>> -> memref<128xi32, #tpu.memory_space<vmem>>
      %dma_start3A_435 = arith.constant 0 : i32
      %dma_start3A_436 = arith.constant 0 : i32
      %dma_start3A_437 = tpu.memref_slice %arg9[%dma_start3A_435, %dma_start3A_436] : memref<10112x128xf32, #tpu.memory_space<vmem_shared>> -> memref<10112x128xf32, #tpu.memory_space<vmem_shared>>
      tpu.enqueue_indirect_dma source(%arg8 : memref<128x128xf32, #tpu.memory_space<vmem>>) target(%dma_start3A_437 : memref<10112x128xf32, #tpu.memory_space<vmem_shared>>) offsets(%dma_start3A_434 : memref<128xi32, #tpu.memory_space<vmem>>) semaphore(%arg13 : memref<!tpu.dma_semaphore, #tpu.memory_space<semaphore_mem>>) {add = true}
      %dma_wait3A_438 = arith.constant 13 : i32
      %dma_wait3A_439 = arith.constant 0 : i32
      %dma_wait3A_440 = tpu.memref_slice %arg6[%dma_wait3A_438, %dma_wait3A_439] : memref<40x128xi32, #tpu.memory_space<vmem>> -> memref<1x128xi32, #tpu.memory_space<vmem>>
      %dma_wait3A_441 = tpu.memref_squeeze %dma_wait3A_440 : memref<1x128xi32, #tpu.memory_space<vmem>> -> memref<128xi32, #tpu.memory_space<vmem>>
      %dma_wait3A_442 = arith.constant 0 : i32
      %dma_wait3A_443 = arith.constant 0 : i32
      %dma_wait3A_444 = tpu.memref_slice %arg9[%dma_wait3A_442, %dma_wait3A_443] : memref<10112x128xf32, #tpu.memory_space<vmem_shared>> -> memref<10112x128xf32, #tpu.memory_space<vmem_shared>>
      tpu.wait_indirect_dma semaphore(%arg13 : memref<!tpu.dma_semaphore, #tpu.memory_space<semaphore_mem>>) src(%arg8 : memref<128x128xf32, #tpu.memory_space<vmem>>) dst(%dma_wait3A_444 : memref<10112x128xf32, #tpu.memory_space<vmem_shared>>)
      %dma_start3A_445 = arith.constant 15 : i32
      %dma_start3A_446 = arith.constant 0 : i32
      %dma_start3A_447 = tpu.memref_slice %arg5[%dma_start3A_445, %dma_start3A_446] : memref<40x128xi32, #tpu.memory_space<vmem>> -> memref<1x128xi32, #tpu.memory_space<vmem>>
      %dma_start3A_448 = tpu.memref_squeeze %dma_start3A_447 : memref<1x128xi32, #tpu.memory_space<vmem>> -> memref<128xi32, #tpu.memory_space<vmem>>
      %dma_start3A_449 = arith.constant 0 : i32
      %dma_start3A_450 = arith.constant 0 : i32
      %dma_start3A_451 = tpu.memref_slice %arg2[%dma_start3A_449, %dma_start3A_450] : memref<10112x128xf32, #tpu.memory_space<hbm>> -> memref<10112x128xf32, #tpu.memory_space<hbm>>
      tpu.enqueue_indirect_dma source(%dma_start3A_451 : memref<10112x128xf32, #tpu.memory_space<hbm>>) target(%arg8 : memref<128x128xf32, #tpu.memory_space<vmem>>) offsets(%dma_start3A_448 : memref<128xi32, #tpu.memory_space<vmem>>) semaphore(%arg11 : memref<!tpu.dma_semaphore, #tpu.memory_space<semaphore_mem>>)
      %dma_wait3A_452 = arith.constant 14 : i32
      %dma_wait3A_453 = arith.constant 0 : i32
      %dma_wait3A_454 = tpu.memref_slice %arg5[%dma_wait3A_452, %dma_wait3A_453] : memref<40x128xi32, #tpu.memory_space<vmem>> -> memref<1x128xi32, #tpu.memory_space<vmem>>
      %dma_wait3A_455 = tpu.memref_squeeze %dma_wait3A_454 : memref<1x128xi32, #tpu.memory_space<vmem>> -> memref<128xi32, #tpu.memory_space<vmem>>
      %dma_wait3A_456 = arith.constant 0 : i32
      %dma_wait3A_457 = arith.constant 0 : i32
      %dma_wait3A_458 = tpu.memref_slice %arg2[%dma_wait3A_456, %dma_wait3A_457] : memref<10112x128xf32, #tpu.memory_space<hbm>> -> memref<10112x128xf32, #tpu.memory_space<hbm>>
      tpu.wait_indirect_dma semaphore(%arg10 : memref<!tpu.dma_semaphore, #tpu.memory_space<semaphore_mem>>) src(%dma_wait3A_458 : memref<10112x128xf32, #tpu.memory_space<hbm>>) dst(%arg7 : memref<128x128xf32, #tpu.memory_space<vmem>>)
      %dma_start3A_459 = arith.constant 14 : i32
      %dma_start3A_460 = arith.constant 0 : i32
      %dma_start3A_461 = tpu.memref_slice %arg6[%dma_start3A_459, %dma_start3A_460] : memref<40x128xi32, #tpu.memory_space<vmem>> -> memref<1x128xi32, #tpu.memory_space<vmem>>
      %dma_start3A_462 = tpu.memref_squeeze %dma_start3A_461 : memref<1x128xi32, #tpu.memory_space<vmem>> -> memref<128xi32, #tpu.memory_space<vmem>>
      %dma_start3A_463 = arith.constant 0 : i32
      %dma_start3A_464 = arith.constant 0 : i32
      %dma_start3A_465 = tpu.memref_slice %arg9[%dma_start3A_463, %dma_start3A_464] : memref<10112x128xf32, #tpu.memory_space<vmem_shared>> -> memref<10112x128xf32, #tpu.memory_space<vmem_shared>>
      tpu.enqueue_indirect_dma source(%arg7 : memref<128x128xf32, #tpu.memory_space<vmem>>) target(%dma_start3A_465 : memref<10112x128xf32, #tpu.memory_space<vmem_shared>>) offsets(%dma_start3A_462 : memref<128xi32, #tpu.memory_space<vmem>>) semaphore(%arg12 : memref<!tpu.dma_semaphore, #tpu.memory_space<semaphore_mem>>) {add = true}
      %dma_wait3A_466 = arith.constant 14 : i32
      %dma_wait3A_467 = arith.constant 0 : i32
      %dma_wait3A_468 = tpu.memref_slice %arg6[%dma_wait3A_466, %dma_wait3A_467] : memref<40x128xi32, #tpu.memory_space<vmem>> -> memref<1x128xi32, #tpu.memory_space<vmem>>
      %dma_wait3A_469 = tpu.memref_squeeze %dma_wait3A_468 : memref<1x128xi32, #tpu.memory_space<vmem>> -> memref<128xi32, #tpu.memory_space<vmem>>
      %dma_wait3A_470 = arith.constant 0 : i32
      %dma_wait3A_471 = arith.constant 0 : i32
      %dma_wait3A_472 = tpu.memref_slice %arg9[%dma_wait3A_470, %dma_wait3A_471] : memref<10112x128xf32, #tpu.memory_space<vmem_shared>> -> memref<10112x128xf32, #tpu.memory_space<vmem_shared>>
      tpu.wait_indirect_dma semaphore(%arg12 : memref<!tpu.dma_semaphore, #tpu.memory_space<semaphore_mem>>) src(%arg7 : memref<128x128xf32, #tpu.memory_space<vmem>>) dst(%dma_wait3A_472 : memref<10112x128xf32, #tpu.memory_space<vmem_shared>>)
      %dma_start3A_473 = arith.constant 16 : i32
      %dma_start3A_474 = arith.constant 0 : i32
      %dma_start3A_475 = tpu.memref_slice %arg5[%dma_start3A_473, %dma_start3A_474] : memref<40x128xi32, #tpu.memory_space<vmem>> -> memref<1x128xi32, #tpu.memory_space<vmem>>
      %dma_start3A_476 = tpu.memref_squeeze %dma_start3A_475 : memref<1x128xi32, #tpu.memory_space<vmem>> -> memref<128xi32, #tpu.memory_space<vmem>>
      %dma_start3A_477 = arith.constant 0 : i32
      %dma_start3A_478 = arith.constant 0 : i32
      %dma_start3A_479 = tpu.memref_slice %arg2[%dma_start3A_477, %dma_start3A_478] : memref<10112x128xf32, #tpu.memory_space<hbm>> -> memref<10112x128xf32, #tpu.memory_space<hbm>>
      tpu.enqueue_indirect_dma source(%dma_start3A_479 : memref<10112x128xf32, #tpu.memory_space<hbm>>) target(%arg7 : memref<128x128xf32, #tpu.memory_space<vmem>>) offsets(%dma_start3A_476 : memref<128xi32, #tpu.memory_space<vmem>>) semaphore(%arg10 : memref<!tpu.dma_semaphore, #tpu.memory_space<semaphore_mem>>)
      %dma_wait3A_480 = arith.constant 15 : i32
      %dma_wait3A_481 = arith.constant 0 : i32
      %dma_wait3A_482 = tpu.memref_slice %arg5[%dma_wait3A_480, %dma_wait3A_481] : memref<40x128xi32, #tpu.memory_space<vmem>> -> memref<1x128xi32, #tpu.memory_space<vmem>>
      %dma_wait3A_483 = tpu.memref_squeeze %dma_wait3A_482 : memref<1x128xi32, #tpu.memory_space<vmem>> -> memref<128xi32, #tpu.memory_space<vmem>>
      %dma_wait3A_484 = arith.constant 0 : i32
      %dma_wait3A_485 = arith.constant 0 : i32
      %dma_wait3A_486 = tpu.memref_slice %arg2[%dma_wait3A_484, %dma_wait3A_485] : memref<10112x128xf32, #tpu.memory_space<hbm>> -> memref<10112x128xf32, #tpu.memory_space<hbm>>
      tpu.wait_indirect_dma semaphore(%arg11 : memref<!tpu.dma_semaphore, #tpu.memory_space<semaphore_mem>>) src(%dma_wait3A_486 : memref<10112x128xf32, #tpu.memory_space<hbm>>) dst(%arg8 : memref<128x128xf32, #tpu.memory_space<vmem>>)
      %dma_start3A_487 = arith.constant 15 : i32
      %dma_start3A_488 = arith.constant 0 : i32
      %dma_start3A_489 = tpu.memref_slice %arg6[%dma_start3A_487, %dma_start3A_488] : memref<40x128xi32, #tpu.memory_space<vmem>> -> memref<1x128xi32, #tpu.memory_space<vmem>>
      %dma_start3A_490 = tpu.memref_squeeze %dma_start3A_489 : memref<1x128xi32, #tpu.memory_space<vmem>> -> memref<128xi32, #tpu.memory_space<vmem>>
      %dma_start3A_491 = arith.constant 0 : i32
      %dma_start3A_492 = arith.constant 0 : i32
      %dma_start3A_493 = tpu.memref_slice %arg9[%dma_start3A_491, %dma_start3A_492] : memref<10112x128xf32, #tpu.memory_space<vmem_shared>> -> memref<10112x128xf32, #tpu.memory_space<vmem_shared>>
      tpu.enqueue_indirect_dma source(%arg8 : memref<128x128xf32, #tpu.memory_space<vmem>>) target(%dma_start3A_493 : memref<10112x128xf32, #tpu.memory_space<vmem_shared>>) offsets(%dma_start3A_490 : memref<128xi32, #tpu.memory_space<vmem>>) semaphore(%arg13 : memref<!tpu.dma_semaphore, #tpu.memory_space<semaphore_mem>>) {add = true}
      %dma_wait3A_494 = arith.constant 15 : i32
      %dma_wait3A_495 = arith.constant 0 : i32
      %dma_wait3A_496 = tpu.memref_slice %arg6[%dma_wait3A_494, %dma_wait3A_495] : memref<40x128xi32, #tpu.memory_space<vmem>> -> memref<1x128xi32, #tpu.memory_space<vmem>>
      %dma_wait3A_497 = tpu.memref_squeeze %dma_wait3A_496 : memref<1x128xi32, #tpu.memory_space<vmem>> -> memref<128xi32, #tpu.memory_space<vmem>>
      %dma_wait3A_498 = arith.constant 0 : i32
      %dma_wait3A_499 = arith.constant 0 : i32
      %dma_wait3A_500 = tpu.memref_slice %arg9[%dma_wait3A_498, %dma_wait3A_499] : memref<10112x128xf32, #tpu.memory_space<vmem_shared>> -> memref<10112x128xf32, #tpu.memory_space<vmem_shared>>
      tpu.wait_indirect_dma semaphore(%arg13 : memref<!tpu.dma_semaphore, #tpu.memory_space<semaphore_mem>>) src(%arg8 : memref<128x128xf32, #tpu.memory_space<vmem>>) dst(%dma_wait3A_500 : memref<10112x128xf32, #tpu.memory_space<vmem_shared>>)
      %dma_start3A_501 = arith.constant 17 : i32
      %dma_start3A_502 = arith.constant 0 : i32
      %dma_start3A_503 = tpu.memref_slice %arg5[%dma_start3A_501, %dma_start3A_502] : memref<40x128xi32, #tpu.memory_space<vmem>> -> memref<1x128xi32, #tpu.memory_space<vmem>>
      %dma_start3A_504 = tpu.memref_squeeze %dma_start3A_503 : memref<1x128xi32, #tpu.memory_space<vmem>> -> memref<128xi32, #tpu.memory_space<vmem>>
      %dma_start3A_505 = arith.constant 0 : i32
      %dma_start3A_506 = arith.constant 0 : i32
      %dma_start3A_507 = tpu.memref_slice %arg2[%dma_start3A_505, %dma_start3A_506] : memref<10112x128xf32, #tpu.memory_space<hbm>> -> memref<10112x128xf32, #tpu.memory_space<hbm>>
      tpu.enqueue_indirect_dma source(%dma_start3A_507 : memref<10112x128xf32, #tpu.memory_space<hbm>>) target(%arg8 : memref<128x128xf32, #tpu.memory_space<vmem>>) offsets(%dma_start3A_504 : memref<128xi32, #tpu.memory_space<vmem>>) semaphore(%arg11 : memref<!tpu.dma_semaphore, #tpu.memory_space<semaphore_mem>>)
      %dma_wait3A_508 = arith.constant 16 : i32
      %dma_wait3A_509 = arith.constant 0 : i32
      %dma_wait3A_510 = tpu.memref_slice %arg5[%dma_wait3A_508, %dma_wait3A_509] : memref<40x128xi32, #tpu.memory_space<vmem>> -> memref<1x128xi32, #tpu.memory_space<vmem>>
      %dma_wait3A_511 = tpu.memref_squeeze %dma_wait3A_510 : memref<1x128xi32, #tpu.memory_space<vmem>> -> memref<128xi32, #tpu.memory_space<vmem>>
      %dma_wait3A_512 = arith.constant 0 : i32
      %dma_wait3A_513 = arith.constant 0 : i32
      %dma_wait3A_514 = tpu.memref_slice %arg2[%dma_wait3A_512, %dma_wait3A_513] : memref<10112x128xf32, #tpu.memory_space<hbm>> -> memref<10112x128xf32, #tpu.memory_space<hbm>>
      tpu.wait_indirect_dma semaphore(%arg10 : memref<!tpu.dma_semaphore, #tpu.memory_space<semaphore_mem>>) src(%dma_wait3A_514 : memref<10112x128xf32, #tpu.memory_space<hbm>>) dst(%arg7 : memref<128x128xf32, #tpu.memory_space<vmem>>)
      %dma_start3A_515 = arith.constant 16 : i32
      %dma_start3A_516 = arith.constant 0 : i32
      %dma_start3A_517 = tpu.memref_slice %arg6[%dma_start3A_515, %dma_start3A_516] : memref<40x128xi32, #tpu.memory_space<vmem>> -> memref<1x128xi32, #tpu.memory_space<vmem>>
      %dma_start3A_518 = tpu.memref_squeeze %dma_start3A_517 : memref<1x128xi32, #tpu.memory_space<vmem>> -> memref<128xi32, #tpu.memory_space<vmem>>
      %dma_start3A_519 = arith.constant 0 : i32
      %dma_start3A_520 = arith.constant 0 : i32
      %dma_start3A_521 = tpu.memref_slice %arg9[%dma_start3A_519, %dma_start3A_520] : memref<10112x128xf32, #tpu.memory_space<vmem_shared>> -> memref<10112x128xf32, #tpu.memory_space<vmem_shared>>
      tpu.enqueue_indirect_dma source(%arg7 : memref<128x128xf32, #tpu.memory_space<vmem>>) target(%dma_start3A_521 : memref<10112x128xf32, #tpu.memory_space<vmem_shared>>) offsets(%dma_start3A_518 : memref<128xi32, #tpu.memory_space<vmem>>) semaphore(%arg12 : memref<!tpu.dma_semaphore, #tpu.memory_space<semaphore_mem>>) {add = true}
      %dma_wait3A_522 = arith.constant 16 : i32
      %dma_wait3A_523 = arith.constant 0 : i32
      %dma_wait3A_524 = tpu.memref_slice %arg6[%dma_wait3A_522, %dma_wait3A_523] : memref<40x128xi32, #tpu.memory_space<vmem>> -> memref<1x128xi32, #tpu.memory_space<vmem>>
      %dma_wait3A_525 = tpu.memref_squeeze %dma_wait3A_524 : memref<1x128xi32, #tpu.memory_space<vmem>> -> memref<128xi32, #tpu.memory_space<vmem>>
      %dma_wait3A_526 = arith.constant 0 : i32
      %dma_wait3A_527 = arith.constant 0 : i32
      %dma_wait3A_528 = tpu.memref_slice %arg9[%dma_wait3A_526, %dma_wait3A_527] : memref<10112x128xf32, #tpu.memory_space<vmem_shared>> -> memref<10112x128xf32, #tpu.memory_space<vmem_shared>>
      tpu.wait_indirect_dma semaphore(%arg12 : memref<!tpu.dma_semaphore, #tpu.memory_space<semaphore_mem>>) src(%arg7 : memref<128x128xf32, #tpu.memory_space<vmem>>) dst(%dma_wait3A_528 : memref<10112x128xf32, #tpu.memory_space<vmem_shared>>)
      %dma_start3A_529 = arith.constant 18 : i32
      %dma_start3A_530 = arith.constant 0 : i32
      %dma_start3A_531 = tpu.memref_slice %arg5[%dma_start3A_529, %dma_start3A_530] : memref<40x128xi32, #tpu.memory_space<vmem>> -> memref<1x128xi32, #tpu.memory_space<vmem>>
      %dma_start3A_532 = tpu.memref_squeeze %dma_start3A_531 : memref<1x128xi32, #tpu.memory_space<vmem>> -> memref<128xi32, #tpu.memory_space<vmem>>
      %dma_start3A_533 = arith.constant 0 : i32
      %dma_start3A_534 = arith.constant 0 : i32
      %dma_start3A_535 = tpu.memref_slice %arg2[%dma_start3A_533, %dma_start3A_534] : memref<10112x128xf32, #tpu.memory_space<hbm>> -> memref<10112x128xf32, #tpu.memory_space<hbm>>
      tpu.enqueue_indirect_dma source(%dma_start3A_535 : memref<10112x128xf32, #tpu.memory_space<hbm>>) target(%arg7 : memref<128x128xf32, #tpu.memory_space<vmem>>) offsets(%dma_start3A_532 : memref<128xi32, #tpu.memory_space<vmem>>) semaphore(%arg10 : memref<!tpu.dma_semaphore, #tpu.memory_space<semaphore_mem>>)
      %dma_wait3A_536 = arith.constant 17 : i32
      %dma_wait3A_537 = arith.constant 0 : i32
      %dma_wait3A_538 = tpu.memref_slice %arg5[%dma_wait3A_536, %dma_wait3A_537] : memref<40x128xi32, #tpu.memory_space<vmem>> -> memref<1x128xi32, #tpu.memory_space<vmem>>
      %dma_wait3A_539 = tpu.memref_squeeze %dma_wait3A_538 : memref<1x128xi32, #tpu.memory_space<vmem>> -> memref<128xi32, #tpu.memory_space<vmem>>
      %dma_wait3A_540 = arith.constant 0 : i32
      %dma_wait3A_541 = arith.constant 0 : i32
      %dma_wait3A_542 = tpu.memref_slice %arg2[%dma_wait3A_540, %dma_wait3A_541] : memref<10112x128xf32, #tpu.memory_space<hbm>> -> memref<10112x128xf32, #tpu.memory_space<hbm>>
      tpu.wait_indirect_dma semaphore(%arg11 : memref<!tpu.dma_semaphore, #tpu.memory_space<semaphore_mem>>) src(%dma_wait3A_542 : memref<10112x128xf32, #tpu.memory_space<hbm>>) dst(%arg8 : memref<128x128xf32, #tpu.memory_space<vmem>>)
      %dma_start3A_543 = arith.constant 17 : i32
      %dma_start3A_544 = arith.constant 0 : i32
      %dma_start3A_545 = tpu.memref_slice %arg6[%dma_start3A_543, %dma_start3A_544] : memref<40x128xi32, #tpu.memory_space<vmem>> -> memref<1x128xi32, #tpu.memory_space<vmem>>
      %dma_start3A_546 = tpu.memref_squeeze %dma_start3A_545 : memref<1x128xi32, #tpu.memory_space<vmem>> -> memref<128xi32, #tpu.memory_space<vmem>>
      %dma_start3A_547 = arith.constant 0 : i32
      %dma_start3A_548 = arith.constant 0 : i32
      %dma_start3A_549 = tpu.memref_slice %arg9[%dma_start3A_547, %dma_start3A_548] : memref<10112x128xf32, #tpu.memory_space<vmem_shared>> -> memref<10112x128xf32, #tpu.memory_space<vmem_shared>>
      tpu.enqueue_indirect_dma source(%arg8 : memref<128x128xf32, #tpu.memory_space<vmem>>) target(%dma_start3A_549 : memref<10112x128xf32, #tpu.memory_space<vmem_shared>>) offsets(%dma_start3A_546 : memref<128xi32, #tpu.memory_space<vmem>>) semaphore(%arg13 : memref<!tpu.dma_semaphore, #tpu.memory_space<semaphore_mem>>) {add = true}
      %dma_wait3A_550 = arith.constant 17 : i32
      %dma_wait3A_551 = arith.constant 0 : i32
      %dma_wait3A_552 = tpu.memref_slice %arg6[%dma_wait3A_550, %dma_wait3A_551] : memref<40x128xi32, #tpu.memory_space<vmem>> -> memref<1x128xi32, #tpu.memory_space<vmem>>
      %dma_wait3A_553 = tpu.memref_squeeze %dma_wait3A_552 : memref<1x128xi32, #tpu.memory_space<vmem>> -> memref<128xi32, #tpu.memory_space<vmem>>
      %dma_wait3A_554 = arith.constant 0 : i32
      %dma_wait3A_555 = arith.constant 0 : i32
      %dma_wait3A_556 = tpu.memref_slice %arg9[%dma_wait3A_554, %dma_wait3A_555] : memref<10112x128xf32, #tpu.memory_space<vmem_shared>> -> memref<10112x128xf32, #tpu.memory_space<vmem_shared>>
      tpu.wait_indirect_dma semaphore(%arg13 : memref<!tpu.dma_semaphore, #tpu.memory_space<semaphore_mem>>) src(%arg8 : memref<128x128xf32, #tpu.memory_space<vmem>>) dst(%dma_wait3A_556 : memref<10112x128xf32, #tpu.memory_space<vmem_shared>>)
      %dma_start3A_557 = arith.constant 19 : i32
      %dma_start3A_558 = arith.constant 0 : i32
      %dma_start3A_559 = tpu.memref_slice %arg5[%dma_start3A_557, %dma_start3A_558] : memref<40x128xi32, #tpu.memory_space<vmem>> -> memref<1x128xi32, #tpu.memory_space<vmem>>
      %dma_start3A_560 = tpu.memref_squeeze %dma_start3A_559 : memref<1x128xi32, #tpu.memory_space<vmem>> -> memref<128xi32, #tpu.memory_space<vmem>>
      %dma_start3A_561 = arith.constant 0 : i32
      %dma_start3A_562 = arith.constant 0 : i32
      %dma_start3A_563 = tpu.memref_slice %arg2[%dma_start3A_561, %dma_start3A_562] : memref<10112x128xf32, #tpu.memory_space<hbm>> -> memref<10112x128xf32, #tpu.memory_space<hbm>>
      tpu.enqueue_indirect_dma source(%dma_start3A_563 : memref<10112x128xf32, #tpu.memory_space<hbm>>) target(%arg8 : memref<128x128xf32, #tpu.memory_space<vmem>>) offsets(%dma_start3A_560 : memref<128xi32, #tpu.memory_space<vmem>>) semaphore(%arg11 : memref<!tpu.dma_semaphore, #tpu.memory_space<semaphore_mem>>)
      %dma_wait3A_564 = arith.constant 18 : i32
      %dma_wait3A_565 = arith.constant 0 : i32
      %dma_wait3A_566 = tpu.memref_slice %arg5[%dma_wait3A_564, %dma_wait3A_565] : memref<40x128xi32, #tpu.memory_space<vmem>> -> memref<1x128xi32, #tpu.memory_space<vmem>>
      %dma_wait3A_567 = tpu.memref_squeeze %dma_wait3A_566 : memref<1x128xi32, #tpu.memory_space<vmem>> -> memref<128xi32, #tpu.memory_space<vmem>>
      %dma_wait3A_568 = arith.constant 0 : i32
      %dma_wait3A_569 = arith.constant 0 : i32
      %dma_wait3A_570 = tpu.memref_slice %arg2[%dma_wait3A_568, %dma_wait3A_569] : memref<10112x128xf32, #tpu.memory_space<hbm>> -> memref<10112x128xf32, #tpu.memory_space<hbm>>
      tpu.wait_indirect_dma semaphore(%arg10 : memref<!tpu.dma_semaphore, #tpu.memory_space<semaphore_mem>>) src(%dma_wait3A_570 : memref<10112x128xf32, #tpu.memory_space<hbm>>) dst(%arg7 : memref<128x128xf32, #tpu.memory_space<vmem>>)
      %dma_start3A_571 = arith.constant 18 : i32
      %dma_start3A_572 = arith.constant 0 : i32
      %dma_start3A_573 = tpu.memref_slice %arg6[%dma_start3A_571, %dma_start3A_572] : memref<40x128xi32, #tpu.memory_space<vmem>> -> memref<1x128xi32, #tpu.memory_space<vmem>>
      %dma_start3A_574 = tpu.memref_squeeze %dma_start3A_573 : memref<1x128xi32, #tpu.memory_space<vmem>> -> memref<128xi32, #tpu.memory_space<vmem>>
      %dma_start3A_575 = arith.constant 0 : i32
      %dma_start3A_576 = arith.constant 0 : i32
      %dma_start3A_577 = tpu.memref_slice %arg9[%dma_start3A_575, %dma_start3A_576] : memref<10112x128xf32, #tpu.memory_space<vmem_shared>> -> memref<10112x128xf32, #tpu.memory_space<vmem_shared>>
      tpu.enqueue_indirect_dma source(%arg7 : memref<128x128xf32, #tpu.memory_space<vmem>>) target(%dma_start3A_577 : memref<10112x128xf32, #tpu.memory_space<vmem_shared>>) offsets(%dma_start3A_574 : memref<128xi32, #tpu.memory_space<vmem>>) semaphore(%arg12 : memref<!tpu.dma_semaphore, #tpu.memory_space<semaphore_mem>>) {add = true}
      %dma_wait3A_578 = arith.constant 18 : i32
      %dma_wait3A_579 = arith.constant 0 : i32
      %dma_wait3A_580 = tpu.memref_slice %arg6[%dma_wait3A_578, %dma_wait3A_579] : memref<40x128xi32, #tpu.memory_space<vmem>> -> memref<1x128xi32, #tpu.memory_space<vmem>>
      %dma_wait3A_581 = tpu.memref_squeeze %dma_wait3A_580 : memref<1x128xi32, #tpu.memory_space<vmem>> -> memref<128xi32, #tpu.memory_space<vmem>>
      %dma_wait3A_582 = arith.constant 0 : i32
      %dma_wait3A_583 = arith.constant 0 : i32
      %dma_wait3A_584 = tpu.memref_slice %arg9[%dma_wait3A_582, %dma_wait3A_583] : memref<10112x128xf32, #tpu.memory_space<vmem_shared>> -> memref<10112x128xf32, #tpu.memory_space<vmem_shared>>
      tpu.wait_indirect_dma semaphore(%arg12 : memref<!tpu.dma_semaphore, #tpu.memory_space<semaphore_mem>>) src(%arg7 : memref<128x128xf32, #tpu.memory_space<vmem>>) dst(%dma_wait3A_584 : memref<10112x128xf32, #tpu.memory_space<vmem_shared>>)
      %dma_start3A_585 = arith.constant 20 : i32
      %dma_start3A_586 = arith.constant 0 : i32
      %dma_start3A_587 = tpu.memref_slice %arg5[%dma_start3A_585, %dma_start3A_586] : memref<40x128xi32, #tpu.memory_space<vmem>> -> memref<1x128xi32, #tpu.memory_space<vmem>>
      %dma_start3A_588 = tpu.memref_squeeze %dma_start3A_587 : memref<1x128xi32, #tpu.memory_space<vmem>> -> memref<128xi32, #tpu.memory_space<vmem>>
      %dma_start3A_589 = arith.constant 0 : i32
      %dma_start3A_590 = arith.constant 0 : i32
      %dma_start3A_591 = tpu.memref_slice %arg2[%dma_start3A_589, %dma_start3A_590] : memref<10112x128xf32, #tpu.memory_space<hbm>> -> memref<10112x128xf32, #tpu.memory_space<hbm>>
      tpu.enqueue_indirect_dma source(%dma_start3A_591 : memref<10112x128xf32, #tpu.memory_space<hbm>>) target(%arg7 : memref<128x128xf32, #tpu.memory_space<vmem>>) offsets(%dma_start3A_588 : memref<128xi32, #tpu.memory_space<vmem>>) semaphore(%arg10 : memref<!tpu.dma_semaphore, #tpu.memory_space<semaphore_mem>>)
      %dma_wait3A_592 = arith.constant 19 : i32
      %dma_wait3A_593 = arith.constant 0 : i32
      %dma_wait3A_594 = tpu.memref_slice %arg5[%dma_wait3A_592, %dma_wait3A_593] : memref<40x128xi32, #tpu.memory_space<vmem>> -> memref<1x128xi32, #tpu.memory_space<vmem>>
      %dma_wait3A_595 = tpu.memref_squeeze %dma_wait3A_594 : memref<1x128xi32, #tpu.memory_space<vmem>> -> memref<128xi32, #tpu.memory_space<vmem>>
      %dma_wait3A_596 = arith.constant 0 : i32
      %dma_wait3A_597 = arith.constant 0 : i32
      %dma_wait3A_598 = tpu.memref_slice %arg2[%dma_wait3A_596, %dma_wait3A_597] : memref<10112x128xf32, #tpu.memory_space<hbm>> -> memref<10112x128xf32, #tpu.memory_space<hbm>>
      tpu.wait_indirect_dma semaphore(%arg11 : memref<!tpu.dma_semaphore, #tpu.memory_space<semaphore_mem>>) src(%dma_wait3A_598 : memref<10112x128xf32, #tpu.memory_space<hbm>>) dst(%arg8 : memref<128x128xf32, #tpu.memory_space<vmem>>)
      %dma_start3A_599 = arith.constant 19 : i32
      %dma_start3A_600 = arith.constant 0 : i32
      %dma_start3A_601 = tpu.memref_slice %arg6[%dma_start3A_599, %dma_start3A_600] : memref<40x128xi32, #tpu.memory_space<vmem>> -> memref<1x128xi32, #tpu.memory_space<vmem>>
      %dma_start3A_602 = tpu.memref_squeeze %dma_start3A_601 : memref<1x128xi32, #tpu.memory_space<vmem>> -> memref<128xi32, #tpu.memory_space<vmem>>
      %dma_start3A_603 = arith.constant 0 : i32
      %dma_start3A_604 = arith.constant 0 : i32
      %dma_start3A_605 = tpu.memref_slice %arg9[%dma_start3A_603, %dma_start3A_604] : memref<10112x128xf32, #tpu.memory_space<vmem_shared>> -> memref<10112x128xf32, #tpu.memory_space<vmem_shared>>
      tpu.enqueue_indirect_dma source(%arg8 : memref<128x128xf32, #tpu.memory_space<vmem>>) target(%dma_start3A_605 : memref<10112x128xf32, #tpu.memory_space<vmem_shared>>) offsets(%dma_start3A_602 : memref<128xi32, #tpu.memory_space<vmem>>) semaphore(%arg13 : memref<!tpu.dma_semaphore, #tpu.memory_space<semaphore_mem>>) {add = true}
      %dma_wait3A_606 = arith.constant 19 : i32
      %dma_wait3A_607 = arith.constant 0 : i32
      %dma_wait3A_608 = tpu.memref_slice %arg6[%dma_wait3A_606, %dma_wait3A_607] : memref<40x128xi32, #tpu.memory_space<vmem>> -> memref<1x128xi32, #tpu.memory_space<vmem>>
      %dma_wait3A_609 = tpu.memref_squeeze %dma_wait3A_608 : memref<1x128xi32, #tpu.memory_space<vmem>> -> memref<128xi32, #tpu.memory_space<vmem>>
      %dma_wait3A_610 = arith.constant 0 : i32
      %dma_wait3A_611 = arith.constant 0 : i32
      %dma_wait3A_612 = tpu.memref_slice %arg9[%dma_wait3A_610, %dma_wait3A_611] : memref<10112x128xf32, #tpu.memory_space<vmem_shared>> -> memref<10112x128xf32, #tpu.memory_space<vmem_shared>>
      tpu.wait_indirect_dma semaphore(%arg13 : memref<!tpu.dma_semaphore, #tpu.memory_space<semaphore_mem>>) src(%arg8 : memref<128x128xf32, #tpu.memory_space<vmem>>) dst(%dma_wait3A_612 : memref<10112x128xf32, #tpu.memory_space<vmem_shared>>)
      %dma_start3A_613 = arith.constant 21 : i32
      %dma_start3A_614 = arith.constant 0 : i32
      %dma_start3A_615 = tpu.memref_slice %arg5[%dma_start3A_613, %dma_start3A_614] : memref<40x128xi32, #tpu.memory_space<vmem>> -> memref<1x128xi32, #tpu.memory_space<vmem>>
      %dma_start3A_616 = tpu.memref_squeeze %dma_start3A_615 : memref<1x128xi32, #tpu.memory_space<vmem>> -> memref<128xi32, #tpu.memory_space<vmem>>
      %dma_start3A_617 = arith.constant 0 : i32
      %dma_start3A_618 = arith.constant 0 : i32
      %dma_start3A_619 = tpu.memref_slice %arg2[%dma_start3A_617, %dma_start3A_618] : memref<10112x128xf32, #tpu.memory_space<hbm>> -> memref<10112x128xf32, #tpu.memory_space<hbm>>
      tpu.enqueue_indirect_dma source(%dma_start3A_619 : memref<10112x128xf32, #tpu.memory_space<hbm>>) target(%arg8 : memref<128x128xf32, #tpu.memory_space<vmem>>) offsets(%dma_start3A_616 : memref<128xi32, #tpu.memory_space<vmem>>) semaphore(%arg11 : memref<!tpu.dma_semaphore, #tpu.memory_space<semaphore_mem>>)
      %dma_wait3A_620 = arith.constant 20 : i32
      %dma_wait3A_621 = arith.constant 0 : i32
      %dma_wait3A_622 = tpu.memref_slice %arg5[%dma_wait3A_620, %dma_wait3A_621] : memref<40x128xi32, #tpu.memory_space<vmem>> -> memref<1x128xi32, #tpu.memory_space<vmem>>
      %dma_wait3A_623 = tpu.memref_squeeze %dma_wait3A_622 : memref<1x128xi32, #tpu.memory_space<vmem>> -> memref<128xi32, #tpu.memory_space<vmem>>
      %dma_wait3A_624 = arith.constant 0 : i32
      %dma_wait3A_625 = arith.constant 0 : i32
      %dma_wait3A_626 = tpu.memref_slice %arg2[%dma_wait3A_624, %dma_wait3A_625] : memref<10112x128xf32, #tpu.memory_space<hbm>> -> memref<10112x128xf32, #tpu.memory_space<hbm>>
      tpu.wait_indirect_dma semaphore(%arg10 : memref<!tpu.dma_semaphore, #tpu.memory_space<semaphore_mem>>) src(%dma_wait3A_626 : memref<10112x128xf32, #tpu.memory_space<hbm>>) dst(%arg7 : memref<128x128xf32, #tpu.memory_space<vmem>>)
      %dma_start3A_627 = arith.constant 20 : i32
      %dma_start3A_628 = arith.constant 0 : i32
      %dma_start3A_629 = tpu.memref_slice %arg6[%dma_start3A_627, %dma_start3A_628] : memref<40x128xi32, #tpu.memory_space<vmem>> -> memref<1x128xi32, #tpu.memory_space<vmem>>
      %dma_start3A_630 = tpu.memref_squeeze %dma_start3A_629 : memref<1x128xi32, #tpu.memory_space<vmem>> -> memref<128xi32, #tpu.memory_space<vmem>>
      %dma_start3A_631 = arith.constant 0 : i32
      %dma_start3A_632 = arith.constant 0 : i32
      %dma_start3A_633 = tpu.memref_slice %arg9[%dma_start3A_631, %dma_start3A_632] : memref<10112x128xf32, #tpu.memory_space<vmem_shared>> -> memref<10112x128xf32, #tpu.memory_space<vmem_shared>>
      tpu.enqueue_indirect_dma source(%arg7 : memref<128x128xf32, #tpu.memory_space<vmem>>) target(%dma_start3A_633 : memref<10112x128xf32, #tpu.memory_space<vmem_shared>>) offsets(%dma_start3A_630 : memref<128xi32, #tpu.memory_space<vmem>>) semaphore(%arg12 : memref<!tpu.dma_semaphore, #tpu.memory_space<semaphore_mem>>) {add = true}
      %dma_wait3A_634 = arith.constant 20 : i32
      %dma_wait3A_635 = arith.constant 0 : i32
      %dma_wait3A_636 = tpu.memref_slice %arg6[%dma_wait3A_634, %dma_wait3A_635] : memref<40x128xi32, #tpu.memory_space<vmem>> -> memref<1x128xi32, #tpu.memory_space<vmem>>
      %dma_wait3A_637 = tpu.memref_squeeze %dma_wait3A_636 : memref<1x128xi32, #tpu.memory_space<vmem>> -> memref<128xi32, #tpu.memory_space<vmem>>
      %dma_wait3A_638 = arith.constant 0 : i32
      %dma_wait3A_639 = arith.constant 0 : i32
      %dma_wait3A_640 = tpu.memref_slice %arg9[%dma_wait3A_638, %dma_wait3A_639] : memref<10112x128xf32, #tpu.memory_space<vmem_shared>> -> memref<10112x128xf32, #tpu.memory_space<vmem_shared>>
      tpu.wait_indirect_dma semaphore(%arg12 : memref<!tpu.dma_semaphore, #tpu.memory_space<semaphore_mem>>) src(%arg7 : memref<128x128xf32, #tpu.memory_space<vmem>>) dst(%dma_wait3A_640 : memref<10112x128xf32, #tpu.memory_space<vmem_shared>>)
      %dma_start3A_641 = arith.constant 22 : i32
      %dma_start3A_642 = arith.constant 0 : i32
      %dma_start3A_643 = tpu.memref_slice %arg5[%dma_start3A_641, %dma_start3A_642] : memref<40x128xi32, #tpu.memory_space<vmem>> -> memref<1x128xi32, #tpu.memory_space<vmem>>
      %dma_start3A_644 = tpu.memref_squeeze %dma_start3A_643 : memref<1x128xi32, #tpu.memory_space<vmem>> -> memref<128xi32, #tpu.memory_space<vmem>>
      %dma_start3A_645 = arith.constant 0 : i32
      %dma_start3A_646 = arith.constant 0 : i32
      %dma_start3A_647 = tpu.memref_slice %arg2[%dma_start3A_645, %dma_start3A_646] : memref<10112x128xf32, #tpu.memory_space<hbm>> -> memref<10112x128xf32, #tpu.memory_space<hbm>>
      tpu.enqueue_indirect_dma source(%dma_start3A_647 : memref<10112x128xf32, #tpu.memory_space<hbm>>) target(%arg7 : memref<128x128xf32, #tpu.memory_space<vmem>>) offsets(%dma_start3A_644 : memref<128xi32, #tpu.memory_space<vmem>>) semaphore(%arg10 : memref<!tpu.dma_semaphore, #tpu.memory_space<semaphore_mem>>)
      %dma_wait3A_648 = arith.constant 21 : i32
      %dma_wait3A_649 = arith.constant 0 : i32
      %dma_wait3A_650 = tpu.memref_slice %arg5[%dma_wait3A_648, %dma_wait3A_649] : memref<40x128xi32, #tpu.memory_space<vmem>> -> memref<1x128xi32, #tpu.memory_space<vmem>>
      %dma_wait3A_651 = tpu.memref_squeeze %dma_wait3A_650 : memref<1x128xi32, #tpu.memory_space<vmem>> -> memref<128xi32, #tpu.memory_space<vmem>>
      %dma_wait3A_652 = arith.constant 0 : i32
      %dma_wait3A_653 = arith.constant 0 : i32
      %dma_wait3A_654 = tpu.memref_slice %arg2[%dma_wait3A_652, %dma_wait3A_653] : memref<10112x128xf32, #tpu.memory_space<hbm>> -> memref<10112x128xf32, #tpu.memory_space<hbm>>
      tpu.wait_indirect_dma semaphore(%arg11 : memref<!tpu.dma_semaphore, #tpu.memory_space<semaphore_mem>>) src(%dma_wait3A_654 : memref<10112x128xf32, #tpu.memory_space<hbm>>) dst(%arg8 : memref<128x128xf32, #tpu.memory_space<vmem>>)
      %dma_start3A_655 = arith.constant 21 : i32
      %dma_start3A_656 = arith.constant 0 : i32
      %dma_start3A_657 = tpu.memref_slice %arg6[%dma_start3A_655, %dma_start3A_656] : memref<40x128xi32, #tpu.memory_space<vmem>> -> memref<1x128xi32, #tpu.memory_space<vmem>>
      %dma_start3A_658 = tpu.memref_squeeze %dma_start3A_657 : memref<1x128xi32, #tpu.memory_space<vmem>> -> memref<128xi32, #tpu.memory_space<vmem>>
      %dma_start3A_659 = arith.constant 0 : i32
      %dma_start3A_660 = arith.constant 0 : i32
      %dma_start3A_661 = tpu.memref_slice %arg9[%dma_start3A_659, %dma_start3A_660] : memref<10112x128xf32, #tpu.memory_space<vmem_shared>> -> memref<10112x128xf32, #tpu.memory_space<vmem_shared>>
      tpu.enqueue_indirect_dma source(%arg8 : memref<128x128xf32, #tpu.memory_space<vmem>>) target(%dma_start3A_661 : memref<10112x128xf32, #tpu.memory_space<vmem_shared>>) offsets(%dma_start3A_658 : memref<128xi32, #tpu.memory_space<vmem>>) semaphore(%arg13 : memref<!tpu.dma_semaphore, #tpu.memory_space<semaphore_mem>>) {add = true}
      %dma_wait3A_662 = arith.constant 21 : i32
      %dma_wait3A_663 = arith.constant 0 : i32
      %dma_wait3A_664 = tpu.memref_slice %arg6[%dma_wait3A_662, %dma_wait3A_663] : memref<40x128xi32, #tpu.memory_space<vmem>> -> memref<1x128xi32, #tpu.memory_space<vmem>>
      %dma_wait3A_665 = tpu.memref_squeeze %dma_wait3A_664 : memref<1x128xi32, #tpu.memory_space<vmem>> -> memref<128xi32, #tpu.memory_space<vmem>>
      %dma_wait3A_666 = arith.constant 0 : i32
      %dma_wait3A_667 = arith.constant 0 : i32
      %dma_wait3A_668 = tpu.memref_slice %arg9[%dma_wait3A_666, %dma_wait3A_667] : memref<10112x128xf32, #tpu.memory_space<vmem_shared>> -> memref<10112x128xf32, #tpu.memory_space<vmem_shared>>
      tpu.wait_indirect_dma semaphore(%arg13 : memref<!tpu.dma_semaphore, #tpu.memory_space<semaphore_mem>>) src(%arg8 : memref<128x128xf32, #tpu.memory_space<vmem>>) dst(%dma_wait3A_668 : memref<10112x128xf32, #tpu.memory_space<vmem_shared>>)
      %dma_start3A_669 = arith.constant 23 : i32
      %dma_start3A_670 = arith.constant 0 : i32
      %dma_start3A_671 = tpu.memref_slice %arg5[%dma_start3A_669, %dma_start3A_670] : memref<40x128xi32, #tpu.memory_space<vmem>> -> memref<1x128xi32, #tpu.memory_space<vmem>>
      %dma_start3A_672 = tpu.memref_squeeze %dma_start3A_671 : memref<1x128xi32, #tpu.memory_space<vmem>> -> memref<128xi32, #tpu.memory_space<vmem>>
      %dma_start3A_673 = arith.constant 0 : i32
      %dma_start3A_674 = arith.constant 0 : i32
      %dma_start3A_675 = tpu.memref_slice %arg2[%dma_start3A_673, %dma_start3A_674] : memref<10112x128xf32, #tpu.memory_space<hbm>> -> memref<10112x128xf32, #tpu.memory_space<hbm>>
      tpu.enqueue_indirect_dma source(%dma_start3A_675 : memref<10112x128xf32, #tpu.memory_space<hbm>>) target(%arg8 : memref<128x128xf32, #tpu.memory_space<vmem>>) offsets(%dma_start3A_672 : memref<128xi32, #tpu.memory_space<vmem>>) semaphore(%arg11 : memref<!tpu.dma_semaphore, #tpu.memory_space<semaphore_mem>>)
      %dma_wait3A_676 = arith.constant 22 : i32
      %dma_wait3A_677 = arith.constant 0 : i32
      %dma_wait3A_678 = tpu.memref_slice %arg5[%dma_wait3A_676, %dma_wait3A_677] : memref<40x128xi32, #tpu.memory_space<vmem>> -> memref<1x128xi32, #tpu.memory_space<vmem>>
      %dma_wait3A_679 = tpu.memref_squeeze %dma_wait3A_678 : memref<1x128xi32, #tpu.memory_space<vmem>> -> memref<128xi32, #tpu.memory_space<vmem>>
      %dma_wait3A_680 = arith.constant 0 : i32
      %dma_wait3A_681 = arith.constant 0 : i32
      %dma_wait3A_682 = tpu.memref_slice %arg2[%dma_wait3A_680, %dma_wait3A_681] : memref<10112x128xf32, #tpu.memory_space<hbm>> -> memref<10112x128xf32, #tpu.memory_space<hbm>>
      tpu.wait_indirect_dma semaphore(%arg10 : memref<!tpu.dma_semaphore, #tpu.memory_space<semaphore_mem>>) src(%dma_wait3A_682 : memref<10112x128xf32, #tpu.memory_space<hbm>>) dst(%arg7 : memref<128x128xf32, #tpu.memory_space<vmem>>)
      %dma_start3A_683 = arith.constant 22 : i32
      %dma_start3A_684 = arith.constant 0 : i32
      %dma_start3A_685 = tpu.memref_slice %arg6[%dma_start3A_683, %dma_start3A_684] : memref<40x128xi32, #tpu.memory_space<vmem>> -> memref<1x128xi32, #tpu.memory_space<vmem>>
      %dma_start3A_686 = tpu.memref_squeeze %dma_start3A_685 : memref<1x128xi32, #tpu.memory_space<vmem>> -> memref<128xi32, #tpu.memory_space<vmem>>
      %dma_start3A_687 = arith.constant 0 : i32
      %dma_start3A_688 = arith.constant 0 : i32
      %dma_start3A_689 = tpu.memref_slice %arg9[%dma_start3A_687, %dma_start3A_688] : memref<10112x128xf32, #tpu.memory_space<vmem_shared>> -> memref<10112x128xf32, #tpu.memory_space<vmem_shared>>
      tpu.enqueue_indirect_dma source(%arg7 : memref<128x128xf32, #tpu.memory_space<vmem>>) target(%dma_start3A_689 : memref<10112x128xf32, #tpu.memory_space<vmem_shared>>) offsets(%dma_start3A_686 : memref<128xi32, #tpu.memory_space<vmem>>) semaphore(%arg12 : memref<!tpu.dma_semaphore, #tpu.memory_space<semaphore_mem>>) {add = true}
      %dma_wait3A_690 = arith.constant 22 : i32
      %dma_wait3A_691 = arith.constant 0 : i32
      %dma_wait3A_692 = tpu.memref_slice %arg6[%dma_wait3A_690, %dma_wait3A_691] : memref<40x128xi32, #tpu.memory_space<vmem>> -> memref<1x128xi32, #tpu.memory_space<vmem>>
      %dma_wait3A_693 = tpu.memref_squeeze %dma_wait3A_692 : memref<1x128xi32, #tpu.memory_space<vmem>> -> memref<128xi32, #tpu.memory_space<vmem>>
      %dma_wait3A_694 = arith.constant 0 : i32
      %dma_wait3A_695 = arith.constant 0 : i32
      %dma_wait3A_696 = tpu.memref_slice %arg9[%dma_wait3A_694, %dma_wait3A_695] : memref<10112x128xf32, #tpu.memory_space<vmem_shared>> -> memref<10112x128xf32, #tpu.memory_space<vmem_shared>>
      tpu.wait_indirect_dma semaphore(%arg12 : memref<!tpu.dma_semaphore, #tpu.memory_space<semaphore_mem>>) src(%arg7 : memref<128x128xf32, #tpu.memory_space<vmem>>) dst(%dma_wait3A_696 : memref<10112x128xf32, #tpu.memory_space<vmem_shared>>)
      %dma_start3A_697 = arith.constant 24 : i32
      %dma_start3A_698 = arith.constant 0 : i32
      %dma_start3A_699 = tpu.memref_slice %arg5[%dma_start3A_697, %dma_start3A_698] : memref<40x128xi32, #tpu.memory_space<vmem>> -> memref<1x128xi32, #tpu.memory_space<vmem>>
      %dma_start3A_700 = tpu.memref_squeeze %dma_start3A_699 : memref<1x128xi32, #tpu.memory_space<vmem>> -> memref<128xi32, #tpu.memory_space<vmem>>
      %dma_start3A_701 = arith.constant 0 : i32
      %dma_start3A_702 = arith.constant 0 : i32
      %dma_start3A_703 = tpu.memref_slice %arg2[%dma_start3A_701, %dma_start3A_702] : memref<10112x128xf32, #tpu.memory_space<hbm>> -> memref<10112x128xf32, #tpu.memory_space<hbm>>
      tpu.enqueue_indirect_dma source(%dma_start3A_703 : memref<10112x128xf32, #tpu.memory_space<hbm>>) target(%arg7 : memref<128x128xf32, #tpu.memory_space<vmem>>) offsets(%dma_start3A_700 : memref<128xi32, #tpu.memory_space<vmem>>) semaphore(%arg10 : memref<!tpu.dma_semaphore, #tpu.memory_space<semaphore_mem>>)
      %dma_wait3A_704 = arith.constant 23 : i32
      %dma_wait3A_705 = arith.constant 0 : i32
      %dma_wait3A_706 = tpu.memref_slice %arg5[%dma_wait3A_704, %dma_wait3A_705] : memref<40x128xi32, #tpu.memory_space<vmem>> -> memref<1x128xi32, #tpu.memory_space<vmem>>
      %dma_wait3A_707 = tpu.memref_squeeze %dma_wait3A_706 : memref<1x128xi32, #tpu.memory_space<vmem>> -> memref<128xi32, #tpu.memory_space<vmem>>
      %dma_wait3A_708 = arith.constant 0 : i32
      %dma_wait3A_709 = arith.constant 0 : i32
      %dma_wait3A_710 = tpu.memref_slice %arg2[%dma_wait3A_708, %dma_wait3A_709] : memref<10112x128xf32, #tpu.memory_space<hbm>> -> memref<10112x128xf32, #tpu.memory_space<hbm>>
      tpu.wait_indirect_dma semaphore(%arg11 : memref<!tpu.dma_semaphore, #tpu.memory_space<semaphore_mem>>) src(%dma_wait3A_710 : memref<10112x128xf32, #tpu.memory_space<hbm>>) dst(%arg8 : memref<128x128xf32, #tpu.memory_space<vmem>>)
      %dma_start3A_711 = arith.constant 23 : i32
      %dma_start3A_712 = arith.constant 0 : i32
      %dma_start3A_713 = tpu.memref_slice %arg6[%dma_start3A_711, %dma_start3A_712] : memref<40x128xi32, #tpu.memory_space<vmem>> -> memref<1x128xi32, #tpu.memory_space<vmem>>
      %dma_start3A_714 = tpu.memref_squeeze %dma_start3A_713 : memref<1x128xi32, #tpu.memory_space<vmem>> -> memref<128xi32, #tpu.memory_space<vmem>>
      %dma_start3A_715 = arith.constant 0 : i32
      %dma_start3A_716 = arith.constant 0 : i32
      %dma_start3A_717 = tpu.memref_slice %arg9[%dma_start3A_715, %dma_start3A_716] : memref<10112x128xf32, #tpu.memory_space<vmem_shared>> -> memref<10112x128xf32, #tpu.memory_space<vmem_shared>>
      tpu.enqueue_indirect_dma source(%arg8 : memref<128x128xf32, #tpu.memory_space<vmem>>) target(%dma_start3A_717 : memref<10112x128xf32, #tpu.memory_space<vmem_shared>>) offsets(%dma_start3A_714 : memref<128xi32, #tpu.memory_space<vmem>>) semaphore(%arg13 : memref<!tpu.dma_semaphore, #tpu.memory_space<semaphore_mem>>) {add = true}
      %dma_wait3A_718 = arith.constant 23 : i32
      %dma_wait3A_719 = arith.constant 0 : i32
      %dma_wait3A_720 = tpu.memref_slice %arg6[%dma_wait3A_718, %dma_wait3A_719] : memref<40x128xi32, #tpu.memory_space<vmem>> -> memref<1x128xi32, #tpu.memory_space<vmem>>
      %dma_wait3A_721 = tpu.memref_squeeze %dma_wait3A_720 : memref<1x128xi32, #tpu.memory_space<vmem>> -> memref<128xi32, #tpu.memory_space<vmem>>
      %dma_wait3A_722 = arith.constant 0 : i32
      %dma_wait3A_723 = arith.constant 0 : i32
      %dma_wait3A_724 = tpu.memref_slice %arg9[%dma_wait3A_722, %dma_wait3A_723] : memref<10112x128xf32, #tpu.memory_space<vmem_shared>> -> memref<10112x128xf32, #tpu.memory_space<vmem_shared>>
      tpu.wait_indirect_dma semaphore(%arg13 : memref<!tpu.dma_semaphore, #tpu.memory_space<semaphore_mem>>) src(%arg8 : memref<128x128xf32, #tpu.memory_space<vmem>>) dst(%dma_wait3A_724 : memref<10112x128xf32, #tpu.memory_space<vmem_shared>>)
      %dma_start3A_725 = arith.constant 25 : i32
      %dma_start3A_726 = arith.constant 0 : i32
      %dma_start3A_727 = tpu.memref_slice %arg5[%dma_start3A_725, %dma_start3A_726] : memref<40x128xi32, #tpu.memory_space<vmem>> -> memref<1x128xi32, #tpu.memory_space<vmem>>
      %dma_start3A_728 = tpu.memref_squeeze %dma_start3A_727 : memref<1x128xi32, #tpu.memory_space<vmem>> -> memref<128xi32, #tpu.memory_space<vmem>>
      %dma_start3A_729 = arith.constant 0 : i32
      %dma_start3A_730 = arith.constant 0 : i32
      %dma_start3A_731 = tpu.memref_slice %arg2[%dma_start3A_729, %dma_start3A_730] : memref<10112x128xf32, #tpu.memory_space<hbm>> -> memref<10112x128xf32, #tpu.memory_space<hbm>>
      tpu.enqueue_indirect_dma source(%dma_start3A_731 : memref<10112x128xf32, #tpu.memory_space<hbm>>) target(%arg8 : memref<128x128xf32, #tpu.memory_space<vmem>>) offsets(%dma_start3A_728 : memref<128xi32, #tpu.memory_space<vmem>>) semaphore(%arg11 : memref<!tpu.dma_semaphore, #tpu.memory_space<semaphore_mem>>)
      %dma_wait3A_732 = arith.constant 24 : i32
      %dma_wait3A_733 = arith.constant 0 : i32
      %dma_wait3A_734 = tpu.memref_slice %arg5[%dma_wait3A_732, %dma_wait3A_733] : memref<40x128xi32, #tpu.memory_space<vmem>> -> memref<1x128xi32, #tpu.memory_space<vmem>>
      %dma_wait3A_735 = tpu.memref_squeeze %dma_wait3A_734 : memref<1x128xi32, #tpu.memory_space<vmem>> -> memref<128xi32, #tpu.memory_space<vmem>>
      %dma_wait3A_736 = arith.constant 0 : i32
      %dma_wait3A_737 = arith.constant 0 : i32
      %dma_wait3A_738 = tpu.memref_slice %arg2[%dma_wait3A_736, %dma_wait3A_737] : memref<10112x128xf32, #tpu.memory_space<hbm>> -> memref<10112x128xf32, #tpu.memory_space<hbm>>
      tpu.wait_indirect_dma semaphore(%arg10 : memref<!tpu.dma_semaphore, #tpu.memory_space<semaphore_mem>>) src(%dma_wait3A_738 : memref<10112x128xf32, #tpu.memory_space<hbm>>) dst(%arg7 : memref<128x128xf32, #tpu.memory_space<vmem>>)
      %dma_start3A_739 = arith.constant 24 : i32
      %dma_start3A_740 = arith.constant 0 : i32
      %dma_start3A_741 = tpu.memref_slice %arg6[%dma_start3A_739, %dma_start3A_740] : memref<40x128xi32, #tpu.memory_space<vmem>> -> memref<1x128xi32, #tpu.memory_space<vmem>>
      %dma_start3A_742 = tpu.memref_squeeze %dma_start3A_741 : memref<1x128xi32, #tpu.memory_space<vmem>> -> memref<128xi32, #tpu.memory_space<vmem>>
      %dma_start3A_743 = arith.constant 0 : i32
      %dma_start3A_744 = arith.constant 0 : i32
      %dma_start3A_745 = tpu.memref_slice %arg9[%dma_start3A_743, %dma_start3A_744] : memref<10112x128xf32, #tpu.memory_space<vmem_shared>> -> memref<10112x128xf32, #tpu.memory_space<vmem_shared>>
      tpu.enqueue_indirect_dma source(%arg7 : memref<128x128xf32, #tpu.memory_space<vmem>>) target(%dma_start3A_745 : memref<10112x128xf32, #tpu.memory_space<vmem_shared>>) offsets(%dma_start3A_742 : memref<128xi32, #tpu.memory_space<vmem>>) semaphore(%arg12 : memref<!tpu.dma_semaphore, #tpu.memory_space<semaphore_mem>>) {add = true}
      %dma_wait3A_746 = arith.constant 24 : i32
      %dma_wait3A_747 = arith.constant 0 : i32
      %dma_wait3A_748 = tpu.memref_slice %arg6[%dma_wait3A_746, %dma_wait3A_747] : memref<40x128xi32, #tpu.memory_space<vmem>> -> memref<1x128xi32, #tpu.memory_space<vmem>>
      %dma_wait3A_749 = tpu.memref_squeeze %dma_wait3A_748 : memref<1x128xi32, #tpu.memory_space<vmem>> -> memref<128xi32, #tpu.memory_space<vmem>>
      %dma_wait3A_750 = arith.constant 0 : i32
      %dma_wait3A_751 = arith.constant 0 : i32
      %dma_wait3A_752 = tpu.memref_slice %arg9[%dma_wait3A_750, %dma_wait3A_751] : memref<10112x128xf32, #tpu.memory_space<vmem_shared>> -> memref<10112x128xf32, #tpu.memory_space<vmem_shared>>
      tpu.wait_indirect_dma semaphore(%arg12 : memref<!tpu.dma_semaphore, #tpu.memory_space<semaphore_mem>>) src(%arg7 : memref<128x128xf32, #tpu.memory_space<vmem>>) dst(%dma_wait3A_752 : memref<10112x128xf32, #tpu.memory_space<vmem_shared>>)
      %dma_start3A_753 = arith.constant 26 : i32
      %dma_start3A_754 = arith.constant 0 : i32
      %dma_start3A_755 = tpu.memref_slice %arg5[%dma_start3A_753, %dma_start3A_754] : memref<40x128xi32, #tpu.memory_space<vmem>> -> memref<1x128xi32, #tpu.memory_space<vmem>>
      %dma_start3A_756 = tpu.memref_squeeze %dma_start3A_755 : memref<1x128xi32, #tpu.memory_space<vmem>> -> memref<128xi32, #tpu.memory_space<vmem>>
      %dma_start3A_757 = arith.constant 0 : i32
      %dma_start3A_758 = arith.constant 0 : i32
      %dma_start3A_759 = tpu.memref_slice %arg2[%dma_start3A_757, %dma_start3A_758] : memref<10112x128xf32, #tpu.memory_space<hbm>> -> memref<10112x128xf32, #tpu.memory_space<hbm>>
      tpu.enqueue_indirect_dma source(%dma_start3A_759 : memref<10112x128xf32, #tpu.memory_space<hbm>>) target(%arg7 : memref<128x128xf32, #tpu.memory_space<vmem>>) offsets(%dma_start3A_756 : memref<128xi32, #tpu.memory_space<vmem>>) semaphore(%arg10 : memref<!tpu.dma_semaphore, #tpu.memory_space<semaphore_mem>>)
      %dma_wait3A_760 = arith.constant 25 : i32
      %dma_wait3A_761 = arith.constant 0 : i32
      %dma_wait3A_762 = tpu.memref_slice %arg5[%dma_wait3A_760, %dma_wait3A_761] : memref<40x128xi32, #tpu.memory_space<vmem>> -> memref<1x128xi32, #tpu.memory_space<vmem>>
      %dma_wait3A_763 = tpu.memref_squeeze %dma_wait3A_762 : memref<1x128xi32, #tpu.memory_space<vmem>> -> memref<128xi32, #tpu.memory_space<vmem>>
      %dma_wait3A_764 = arith.constant 0 : i32
      %dma_wait3A_765 = arith.constant 0 : i32
      %dma_wait3A_766 = tpu.memref_slice %arg2[%dma_wait3A_764, %dma_wait3A_765] : memref<10112x128xf32, #tpu.memory_space<hbm>> -> memref<10112x128xf32, #tpu.memory_space<hbm>>
      tpu.wait_indirect_dma semaphore(%arg11 : memref<!tpu.dma_semaphore, #tpu.memory_space<semaphore_mem>>) src(%dma_wait3A_766 : memref<10112x128xf32, #tpu.memory_space<hbm>>) dst(%arg8 : memref<128x128xf32, #tpu.memory_space<vmem>>)
      %dma_start3A_767 = arith.constant 25 : i32
      %dma_start3A_768 = arith.constant 0 : i32
      %dma_start3A_769 = tpu.memref_slice %arg6[%dma_start3A_767, %dma_start3A_768] : memref<40x128xi32, #tpu.memory_space<vmem>> -> memref<1x128xi32, #tpu.memory_space<vmem>>
      %dma_start3A_770 = tpu.memref_squeeze %dma_start3A_769 : memref<1x128xi32, #tpu.memory_space<vmem>> -> memref<128xi32, #tpu.memory_space<vmem>>
      %dma_start3A_771 = arith.constant 0 : i32
      %dma_start3A_772 = arith.constant 0 : i32
      %dma_start3A_773 = tpu.memref_slice %arg9[%dma_start3A_771, %dma_start3A_772] : memref<10112x128xf32, #tpu.memory_space<vmem_shared>> -> memref<10112x128xf32, #tpu.memory_space<vmem_shared>>
      tpu.enqueue_indirect_dma source(%arg8 : memref<128x128xf32, #tpu.memory_space<vmem>>) target(%dma_start3A_773 : memref<10112x128xf32, #tpu.memory_space<vmem_shared>>) offsets(%dma_start3A_770 : memref<128xi32, #tpu.memory_space<vmem>>) semaphore(%arg13 : memref<!tpu.dma_semaphore, #tpu.memory_space<semaphore_mem>>) {add = true}
      %dma_wait3A_774 = arith.constant 25 : i32
      %dma_wait3A_775 = arith.constant 0 : i32
      %dma_wait3A_776 = tpu.memref_slice %arg6[%dma_wait3A_774, %dma_wait3A_775] : memref<40x128xi32, #tpu.memory_space<vmem>> -> memref<1x128xi32, #tpu.memory_space<vmem>>
      %dma_wait3A_777 = tpu.memref_squeeze %dma_wait3A_776 : memref<1x128xi32, #tpu.memory_space<vmem>> -> memref<128xi32, #tpu.memory_space<vmem>>
      %dma_wait3A_778 = arith.constant 0 : i32
      %dma_wait3A_779 = arith.constant 0 : i32
      %dma_wait3A_780 = tpu.memref_slice %arg9[%dma_wait3A_778, %dma_wait3A_779] : memref<10112x128xf32, #tpu.memory_space<vmem_shared>> -> memref<10112x128xf32, #tpu.memory_space<vmem_shared>>
      tpu.wait_indirect_dma semaphore(%arg13 : memref<!tpu.dma_semaphore, #tpu.memory_space<semaphore_mem>>) src(%arg8 : memref<128x128xf32, #tpu.memory_space<vmem>>) dst(%dma_wait3A_780 : memref<10112x128xf32, #tpu.memory_space<vmem_shared>>)
      %dma_start3A_781 = arith.constant 27 : i32
      %dma_start3A_782 = arith.constant 0 : i32
      %dma_start3A_783 = tpu.memref_slice %arg5[%dma_start3A_781, %dma_start3A_782] : memref<40x128xi32, #tpu.memory_space<vmem>> -> memref<1x128xi32, #tpu.memory_space<vmem>>
      %dma_start3A_784 = tpu.memref_squeeze %dma_start3A_783 : memref<1x128xi32, #tpu.memory_space<vmem>> -> memref<128xi32, #tpu.memory_space<vmem>>
      %dma_start3A_785 = arith.constant 0 : i32
      %dma_start3A_786 = arith.constant 0 : i32
      %dma_start3A_787 = tpu.memref_slice %arg2[%dma_start3A_785, %dma_start3A_786] : memref<10112x128xf32, #tpu.memory_space<hbm>> -> memref<10112x128xf32, #tpu.memory_space<hbm>>
      tpu.enqueue_indirect_dma source(%dma_start3A_787 : memref<10112x128xf32, #tpu.memory_space<hbm>>) target(%arg8 : memref<128x128xf32, #tpu.memory_space<vmem>>) offsets(%dma_start3A_784 : memref<128xi32, #tpu.memory_space<vmem>>) semaphore(%arg11 : memref<!tpu.dma_semaphore, #tpu.memory_space<semaphore_mem>>)
      %dma_wait3A_788 = arith.constant 26 : i32
      %dma_wait3A_789 = arith.constant 0 : i32
      %dma_wait3A_790 = tpu.memref_slice %arg5[%dma_wait3A_788, %dma_wait3A_789] : memref<40x128xi32, #tpu.memory_space<vmem>> -> memref<1x128xi32, #tpu.memory_space<vmem>>
      %dma_wait3A_791 = tpu.memref_squeeze %dma_wait3A_790 : memref<1x128xi32, #tpu.memory_space<vmem>> -> memref<128xi32, #tpu.memory_space<vmem>>
      %dma_wait3A_792 = arith.constant 0 : i32
      %dma_wait3A_793 = arith.constant 0 : i32
      %dma_wait3A_794 = tpu.memref_slice %arg2[%dma_wait3A_792, %dma_wait3A_793] : memref<10112x128xf32, #tpu.memory_space<hbm>> -> memref<10112x128xf32, #tpu.memory_space<hbm>>
      tpu.wait_indirect_dma semaphore(%arg10 : memref<!tpu.dma_semaphore, #tpu.memory_space<semaphore_mem>>) src(%dma_wait3A_794 : memref<10112x128xf32, #tpu.memory_space<hbm>>) dst(%arg7 : memref<128x128xf32, #tpu.memory_space<vmem>>)
      %dma_start3A_795 = arith.constant 26 : i32
      %dma_start3A_796 = arith.constant 0 : i32
      %dma_start3A_797 = tpu.memref_slice %arg6[%dma_start3A_795, %dma_start3A_796] : memref<40x128xi32, #tpu.memory_space<vmem>> -> memref<1x128xi32, #tpu.memory_space<vmem>>
      %dma_start3A_798 = tpu.memref_squeeze %dma_start3A_797 : memref<1x128xi32, #tpu.memory_space<vmem>> -> memref<128xi32, #tpu.memory_space<vmem>>
      %dma_start3A_799 = arith.constant 0 : i32
      %dma_start3A_800 = arith.constant 0 : i32
      %dma_start3A_801 = tpu.memref_slice %arg9[%dma_start3A_799, %dma_start3A_800] : memref<10112x128xf32, #tpu.memory_space<vmem_shared>> -> memref<10112x128xf32, #tpu.memory_space<vmem_shared>>
      tpu.enqueue_indirect_dma source(%arg7 : memref<128x128xf32, #tpu.memory_space<vmem>>) target(%dma_start3A_801 : memref<10112x128xf32, #tpu.memory_space<vmem_shared>>) offsets(%dma_start3A_798 : memref<128xi32, #tpu.memory_space<vmem>>) semaphore(%arg12 : memref<!tpu.dma_semaphore, #tpu.memory_space<semaphore_mem>>) {add = true}
      %dma_wait3A_802 = arith.constant 26 : i32
      %dma_wait3A_803 = arith.constant 0 : i32
      %dma_wait3A_804 = tpu.memref_slice %arg6[%dma_wait3A_802, %dma_wait3A_803] : memref<40x128xi32, #tpu.memory_space<vmem>> -> memref<1x128xi32, #tpu.memory_space<vmem>>
      %dma_wait3A_805 = tpu.memref_squeeze %dma_wait3A_804 : memref<1x128xi32, #tpu.memory_space<vmem>> -> memref<128xi32, #tpu.memory_space<vmem>>
      %dma_wait3A_806 = arith.constant 0 : i32
      %dma_wait3A_807 = arith.constant 0 : i32
      %dma_wait3A_808 = tpu.memref_slice %arg9[%dma_wait3A_806, %dma_wait3A_807] : memref<10112x128xf32, #tpu.memory_space<vmem_shared>> -> memref<10112x128xf32, #tpu.memory_space<vmem_shared>>
      tpu.wait_indirect_dma semaphore(%arg12 : memref<!tpu.dma_semaphore, #tpu.memory_space<semaphore_mem>>) src(%arg7 : memref<128x128xf32, #tpu.memory_space<vmem>>) dst(%dma_wait3A_808 : memref<10112x128xf32, #tpu.memory_space<vmem_shared>>)
      %dma_start3A_809 = arith.constant 28 : i32
      %dma_start3A_810 = arith.constant 0 : i32
      %dma_start3A_811 = tpu.memref_slice %arg5[%dma_start3A_809, %dma_start3A_810] : memref<40x128xi32, #tpu.memory_space<vmem>> -> memref<1x128xi32, #tpu.memory_space<vmem>>
      %dma_start3A_812 = tpu.memref_squeeze %dma_start3A_811 : memref<1x128xi32, #tpu.memory_space<vmem>> -> memref<128xi32, #tpu.memory_space<vmem>>
      %dma_start3A_813 = arith.constant 0 : i32
      %dma_start3A_814 = arith.constant 0 : i32
      %dma_start3A_815 = tpu.memref_slice %arg2[%dma_start3A_813, %dma_start3A_814] : memref<10112x128xf32, #tpu.memory_space<hbm>> -> memref<10112x128xf32, #tpu.memory_space<hbm>>
      tpu.enqueue_indirect_dma source(%dma_start3A_815 : memref<10112x128xf32, #tpu.memory_space<hbm>>) target(%arg7 : memref<128x128xf32, #tpu.memory_space<vmem>>) offsets(%dma_start3A_812 : memref<128xi32, #tpu.memory_space<vmem>>) semaphore(%arg10 : memref<!tpu.dma_semaphore, #tpu.memory_space<semaphore_mem>>)
      %dma_wait3A_816 = arith.constant 27 : i32
      %dma_wait3A_817 = arith.constant 0 : i32
      %dma_wait3A_818 = tpu.memref_slice %arg5[%dma_wait3A_816, %dma_wait3A_817] : memref<40x128xi32, #tpu.memory_space<vmem>> -> memref<1x128xi32, #tpu.memory_space<vmem>>
      %dma_wait3A_819 = tpu.memref_squeeze %dma_wait3A_818 : memref<1x128xi32, #tpu.memory_space<vmem>> -> memref<128xi32, #tpu.memory_space<vmem>>
      %dma_wait3A_820 = arith.constant 0 : i32
      %dma_wait3A_821 = arith.constant 0 : i32
      %dma_wait3A_822 = tpu.memref_slice %arg2[%dma_wait3A_820, %dma_wait3A_821] : memref<10112x128xf32, #tpu.memory_space<hbm>> -> memref<10112x128xf32, #tpu.memory_space<hbm>>
      tpu.wait_indirect_dma semaphore(%arg11 : memref<!tpu.dma_semaphore, #tpu.memory_space<semaphore_mem>>) src(%dma_wait3A_822 : memref<10112x128xf32, #tpu.memory_space<hbm>>) dst(%arg8 : memref<128x128xf32, #tpu.memory_space<vmem>>)
      %dma_start3A_823 = arith.constant 27 : i32
      %dma_start3A_824 = arith.constant 0 : i32
      %dma_start3A_825 = tpu.memref_slice %arg6[%dma_start3A_823, %dma_start3A_824] : memref<40x128xi32, #tpu.memory_space<vmem>> -> memref<1x128xi32, #tpu.memory_space<vmem>>
      %dma_start3A_826 = tpu.memref_squeeze %dma_start3A_825 : memref<1x128xi32, #tpu.memory_space<vmem>> -> memref<128xi32, #tpu.memory_space<vmem>>
      %dma_start3A_827 = arith.constant 0 : i32
      %dma_start3A_828 = arith.constant 0 : i32
      %dma_start3A_829 = tpu.memref_slice %arg9[%dma_start3A_827, %dma_start3A_828] : memref<10112x128xf32, #tpu.memory_space<vmem_shared>> -> memref<10112x128xf32, #tpu.memory_space<vmem_shared>>
      tpu.enqueue_indirect_dma source(%arg8 : memref<128x128xf32, #tpu.memory_space<vmem>>) target(%dma_start3A_829 : memref<10112x128xf32, #tpu.memory_space<vmem_shared>>) offsets(%dma_start3A_826 : memref<128xi32, #tpu.memory_space<vmem>>) semaphore(%arg13 : memref<!tpu.dma_semaphore, #tpu.memory_space<semaphore_mem>>) {add = true}
      %dma_wait3A_830 = arith.constant 27 : i32
      %dma_wait3A_831 = arith.constant 0 : i32
      %dma_wait3A_832 = tpu.memref_slice %arg6[%dma_wait3A_830, %dma_wait3A_831] : memref<40x128xi32, #tpu.memory_space<vmem>> -> memref<1x128xi32, #tpu.memory_space<vmem>>
      %dma_wait3A_833 = tpu.memref_squeeze %dma_wait3A_832 : memref<1x128xi32, #tpu.memory_space<vmem>> -> memref<128xi32, #tpu.memory_space<vmem>>
      %dma_wait3A_834 = arith.constant 0 : i32
      %dma_wait3A_835 = arith.constant 0 : i32
      %dma_wait3A_836 = tpu.memref_slice %arg9[%dma_wait3A_834, %dma_wait3A_835] : memref<10112x128xf32, #tpu.memory_space<vmem_shared>> -> memref<10112x128xf32, #tpu.memory_space<vmem_shared>>
      tpu.wait_indirect_dma semaphore(%arg13 : memref<!tpu.dma_semaphore, #tpu.memory_space<semaphore_mem>>) src(%arg8 : memref<128x128xf32, #tpu.memory_space<vmem>>) dst(%dma_wait3A_836 : memref<10112x128xf32, #tpu.memory_space<vmem_shared>>)
      %dma_start3A_837 = arith.constant 29 : i32
      %dma_start3A_838 = arith.constant 0 : i32
      %dma_start3A_839 = tpu.memref_slice %arg5[%dma_start3A_837, %dma_start3A_838] : memref<40x128xi32, #tpu.memory_space<vmem>> -> memref<1x128xi32, #tpu.memory_space<vmem>>
      %dma_start3A_840 = tpu.memref_squeeze %dma_start3A_839 : memref<1x128xi32, #tpu.memory_space<vmem>> -> memref<128xi32, #tpu.memory_space<vmem>>
      %dma_start3A_841 = arith.constant 0 : i32
      %dma_start3A_842 = arith.constant 0 : i32
      %dma_start3A_843 = tpu.memref_slice %arg2[%dma_start3A_841, %dma_start3A_842] : memref<10112x128xf32, #tpu.memory_space<hbm>> -> memref<10112x128xf32, #tpu.memory_space<hbm>>
      tpu.enqueue_indirect_dma source(%dma_start3A_843 : memref<10112x128xf32, #tpu.memory_space<hbm>>) target(%arg8 : memref<128x128xf32, #tpu.memory_space<vmem>>) offsets(%dma_start3A_840 : memref<128xi32, #tpu.memory_space<vmem>>) semaphore(%arg11 : memref<!tpu.dma_semaphore, #tpu.memory_space<semaphore_mem>>)
      %dma_wait3A_844 = arith.constant 28 : i32
      %dma_wait3A_845 = arith.constant 0 : i32
      %dma_wait3A_846 = tpu.memref_slice %arg5[%dma_wait3A_844, %dma_wait3A_845] : memref<40x128xi32, #tpu.memory_space<vmem>> -> memref<1x128xi32, #tpu.memory_space<vmem>>
      %dma_wait3A_847 = tpu.memref_squeeze %dma_wait3A_846 : memref<1x128xi32, #tpu.memory_space<vmem>> -> memref<128xi32, #tpu.memory_space<vmem>>
      %dma_wait3A_848 = arith.constant 0 : i32
      %dma_wait3A_849 = arith.constant 0 : i32
      %dma_wait3A_850 = tpu.memref_slice %arg2[%dma_wait3A_848, %dma_wait3A_849] : memref<10112x128xf32, #tpu.memory_space<hbm>> -> memref<10112x128xf32, #tpu.memory_space<hbm>>
      tpu.wait_indirect_dma semaphore(%arg10 : memref<!tpu.dma_semaphore, #tpu.memory_space<semaphore_mem>>) src(%dma_wait3A_850 : memref<10112x128xf32, #tpu.memory_space<hbm>>) dst(%arg7 : memref<128x128xf32, #tpu.memory_space<vmem>>)
      %dma_start3A_851 = arith.constant 28 : i32
      %dma_start3A_852 = arith.constant 0 : i32
      %dma_start3A_853 = tpu.memref_slice %arg6[%dma_start3A_851, %dma_start3A_852] : memref<40x128xi32, #tpu.memory_space<vmem>> -> memref<1x128xi32, #tpu.memory_space<vmem>>
      %dma_start3A_854 = tpu.memref_squeeze %dma_start3A_853 : memref<1x128xi32, #tpu.memory_space<vmem>> -> memref<128xi32, #tpu.memory_space<vmem>>
      %dma_start3A_855 = arith.constant 0 : i32
      %dma_start3A_856 = arith.constant 0 : i32
      %dma_start3A_857 = tpu.memref_slice %arg9[%dma_start3A_855, %dma_start3A_856] : memref<10112x128xf32, #tpu.memory_space<vmem_shared>> -> memref<10112x128xf32, #tpu.memory_space<vmem_shared>>
      tpu.enqueue_indirect_dma source(%arg7 : memref<128x128xf32, #tpu.memory_space<vmem>>) target(%dma_start3A_857 : memref<10112x128xf32, #tpu.memory_space<vmem_shared>>) offsets(%dma_start3A_854 : memref<128xi32, #tpu.memory_space<vmem>>) semaphore(%arg12 : memref<!tpu.dma_semaphore, #tpu.memory_space<semaphore_mem>>) {add = true}
      %dma_wait3A_858 = arith.constant 28 : i32
      %dma_wait3A_859 = arith.constant 0 : i32
      %dma_wait3A_860 = tpu.memref_slice %arg6[%dma_wait3A_858, %dma_wait3A_859] : memref<40x128xi32, #tpu.memory_space<vmem>> -> memref<1x128xi32, #tpu.memory_space<vmem>>
      %dma_wait3A_861 = tpu.memref_squeeze %dma_wait3A_860 : memref<1x128xi32, #tpu.memory_space<vmem>> -> memref<128xi32, #tpu.memory_space<vmem>>
      %dma_wait3A_862 = arith.constant 0 : i32
      %dma_wait3A_863 = arith.constant 0 : i32
      %dma_wait3A_864 = tpu.memref_slice %arg9[%dma_wait3A_862, %dma_wait3A_863] : memref<10112x128xf32, #tpu.memory_space<vmem_shared>> -> memref<10112x128xf32, #tpu.memory_space<vmem_shared>>
      tpu.wait_indirect_dma semaphore(%arg12 : memref<!tpu.dma_semaphore, #tpu.memory_space<semaphore_mem>>) src(%arg7 : memref<128x128xf32, #tpu.memory_space<vmem>>) dst(%dma_wait3A_864 : memref<10112x128xf32, #tpu.memory_space<vmem_shared>>)
      %dma_start3A_865 = arith.constant 30 : i32
      %dma_start3A_866 = arith.constant 0 : i32
      %dma_start3A_867 = tpu.memref_slice %arg5[%dma_start3A_865, %dma_start3A_866] : memref<40x128xi32, #tpu.memory_space<vmem>> -> memref<1x128xi32, #tpu.memory_space<vmem>>
      %dma_start3A_868 = tpu.memref_squeeze %dma_start3A_867 : memref<1x128xi32, #tpu.memory_space<vmem>> -> memref<128xi32, #tpu.memory_space<vmem>>
      %dma_start3A_869 = arith.constant 0 : i32
      %dma_start3A_870 = arith.constant 0 : i32
      %dma_start3A_871 = tpu.memref_slice %arg2[%dma_start3A_869, %dma_start3A_870] : memref<10112x128xf32, #tpu.memory_space<hbm>> -> memref<10112x128xf32, #tpu.memory_space<hbm>>
      tpu.enqueue_indirect_dma source(%dma_start3A_871 : memref<10112x128xf32, #tpu.memory_space<hbm>>) target(%arg7 : memref<128x128xf32, #tpu.memory_space<vmem>>) offsets(%dma_start3A_868 : memref<128xi32, #tpu.memory_space<vmem>>) semaphore(%arg10 : memref<!tpu.dma_semaphore, #tpu.memory_space<semaphore_mem>>)
      %dma_wait3A_872 = arith.constant 29 : i32
      %dma_wait3A_873 = arith.constant 0 : i32
      %dma_wait3A_874 = tpu.memref_slice %arg5[%dma_wait3A_872, %dma_wait3A_873] : memref<40x128xi32, #tpu.memory_space<vmem>> -> memref<1x128xi32, #tpu.memory_space<vmem>>
      %dma_wait3A_875 = tpu.memref_squeeze %dma_wait3A_874 : memref<1x128xi32, #tpu.memory_space<vmem>> -> memref<128xi32, #tpu.memory_space<vmem>>
      %dma_wait3A_876 = arith.constant 0 : i32
      %dma_wait3A_877 = arith.constant 0 : i32
      %dma_wait3A_878 = tpu.memref_slice %arg2[%dma_wait3A_876, %dma_wait3A_877] : memref<10112x128xf32, #tpu.memory_space<hbm>> -> memref<10112x128xf32, #tpu.memory_space<hbm>>
      tpu.wait_indirect_dma semaphore(%arg11 : memref<!tpu.dma_semaphore, #tpu.memory_space<semaphore_mem>>) src(%dma_wait3A_878 : memref<10112x128xf32, #tpu.memory_space<hbm>>) dst(%arg8 : memref<128x128xf32, #tpu.memory_space<vmem>>)
      %dma_start3A_879 = arith.constant 29 : i32
      %dma_start3A_880 = arith.constant 0 : i32
      %dma_start3A_881 = tpu.memref_slice %arg6[%dma_start3A_879, %dma_start3A_880] : memref<40x128xi32, #tpu.memory_space<vmem>> -> memref<1x128xi32, #tpu.memory_space<vmem>>
      %dma_start3A_882 = tpu.memref_squeeze %dma_start3A_881 : memref<1x128xi32, #tpu.memory_space<vmem>> -> memref<128xi32, #tpu.memory_space<vmem>>
      %dma_start3A_883 = arith.constant 0 : i32
      %dma_start3A_884 = arith.constant 0 : i32
      %dma_start3A_885 = tpu.memref_slice %arg9[%dma_start3A_883, %dma_start3A_884] : memref<10112x128xf32, #tpu.memory_space<vmem_shared>> -> memref<10112x128xf32, #tpu.memory_space<vmem_shared>>
      tpu.enqueue_indirect_dma source(%arg8 : memref<128x128xf32, #tpu.memory_space<vmem>>) target(%dma_start3A_885 : memref<10112x128xf32, #tpu.memory_space<vmem_shared>>) offsets(%dma_start3A_882 : memref<128xi32, #tpu.memory_space<vmem>>) semaphore(%arg13 : memref<!tpu.dma_semaphore, #tpu.memory_space<semaphore_mem>>) {add = true}
      %dma_wait3A_886 = arith.constant 29 : i32
      %dma_wait3A_887 = arith.constant 0 : i32
      %dma_wait3A_888 = tpu.memref_slice %arg6[%dma_wait3A_886, %dma_wait3A_887] : memref<40x128xi32, #tpu.memory_space<vmem>> -> memref<1x128xi32, #tpu.memory_space<vmem>>
      %dma_wait3A_889 = tpu.memref_squeeze %dma_wait3A_888 : memref<1x128xi32, #tpu.memory_space<vmem>> -> memref<128xi32, #tpu.memory_space<vmem>>
      %dma_wait3A_890 = arith.constant 0 : i32
      %dma_wait3A_891 = arith.constant 0 : i32
      %dma_wait3A_892 = tpu.memref_slice %arg9[%dma_wait3A_890, %dma_wait3A_891] : memref<10112x128xf32, #tpu.memory_space<vmem_shared>> -> memref<10112x128xf32, #tpu.memory_space<vmem_shared>>
      tpu.wait_indirect_dma semaphore(%arg13 : memref<!tpu.dma_semaphore, #tpu.memory_space<semaphore_mem>>) src(%arg8 : memref<128x128xf32, #tpu.memory_space<vmem>>) dst(%dma_wait3A_892 : memref<10112x128xf32, #tpu.memory_space<vmem_shared>>)
      %dma_start3A_893 = arith.constant 31 : i32
      %dma_start3A_894 = arith.constant 0 : i32
      %dma_start3A_895 = tpu.memref_slice %arg5[%dma_start3A_893, %dma_start3A_894] : memref<40x128xi32, #tpu.memory_space<vmem>> -> memref<1x128xi32, #tpu.memory_space<vmem>>
      %dma_start3A_896 = tpu.memref_squeeze %dma_start3A_895 : memref<1x128xi32, #tpu.memory_space<vmem>> -> memref<128xi32, #tpu.memory_space<vmem>>
      %dma_start3A_897 = arith.constant 0 : i32
      %dma_start3A_898 = arith.constant 0 : i32
      %dma_start3A_899 = tpu.memref_slice %arg2[%dma_start3A_897, %dma_start3A_898] : memref<10112x128xf32, #tpu.memory_space<hbm>> -> memref<10112x128xf32, #tpu.memory_space<hbm>>
      tpu.enqueue_indirect_dma source(%dma_start3A_899 : memref<10112x128xf32, #tpu.memory_space<hbm>>) target(%arg8 : memref<128x128xf32, #tpu.memory_space<vmem>>) offsets(%dma_start3A_896 : memref<128xi32, #tpu.memory_space<vmem>>) semaphore(%arg11 : memref<!tpu.dma_semaphore, #tpu.memory_space<semaphore_mem>>)
      %dma_wait3A_900 = arith.constant 30 : i32
      %dma_wait3A_901 = arith.constant 0 : i32
      %dma_wait3A_902 = tpu.memref_slice %arg5[%dma_wait3A_900, %dma_wait3A_901] : memref<40x128xi32, #tpu.memory_space<vmem>> -> memref<1x128xi32, #tpu.memory_space<vmem>>
      %dma_wait3A_903 = tpu.memref_squeeze %dma_wait3A_902 : memref<1x128xi32, #tpu.memory_space<vmem>> -> memref<128xi32, #tpu.memory_space<vmem>>
      %dma_wait3A_904 = arith.constant 0 : i32
      %dma_wait3A_905 = arith.constant 0 : i32
      %dma_wait3A_906 = tpu.memref_slice %arg2[%dma_wait3A_904, %dma_wait3A_905] : memref<10112x128xf32, #tpu.memory_space<hbm>> -> memref<10112x128xf32, #tpu.memory_space<hbm>>
      tpu.wait_indirect_dma semaphore(%arg10 : memref<!tpu.dma_semaphore, #tpu.memory_space<semaphore_mem>>) src(%dma_wait3A_906 : memref<10112x128xf32, #tpu.memory_space<hbm>>) dst(%arg7 : memref<128x128xf32, #tpu.memory_space<vmem>>)
      %dma_start3A_907 = arith.constant 30 : i32
      %dma_start3A_908 = arith.constant 0 : i32
      %dma_start3A_909 = tpu.memref_slice %arg6[%dma_start3A_907, %dma_start3A_908] : memref<40x128xi32, #tpu.memory_space<vmem>> -> memref<1x128xi32, #tpu.memory_space<vmem>>
      %dma_start3A_910 = tpu.memref_squeeze %dma_start3A_909 : memref<1x128xi32, #tpu.memory_space<vmem>> -> memref<128xi32, #tpu.memory_space<vmem>>
      %dma_start3A_911 = arith.constant 0 : i32
      %dma_start3A_912 = arith.constant 0 : i32
      %dma_start3A_913 = tpu.memref_slice %arg9[%dma_start3A_911, %dma_start3A_912] : memref<10112x128xf32, #tpu.memory_space<vmem_shared>> -> memref<10112x128xf32, #tpu.memory_space<vmem_shared>>
      tpu.enqueue_indirect_dma source(%arg7 : memref<128x128xf32, #tpu.memory_space<vmem>>) target(%dma_start3A_913 : memref<10112x128xf32, #tpu.memory_space<vmem_shared>>) offsets(%dma_start3A_910 : memref<128xi32, #tpu.memory_space<vmem>>) semaphore(%arg12 : memref<!tpu.dma_semaphore, #tpu.memory_space<semaphore_mem>>) {add = true}
      %dma_wait3A_914 = arith.constant 30 : i32
      %dma_wait3A_915 = arith.constant 0 : i32
      %dma_wait3A_916 = tpu.memref_slice %arg6[%dma_wait3A_914, %dma_wait3A_915] : memref<40x128xi32, #tpu.memory_space<vmem>> -> memref<1x128xi32, #tpu.memory_space<vmem>>
      %dma_wait3A_917 = tpu.memref_squeeze %dma_wait3A_916 : memref<1x128xi32, #tpu.memory_space<vmem>> -> memref<128xi32, #tpu.memory_space<vmem>>
      %dma_wait3A_918 = arith.constant 0 : i32
      %dma_wait3A_919 = arith.constant 0 : i32
      %dma_wait3A_920 = tpu.memref_slice %arg9[%dma_wait3A_918, %dma_wait3A_919] : memref<10112x128xf32, #tpu.memory_space<vmem_shared>> -> memref<10112x128xf32, #tpu.memory_space<vmem_shared>>
      tpu.wait_indirect_dma semaphore(%arg12 : memref<!tpu.dma_semaphore, #tpu.memory_space<semaphore_mem>>) src(%arg7 : memref<128x128xf32, #tpu.memory_space<vmem>>) dst(%dma_wait3A_920 : memref<10112x128xf32, #tpu.memory_space<vmem_shared>>)
      %dma_start3A_921 = arith.constant 32 : i32
      %dma_start3A_922 = arith.constant 0 : i32
      %dma_start3A_923 = tpu.memref_slice %arg5[%dma_start3A_921, %dma_start3A_922] : memref<40x128xi32, #tpu.memory_space<vmem>> -> memref<1x128xi32, #tpu.memory_space<vmem>>
      %dma_start3A_924 = tpu.memref_squeeze %dma_start3A_923 : memref<1x128xi32, #tpu.memory_space<vmem>> -> memref<128xi32, #tpu.memory_space<vmem>>
      %dma_start3A_925 = arith.constant 0 : i32
      %dma_start3A_926 = arith.constant 0 : i32
      %dma_start3A_927 = tpu.memref_slice %arg2[%dma_start3A_925, %dma_start3A_926] : memref<10112x128xf32, #tpu.memory_space<hbm>> -> memref<10112x128xf32, #tpu.memory_space<hbm>>
      tpu.enqueue_indirect_dma source(%dma_start3A_927 : memref<10112x128xf32, #tpu.memory_space<hbm>>) target(%arg7 : memref<128x128xf32, #tpu.memory_space<vmem>>) offsets(%dma_start3A_924 : memref<128xi32, #tpu.memory_space<vmem>>) semaphore(%arg10 : memref<!tpu.dma_semaphore, #tpu.memory_space<semaphore_mem>>)
      %dma_wait3A_928 = arith.constant 31 : i32
      %dma_wait3A_929 = arith.constant 0 : i32
      %dma_wait3A_930 = tpu.memref_slice %arg5[%dma_wait3A_928, %dma_wait3A_929] : memref<40x128xi32, #tpu.memory_space<vmem>> -> memref<1x128xi32, #tpu.memory_space<vmem>>
      %dma_wait3A_931 = tpu.memref_squeeze %dma_wait3A_930 : memref<1x128xi32, #tpu.memory_space<vmem>> -> memref<128xi32, #tpu.memory_space<vmem>>
      %dma_wait3A_932 = arith.constant 0 : i32
      %dma_wait3A_933 = arith.constant 0 : i32
      %dma_wait3A_934 = tpu.memref_slice %arg2[%dma_wait3A_932, %dma_wait3A_933] : memref<10112x128xf32, #tpu.memory_space<hbm>> -> memref<10112x128xf32, #tpu.memory_space<hbm>>
      tpu.wait_indirect_dma semaphore(%arg11 : memref<!tpu.dma_semaphore, #tpu.memory_space<semaphore_mem>>) src(%dma_wait3A_934 : memref<10112x128xf32, #tpu.memory_space<hbm>>) dst(%arg8 : memref<128x128xf32, #tpu.memory_space<vmem>>)
      %dma_start3A_935 = arith.constant 31 : i32
      %dma_start3A_936 = arith.constant 0 : i32
      %dma_start3A_937 = tpu.memref_slice %arg6[%dma_start3A_935, %dma_start3A_936] : memref<40x128xi32, #tpu.memory_space<vmem>> -> memref<1x128xi32, #tpu.memory_space<vmem>>
      %dma_start3A_938 = tpu.memref_squeeze %dma_start3A_937 : memref<1x128xi32, #tpu.memory_space<vmem>> -> memref<128xi32, #tpu.memory_space<vmem>>
      %dma_start3A_939 = arith.constant 0 : i32
      %dma_start3A_940 = arith.constant 0 : i32
      %dma_start3A_941 = tpu.memref_slice %arg9[%dma_start3A_939, %dma_start3A_940] : memref<10112x128xf32, #tpu.memory_space<vmem_shared>> -> memref<10112x128xf32, #tpu.memory_space<vmem_shared>>
      tpu.enqueue_indirect_dma source(%arg8 : memref<128x128xf32, #tpu.memory_space<vmem>>) target(%dma_start3A_941 : memref<10112x128xf32, #tpu.memory_space<vmem_shared>>) offsets(%dma_start3A_938 : memref<128xi32, #tpu.memory_space<vmem>>) semaphore(%arg13 : memref<!tpu.dma_semaphore, #tpu.memory_space<semaphore_mem>>) {add = true}
      %dma_wait3A_942 = arith.constant 31 : i32
      %dma_wait3A_943 = arith.constant 0 : i32
      %dma_wait3A_944 = tpu.memref_slice %arg6[%dma_wait3A_942, %dma_wait3A_943] : memref<40x128xi32, #tpu.memory_space<vmem>> -> memref<1x128xi32, #tpu.memory_space<vmem>>
      %dma_wait3A_945 = tpu.memref_squeeze %dma_wait3A_944 : memref<1x128xi32, #tpu.memory_space<vmem>> -> memref<128xi32, #tpu.memory_space<vmem>>
      %dma_wait3A_946 = arith.constant 0 : i32
      %dma_wait3A_947 = arith.constant 0 : i32
      %dma_wait3A_948 = tpu.memref_slice %arg9[%dma_wait3A_946, %dma_wait3A_947] : memref<10112x128xf32, #tpu.memory_space<vmem_shared>> -> memref<10112x128xf32, #tpu.memory_space<vmem_shared>>
      tpu.wait_indirect_dma semaphore(%arg13 : memref<!tpu.dma_semaphore, #tpu.memory_space<semaphore_mem>>) src(%arg8 : memref<128x128xf32, #tpu.memory_space<vmem>>) dst(%dma_wait3A_948 : memref<10112x128xf32, #tpu.memory_space<vmem_shared>>)
      %dma_start3A_949 = arith.constant 33 : i32
      %dma_start3A_950 = arith.constant 0 : i32
      %dma_start3A_951 = tpu.memref_slice %arg5[%dma_start3A_949, %dma_start3A_950] : memref<40x128xi32, #tpu.memory_space<vmem>> -> memref<1x128xi32, #tpu.memory_space<vmem>>
      %dma_start3A_952 = tpu.memref_squeeze %dma_start3A_951 : memref<1x128xi32, #tpu.memory_space<vmem>> -> memref<128xi32, #tpu.memory_space<vmem>>
      %dma_start3A_953 = arith.constant 0 : i32
      %dma_start3A_954 = arith.constant 0 : i32
      %dma_start3A_955 = tpu.memref_slice %arg2[%dma_start3A_953, %dma_start3A_954] : memref<10112x128xf32, #tpu.memory_space<hbm>> -> memref<10112x128xf32, #tpu.memory_space<hbm>>
      tpu.enqueue_indirect_dma source(%dma_start3A_955 : memref<10112x128xf32, #tpu.memory_space<hbm>>) target(%arg8 : memref<128x128xf32, #tpu.memory_space<vmem>>) offsets(%dma_start3A_952 : memref<128xi32, #tpu.memory_space<vmem>>) semaphore(%arg11 : memref<!tpu.dma_semaphore, #tpu.memory_space<semaphore_mem>>)
      %dma_wait3A_956 = arith.constant 32 : i32
      %dma_wait3A_957 = arith.constant 0 : i32
      %dma_wait3A_958 = tpu.memref_slice %arg5[%dma_wait3A_956, %dma_wait3A_957] : memref<40x128xi32, #tpu.memory_space<vmem>> -> memref<1x128xi32, #tpu.memory_space<vmem>>
      %dma_wait3A_959 = tpu.memref_squeeze %dma_wait3A_958 : memref<1x128xi32, #tpu.memory_space<vmem>> -> memref<128xi32, #tpu.memory_space<vmem>>
      %dma_wait3A_960 = arith.constant 0 : i32
      %dma_wait3A_961 = arith.constant 0 : i32
      %dma_wait3A_962 = tpu.memref_slice %arg2[%dma_wait3A_960, %dma_wait3A_961] : memref<10112x128xf32, #tpu.memory_space<hbm>> -> memref<10112x128xf32, #tpu.memory_space<hbm>>
      tpu.wait_indirect_dma semaphore(%arg10 : memref<!tpu.dma_semaphore, #tpu.memory_space<semaphore_mem>>) src(%dma_wait3A_962 : memref<10112x128xf32, #tpu.memory_space<hbm>>) dst(%arg7 : memref<128x128xf32, #tpu.memory_space<vmem>>)
      %dma_start3A_963 = arith.constant 32 : i32
      %dma_start3A_964 = arith.constant 0 : i32
      %dma_start3A_965 = tpu.memref_slice %arg6[%dma_start3A_963, %dma_start3A_964] : memref<40x128xi32, #tpu.memory_space<vmem>> -> memref<1x128xi32, #tpu.memory_space<vmem>>
      %dma_start3A_966 = tpu.memref_squeeze %dma_start3A_965 : memref<1x128xi32, #tpu.memory_space<vmem>> -> memref<128xi32, #tpu.memory_space<vmem>>
      %dma_start3A_967 = arith.constant 0 : i32
      %dma_start3A_968 = arith.constant 0 : i32
      %dma_start3A_969 = tpu.memref_slice %arg9[%dma_start3A_967, %dma_start3A_968] : memref<10112x128xf32, #tpu.memory_space<vmem_shared>> -> memref<10112x128xf32, #tpu.memory_space<vmem_shared>>
      tpu.enqueue_indirect_dma source(%arg7 : memref<128x128xf32, #tpu.memory_space<vmem>>) target(%dma_start3A_969 : memref<10112x128xf32, #tpu.memory_space<vmem_shared>>) offsets(%dma_start3A_966 : memref<128xi32, #tpu.memory_space<vmem>>) semaphore(%arg12 : memref<!tpu.dma_semaphore, #tpu.memory_space<semaphore_mem>>) {add = true}
      %dma_wait3A_970 = arith.constant 32 : i32
      %dma_wait3A_971 = arith.constant 0 : i32
      %dma_wait3A_972 = tpu.memref_slice %arg6[%dma_wait3A_970, %dma_wait3A_971] : memref<40x128xi32, #tpu.memory_space<vmem>> -> memref<1x128xi32, #tpu.memory_space<vmem>>
      %dma_wait3A_973 = tpu.memref_squeeze %dma_wait3A_972 : memref<1x128xi32, #tpu.memory_space<vmem>> -> memref<128xi32, #tpu.memory_space<vmem>>
      %dma_wait3A_974 = arith.constant 0 : i32
      %dma_wait3A_975 = arith.constant 0 : i32
      %dma_wait3A_976 = tpu.memref_slice %arg9[%dma_wait3A_974, %dma_wait3A_975] : memref<10112x128xf32, #tpu.memory_space<vmem_shared>> -> memref<10112x128xf32, #tpu.memory_space<vmem_shared>>
      tpu.wait_indirect_dma semaphore(%arg12 : memref<!tpu.dma_semaphore, #tpu.memory_space<semaphore_mem>>) src(%arg7 : memref<128x128xf32, #tpu.memory_space<vmem>>) dst(%dma_wait3A_976 : memref<10112x128xf32, #tpu.memory_space<vmem_shared>>)
      %dma_start3A_977 = arith.constant 34 : i32
      %dma_start3A_978 = arith.constant 0 : i32
      %dma_start3A_979 = tpu.memref_slice %arg5[%dma_start3A_977, %dma_start3A_978] : memref<40x128xi32, #tpu.memory_space<vmem>> -> memref<1x128xi32, #tpu.memory_space<vmem>>
      %dma_start3A_980 = tpu.memref_squeeze %dma_start3A_979 : memref<1x128xi32, #tpu.memory_space<vmem>> -> memref<128xi32, #tpu.memory_space<vmem>>
      %dma_start3A_981 = arith.constant 0 : i32
      %dma_start3A_982 = arith.constant 0 : i32
      %dma_start3A_983 = tpu.memref_slice %arg2[%dma_start3A_981, %dma_start3A_982] : memref<10112x128xf32, #tpu.memory_space<hbm>> -> memref<10112x128xf32, #tpu.memory_space<hbm>>
      tpu.enqueue_indirect_dma source(%dma_start3A_983 : memref<10112x128xf32, #tpu.memory_space<hbm>>) target(%arg7 : memref<128x128xf32, #tpu.memory_space<vmem>>) offsets(%dma_start3A_980 : memref<128xi32, #tpu.memory_space<vmem>>) semaphore(%arg10 : memref<!tpu.dma_semaphore, #tpu.memory_space<semaphore_mem>>)
      %dma_wait3A_984 = arith.constant 33 : i32
      %dma_wait3A_985 = arith.constant 0 : i32
      %dma_wait3A_986 = tpu.memref_slice %arg5[%dma_wait3A_984, %dma_wait3A_985] : memref<40x128xi32, #tpu.memory_space<vmem>> -> memref<1x128xi32, #tpu.memory_space<vmem>>
      %dma_wait3A_987 = tpu.memref_squeeze %dma_wait3A_986 : memref<1x128xi32, #tpu.memory_space<vmem>> -> memref<128xi32, #tpu.memory_space<vmem>>
      %dma_wait3A_988 = arith.constant 0 : i32
      %dma_wait3A_989 = arith.constant 0 : i32
      %dma_wait3A_990 = tpu.memref_slice %arg2[%dma_wait3A_988, %dma_wait3A_989] : memref<10112x128xf32, #tpu.memory_space<hbm>> -> memref<10112x128xf32, #tpu.memory_space<hbm>>
      tpu.wait_indirect_dma semaphore(%arg11 : memref<!tpu.dma_semaphore, #tpu.memory_space<semaphore_mem>>) src(%dma_wait3A_990 : memref<10112x128xf32, #tpu.memory_space<hbm>>) dst(%arg8 : memref<128x128xf32, #tpu.memory_space<vmem>>)
      %dma_start3A_991 = arith.constant 33 : i32
      %dma_start3A_992 = arith.constant 0 : i32
      %dma_start3A_993 = tpu.memref_slice %arg6[%dma_start3A_991, %dma_start3A_992] : memref<40x128xi32, #tpu.memory_space<vmem>> -> memref<1x128xi32, #tpu.memory_space<vmem>>
      %dma_start3A_994 = tpu.memref_squeeze %dma_start3A_993 : memref<1x128xi32, #tpu.memory_space<vmem>> -> memref<128xi32, #tpu.memory_space<vmem>>
      %dma_start3A_995 = arith.constant 0 : i32
      %dma_start3A_996 = arith.constant 0 : i32
      %dma_start3A_997 = tpu.memref_slice %arg9[%dma_start3A_995, %dma_start3A_996] : memref<10112x128xf32, #tpu.memory_space<vmem_shared>> -> memref<10112x128xf32, #tpu.memory_space<vmem_shared>>
      tpu.enqueue_indirect_dma source(%arg8 : memref<128x128xf32, #tpu.memory_space<vmem>>) target(%dma_start3A_997 : memref<10112x128xf32, #tpu.memory_space<vmem_shared>>) offsets(%dma_start3A_994 : memref<128xi32, #tpu.memory_space<vmem>>) semaphore(%arg13 : memref<!tpu.dma_semaphore, #tpu.memory_space<semaphore_mem>>) {add = true}
      %dma_wait3A_998 = arith.constant 33 : i32
      %dma_wait3A_999 = arith.constant 0 : i32
      %dma_wait3A_1000 = tpu.memref_slice %arg6[%dma_wait3A_998, %dma_wait3A_999] : memref<40x128xi32, #tpu.memory_space<vmem>> -> memref<1x128xi32, #tpu.memory_space<vmem>>
      %dma_wait3A_1001 = tpu.memref_squeeze %dma_wait3A_1000 : memref<1x128xi32, #tpu.memory_space<vmem>> -> memref<128xi32, #tpu.memory_space<vmem>>
      %dma_wait3A_1002 = arith.constant 0 : i32
      %dma_wait3A_1003 = arith.constant 0 : i32
      %dma_wait3A_1004 = tpu.memref_slice %arg9[%dma_wait3A_1002, %dma_wait3A_1003] : memref<10112x128xf32, #tpu.memory_space<vmem_shared>> -> memref<10112x128xf32, #tpu.memory_space<vmem_shared>>
      tpu.wait_indirect_dma semaphore(%arg13 : memref<!tpu.dma_semaphore, #tpu.memory_space<semaphore_mem>>) src(%arg8 : memref<128x128xf32, #tpu.memory_space<vmem>>) dst(%dma_wait3A_1004 : memref<10112x128xf32, #tpu.memory_space<vmem_shared>>)
      %dma_start3A_1005 = arith.constant 35 : i32
      %dma_start3A_1006 = arith.constant 0 : i32
      %dma_start3A_1007 = tpu.memref_slice %arg5[%dma_start3A_1005, %dma_start3A_1006] : memref<40x128xi32, #tpu.memory_space<vmem>> -> memref<1x128xi32, #tpu.memory_space<vmem>>
      %dma_start3A_1008 = tpu.memref_squeeze %dma_start3A_1007 : memref<1x128xi32, #tpu.memory_space<vmem>> -> memref<128xi32, #tpu.memory_space<vmem>>
      %dma_start3A_1009 = arith.constant 0 : i32
      %dma_start3A_1010 = arith.constant 0 : i32
      %dma_start3A_1011 = tpu.memref_slice %arg2[%dma_start3A_1009, %dma_start3A_1010] : memref<10112x128xf32, #tpu.memory_space<hbm>> -> memref<10112x128xf32, #tpu.memory_space<hbm>>
      tpu.enqueue_indirect_dma source(%dma_start3A_1011 : memref<10112x128xf32, #tpu.memory_space<hbm>>) target(%arg8 : memref<128x128xf32, #tpu.memory_space<vmem>>) offsets(%dma_start3A_1008 : memref<128xi32, #tpu.memory_space<vmem>>) semaphore(%arg11 : memref<!tpu.dma_semaphore, #tpu.memory_space<semaphore_mem>>)
      %dma_wait3A_1012 = arith.constant 34 : i32
      %dma_wait3A_1013 = arith.constant 0 : i32
      %dma_wait3A_1014 = tpu.memref_slice %arg5[%dma_wait3A_1012, %dma_wait3A_1013] : memref<40x128xi32, #tpu.memory_space<vmem>> -> memref<1x128xi32, #tpu.memory_space<vmem>>
      %dma_wait3A_1015 = tpu.memref_squeeze %dma_wait3A_1014 : memref<1x128xi32, #tpu.memory_space<vmem>> -> memref<128xi32, #tpu.memory_space<vmem>>
      %dma_wait3A_1016 = arith.constant 0 : i32
      %dma_wait3A_1017 = arith.constant 0 : i32
      %dma_wait3A_1018 = tpu.memref_slice %arg2[%dma_wait3A_1016, %dma_wait3A_1017] : memref<10112x128xf32, #tpu.memory_space<hbm>> -> memref<10112x128xf32, #tpu.memory_space<hbm>>
      tpu.wait_indirect_dma semaphore(%arg10 : memref<!tpu.dma_semaphore, #tpu.memory_space<semaphore_mem>>) src(%dma_wait3A_1018 : memref<10112x128xf32, #tpu.memory_space<hbm>>) dst(%arg7 : memref<128x128xf32, #tpu.memory_space<vmem>>)
      %dma_start3A_1019 = arith.constant 34 : i32
      %dma_start3A_1020 = arith.constant 0 : i32
      %dma_start3A_1021 = tpu.memref_slice %arg6[%dma_start3A_1019, %dma_start3A_1020] : memref<40x128xi32, #tpu.memory_space<vmem>> -> memref<1x128xi32, #tpu.memory_space<vmem>>
      %dma_start3A_1022 = tpu.memref_squeeze %dma_start3A_1021 : memref<1x128xi32, #tpu.memory_space<vmem>> -> memref<128xi32, #tpu.memory_space<vmem>>
      %dma_start3A_1023 = arith.constant 0 : i32
      %dma_start3A_1024 = arith.constant 0 : i32
      %dma_start3A_1025 = tpu.memref_slice %arg9[%dma_start3A_1023, %dma_start3A_1024] : memref<10112x128xf32, #tpu.memory_space<vmem_shared>> -> memref<10112x128xf32, #tpu.memory_space<vmem_shared>>
      tpu.enqueue_indirect_dma source(%arg7 : memref<128x128xf32, #tpu.memory_space<vmem>>) target(%dma_start3A_1025 : memref<10112x128xf32, #tpu.memory_space<vmem_shared>>) offsets(%dma_start3A_1022 : memref<128xi32, #tpu.memory_space<vmem>>) semaphore(%arg12 : memref<!tpu.dma_semaphore, #tpu.memory_space<semaphore_mem>>) {add = true}
      %dma_wait3A_1026 = arith.constant 34 : i32
      %dma_wait3A_1027 = arith.constant 0 : i32
      %dma_wait3A_1028 = tpu.memref_slice %arg6[%dma_wait3A_1026, %dma_wait3A_1027] : memref<40x128xi32, #tpu.memory_space<vmem>> -> memref<1x128xi32, #tpu.memory_space<vmem>>
      %dma_wait3A_1029 = tpu.memref_squeeze %dma_wait3A_1028 : memref<1x128xi32, #tpu.memory_space<vmem>> -> memref<128xi32, #tpu.memory_space<vmem>>
      %dma_wait3A_1030 = arith.constant 0 : i32
      %dma_wait3A_1031 = arith.constant 0 : i32
      %dma_wait3A_1032 = tpu.memref_slice %arg9[%dma_wait3A_1030, %dma_wait3A_1031] : memref<10112x128xf32, #tpu.memory_space<vmem_shared>> -> memref<10112x128xf32, #tpu.memory_space<vmem_shared>>
      tpu.wait_indirect_dma semaphore(%arg12 : memref<!tpu.dma_semaphore, #tpu.memory_space<semaphore_mem>>) src(%arg7 : memref<128x128xf32, #tpu.memory_space<vmem>>) dst(%dma_wait3A_1032 : memref<10112x128xf32, #tpu.memory_space<vmem_shared>>)
      %dma_start3A_1033 = arith.constant 36 : i32
      %dma_start3A_1034 = arith.constant 0 : i32
      %dma_start3A_1035 = tpu.memref_slice %arg5[%dma_start3A_1033, %dma_start3A_1034] : memref<40x128xi32, #tpu.memory_space<vmem>> -> memref<1x128xi32, #tpu.memory_space<vmem>>
      %dma_start3A_1036 = tpu.memref_squeeze %dma_start3A_1035 : memref<1x128xi32, #tpu.memory_space<vmem>> -> memref<128xi32, #tpu.memory_space<vmem>>
      %dma_start3A_1037 = arith.constant 0 : i32
      %dma_start3A_1038 = arith.constant 0 : i32
      %dma_start3A_1039 = tpu.memref_slice %arg2[%dma_start3A_1037, %dma_start3A_1038] : memref<10112x128xf32, #tpu.memory_space<hbm>> -> memref<10112x128xf32, #tpu.memory_space<hbm>>
      tpu.enqueue_indirect_dma source(%dma_start3A_1039 : memref<10112x128xf32, #tpu.memory_space<hbm>>) target(%arg7 : memref<128x128xf32, #tpu.memory_space<vmem>>) offsets(%dma_start3A_1036 : memref<128xi32, #tpu.memory_space<vmem>>) semaphore(%arg10 : memref<!tpu.dma_semaphore, #tpu.memory_space<semaphore_mem>>)
      %dma_wait3A_1040 = arith.constant 35 : i32
      %dma_wait3A_1041 = arith.constant 0 : i32
      %dma_wait3A_1042 = tpu.memref_slice %arg5[%dma_wait3A_1040, %dma_wait3A_1041] : memref<40x128xi32, #tpu.memory_space<vmem>> -> memref<1x128xi32, #tpu.memory_space<vmem>>
      %dma_wait3A_1043 = tpu.memref_squeeze %dma_wait3A_1042 : memref<1x128xi32, #tpu.memory_space<vmem>> -> memref<128xi32, #tpu.memory_space<vmem>>
      %dma_wait3A_1044 = arith.constant 0 : i32
      %dma_wait3A_1045 = arith.constant 0 : i32
      %dma_wait3A_1046 = tpu.memref_slice %arg2[%dma_wait3A_1044, %dma_wait3A_1045] : memref<10112x128xf32, #tpu.memory_space<hbm>> -> memref<10112x128xf32, #tpu.memory_space<hbm>>
      tpu.wait_indirect_dma semaphore(%arg11 : memref<!tpu.dma_semaphore, #tpu.memory_space<semaphore_mem>>) src(%dma_wait3A_1046 : memref<10112x128xf32, #tpu.memory_space<hbm>>) dst(%arg8 : memref<128x128xf32, #tpu.memory_space<vmem>>)
      %dma_start3A_1047 = arith.constant 35 : i32
      %dma_start3A_1048 = arith.constant 0 : i32
      %dma_start3A_1049 = tpu.memref_slice %arg6[%dma_start3A_1047, %dma_start3A_1048] : memref<40x128xi32, #tpu.memory_space<vmem>> -> memref<1x128xi32, #tpu.memory_space<vmem>>
      %dma_start3A_1050 = tpu.memref_squeeze %dma_start3A_1049 : memref<1x128xi32, #tpu.memory_space<vmem>> -> memref<128xi32, #tpu.memory_space<vmem>>
      %dma_start3A_1051 = arith.constant 0 : i32
      %dma_start3A_1052 = arith.constant 0 : i32
      %dma_start3A_1053 = tpu.memref_slice %arg9[%dma_start3A_1051, %dma_start3A_1052] : memref<10112x128xf32, #tpu.memory_space<vmem_shared>> -> memref<10112x128xf32, #tpu.memory_space<vmem_shared>>
      tpu.enqueue_indirect_dma source(%arg8 : memref<128x128xf32, #tpu.memory_space<vmem>>) target(%dma_start3A_1053 : memref<10112x128xf32, #tpu.memory_space<vmem_shared>>) offsets(%dma_start3A_1050 : memref<128xi32, #tpu.memory_space<vmem>>) semaphore(%arg13 : memref<!tpu.dma_semaphore, #tpu.memory_space<semaphore_mem>>) {add = true}
      %dma_wait3A_1054 = arith.constant 35 : i32
      %dma_wait3A_1055 = arith.constant 0 : i32
      %dma_wait3A_1056 = tpu.memref_slice %arg6[%dma_wait3A_1054, %dma_wait3A_1055] : memref<40x128xi32, #tpu.memory_space<vmem>> -> memref<1x128xi32, #tpu.memory_space<vmem>>
      %dma_wait3A_1057 = tpu.memref_squeeze %dma_wait3A_1056 : memref<1x128xi32, #tpu.memory_space<vmem>> -> memref<128xi32, #tpu.memory_space<vmem>>
      %dma_wait3A_1058 = arith.constant 0 : i32
      %dma_wait3A_1059 = arith.constant 0 : i32
      %dma_wait3A_1060 = tpu.memref_slice %arg9[%dma_wait3A_1058, %dma_wait3A_1059] : memref<10112x128xf32, #tpu.memory_space<vmem_shared>> -> memref<10112x128xf32, #tpu.memory_space<vmem_shared>>
      tpu.wait_indirect_dma semaphore(%arg13 : memref<!tpu.dma_semaphore, #tpu.memory_space<semaphore_mem>>) src(%arg8 : memref<128x128xf32, #tpu.memory_space<vmem>>) dst(%dma_wait3A_1060 : memref<10112x128xf32, #tpu.memory_space<vmem_shared>>)
      %dma_start3A_1061 = arith.constant 37 : i32
      %dma_start3A_1062 = arith.constant 0 : i32
      %dma_start3A_1063 = tpu.memref_slice %arg5[%dma_start3A_1061, %dma_start3A_1062] : memref<40x128xi32, #tpu.memory_space<vmem>> -> memref<1x128xi32, #tpu.memory_space<vmem>>
      %dma_start3A_1064 = tpu.memref_squeeze %dma_start3A_1063 : memref<1x128xi32, #tpu.memory_space<vmem>> -> memref<128xi32, #tpu.memory_space<vmem>>
      %dma_start3A_1065 = arith.constant 0 : i32
      %dma_start3A_1066 = arith.constant 0 : i32
      %dma_start3A_1067 = tpu.memref_slice %arg2[%dma_start3A_1065, %dma_start3A_1066] : memref<10112x128xf32, #tpu.memory_space<hbm>> -> memref<10112x128xf32, #tpu.memory_space<hbm>>
      tpu.enqueue_indirect_dma source(%dma_start3A_1067 : memref<10112x128xf32, #tpu.memory_space<hbm>>) target(%arg8 : memref<128x128xf32, #tpu.memory_space<vmem>>) offsets(%dma_start3A_1064 : memref<128xi32, #tpu.memory_space<vmem>>) semaphore(%arg11 : memref<!tpu.dma_semaphore, #tpu.memory_space<semaphore_mem>>)
      %dma_wait3A_1068 = arith.constant 36 : i32
      %dma_wait3A_1069 = arith.constant 0 : i32
      %dma_wait3A_1070 = tpu.memref_slice %arg5[%dma_wait3A_1068, %dma_wait3A_1069] : memref<40x128xi32, #tpu.memory_space<vmem>> -> memref<1x128xi32, #tpu.memory_space<vmem>>
      %dma_wait3A_1071 = tpu.memref_squeeze %dma_wait3A_1070 : memref<1x128xi32, #tpu.memory_space<vmem>> -> memref<128xi32, #tpu.memory_space<vmem>>
      %dma_wait3A_1072 = arith.constant 0 : i32
      %dma_wait3A_1073 = arith.constant 0 : i32
      %dma_wait3A_1074 = tpu.memref_slice %arg2[%dma_wait3A_1072, %dma_wait3A_1073] : memref<10112x128xf32, #tpu.memory_space<hbm>> -> memref<10112x128xf32, #tpu.memory_space<hbm>>
      tpu.wait_indirect_dma semaphore(%arg10 : memref<!tpu.dma_semaphore, #tpu.memory_space<semaphore_mem>>) src(%dma_wait3A_1074 : memref<10112x128xf32, #tpu.memory_space<hbm>>) dst(%arg7 : memref<128x128xf32, #tpu.memory_space<vmem>>)
      %dma_start3A_1075 = arith.constant 36 : i32
      %dma_start3A_1076 = arith.constant 0 : i32
      %dma_start3A_1077 = tpu.memref_slice %arg6[%dma_start3A_1075, %dma_start3A_1076] : memref<40x128xi32, #tpu.memory_space<vmem>> -> memref<1x128xi32, #tpu.memory_space<vmem>>
      %dma_start3A_1078 = tpu.memref_squeeze %dma_start3A_1077 : memref<1x128xi32, #tpu.memory_space<vmem>> -> memref<128xi32, #tpu.memory_space<vmem>>
      %dma_start3A_1079 = arith.constant 0 : i32
      %dma_start3A_1080 = arith.constant 0 : i32
      %dma_start3A_1081 = tpu.memref_slice %arg9[%dma_start3A_1079, %dma_start3A_1080] : memref<10112x128xf32, #tpu.memory_space<vmem_shared>> -> memref<10112x128xf32, #tpu.memory_space<vmem_shared>>
      tpu.enqueue_indirect_dma source(%arg7 : memref<128x128xf32, #tpu.memory_space<vmem>>) target(%dma_start3A_1081 : memref<10112x128xf32, #tpu.memory_space<vmem_shared>>) offsets(%dma_start3A_1078 : memref<128xi32, #tpu.memory_space<vmem>>) semaphore(%arg12 : memref<!tpu.dma_semaphore, #tpu.memory_space<semaphore_mem>>) {add = true}
      %dma_wait3A_1082 = arith.constant 36 : i32
      %dma_wait3A_1083 = arith.constant 0 : i32
      %dma_wait3A_1084 = tpu.memref_slice %arg6[%dma_wait3A_1082, %dma_wait3A_1083] : memref<40x128xi32, #tpu.memory_space<vmem>> -> memref<1x128xi32, #tpu.memory_space<vmem>>
      %dma_wait3A_1085 = tpu.memref_squeeze %dma_wait3A_1084 : memref<1x128xi32, #tpu.memory_space<vmem>> -> memref<128xi32, #tpu.memory_space<vmem>>
      %dma_wait3A_1086 = arith.constant 0 : i32
      %dma_wait3A_1087 = arith.constant 0 : i32
      %dma_wait3A_1088 = tpu.memref_slice %arg9[%dma_wait3A_1086, %dma_wait3A_1087] : memref<10112x128xf32, #tpu.memory_space<vmem_shared>> -> memref<10112x128xf32, #tpu.memory_space<vmem_shared>>
      tpu.wait_indirect_dma semaphore(%arg12 : memref<!tpu.dma_semaphore, #tpu.memory_space<semaphore_mem>>) src(%arg7 : memref<128x128xf32, #tpu.memory_space<vmem>>) dst(%dma_wait3A_1088 : memref<10112x128xf32, #tpu.memory_space<vmem_shared>>)
      %dma_start3A_1089 = arith.constant 38 : i32
      %dma_start3A_1090 = arith.constant 0 : i32
      %dma_start3A_1091 = tpu.memref_slice %arg5[%dma_start3A_1089, %dma_start3A_1090] : memref<40x128xi32, #tpu.memory_space<vmem>> -> memref<1x128xi32, #tpu.memory_space<vmem>>
      %dma_start3A_1092 = tpu.memref_squeeze %dma_start3A_1091 : memref<1x128xi32, #tpu.memory_space<vmem>> -> memref<128xi32, #tpu.memory_space<vmem>>
      %dma_start3A_1093 = arith.constant 0 : i32
      %dma_start3A_1094 = arith.constant 0 : i32
      %dma_start3A_1095 = tpu.memref_slice %arg2[%dma_start3A_1093, %dma_start3A_1094] : memref<10112x128xf32, #tpu.memory_space<hbm>> -> memref<10112x128xf32, #tpu.memory_space<hbm>>
      tpu.enqueue_indirect_dma source(%dma_start3A_1095 : memref<10112x128xf32, #tpu.memory_space<hbm>>) target(%arg7 : memref<128x128xf32, #tpu.memory_space<vmem>>) offsets(%dma_start3A_1092 : memref<128xi32, #tpu.memory_space<vmem>>) semaphore(%arg10 : memref<!tpu.dma_semaphore, #tpu.memory_space<semaphore_mem>>)
      %dma_wait3A_1096 = arith.constant 37 : i32
      %dma_wait3A_1097 = arith.constant 0 : i32
      %dma_wait3A_1098 = tpu.memref_slice %arg5[%dma_wait3A_1096, %dma_wait3A_1097] : memref<40x128xi32, #tpu.memory_space<vmem>> -> memref<1x128xi32, #tpu.memory_space<vmem>>
      %dma_wait3A_1099 = tpu.memref_squeeze %dma_wait3A_1098 : memref<1x128xi32, #tpu.memory_space<vmem>> -> memref<128xi32, #tpu.memory_space<vmem>>
      %dma_wait3A_1100 = arith.constant 0 : i32
      %dma_wait3A_1101 = arith.constant 0 : i32
      %dma_wait3A_1102 = tpu.memref_slice %arg2[%dma_wait3A_1100, %dma_wait3A_1101] : memref<10112x128xf32, #tpu.memory_space<hbm>> -> memref<10112x128xf32, #tpu.memory_space<hbm>>
      tpu.wait_indirect_dma semaphore(%arg11 : memref<!tpu.dma_semaphore, #tpu.memory_space<semaphore_mem>>) src(%dma_wait3A_1102 : memref<10112x128xf32, #tpu.memory_space<hbm>>) dst(%arg8 : memref<128x128xf32, #tpu.memory_space<vmem>>)
      %dma_start3A_1103 = arith.constant 37 : i32
      %dma_start3A_1104 = arith.constant 0 : i32
      %dma_start3A_1105 = tpu.memref_slice %arg6[%dma_start3A_1103, %dma_start3A_1104] : memref<40x128xi32, #tpu.memory_space<vmem>> -> memref<1x128xi32, #tpu.memory_space<vmem>>
      %dma_start3A_1106 = tpu.memref_squeeze %dma_start3A_1105 : memref<1x128xi32, #tpu.memory_space<vmem>> -> memref<128xi32, #tpu.memory_space<vmem>>
      %dma_start3A_1107 = arith.constant 0 : i32
      %dma_start3A_1108 = arith.constant 0 : i32
      %dma_start3A_1109 = tpu.memref_slice %arg9[%dma_start3A_1107, %dma_start3A_1108] : memref<10112x128xf32, #tpu.memory_space<vmem_shared>> -> memref<10112x128xf32, #tpu.memory_space<vmem_shared>>
      tpu.enqueue_indirect_dma source(%arg8 : memref<128x128xf32, #tpu.memory_space<vmem>>) target(%dma_start3A_1109 : memref<10112x128xf32, #tpu.memory_space<vmem_shared>>) offsets(%dma_start3A_1106 : memref<128xi32, #tpu.memory_space<vmem>>) semaphore(%arg13 : memref<!tpu.dma_semaphore, #tpu.memory_space<semaphore_mem>>) {add = true}
      %dma_wait3A_1110 = arith.constant 37 : i32
      %dma_wait3A_1111 = arith.constant 0 : i32
      %dma_wait3A_1112 = tpu.memref_slice %arg6[%dma_wait3A_1110, %dma_wait3A_1111] : memref<40x128xi32, #tpu.memory_space<vmem>> -> memref<1x128xi32, #tpu.memory_space<vmem>>
      %dma_wait3A_1113 = tpu.memref_squeeze %dma_wait3A_1112 : memref<1x128xi32, #tpu.memory_space<vmem>> -> memref<128xi32, #tpu.memory_space<vmem>>
      %dma_wait3A_1114 = arith.constant 0 : i32
      %dma_wait3A_1115 = arith.constant 0 : i32
      %dma_wait3A_1116 = tpu.memref_slice %arg9[%dma_wait3A_1114, %dma_wait3A_1115] : memref<10112x128xf32, #tpu.memory_space<vmem_shared>> -> memref<10112x128xf32, #tpu.memory_space<vmem_shared>>
      tpu.wait_indirect_dma semaphore(%arg13 : memref<!tpu.dma_semaphore, #tpu.memory_space<semaphore_mem>>) src(%arg8 : memref<128x128xf32, #tpu.memory_space<vmem>>) dst(%dma_wait3A_1116 : memref<10112x128xf32, #tpu.memory_space<vmem_shared>>)
      %dma_start3A_1117 = arith.constant 39 : i32
      %dma_start3A_1118 = arith.constant 0 : i32
      %dma_start3A_1119 = tpu.memref_slice %arg5[%dma_start3A_1117, %dma_start3A_1118] : memref<40x128xi32, #tpu.memory_space<vmem>> -> memref<1x128xi32, #tpu.memory_space<vmem>>
      %dma_start3A_1120 = tpu.memref_squeeze %dma_start3A_1119 : memref<1x128xi32, #tpu.memory_space<vmem>> -> memref<128xi32, #tpu.memory_space<vmem>>
      %dma_start3A_1121 = arith.constant 0 : i32
      %dma_start3A_1122 = arith.constant 0 : i32
      %dma_start3A_1123 = tpu.memref_slice %arg2[%dma_start3A_1121, %dma_start3A_1122] : memref<10112x128xf32, #tpu.memory_space<hbm>> -> memref<10112x128xf32, #tpu.memory_space<hbm>>
      tpu.enqueue_indirect_dma source(%dma_start3A_1123 : memref<10112x128xf32, #tpu.memory_space<hbm>>) target(%arg8 : memref<128x128xf32, #tpu.memory_space<vmem>>) offsets(%dma_start3A_1120 : memref<128xi32, #tpu.memory_space<vmem>>) semaphore(%arg11 : memref<!tpu.dma_semaphore, #tpu.memory_space<semaphore_mem>>)
      %dma_wait3A_1124 = arith.constant 38 : i32
      %dma_wait3A_1125 = arith.constant 0 : i32
      %dma_wait3A_1126 = tpu.memref_slice %arg5[%dma_wait3A_1124, %dma_wait3A_1125] : memref<40x128xi32, #tpu.memory_space<vmem>> -> memref<1x128xi32, #tpu.memory_space<vmem>>
      %dma_wait3A_1127 = tpu.memref_squeeze %dma_wait3A_1126 : memref<1x128xi32, #tpu.memory_space<vmem>> -> memref<128xi32, #tpu.memory_space<vmem>>
      %dma_wait3A_1128 = arith.constant 0 : i32
      %dma_wait3A_1129 = arith.constant 0 : i32
      %dma_wait3A_1130 = tpu.memref_slice %arg2[%dma_wait3A_1128, %dma_wait3A_1129] : memref<10112x128xf32, #tpu.memory_space<hbm>> -> memref<10112x128xf32, #tpu.memory_space<hbm>>
      tpu.wait_indirect_dma semaphore(%arg10 : memref<!tpu.dma_semaphore, #tpu.memory_space<semaphore_mem>>) src(%dma_wait3A_1130 : memref<10112x128xf32, #tpu.memory_space<hbm>>) dst(%arg7 : memref<128x128xf32, #tpu.memory_space<vmem>>)
      %dma_start3A_1131 = arith.constant 38 : i32
      %dma_start3A_1132 = arith.constant 0 : i32
      %dma_start3A_1133 = tpu.memref_slice %arg6[%dma_start3A_1131, %dma_start3A_1132] : memref<40x128xi32, #tpu.memory_space<vmem>> -> memref<1x128xi32, #tpu.memory_space<vmem>>
      %dma_start3A_1134 = tpu.memref_squeeze %dma_start3A_1133 : memref<1x128xi32, #tpu.memory_space<vmem>> -> memref<128xi32, #tpu.memory_space<vmem>>
      %dma_start3A_1135 = arith.constant 0 : i32
      %dma_start3A_1136 = arith.constant 0 : i32
      %dma_start3A_1137 = tpu.memref_slice %arg9[%dma_start3A_1135, %dma_start3A_1136] : memref<10112x128xf32, #tpu.memory_space<vmem_shared>> -> memref<10112x128xf32, #tpu.memory_space<vmem_shared>>
      tpu.enqueue_indirect_dma source(%arg7 : memref<128x128xf32, #tpu.memory_space<vmem>>) target(%dma_start3A_1137 : memref<10112x128xf32, #tpu.memory_space<vmem_shared>>) offsets(%dma_start3A_1134 : memref<128xi32, #tpu.memory_space<vmem>>) semaphore(%arg12 : memref<!tpu.dma_semaphore, #tpu.memory_space<semaphore_mem>>) {add = true}
      %dma_wait3A_1138 = arith.constant 39 : i32
      %dma_wait3A_1139 = arith.constant 0 : i32
      %dma_wait3A_1140 = tpu.memref_slice %arg5[%dma_wait3A_1138, %dma_wait3A_1139] : memref<40x128xi32, #tpu.memory_space<vmem>> -> memref<1x128xi32, #tpu.memory_space<vmem>>
      %dma_wait3A_1141 = tpu.memref_squeeze %dma_wait3A_1140 : memref<1x128xi32, #tpu.memory_space<vmem>> -> memref<128xi32, #tpu.memory_space<vmem>>
      %dma_wait3A_1142 = arith.constant 0 : i32
      %dma_wait3A_1143 = arith.constant 0 : i32
      %dma_wait3A_1144 = tpu.memref_slice %arg2[%dma_wait3A_1142, %dma_wait3A_1143] : memref<10112x128xf32, #tpu.memory_space<hbm>> -> memref<10112x128xf32, #tpu.memory_space<hbm>>
      tpu.wait_indirect_dma semaphore(%arg11 : memref<!tpu.dma_semaphore, #tpu.memory_space<semaphore_mem>>) src(%dma_wait3A_1144 : memref<10112x128xf32, #tpu.memory_space<hbm>>) dst(%arg8 : memref<128x128xf32, #tpu.memory_space<vmem>>)
      %dma_start3A_1145 = arith.constant 39 : i32
      %dma_start3A_1146 = arith.constant 0 : i32
      %dma_start3A_1147 = tpu.memref_slice %arg6[%dma_start3A_1145, %dma_start3A_1146] : memref<40x128xi32, #tpu.memory_space<vmem>> -> memref<1x128xi32, #tpu.memory_space<vmem>>
      %dma_start3A_1148 = tpu.memref_squeeze %dma_start3A_1147 : memref<1x128xi32, #tpu.memory_space<vmem>> -> memref<128xi32, #tpu.memory_space<vmem>>
      %dma_start3A_1149 = arith.constant 0 : i32
      %dma_start3A_1150 = arith.constant 0 : i32
      %dma_start3A_1151 = tpu.memref_slice %arg9[%dma_start3A_1149, %dma_start3A_1150] : memref<10112x128xf32, #tpu.memory_space<vmem_shared>> -> memref<10112x128xf32, #tpu.memory_space<vmem_shared>>
      tpu.enqueue_indirect_dma source(%arg8 : memref<128x128xf32, #tpu.memory_space<vmem>>) target(%dma_start3A_1151 : memref<10112x128xf32, #tpu.memory_space<vmem_shared>>) offsets(%dma_start3A_1148 : memref<128xi32, #tpu.memory_space<vmem>>) semaphore(%arg13 : memref<!tpu.dma_semaphore, #tpu.memory_space<semaphore_mem>>) {add = true}
      %dma_wait3A_1152 = arith.constant 38 : i32
      %dma_wait3A_1153 = arith.constant 0 : i32
      %dma_wait3A_1154 = tpu.memref_slice %arg6[%dma_wait3A_1152, %dma_wait3A_1153] : memref<40x128xi32, #tpu.memory_space<vmem>> -> memref<1x128xi32, #tpu.memory_space<vmem>>
      %dma_wait3A_1155 = tpu.memref_squeeze %dma_wait3A_1154 : memref<1x128xi32, #tpu.memory_space<vmem>> -> memref<128xi32, #tpu.memory_space<vmem>>
      %dma_wait3A_1156 = arith.constant 0 : i32
      %dma_wait3A_1157 = arith.constant 0 : i32
      %dma_wait3A_1158 = tpu.memref_slice %arg9[%dma_wait3A_1156, %dma_wait3A_1157] : memref<10112x128xf32, #tpu.memory_space<vmem_shared>> -> memref<10112x128xf32, #tpu.memory_space<vmem_shared>>
      tpu.wait_indirect_dma semaphore(%arg12 : memref<!tpu.dma_semaphore, #tpu.memory_space<semaphore_mem>>) src(%arg7 : memref<128x128xf32, #tpu.memory_space<vmem>>) dst(%dma_wait3A_1158 : memref<10112x128xf32, #tpu.memory_space<vmem_shared>>)
      %dma_wait3A_1159 = arith.constant 39 : i32
      %dma_wait3A_1160 = arith.constant 0 : i32
      %dma_wait3A_1161 = tpu.memref_slice %arg6[%dma_wait3A_1159, %dma_wait3A_1160] : memref<40x128xi32, #tpu.memory_space<vmem>> -> memref<1x128xi32, #tpu.memory_space<vmem>>
      %dma_wait3A_1162 = tpu.memref_squeeze %dma_wait3A_1161 : memref<1x128xi32, #tpu.memory_space<vmem>> -> memref<128xi32, #tpu.memory_space<vmem>>
      %dma_wait3A_1163 = arith.constant 0 : i32
      %dma_wait3A_1164 = arith.constant 0 : i32
      %dma_wait3A_1165 = tpu.memref_slice %arg9[%dma_wait3A_1163, %dma_wait3A_1164] : memref<10112x128xf32, #tpu.memory_space<vmem_shared>> -> memref<10112x128xf32, #tpu.memory_space<vmem_shared>>
      tpu.wait_indirect_dma semaphore(%arg13 : memref<!tpu.dma_semaphore, #tpu.memory_space<semaphore_mem>>) src(%arg8 : memref<128x128xf32, #tpu.memory_space<vmem>>) dst(%dma_wait3A_1165 : memref<10112x128xf32, #tpu.memory_space<vmem_shared>>)
      %scan3A_1166 = arith.constant 0 : i32
      scf.yield %scan3A_1166 : i32
    }
    %scan3A_36 = arith.constant 2 : i32
    %barrier3A_37 = arith.constant 0 : index
    tpu.barrier barrier_id(%barrier3A_37)
    %mul3A_38 = arith.constant 632 : i32
    %mul3A_39 = arith.muli %arg1, %mul3A_38 : i32
    %mul3A_40 = arith.constant 632 : i32
    %mul3A_41 = arith.muli %arg1, %mul3A_40 : i32
    "tpu.region"() ({
      %run_scoped3A = tpu.sem_alloc : memref<!tpu.dma_semaphore, #tpu.memory_space<semaphore_mem>>
      %dma_start3A = arith.constant 0 : i32
      %dma_start3A_42 = arith.constant 0 : i32
      %dma_start3A_43 = tpu.memref_slice %arg4[%arg0, %dma_start3A, %dma_start3A_42] : memref<2x10112x128xf32, #tpu.memory_space<hbm>> -> memref<1x10112x128xf32, #tpu.memory_space<hbm>>
      %dma_start3A_44 = tpu.memref_squeeze %dma_start3A_43 : memref<1x10112x128xf32, #tpu.memory_space<hbm>> -> memref<10112x128xf32, #tpu.memory_space<hbm>>
      %dma_start3A_45 = arith.constant 0 : i32
      %dma_start3A_46 = tpu.memref_slice %dma_start3A_44[%mul3A_41, %dma_start3A_45] : memref<10112x128xf32, #tpu.memory_space<hbm>> -> memref<632x128xf32, #tpu.memory_space<hbm>>
      %dma_start3A_47 = arith.constant 0 : i32
      %dma_start3A_48 = tpu.memref_slice %arg9[%mul3A_39, %dma_start3A_47] : memref<10112x128xf32, #tpu.memory_space<vmem_shared>> -> memref<632x128xf32, #tpu.memory_space<vmem_shared>>
      tpu.enqueue_dma source(%dma_start3A_48 : memref<632x128xf32, #tpu.memory_space<vmem_shared>>) target(%dma_start3A_46 : memref<632x128xf32, #tpu.memory_space<hbm>>) target_semaphore(%run_scoped3A : memref<!tpu.dma_semaphore, #tpu.memory_space<semaphore_mem>>)
      %dma_wait3A = arith.constant 0 : i32
      %dma_wait3A_49 = arith.constant 0 : i32
      %dma_wait3A_50 = tpu.memref_slice %arg4[%arg0, %dma_wait3A, %dma_wait3A_49] : memref<2x10112x128xf32, #tpu.memory_space<hbm>> -> memref<1x10112x128xf32, #tpu.memory_space<hbm>>
      %dma_wait3A_51 = tpu.memref_squeeze %dma_wait3A_50 : memref<1x10112x128xf32, #tpu.memory_space<hbm>> -> memref<10112x128xf32, #tpu.memory_space<hbm>>
      %dma_wait3A_52 = arith.constant 0 : i32
      %dma_wait3A_53 = tpu.memref_slice %dma_wait3A_51[%mul3A_41, %dma_wait3A_52] : memref<10112x128xf32, #tpu.memory_space<hbm>> -> memref<632x128xf32, #tpu.memory_space<hbm>>
      %dma_wait3A_54 = arith.constant 0 : i32
      %dma_wait3A_55 = tpu.memref_slice %arg9[%mul3A_39, %dma_wait3A_54] : memref<10112x128xf32, #tpu.memory_space<vmem_shared>> -> memref<632x128xf32, #tpu.memory_space<vmem_shared>>
      tpu.wait_dma2 semaphore(%run_scoped3A : memref<!tpu.dma_semaphore, #tpu.memory_space<semaphore_mem>>) src(%dma_wait3A_55 : memref<632x128xf32, #tpu.memory_space<vmem_shared>>) dst(%dma_wait3A_53 : memref<632x128xf32, #tpu.memory_space<hbm>>)
      tpu.yield
    }) : () -> ()
    return
  }
}

module attributes {stable_mosaic.version = 14 : i64} {
  func.func @_mm_body(%arg0: i32, %arg1: memref<128x128xf32, #tpu.memory_space<vmem>>, %arg2: memref<128x128xf32, #tpu.memory_space<vmem>>, %arg3: memref<1x128xf32, #tpu.memory_space<vmem>>, %arg4: memref<128x128xf32, #tpu.memory_space<vmem>>) attributes {dimension_semantics = [#tpu.dimension_semantics<arbitrary>], iteration_bounds = array<i64: 79>, scalar_prefetch = 0 : i64, scratch_operands = 0 : i64, tpu.core_type = #tpu.core_type<tc>, window_params = [{transform_indices = @transform_0, window_bounds = array<i64: 128, 128>}, {pipeline_mode = #tpu.pipeline_mode<synchronous>, transform_indices = @transform_1, window_bounds = array<i64: 128, 128>}, {pipeline_mode = #tpu.pipeline_mode<synchronous>, transform_indices = @transform_2, window_bounds = array<i64: 1, 128>}, {transform_indices = @transform_3, window_bounds = array<i64: 128, 128>}]} {
    %get3A = arith.constant 0 : index
    %get3A_0 = arith.constant 0 : index
    %get3A_1 = vector.load %arg1[%get3A, %get3A_0] : memref<128x128xf32, #tpu.memory_space<vmem>>, vector<128x128xf32>
    %get3A_2 = arith.constant 0 : index
    %get3A_3 = arith.constant 0 : index
    %get3A_4 = vector.load %arg2[%get3A_2, %get3A_3] : memref<128x128xf32, #tpu.memory_space<vmem>>, vector<128x128xf32>
    %dot_general3A = arith.constant dense<0.000000e+00> : vector<128x128xf32>
    %dot_general3A_5 = tpu.matmul %get3A_1, %get3A_4, %dot_general3A {dimension_numbers = #tpu.dot_dimension_numbers<[1], [0], [0], [1], [0, 0, 1, 1], [], []>, transpose_lhs_hint = false} : vector<128x128xf32>, vector<128x128xf32>, vector<128x128xf32> -> vector<128x128xf32>
    %get3A_6 = arith.constant 0 : index
    %get3A_7 = arith.constant 0 : index
    %get3A_8 = vector.load %arg3[%get3A_6, %get3A_7] : memref<1x128xf32, #tpu.memory_space<vmem>>, vector<1x128xf32>
    %add3A = vector.broadcast %get3A_8 : vector<1x128xf32> to vector<128x128xf32>
    %add3A_9 = arith.addf %dot_general3A_5, %add3A : vector<128x128xf32>
    %swap3A = arith.constant 0 : index
    %swap3A_10 = arith.constant 0 : index
    %swap3A_11 = vector.load %arg4[%swap3A, %swap3A_10] : memref<128x128xf32, #tpu.memory_space<vmem>>, vector<128x128xf32>
    tpu.vector_store %arg4[%swap3A, %swap3A_10], %add3A_9 {strides = array<i32>} : memref<128x128xf32, #tpu.memory_space<vmem>>, vector<128x128xf32>,
    return
  }
  func.func @transform_0(%arg0: i32) -> (i32, i32) {
    %c0_i32 = arith.constant 0 : i32
    %c0_i32_0 = arith.constant 0 : i32
    return %arg0, %c0_i32 : i32, i32
  }
  func.func @transform_1(%arg0: i32) -> (i32, i32) {
    %c0_i32 = arith.constant 0 : i32
    %c0_i32_0 = arith.constant 0 : i32
    %c0_i32_1 = arith.constant 0 : i32
    return %c0_i32, %c0_i32_0 : i32, i32
  }
  func.func @transform_2(%arg0: i32) -> (i32, i32) {
    %c0_i32 = arith.constant 0 : i32
    %c0_i32_0 = arith.constant 0 : i32
    %c0_i32_1 = arith.constant 0 : i32
    return %c0_i32, %c0_i32_0 : i32, i32
  }
  func.func @transform_3(%arg0: i32) -> (i32, i32) {
    %c0_i32 = arith.constant 0 : i32
    %c0_i32_0 = arith.constant 0 : i32
    return %arg0, %c0_i32 : i32, i32
  }
}

module attributes {stable_mosaic.version = 14 : i64} {
  func.func @_scale_body(%arg0: i32, %arg1: memref<128x128xf32, #tpu.memory_space<vmem>>, %arg2: memref<1x16x128xf32, #tpu.memory_space<vmem>>, %arg3: memref<128x128xf32, #tpu.memory_space<vmem>>) attributes {dimension_semantics = [#tpu.dimension_semantics<arbitrary>], iteration_bounds = array<i64: 79>, scalar_prefetch = 0 : i64, scratch_operands = 0 : i64, tpu.core_type = #tpu.core_type<tc>, window_params = [{transform_indices = @transform_0, window_bounds = array<i64: 128, 128>}, {transform_indices = @transform_1, window_bounds = array<i64: 1, 16, 128>}, {transform_indices = @transform_2, window_bounds = array<i64: 128, 128>}]} {
    %get3A = arith.constant 0 : index
    %get3A_0 = arith.constant 0 : index
    %get3A_1 = arith.constant 0 : index
    %get3A_2 = vector.load %arg2[%get3A, %get3A_0, %get3A_1] : memref<1x16x128xf32, #tpu.memory_space<vmem>>, vector<1x16x128xf32>
    %get3A_3 = vector.shape_cast %get3A_2 : vector<1x16x128xf32> to vector<16x128xf32>
    %reduce_sum3A = arith.constant dense<0.000000e+00> : vector<128xf32>
    %reduce_sum3A_4 = vector.multi_reduction <add>, %get3A_3, %reduce_sum3A [0] : vector<16x128xf32> to vector<128xf32>
    %add3A = arith.constant 1.000000e+00 : f32
    %add3A_5 = vector.broadcast %add3A : f32 to vector<128xf32>
    %add3A_6 = arith.addf %reduce_sum3A_4, %add3A_5 : vector<128xf32>
    %get3A_7 = arith.constant 0 : index
    %get3A_8 = arith.constant 0 : index
    %get3A_9 = vector.load %arg1[%get3A_7, %get3A_8] : memref<128x128xf32, #tpu.memory_space<vmem>>, vector<128x128xf32>
    %rsqrt3A = math.rsqrt %add3A_6 : vector<128xf32>
    %broadcast_in_dim3A = vector.shape_cast %rsqrt3A : vector<128xf32> to vector<128x1xf32>
    %mul3A = vector.broadcast %broadcast_in_dim3A : vector<128x1xf32> to vector<128x128xf32>
    %mul3A_10 = arith.mulf %get3A_9, %mul3A : vector<128x128xf32>
    %swap3A = arith.constant 0 : index
    %swap3A_11 = arith.constant 0 : index
    %swap3A_12 = vector.load %arg3[%swap3A, %swap3A_11] : memref<128x128xf32, #tpu.memory_space<vmem>>, vector<128x128xf32>
    tpu.vector_store %arg3[%swap3A, %swap3A_11], %mul3A_10 {strides = array<i32>} : memref<128x128xf32, #tpu.memory_space<vmem>>, vector<128x128xf32>,
    return
  }
  func.func @transform_0(%arg0: i32) -> (i32, i32) {
    %c0_i32 = arith.constant 0 : i32
    %c0_i32_0 = arith.constant 0 : i32
    return %arg0, %c0_i32 : i32, i32
  }
  func.func @transform_1(%arg0: i32) -> (i32, i32, i32) {
    %c0_i32 = arith.constant 0 : i32
    %c0_i32_0 = arith.constant 0 : i32
    %c0_i32_1 = arith.constant 0 : i32
    return %c0_i32, %c0_i32_0, %arg0 : i32, i32, i32
  }
  func.func @transform_2(%arg0: i32) -> (i32, i32) {
    %c0_i32 = arith.constant 0 : i32
    %c0_i32_0 = arith.constant 0 : i32
    return %arg0, %c0_i32 : i32, i32
  }
}

module attributes {stable_mosaic.version = 14 : i64} {
  func.func @_final_body(%arg0: i32, %arg1: memref<2x128x128xf32, #tpu.memory_space<vmem>>, %arg2: memref<128x128xf32, #tpu.memory_space<vmem>>, %arg3: memref<1x16x128xf32, #tpu.memory_space<vmem>>, %arg4: memref<128x128xf32, #tpu.memory_space<vmem>>) attributes {dimension_semantics = [#tpu.dimension_semantics<arbitrary>], iteration_bounds = array<i64: 79>, scalar_prefetch = 0 : i64, scratch_operands = 0 : i64, tpu.core_type = #tpu.core_type<tc>, window_params = [{transform_indices = @transform_0, window_bounds = array<i64: 2, 128, 128>}, {transform_indices = @transform_1, window_bounds = array<i64: 128, 128>}, {transform_indices = @transform_2, window_bounds = array<i64: 1, 16, 128>}, {transform_indices = @transform_3, window_bounds = array<i64: 128, 128>}]} {
    %get3A = arith.constant 0 : index
    %get3A_0 = arith.constant 0 : index
    %get3A_1 = arith.constant 0 : index
    %get3A_2 = vector.load %arg1[%get3A, %get3A_0, %get3A_1] : memref<2x128x128xf32, #tpu.memory_space<vmem>>, vector<1x128x128xf32>
    %get3A_3 = vector.shape_cast %get3A_2 : vector<1x128x128xf32> to vector<128x128xf32>
    %get3A_4 = arith.constant 1 : index
    %get3A_5 = arith.constant 0 : index
    %get3A_6 = arith.constant 0 : index
    %get3A_7 = vector.load %arg1[%get3A_4, %get3A_5, %get3A_6] : memref<2x128x128xf32, #tpu.memory_space<vmem>>, vector<1x128x128xf32>
    %get3A_8 = vector.shape_cast %get3A_7 : vector<1x128x128xf32> to vector<128x128xf32>
    %add3A = arith.addf %get3A_3, %get3A_8 : vector<128x128xf32>
    %get3A_9 = arith.constant 0 : index
    %get3A_10 = arith.constant 0 : index
    %get3A_11 = vector.load %arg2[%get3A_9, %get3A_10] : memref<128x128xf32, #tpu.memory_space<vmem>>, vector<128x128xf32>
    %add3A_12 = arith.addf %add3A, %get3A_11 : vector<128x128xf32>
    %get3A_13 = arith.constant 0 : index
    %get3A_14 = arith.constant 0 : index
    %get3A_15 = arith.constant 0 : index
    %get3A_16 = vector.load %arg3[%get3A_13, %get3A_14, %get3A_15] : memref<1x16x128xf32, #tpu.memory_space<vmem>>, vector<1x16x128xf32>
    %get3A_17 = vector.shape_cast %get3A_16 : vector<1x16x128xf32> to vector<16x128xf32>
    %reduce_sum3A = arith.constant dense<0.000000e+00> : vector<128xf32>
    %reduce_sum3A_18 = vector.multi_reduction <add>, %get3A_17, %reduce_sum3A [0] : vector<16x128xf32> to vector<128xf32>
    %add3A_19 = arith.constant 1.000000e+00 : f32
    %add3A_20 = vector.broadcast %add3A_19 : f32 to vector<128xf32>
    %add3A_21 = arith.addf %reduce_sum3A_18, %add3A_20 : vector<128xf32>
    %rsqrt3A = math.rsqrt %add3A_21 : vector<128xf32>
    %broadcast_in_dim3A = vector.shape_cast %rsqrt3A : vector<128xf32> to vector<128x1xf32>
    %mul3A = vector.broadcast %broadcast_in_dim3A : vector<128x1xf32> to vector<128x128xf32>
    %mul3A_22 = arith.mulf %add3A_12, %mul3A : vector<128x128xf32>
    %ge3A = arith.constant 0.000000e+00 : f32
    %ge3A_23 = vector.broadcast %ge3A : f32 to vector<128x128xf32>
    %ge3A_24 = arith.cmpf oge, %mul3A_22, %ge3A_23 : vector<128x128xf32>
    %mul3A_25 = arith.constant 0.00999999977 : f32
    %mul3A_26 = vector.broadcast %mul3A_25 : f32 to vector<128x128xf32>
    %mul3A_27 = arith.mulf %mul3A_26, %mul3A_22 : vector<128x128xf32>
    %select_n3A = arith.select %ge3A_24, %mul3A_22, %mul3A_27 : vector<128x128xi1>, vector<128x128xf32>
    %swap3A = arith.constant 0 : index
    %swap3A_28 = arith.constant 0 : index
    %swap3A_29 = vector.load %arg4[%swap3A, %swap3A_28] : memref<128x128xf32, #tpu.memory_space<vmem>>, vector<128x128xf32>
    tpu.vector_store %arg4[%swap3A, %swap3A_28], %select_n3A {strides = array<i32>} : memref<128x128xf32, #tpu.memory_space<vmem>>, vector<128x128xf32>,
    return
  }
  func.func @transform_0(%arg0: i32) -> (i32, i32, i32) {
    %c0_i32 = arith.constant 0 : i32
    %c0_i32_0 = arith.constant 0 : i32
    %c0_i32_1 = arith.constant 0 : i32
    return %c0_i32, %arg0, %c0_i32_0 : i32, i32, i32
  }
  func.func @transform_1(%arg0: i32) -> (i32, i32) {
    %c0_i32 = arith.constant 0 : i32
    %c0_i32_0 = arith.constant 0 : i32
    return %arg0, %c0_i32 : i32, i32
  }
  func.func @transform_2(%arg0: i32) -> (i32, i32, i32) {
    %c1_i32 = arith.constant 1 : i32
    %c0_i32 = arith.constant 0 : i32
    %c0_i32_0 = arith.constant 0 : i32
    return %c1_i32, %c0_i32, %arg0 : i32, i32, i32
  }
  func.func @transform_3(%arg0: i32) -> (i32, i32) {
    %c0_i32 = arith.constant 0 : i32
    %c0_i32_0 = arith.constant 0 : i32
    return %arg0, %c0_i32 : i32, i32
  }
}

</mosaic_0001>

<sc_bundles>
// kernel: kernel.10.cloned.1.call-start
scs
__scs_entry_jumppad:
0x0: {  	(pc) =	sbr.rel $0x88, $3  }
0x1: {  	(tag) =	ssettag $0x0;
	lr =	simm.s32 $0x1  }
0x2: {  	[smem:$0x3F9C] =	sst lr;
	_ =	strace $0xD0000000  }
0x3: {  	_ = 	snop  }
0x4: {  	_ = 	snop  }
0x5: {  	_ = 	snop  }
0x6: {  	_ = 	snop  }
0x7: {  	_ = 	snop  }
__scs_overlays_trampoline_lowered:
0x8: {  	[smem:$0x3FAB] =	sst s0  }
0x9: {  	[smem:$0x3FAC] =	sst s1  }
0xa: {  	[smem:$0x3FAD] =	sst s2  }
0xb: {  	[smem:$0x3FAE] =	sst s3  }
0xc: {  	[smem:$0x3FAF] =	sst s4  }
0xd: {  	[smem:$0x3FB0] =	sst s5  }
0xe: {  	[smem:$0x3FB1] =	sst s6  }
0xf: {  	[smem:$0x3FB2] =	sst s7  }
0x10: {  	[smem:$0x3FB3] =	sst s8  }
0x11: {  	[smem:$0x3FB4] =	sst s9;
	s0 =	simm.s32 @!p0 $0x0  }
0x12: {  	s1 =	sld [smem:$0x3F9A];
	s0 =	simm.s32 @p0 $0x1  }
0x13: {  	[smem:$0x3FB5] =	sst s0;
	s0 =	simm.s32 @!p1 $0x0  }
0x14: {  	s2 =	sld [smem:$0x3F99];
	s0 =	simm.s32 @p1 $0x1  }
0x15: {  	[smem:$0x3FB6] =	sst s0;
	s0 =	simm.s32 @!p2 $0x0  }
0x16: {  	s3 =	sld [smem:$0x3FDB];
	s0 =	simm.s32 @p2 $0x1  }
0x17: {  	s4 =	simm.s32 $0x1BF5;
	[smem:$0x3FB8] =	sst s0  }
0x18: {  	s0 =	sld [smem:$0x3F9B];
	_ =	swait.ge [sflag:s4], $0x0  }
0x19: {  	s7 =	sld [smem:$0x3F9C]  }
0x1a: {  	s8 =	sadd.s32 $0xFFFFE003, lr  }
0x1b: {  	s9 =	sadd.s32 $0xFFFFFEF7, lr;
	s5 =	simm.s32 $0xFFFFFFFF;
	p2 =	slt.u32 s8, $0xFFFFF086  }
0x1c: {  	p1 =	slt.u32 s9, $0xF7A;
	s5 =	simm.s32 @!p2 $0x0  }
0x1d: {  	s5 =	simm.s32 @p1 $0x1;
	p0 =	seq.s32 s7, s2  }
0x1e: {  	s7 =	smul.u32 @!p0 $0xF7A, s2;
	p2 =	seq.s32 @!p0 s5, $0x0  }
0x1f: {  	s9 =	smul.u32 $0xF7A, s1;
	s8 =	simm.s32 @!p0 $0x1BF5;
	p2 =	por !p2, p0  }
0x20: {  	[sflag:s8] =	ssyncset.s32 @!p0 $0xFFFFF086;
	s6 =	sadd.s32 @!p0 s3, s7;
	s7 =	simm.s32 @!p0 $0x108  }
0x21: {  	s3 =	sadd.s32 s3, s9;
	s6 =	sadd.s32 @!p0 $0x88, s6;
	s7 =	simm.s32 @p2 $0x1082  }
0x22: {  	[simem:s7], [sflag:s8] =	dma.local @!p0 [hbm:s6], $0xF7A  }
0x23: {  	s9 =	sor.u32 $0xD0000000, s2;
	s6 =	simm.s32 $0x108;
	_ =	swait.ge @!p0 [sflag:s8], $0x0  }
0x24: {  	s3 =	sadd.s32 $0x88, s3;
	s6 =	simm.s32 @!p1 $0x1082;
	[sflag:s4] =	ssyncset.s32 $0xFFFFF086  }
0x25: {  	[simem:s6], [sflag:s4] =	dma.local [hbm:s3], $0xF7A  }
0x26: {  	[smem:$0x3F9C] =	sst s1;
	(tag) =	ssettag s2;
	_ =	strace s9  }
0x27: {  	s1 =	sld [smem:$0x3FAC]  }
0x28: {  	s2 =	sld [smem:$0x3FAD]  }
0x29: {  	s4 =	sld [smem:$0x3FAF]  }
0x2a: {  	p0 =	seq.s32 s5, $0x0;
	s5 =	sld [smem:$0x3FB0]  }
0x2b: {  	s6 =	sld [smem:$0x3FB1]  }
0x2c: {  	s7 =	sld [smem:$0x3FB2]  }
0x2d: {  	s3 =	simm.s32 $0x108;
	s8 =	sld [smem:$0x3FB3]  }
0x2e: {  	s3 =	simm.s32 @!p0 $0x1082;
	s9 =	sld [smem:$0x3FB4]  }
0x2f: {  	lr =	sadd.s32 s0, s3;
	s0 =	sld [smem:$0x3FAB]  }
0x30: {  	s3 =	sld [smem:$0x3FAE]  }
0x31: {  	[smem:$0x3FB7] =	sst s10  }
0x32: {  	s10 =	sld [smem:$0x3FB5];
	_ =	sdelay $0x3  }
0x33: {  	p0 =	seq.s32 s10, $0x1;
	s10 =	sld [smem:$0x3FB7];
	_ =	sdelay $0x3  }
0x34: {  	[smem:$0x3FB7] =	sst s10  }
0x35: {  	s10 =	sld [smem:$0x3FB6];
	_ =	sdelay $0x3  }
0x36: {  	p1 =	seq.s32 s10, $0x1;
	s10 =	sld [smem:$0x3FB7];
	_ =	sdelay $0x3  }
0x37: {  	[smem:$0x3FB7] =	sst s10  }
0x38: {  	s10 =	sld [smem:$0x3FB8]  }
0x39: {  	_ = 	snop;
	(pc) =	sbr.ind lr, $3  }
0x3a: {  	_ = 	snop  }
0x3b: {  	_ = 	snop  }
0x3c: {  	p2 =	seq.s32 s10, $0x1;
	s10 =	sld [smem:$0x3FB7]  }
0x3d: {  	_ =	shalt  }
0x3e: {  	_ =	shalt  }
0x3f: {  	_ =	shalt  }
0x40: {  	_ =	shalt  }
0x41: {  	_ =	shalt  }
0x42: {  	_ =	shalt  }
0x43: {  	_ =	shalt  }
0x44: {  	_ =	shalt  }
0x45: {  	_ =	shalt  }
0x46: {  	_ =	shalt  }
0x47: {  	_ =	shalt  }
0x48: {  	_ =	shalt  }
0x49: {  	_ =	shalt  }
0x4a: {  	_ =	shalt  }
0x4b: {  	_ =	shalt  }
0x4c: {  	_ =	shalt  }
0x4d: {  	_ =	shalt  }
0x4e: {  	_ =	shalt  }
0x4f: {  	_ =	shalt  }
0x50: {  	_ =	shalt  }
0x51: {  	_ =	shalt  }
0x52: {  	_ =	shalt  }
0x53: {  	_ =	shalt  }
0x54: {  	_ =	shalt  }
0x55: {  	_ =	shalt  }
0x56: {  	_ =	shalt  }
0x57: {  	_ =	shalt  }
0x58: {  	_ =	shalt  }
0x59: {  	_ =	shalt  }
0x5a: {  	_ =	shalt  }
0x5b: {  	_ =	shalt  }
0x5c: {  	_ =	shalt  }
0x5d: {  	_ =	shalt  }
0x5e: {  	_ =	shalt  }
0x5f: {  	_ =	shalt  }
0x60: {  	_ =	shalt  }
0x61: {  	_ =	shalt  }
0x62: {  	_ =	shalt  }
0x63: {  	_ =	shalt  }
0x64: {  	_ =	shalt  }
0x65: {  	_ =	shalt  }
0x66: {  	_ =	shalt  }
0x67: {  	_ =	shalt  }
0x68: {  	_ =	shalt  }
0x69: {  	_ =	shalt  }
0x6a: {  	_ =	shalt  }
0x6b: {  	_ =	shalt  }
0x6c: {  	_ =	shalt  }
0x6d: {  	_ =	shalt  }
0x6e: {  	_ =	shalt  }
0x6f: {  	_ =	shalt  }
0x70: {  	_ =	shalt  }
0x71: {  	_ =	shalt  }
0x72: {  	_ =	shalt  }
0x73: {  	_ =	shalt  }
0x74: {  	_ =	shalt  }
0x75: {  	_ =	shalt  }
0x76: {  	_ =	shalt  }
0x77: {  	_ =	shalt  }
0x78: {  	_ =	shalt  }
0x79: {  	_ =	shalt  }
0x7a: {  	_ =	shalt  }
0x7b: {  	_ =	shalt  }
0x7c: {  	_ =	shalt  }
0x7d: {  	_ =	shalt  }
0x7e: {  	_ =	shalt  }
0x7f: {  	_ =	shalt  }
0x80: {  	_ =	shalt  }
0x81: {  	_ =	shalt  }
0x82: {  	_ =	shalt  }
0x83: {  	_ =	shalt  }
0x84: {  	_ =	shalt  }
0x85: {  	_ =	shalt  }
0x86: {  	_ =	shalt  }
0x87: {  	_ =	shalt  }
.Lfunc_end0:
.L_simem_size_0:
called_computation.1_lowered:
.L_overlay_start_0:
0x88: {  	s2 =	sld [smem:$0x3FD9]  }
0x89: {  	s3 =	sld [smem:$0x3FFE];
	_ =	sdelay $0x1  }
0x8a: {  	s1 =	srdreg.scid  }
0x8b: {  	s0 =	sand.u32 $0x1, s1  }
0x8c: {  	s17 =	sshll.u32 s0, $0xA;
	s2 =	sadd.s32 s3, s2  }
0x8d: {  	s2 =	sadd.s32 s2, s17  }
0x8e: {  	[smem:$0x3FC3] =	sst s2  }
0x8f: {  	_ = 	snop  }
0x90: {  	s2 =	sld [smem:$0x3FD0];
	(tm) =	ssettm $0x1  }
0x91: {  	s18 =	sld [smem:$0x3FFB];
	_ =	sdelay $0x3  }
0x92: {  	_ =	strace s18  }
0x93: {  	s3 =	sld [smem:$0x3FFC];
	_ =	sdelay $0x3  }
0x94: {  	_ =	strace s3  }
0x95: {  	s3 =	sld [smem:$0x3FFD];
	_ =	sdelay $0x3  }
0x96: {  	_ =	strace s3  }
0x97: {  	_ =	strace $0x8FFFFFFF  }
0x98: {  	s19 =	sld [smem:$0x3FDB];
	_ =	sdelay $0x1  }
0x99: {  	s4 =	simm.s32 $_scs_section_size  }
0x9a: {  	s5 =	simm.s32 $_size__tile_overlayer_lowered;
	s6 =	simm.s32 $_tile_overlayer_lowered  }
0x9b: {  	s22 =	simm.s32 $0x1BFF;
	s21 =	sshll.u32 s6, $0x1;
	s3 =	sadd.s32 s4, s19  }
0x9c: {  	s7 =	simm.s32 $0x0;
	s20 =	sshll.u32 s5, $0x1;
	s5 =	sadd.s32 s21, s3  }
0x9d: {  	[timem:s7], [sflag:s22] =	dma.local [hbm:s5], s20  }
0x9e: {  	_ =	swait.ge [sflag:s22], s20  }
0x9f: {  	s4 =	ssub.s32 $0x0, s20;
	[sflag:s22] =	ssyncset.done $0x0  }
0xa0: {  	[sflag:s22] =	ssyncadd.s32 s4;
	_ =	sdelay $0x1  }
0xa1: {  	s23 =	simm.s32 $0x1B8B  }
0xa2: {  	_ =	swait.ge [sflag:s23], $0x1  }
0xa3: {  	[sflag:s23] =	ssyncset.done $0x0  }
0xa4: {  	s25 =	simm.s32 $0x1B8E;
	s24 =	sld [smem:$0x3FFE];
	[sflag:s23] =	ssyncadd.s32 $0xFFFFFFFF  }
0xa5: {  	s26 =	simm.s32 $execute0_lowered;
	[smem:$0x3FD2] =	sst s25  }
0xa6: {  	s5 =	sshll.u32 s26, $0x1;
	_ =	strace $0x80000049;
	[dreg:$0x1] =	wrdreg $0xFFFFFFFF  }
0xa7: {  	s28 =	simm.s32 $_size_execute0_lowered;
	s3 =	sadd.s32 s3, s5;
	[dreg:$0x0] =	wrdreg $0x0  }
0xa8: {  	s5 =	sshll.u32 s28, $0x1;
	[dreg:$0x2] =	wrdreg s3  }
0xa9: {  	[dreg:$0x3] =	wrdreg s5  }
0xaa: {  	[dreg:$0x4] =	wrdreg $0xC0  }
0xab: {  	_ =	task [dreg:s7], $0x5FFFF  }
0xac: {  	[dreg:$0x1] =	wrdreg $0xFFFFFFFF  }
0xad: {  	[dreg:$0x0] =	wrdreg $0x60  }
0xae: {  	[dreg:$0x2] =	wrdreg s24  }
0xaf: {  	[dreg:$0x3] =	wrdreg s2  }
0xb0: {  	[dreg:$0x4] =	wrdreg $0xA8000  }
0xb1: {  	[dreg:$0x5] =	wrdreg $0x9  }
0xb2: {  	_ =	task.clear_ibuf [dreg:s7], $0x6FFFF;
	_ =	strace $0x90000049  }
0xb3: {  	s29 =	simm.s32 $0x9;
	_ =	strace $0x8000004B  }
0xb4: {  	_ =	swait.ge [sflag:s29], $0x1  }
0xb5: {  	[sflag:s29] =	ssyncadd.s32 $0xFFFFFFFF  }
0xb6: {  	_ =	strace $0x9000004B  }
0xb7: {  	_ =	sfence  }
0xb8: {  	s30 =	sld [smem:$0x0];
	_ =	sdelay $0x2  }
0xb9: {  	s31 =	sshll.u32 s1, $0xD;
	s1 =	sshrl.u32 s1, $0x2  }
0xba: {  	s3 =	sand.u32 $0x4000, s31;
	s1 =	sadd.s32 s1, s30  }
0xbb: {  	s0 =	sor.u32 s3, s0;
	s1 =	sshll.u32 s1, $0x11  }
0xbc: {  	s0 =	sor.u32 s1, s0  }
0xbd: {  	s0 =	sadd.s32 $0x8F2B, s0  }
0xbe: {  	[sflag:s0] =	ssyncadd.remote.s32 $0x1  }
0xbf: {  	_ =	sfence.sel $0xFFFF  }
0xc0: {  	[dreg:$0x0] =	wrdreg $0xFFFFFFFF;
	(pc) =	sbr.abs _section_cstart, $3  }
0xc1: {  	[dreg:$0x1] =	wrdreg $0xFFFFFFFF  }
0xc2: {  	_ =	task.clear_ibuf [dreg:s7], $0x2FFFF;
	_ =	strace $0x9FFFFFFF  }
0xc3: {  	(tm) =	ssettm $0x7FFFFFFF  }
tec
execute0_lowered:
.L_overlay_start_1:
0x0: {  	(tag) =	ssettag $0x1  }
0x1: {  	s0 =	rddreg [dreg:$0x0]  }
0x2: {  	s9 =	rddreg [dreg:$0x1]  }
0x3: {  	s2 =	rddreg [dreg:$0x2]  }
0x4: {  	s1 =	srdreg.scid;
	s4 =	simm.s32 $0x0;
	s10 =	stileid.u32  }
0x5: {  	s14 =	simm.s32 $0x2800;
	s15 =	simm.s32 $0x5;
	s16 =	simm.s32 $0x1400  }
0x6: {  	s17 =	simm.s32 $0x80;
	s18 =	simm.s32 $0x6800;
	s19 =	simm.s32 $0x1  }
0x7: {  	s20 =	simm.s32 $0x3;
	s21 =	simm.s32 $0x1100;
	s28 =	simm.s32 $0x2500  }
0x8: {  	s29 =	simm.s32 $0x2580;
	s30 =	simm.s32 $0x1280;
	s7 =	smul.u32 $0x4F000, s10  }
0x9: {  	s31 =	simm.s32 $0x2600;
	s11 =	simm.s32 $0x1380;
	s8 =	smul.u32 $0x50, s10  }
0xa: {  	s13 =	simm.s32 $0x2700;
	s1 =	sand.u32 $0x1, s1;
	s26 =	smul.u32 $0x2780, s10  }
0xb: {  	[smem:$0x7FF] =	sst s4;
	s5 =	sadd.s32 $0x1C00, s0;
	s3 =	smul.u32 $0x27800, s1  }
0xc: {  	s12 =	sadd.s32 $0xA000, s9;
	s6 =	smul.u32 $0x500, s1;
	s7 =	sshrl.u32 s7, $0x2  }
0xd: {  	_ =	strace $0x8000004A;
	s1 =	ssub.s32 $0x2, s1;
	s23 =	sadd.s32 s7, s2  }
0xe: {  	s22 =	sshrl.u32 s1, $0x1;
	s7 =	sadd.s32 $0x4000, s23;
	[dreg:$0x4] =	wrdreg s23  }
0xf: {  	s0 =	sadd.s32 s3, s0;
	s24 =	sadd.s32 $0x8000, s23;
	[dreg:$0x5] =	wrdreg s7  }
0x10: {  	s1 =	ssub.s32 s1, s22;
	s25 =	sadd.s32 $0xC000, s23;
	[dreg:$0x6] =	wrdreg s24  }
0x11: {  	s6 =	sadd.s32 s8, s6;
	s3 =	sadd.s32 $0x10000, s23;
	[dreg:$0x7] =	wrdreg s25  }
0x12: {  	s22 =	simm.s32 $0x2;
	s1 =	smax.u32 s1, $0x1;
	[dreg:$0x8] =	wrdreg s3  }
0x13: {  	s0 =	sadd.s32 $0x29400, s0;
	s23 =	simm.s32 $0x2480;
	[dreg:$0x9] =	wrdreg s1  }
0x14: {  	s0 =	sadd.s32 s26, s0;
	s25 =	simm.s32 $0x4;
	s7 =	simm.s32 $0x1080  }
0x15: {  	s1 =	simm.s32 $0x2400;
	s26 =	simm.s32 $0x1180;
	s3 =	simm.s32 $0x2680  }
0x16: {  	v0 =	vimm.f32 $0.0e+00;
	s24 =	simm.s32 $0x2780;
	[dreg:$0xa] =	wrdreg s0;
	s0 =	simm.s32 $0x0  }
.LBB2_1:
0x17: {  	[dreg:$0xb] =	wrdreg s0;
	s8 =	simm.s32 $0x0;
	s9 =	simm.s32 $0x200  }
.LBB2_2:
0x18: {  	p0 =	sne.s32 s9, $0xFE00;
	[tilespmem:s8+$0x2870] =	vst v0  }
0x19: {  	[tilespmem:s8+$0x2800] =	vst v0  }
0x1a: {  	[tilespmem:s8+$0x2810] =	vst v0  }
.Ltmp0:
0x1b: {  	[tilespmem:s8+$0x2820] =	vst v0;
	(pc) =	sbr.rel @p0 .LBB2_2-.Ltmp0, $4  }
0x1c: {  	[tilespmem:s8+$0x2830] =	vst v0  }
0x1d: {  	[tilespmem:s8+$0x2840] =	vst v0  }
0x1e: {  	[tilespmem:s8+$0x2850] =	vst v0  }
0x1f: {  	[tilespmem:s8+$0x2860] =	vst v0;
	s8 =	sshra.s32 s9, $0x2;
	s9 =	sadd.s32 $0x200, s9  }
0x20: {  	[tilespmem:s8+$0x2870] =	vst v0  }
0x21: {  	[tilespmem:s8+$0x2800] =	vst v0  }
0x22: {  	[tilespmem:s8+$0x2810] =	vst v0  }
0x23: {  	[tilespmem:s8+$0x2820] =	vst v0  }
0x24: {  	[tilespmem:s8+$0x2830] =	vst v0  }
0x25: {  	[tilespmem:s8+$0x2840] =	vst v0  }
0x26: {  	[tilespmem:s8+$0x2850] =	vst v0  }
0x27: {  	[tilespmem:s8+$0x2860] =	vst v0;
	s9 =	rddreg [dreg:$0x4]  }
0x28: {  	[spmem:s9] =	stream.linear.scatter [tilespmem:s14], [sflag:$0x5], $0x4000, $0x38;
	[tilespmem:$0x1E400] =	vst v63  }
0x29: {  	_ =	swait.ge [sflag:s15], $0x4000  }
0x2a: {  	[sflag:s15] =	ssyncset.done $0x0  }
0x2b: {  	s10 =	rddreg [dreg:$0x5];
	[sflag:s15] =	ssyncadd.s32 $0xFFFFC000  }
0x2c: {  	[spmem:s10] =	stream.linear.scatter [tilespmem:s14], [sflag:$0x5], $0x4000, $0x38;
	[tilespmem:$0x1E400] =	vst v63  }
0x2d: {  	_ =	swait.ge [sflag:s15], $0x4000  }
0x2e: {  	[sflag:s15] =	ssyncset.done $0x0  }
0x2f: {  	s0 =	rddreg [dreg:$0x6];
	[sflag:s15] =	ssyncadd.s32 $0xFFFFC000  }
0x30: {  	[spmem:s0] =	stream.linear.scatter [tilespmem:s14], [sflag:$0x5], $0x4000, $0x38;
	[tilespmem:$0x1E400] =	vst v63  }
0x31: {  	_ =	swait.ge [sflag:s15], $0x4000  }
0x32: {  	[sflag:s15] =	ssyncset.done $0x0  }
0x33: {  	s9 =	rddreg [dreg:$0x7];
	[sflag:s15] =	ssyncadd.s32 $0xFFFFC000  }
0x34: {  	[spmem:s9] =	stream.linear.scatter [tilespmem:s14], [sflag:$0x5], $0x4000, $0x38;
	[tilespmem:$0x1E400] =	vst v63  }
0x35: {  	_ =	swait.ge [sflag:s15], $0x4000  }
0x36: {  	[sflag:s15] =	ssyncset.done $0x0  }
0x37: {  	s10 =	rddreg [dreg:$0x8];
	[sflag:s15] =	ssyncadd.s32 $0xFFFFC000  }
0x38: {  	[spmem:s10] =	stream.linear.scatter [tilespmem:s14], [sflag:$0x5], $0x3C00, $0x38;
	[tilespmem:$0x1E400] =	vst v63  }
0x39: {  	_ =	swait.ge [sflag:s15], $0x3C00  }
0x3a: {  	[sflag:s15] =	ssyncset.done $0x0  }
0x3b: {  	s8 =	simm.s32 $0x0;
	p0 =	por $0x1, $0x1;
	[sflag:s15] =	ssyncadd.s32 $0xFFFFC400  }
0x3c: {  	s0 =	simm.s32 $0x1300;
	s10 =	simm.s32 $0x1200;
	[bflag:$0x0] =	sbarrier.arrive $0xFFFF  }
.LBB2_4:
0x3d: {  	s8 =	sadd.s32 s8, s6  }
0x3e: {  	s9 =	rddreg [dreg:$0x1];
	s8 =	sshll.u32 s8, $0x4  }
0x3f: {  	s9 =	sadd.s32 s9, s8  }
0x40: {  	[tilespmem:s4], [sflag:$0x5] =	stream.linear.gather [hbm4b:s9+s4], $0x1400, $0x38;
	[tilespmem:$0x1E400] =	vst v63  }
0x41: {  	_ =	swait.ge [sflag:s15], $0x1400  }
0x42: {  	[sflag:s15] =	ssyncset.done $0x0  }
0x43: {  	s8 =	sadd.s32 s8, s12;
	[sflag:s15] =	ssyncadd.s32 $0xFFFFEC00  }
0x44: {  	[tilespmem:s16], [sflag:$0x5] =	stream.linear.gather [hbm4b:s8+s4], $0x1400, $0x38;
	[tilespmem:$0x1E400] =	vst v63  }
0x45: {  	_ =	swait.ge [sflag:s15], $0x1400  }
0x46: {  	[sflag:s15] =	ssyncset.done $0x0  }
0x47: {  	[sflag:s15] =	ssyncadd.s32 $0xFFFFEC00  }
0x48: {  	[tilespmem:s14], [sflag:$0x1] =	stream.indirect.gather [hbm4b:s5+s17], $0x80, s4, s17, $0xb8;
	[tilespmem:$0x1E400] =	vst v63  }
0x49: {  	_ = 	snop  }
0x4a: {  	[tilespmem:s18], [sflag:$0x2] =	stream.indirect.gather [hbm4b:s5+s17], $0x80, s17, s17, $0xb8;
	[tilespmem:$0x1E400] =	vst v63  }
0x4b: {  	_ =	swait.ge [sflag:s19], $0x4000  }
0x4c: {  	[sflag:s19] =	ssyncset.done $0x0  }
0x4d: {  	[sflag:s19] =	ssyncadd.s32 $0xFFFFC000  }
0x4e: {  	[spmem:s2] =	stream.indirect.scatter.add.f32 [tilespmem:s14], [sflag:$0x3], $0x80, s16, s17, $0xb8;
	[tilespmem:$0x1E400] =	vst v63  }
0x4f: {  	_ =	swait.ge [sflag:s20], $0x4000  }
0x50: {  	[sflag:s20] =	ssyncset.done $0x0  }
0x51: {  	s9 =	simm.s32 $0x100;
	[sflag:s20] =	ssyncadd.s32 $0xFFFFC000  }
0x52: {  	[tilespmem:s14], [sflag:$0x1] =	stream.indirect.gather [hbm4b:s5+s17], $0x80, s9, s17, $0xb8;
	[tilespmem:$0x1E400] =	vst v63  }
0x53: {  	_ =	swait.ge [sflag:s22], $0x4000  }
0x54: {  	[sflag:s22] =	ssyncset.done $0x0  }
0x55: {  	s9 =	simm.s32 $0x1480;
	[sflag:s22] =	ssyncadd.s32 $0xFFFFC000  }
0x56: {  	[spmem:s2] =	stream.indirect.scatter.add.f32 [tilespmem:s18], [sflag:$0x4], $0x80, s9, s17, $0xb8;
	[tilespmem:$0x1E400] =	vst v63  }
0x57: {  	_ =	swait.ge [sflag:s25], $0x4000  }
0x58: {  	[sflag:s25] =	ssyncset.done $0x0  }
0x59: {  	s9 =	simm.s32 $0x180;
	[sflag:s25] =	ssyncadd.s32 $0xFFFFC000  }
0x5a: {  	[tilespmem:s18], [sflag:$0x2] =	stream.indirect.gather [hbm4b:s5+s17], $0x80, s9, s17, $0xb8;
	[tilespmem:$0x1E400] =	vst v63  }
0x5b: {  	_ =	swait.ge [sflag:s19], $0x4000  }
0x5c: {  	[sflag:s19] =	ssyncset.done $0x0  }
0x5d: {  	s9 =	simm.s32 $0x1500;
	[sflag:s19] =	ssyncadd.s32 $0xFFFFC000  }
0x5e: {  	[spmem:s2] =	stream.indirect.scatter.add.f32 [tilespmem:s14], [sflag:$0x3], $0x80, s9, s17, $0xb8;
	[tilespmem:$0x1E400] =	vst v63  }
0x5f: {  	_ =	swait.ge [sflag:s20], $0x4000  }
0x60: {  	[sflag:s20] =	ssyncset.done $0x0  }
0x61: {  	s9 =	simm.s32 $0x200;
	[sflag:s20] =	ssyncadd.s32 $0xFFFFC000  }
0x62: {  	[tilespmem:s14], [sflag:$0x1] =	stream.indirect.gather [hbm4b:s5+s17], $0x80, s9, s17, $0xb8;
	[tilespmem:$0x1E400] =	vst v63  }
0x63: {  	_ =	swait.ge [sflag:s22], $0x4000  }
0x64: {  	[sflag:s22] =	ssyncset.done $0x0  }
0x65: {  	s9 =	simm.s32 $0x1580;
	[sflag:s22] =	ssyncadd.s32 $0xFFFFC000  }
0x66: {  	[spmem:s2] =	stream.indirect.scatter.add.f32 [tilespmem:s18], [sflag:$0x4], $0x80, s9, s17, $0xb8;
	[tilespmem:$0x1E400] =	vst v63  }
0x67: {  	_ =	swait.ge [sflag:s25], $0x4000  }
0x68: {  	[sflag:s25] =	ssyncset.done $0x0  }
0x69: {  	s9 =	simm.s32 $0x280;
	[sflag:s25] =	ssyncadd.s32 $0xFFFFC000  }
0x6a: {  	[tilespmem:s18], [sflag:$0x2] =	stream.indirect.gather [hbm4b:s5+s17], $0x80, s9, s17, $0xb8;
	[tilespmem:$0x1E400] =	vst v63  }
0x6b: {  	_ =	swait.ge [sflag:s19], $0x4000  }
0x6c: {  	[sflag:s19] =	ssyncset.done $0x0  }
0x6d: {  	s9 =	simm.s32 $0x1600;
	[sflag:s19] =	ssyncadd.s32 $0xFFFFC000  }
0x6e: {  	[spmem:s2] =	stream.indirect.scatter.add.f32 [tilespmem:s14], [sflag:$0x3], $0x80, s9, s17, $0xb8;
	[tilespmem:$0x1E400] =	vst v63  }
0x6f: {  	_ =	swait.ge [sflag:s20], $0x4000  }
0x70: {  	[sflag:s20] =	ssyncset.done $0x0  }
0x71: {  	s9 =	simm.s32 $0x300;
	[sflag:s20] =	ssyncadd.s32 $0xFFFFC000  }
0x72: {  	[tilespmem:s14], [sflag:$0x1] =	stream.indirect.gather [hbm4b:s5+s17], $0x80, s9, s17, $0xb8;
	[tilespmem:$0x1E400] =	vst v63  }
0x73: {  	_ =	swait.ge [sflag:s22], $0x4000  }
0x74: {  	[sflag:s22] =	ssyncset.done $0x0  }
0x75: {  	s9 =	simm.s32 $0x1680;
	[sflag:s22] =	ssyncadd.s32 $0xFFFFC000  }
0x76: {  	[spmem:s2] =	stream.indirect.scatter.add.f32 [tilespmem:s18], [sflag:$0x4], $0x80, s9, s17, $0xb8;
	[tilespmem:$0x1E400] =	vst v63  }
0x77: {  	_ =	swait.ge [sflag:s25], $0x4000  }
0x78: {  	[sflag:s25] =	ssyncset.done $0x0  }
0x79: {  	s9 =	simm.s32 $0x380;
	[sflag:s25] =	ssyncadd.s32 $0xFFFFC000  }
0x7a: {  	[tilespmem:s18], [sflag:$0x2] =	stream.indirect.gather [hbm4b:s5+s17], $0x80, s9, s17, $0xb8;
	[tilespmem:$0x1E400] =	vst v63  }
0x7b: {  	_ =	swait.ge [sflag:s19], $0x4000  }
0x7c: {  	[sflag:s19] =	ssyncset.done $0x0  }
0x7d: {  	s9 =	simm.s32 $0x1700;
	[sflag:s19] =	ssyncadd.s32 $0xFFFFC000  }
0x7e: {  	[spmem:s2] =	stream.indirect.scatter.add.f32 [tilespmem:s14], [sflag:$0x3], $0x80, s9, s17, $0xb8;
	[tilespmem:$0x1E400] =	vst v63  }
0x7f: {  	_ =	swait.ge [sflag:s20], $0x4000  }
0x80: {  	[sflag:s20] =	ssyncset.done $0x0  }
0x81: {  	s9 =	simm.s32 $0x400;
	[sflag:s20] =	ssyncadd.s32 $0xFFFFC000  }
0x82: {  	[tilespmem:s14], [sflag:$0x1] =	stream.indirect.gather [hbm4b:s5+s17], $0x80, s9, s17, $0xb8;
	[tilespmem:$0x1E400] =	vst v63  }
0x83: {  	_ =	swait.ge [sflag:s22], $0x4000  }
0x84: {  	[sflag:s22] =	ssyncset.done $0x0  }
0x85: {  	s9 =	simm.s32 $0x1780;
	[sflag:s22] =	ssyncadd.s32 $0xFFFFC000  }
0x86: {  	[spmem:s2] =	stream.indirect.scatter.add.f32 [tilespmem:s18], [sflag:$0x4], $0x80, s9, s17, $0xb8;
	[tilespmem:$0x1E400] =	vst v63  }
0x87: {  	_ =	swait.ge [sflag:s25], $0x4000  }
0x88: {  	[sflag:s25] =	ssyncset.done $0x0  }
0x89: {  	s9 =	simm.s32 $0x480;
	[sflag:s25] =	ssyncadd.s32 $0xFFFFC000  }
0x8a: {  	[tilespmem:s18], [sflag:$0x2] =	stream.indirect.gather [hbm4b:s5+s17], $0x80, s9, s17, $0xb8;
	[tilespmem:$0x1E400] =	vst v63  }
0x8b: {  	_ =	swait.ge [sflag:s19], $0x4000  }
0x8c: {  	[sflag:s19] =	ssyncset.done $0x0  }
0x8d: {  	s9 =	simm.s32 $0x1800;
	[sflag:s19] =	ssyncadd.s32 $0xFFFFC000  }
0x8e: {  	[spmem:s2] =	stream.indirect.scatter.add.f32 [tilespmem:s14], [sflag:$0x3], $0x80, s9, s17, $0xb8;
	[tilespmem:$0x1E400] =	vst v63  }
0x8f: {  	_ =	swait.ge [sflag:s20], $0x4000  }
0x90: {  	[sflag:s20] =	ssyncset.done $0x0  }
0x91: {  	s9 =	simm.s32 $0x500;
	[sflag:s20] =	ssyncadd.s32 $0xFFFFC000  }
0x92: {  	[tilespmem:s14], [sflag:$0x1] =	stream.indirect.gather [hbm4b:s5+s17], $0x80, s9, s17, $0xb8;
	[tilespmem:$0x1E400] =	vst v63  }
0x93: {  	_ =	swait.ge [sflag:s22], $0x4000  }
0x94: {  	[sflag:s22] =	ssyncset.done $0x0  }
0x95: {  	s9 =	simm.s32 $0x1880;
	[sflag:s22] =	ssyncadd.s32 $0xFFFFC000  }
0x96: {  	[spmem:s2] =	stream.indirect.scatter.add.f32 [tilespmem:s18], [sflag:$0x4], $0x80, s9, s17, $0xb8;
	[tilespmem:$0x1E400] =	vst v63  }
0x97: {  	_ =	swait.ge [sflag:s25], $0x4000  }
0x98: {  	[sflag:s25] =	ssyncset.done $0x0  }
0x99: {  	s9 =	simm.s32 $0x580;
	[sflag:s25] =	ssyncadd.s32 $0xFFFFC000  }
0x9a: {  	[tilespmem:s18], [sflag:$0x2] =	stream.indirect.gather [hbm4b:s5+s17], $0x80, s9, s17, $0xb8;
	[tilespmem:$0x1E400] =	vst v63  }
0x9b: {  	_ =	swait.ge [sflag:s19], $0x4000  }
0x9c: {  	[sflag:s19] =	ssyncset.done $0x0  }
0x9d: {  	s9 =	simm.s32 $0x1900;
	[sflag:s19] =	ssyncadd.s32 $0xFFFFC000  }
0x9e: {  	[spmem:s2] =	stream.indirect.scatter.add.f32 [tilespmem:s14], [sflag:$0x3], $0x80, s9, s17, $0xb8;
	[tilespmem:$0x1E400] =	vst v63  }
0x9f: {  	_ =	swait.ge [sflag:s20], $0x4000  }
0xa0: {  	[sflag:s20] =	ssyncset.done $0x0  }
0xa1: {  	s9 =	simm.s32 $0x600;
	[sflag:s20] =	ssyncadd.s32 $0xFFFFC000  }
0xa2: {  	[tilespmem:s14], [sflag:$0x1] =	stream.indirect.gather [hbm4b:s5+s17], $0x80, s9, s17, $0xb8;
	[tilespmem:$0x1E400] =	vst v63  }
0xa3: {  	_ =	swait.ge [sflag:s22], $0x4000  }
0xa4: {  	[sflag:s22] =	ssyncset.done $0x0  }
0xa5: {  	s9 =	simm.s32 $0x1980;
	[sflag:s22] =	ssyncadd.s32 $0xFFFFC000  }
0xa6: {  	[spmem:s2] =	stream.indirect.scatter.add.f32 [tilespmem:s18], [sflag:$0x4], $0x80, s9, s17, $0xb8;
	[tilespmem:$0x1E400] =	vst v63  }
0xa7: {  	_ =	swait.ge [sflag:s25], $0x4000  }
0xa8: {  	[sflag:s25] =	ssyncset.done $0x0  }
0xa9: {  	s9 =	simm.s32 $0x680;
	[sflag:s25] =	ssyncadd.s32 $0xFFFFC000  }
0xaa: {  	[tilespmem:s18], [sflag:$0x2] =	stream.indirect.gather [hbm4b:s5+s17], $0x80, s9, s17, $0xb8;
	[tilespmem:$0x1E400] =	vst v63  }
0xab: {  	_ =	swait.ge [sflag:s19], $0x4000  }
0xac: {  	[sflag:s19] =	ssyncset.done $0x0  }
0xad: {  	s9 =	simm.s32 $0x1A00;
	[sflag:s19] =	ssyncadd.s32 $0xFFFFC000  }
0xae: {  	[spmem:s2] =	stream.indirect.scatter.add.f32 [tilespmem:s14], [sflag:$0x3], $0x80, s9, s17, $0xb8;
	[tilespmem:$0x1E400] =	vst v63  }
0xaf: {  	_ =	swait.ge [sflag:s20], $0x4000  }
0xb0: {  	[sflag:s20] =	ssyncset.done $0x0  }
0xb1: {  	s9 =	simm.s32 $0x700;
	[sflag:s20] =	ssyncadd.s32 $0xFFFFC000  }
0xb2: {  	[tilespmem:s14], [sflag:$0x1] =	stream.indirect.gather [hbm4b:s5+s17], $0x80, s9, s17, $0xb8;
	[tilespmem:$0x1E400] =	vst v63  }
0xb3: {  	_ =	swait.ge [sflag:s22], $0x4000  }
0xb4: {  	[sflag:s22] =	ssyncset.done $0x0  }
0xb5: {  	s9 =	simm.s32 $0x1A80;
	[sflag:s22] =	ssyncadd.s32 $0xFFFFC000  }
0xb6: {  	[spmem:s2] =	stream.indirect.scatter.add.f32 [tilespmem:s18], [sflag:$0x4], $0x80, s9, s17, $0xb8;
	[tilespmem:$0x1E400] =	vst v63  }
0xb7: {  	_ =	swait.ge [sflag:s25], $0x4000  }
0xb8: {  	[sflag:s25] =	ssyncset.done $0x0  }
0xb9: {  	s9 =	simm.s32 $0x780;
	[sflag:s25] =	ssyncadd.s32 $0xFFFFC000  }
0xba: {  	[tilespmem:s18], [sflag:$0x2] =	stream.indirect.gather [hbm4b:s5+s17], $0x80, s9, s17, $0xb8;
	[tilespmem:$0x1E400] =	vst v63  }
0xbb: {  	_ =	swait.ge [sflag:s19], $0x4000  }
0xbc: {  	[sflag:s19] =	ssyncset.done $0x0  }
0xbd: {  	s9 =	simm.s32 $0x1B00;
	[sflag:s19] =	ssyncadd.s32 $0xFFFFC000  }
0xbe: {  	[spmem:s2] =	stream.indirect.scatter.add.f32 [tilespmem:s14], [sflag:$0x3], $0x80, s9, s17, $0xb8;
	[tilespmem:$0x1E400] =	vst v63  }
0xbf: {  	_ =	swait.ge [sflag:s20], $0x4000  }
0xc0: {  	[sflag:s20] =	ssyncset.done $0x0  }
0xc1: {  	s9 =	simm.s32 $0x800;
	[sflag:s20] =	ssyncadd.s32 $0xFFFFC000  }
0xc2: {  	[tilespmem:s14], [sflag:$0x1] =	stream.indirect.gather [hbm4b:s5+s17], $0x80, s9, s17, $0xb8;
	[tilespmem:$0x1E400] =	vst v63  }
0xc3: {  	_ =	swait.ge [sflag:s22], $0x4000  }
0xc4: {  	[sflag:s22] =	ssyncset.done $0x0  }
0xc5: {  	s9 =	simm.s32 $0x1B80;
	[sflag:s22] =	ssyncadd.s32 $0xFFFFC000  }
0xc6: {  	[spmem:s2] =	stream.indirect.scatter.add.f32 [tilespmem:s18], [sflag:$0x4], $0x80, s9, s17, $0xb8;
	[tilespmem:$0x1E400] =	vst v63  }
0xc7: {  	_ =	swait.ge [sflag:s25], $0x4000  }
0xc8: {  	[sflag:s25] =	ssyncset.done $0x0  }
0xc9: {  	s9 =	simm.s32 $0x880;
	[sflag:s25] =	ssyncadd.s32 $0xFFFFC000  }
0xca: {  	[tilespmem:s18], [sflag:$0x2] =	stream.indirect.gather [hbm4b:s5+s17], $0x80, s9, s17, $0xb8;
	[tilespmem:$0x1E400] =	vst v63  }
0xcb: {  	_ =	swait.ge [sflag:s19], $0x4000  }
0xcc: {  	[sflag:s19] =	ssyncset.done $0x0  }
0xcd: {  	s9 =	simm.s32 $0x1C00;
	[sflag:s19] =	ssyncadd.s32 $0xFFFFC000  }
0xce: {  	[spmem:s2] =	stream.indirect.scatter.add.f32 [tilespmem:s14], [sflag:$0x3], $0x80, s9, s17, $0xb8;
	[tilespmem:$0x1E400] =	vst v63  }
0xcf: {  	_ =	swait.ge [sflag:s20], $0x4000  }
0xd0: {  	[sflag:s20] =	ssyncset.done $0x0  }
0xd1: {  	s9 =	simm.s32 $0x900;
	[sflag:s20] =	ssyncadd.s32 $0xFFFFC000  }
0xd2: {  	[tilespmem:s14], [sflag:$0x1] =	stream.indirect.gather [hbm4b:s5+s17], $0x80, s9, s17, $0xb8;
	[tilespmem:$0x1E400] =	vst v63  }
0xd3: {  	_ =	swait.ge [sflag:s22], $0x4000  }
0xd4: {  	[sflag:s22] =	ssyncset.done $0x0  }
0xd5: {  	s9 =	simm.s32 $0x1C80;
	[sflag:s22] =	ssyncadd.s32 $0xFFFFC000  }
0xd6: {  	[spmem:s2] =	stream.indirect.scatter.add.f32 [tilespmem:s18], [sflag:$0x4], $0x80, s9, s17, $0xb8;
	[tilespmem:$0x1E400] =	vst v63  }
0xd7: {  	_ =	swait.ge [sflag:s25], $0x4000  }
0xd8: {  	[sflag:s25] =	ssyncset.done $0x0  }
0xd9: {  	s9 =	simm.s32 $0x980;
	[sflag:s25] =	ssyncadd.s32 $0xFFFFC000  }
0xda: {  	[tilespmem:s18], [sflag:$0x2] =	stream.indirect.gather [hbm4b:s5+s17], $0x80, s9, s17, $0xb8;
	[tilespmem:$0x1E400] =	vst v63  }
0xdb: {  	_ =	swait.ge [sflag:s19], $0x4000  }
0xdc: {  	[sflag:s19] =	ssyncset.done $0x0  }
0xdd: {  	s9 =	simm.s32 $0x1D00;
	[sflag:s19] =	ssyncadd.s32 $0xFFFFC000  }
0xde: {  	[spmem:s2] =	stream.indirect.scatter.add.f32 [tilespmem:s14], [sflag:$0x3], $0x80, s9, s17, $0xb8;
	[tilespmem:$0x1E400] =	vst v63  }
0xdf: {  	_ =	swait.ge [sflag:s20], $0x4000  }
0xe0: {  	[sflag:s20] =	ssyncset.done $0x0  }
0xe1: {  	s9 =	simm.s32 $0xA00;
	[sflag:s20] =	ssyncadd.s32 $0xFFFFC000  }
0xe2: {  	[tilespmem:s14], [sflag:$0x1] =	stream.indirect.gather [hbm4b:s5+s17], $0x80, s9, s17, $0xb8;
	[tilespmem:$0x1E400] =	vst v63  }
0xe3: {  	_ =	swait.ge [sflag:s22], $0x4000  }
0xe4: {  	[sflag:s22] =	ssyncset.done $0x0  }
0xe5: {  	s9 =	simm.s32 $0x1D80;
	[sflag:s22] =	ssyncadd.s32 $0xFFFFC000  }
0xe6: {  	[spmem:s2] =	stream.indirect.scatter.add.f32 [tilespmem:s18], [sflag:$0x4], $0x80, s9, s17, $0xb8;
	[tilespmem:$0x1E400] =	vst v63  }
0xe7: {  	_ =	swait.ge [sflag:s25], $0x4000  }
0xe8: {  	[sflag:s25] =	ssyncset.done $0x0  }
0xe9: {  	s9 =	simm.s32 $0xA80;
	[sflag:s25] =	ssyncadd.s32 $0xFFFFC000  }
0xea: {  	[tilespmem:s18], [sflag:$0x2] =	stream.indirect.gather [hbm4b:s5+s17], $0x80, s9, s17, $0xb8;
	[tilespmem:$0x1E400] =	vst v63  }
0xeb: {  	_ =	swait.ge [sflag:s19], $0x4000  }
0xec: {  	[sflag:s19] =	ssyncset.done $0x0  }
0xed: {  	s9 =	simm.s32 $0x1E00;
	[sflag:s19] =	ssyncadd.s32 $0xFFFFC000  }
0xee: {  	[spmem:s2] =	stream.indirect.scatter.add.f32 [tilespmem:s14], [sflag:$0x3], $0x80, s9, s17, $0xb8;
	[tilespmem:$0x1E400] =	vst v63  }
0xef: {  	_ =	swait.ge [sflag:s20], $0x4000  }
0xf0: {  	[sflag:s20] =	ssyncset.done $0x0  }
0xf1: {  	s9 =	simm.s32 $0xB00;
	[sflag:s20] =	ssyncadd.s32 $0xFFFFC000  }
0xf2: {  	[tilespmem:s14], [sflag:$0x1] =	stream.indirect.gather [hbm4b:s5+s17], $0x80, s9, s17, $0xb8;
	[tilespmem:$0x1E400] =	vst v63  }
0xf3: {  	_ =	swait.ge [sflag:s22], $0x4000  }
0xf4: {  	[sflag:s22] =	ssyncset.done $0x0  }
0xf5: {  	s9 =	simm.s32 $0x1E80;
	[sflag:s22] =	ssyncadd.s32 $0xFFFFC000  }
0xf6: {  	[spmem:s2] =	stream.indirect.scatter.add.f32 [tilespmem:s18], [sflag:$0x4], $0x80, s9, s17, $0xb8;
	[tilespmem:$0x1E400] =	vst v63  }
0xf7: {  	_ =	swait.ge [sflag:s25], $0x4000  }
0xf8: {  	[sflag:s25] =	ssyncset.done $0x0  }
0xf9: {  	s9 =	simm.s32 $0xB80;
	[sflag:s25] =	ssyncadd.s32 $0xFFFFC000  }
0xfa: {  	[tilespmem:s18], [sflag:$0x2] =	stream.indirect.gather [hbm4b:s5+s17], $0x80, s9, s17, $0xb8;
	[tilespmem:$0x1E400] =	vst v63  }
0xfb: {  	_ =	swait.ge [sflag:s19], $0x4000  }
0xfc: {  	[sflag:s19] =	ssyncset.done $0x0  }
0xfd: {  	s9 =	simm.s32 $0x1F00;
	[sflag:s19] =	ssyncadd.s32 $0xFFFFC000  }
0xfe: {  	[spmem:s2] =	stream.indirect.scatter.add.f32 [tilespmem:s14], [sflag:$0x3], $0x80, s9, s17, $0xb8;
	[tilespmem:$0x1E400] =	vst v63  }
0xff: {  	_ =	swait.ge [sflag:s20], $0x4000  }
0x100: {  	[sflag:s20] =	ssyncset.done $0x0  }
0x101: {  	s9 =	simm.s32 $0xC00;
	[sflag:s20] =	ssyncadd.s32 $0xFFFFC000  }
0x102: {  	[tilespmem:s14], [sflag:$0x1] =	stream.indirect.gather [hbm4b:s5+s17], $0x80, s9, s17, $0xb8;
	[tilespmem:$0x1E400] =	vst v63  }
0x103: {  	_ =	swait.ge [sflag:s22], $0x4000  }
0x104: {  	[sflag:s22] =	ssyncset.done $0x0  }
0x105: {  	s9 =	simm.s32 $0x1F80;
	[sflag:s22] =	ssyncadd.s32 $0xFFFFC000  }
0x106: {  	[spmem:s2] =	stream.indirect.scatter.add.f32 [tilespmem:s18], [sflag:$0x4], $0x80, s9, s17, $0xb8;
	[tilespmem:$0x1E400] =	vst v63  }
0x107: {  	_ =	swait.ge [sflag:s25], $0x4000  }
0x108: {  	[sflag:s25] =	ssyncset.done $0x0  }
0x109: {  	s9 =	simm.s32 $0xC80;
	[sflag:s25] =	ssyncadd.s32 $0xFFFFC000  }
0x10a: {  	[tilespmem:s18], [sflag:$0x2] =	stream.indirect.gather [hbm4b:s5+s17], $0x80, s9, s17, $0xb8;
	[tilespmem:$0x1E400] =	vst v63  }
0x10b: {  	_ =	swait.ge [sflag:s19], $0x4000  }
0x10c: {  	[sflag:s19] =	ssyncset.done $0x0  }
0x10d: {  	s9 =	simm.s32 $0x2000;
	[sflag:s19] =	ssyncadd.s32 $0xFFFFC000  }
0x10e: {  	[spmem:s2] =	stream.indirect.scatter.add.f32 [tilespmem:s14], [sflag:$0x3], $0x80, s9, s17, $0xb8;
	[tilespmem:$0x1E400] =	vst v63  }
0x10f: {  	_ =	swait.ge [sflag:s20], $0x4000  }
0x110: {  	[sflag:s20] =	ssyncset.done $0x0  }
0x111: {  	s9 =	simm.s32 $0xD00;
	[sflag:s20] =	ssyncadd.s32 $0xFFFFC000  }
0x112: {  	[tilespmem:s14], [sflag:$0x1] =	stream.indirect.gather [hbm4b:s5+s17], $0x80, s9, s17, $0xb8;
	[tilespmem:$0x1E400] =	vst v63  }
0x113: {  	_ =	swait.ge [sflag:s22], $0x4000  }
0x114: {  	[sflag:s22] =	ssyncset.done $0x0  }
0x115: {  	s9 =	simm.s32 $0x2080;
	[sflag:s22] =	ssyncadd.s32 $0xFFFFC000  }
0x116: {  	[spmem:s2] =	stream.indirect.scatter.add.f32 [tilespmem:s18], [sflag:$0x4], $0x80, s9, s17, $0xb8;
	[tilespmem:$0x1E400] =	vst v63  }
0x117: {  	_ =	swait.ge [sflag:s25], $0x4000  }
0x118: {  	[sflag:s25] =	ssyncset.done $0x0  }
0x119: {  	s9 =	simm.s32 $0xD80;
	[sflag:s25] =	ssyncadd.s32 $0xFFFFC000  }
0x11a: {  	[tilespmem:s18], [sflag:$0x2] =	stream.indirect.gather [hbm4b:s5+s17], $0x80, s9, s17, $0xb8;
	[tilespmem:$0x1E400] =	vst v63  }
0x11b: {  	_ =	swait.ge [sflag:s19], $0x4000  }
0x11c: {  	[sflag:s19] =	ssyncset.done $0x0  }
0x11d: {  	s9 =	simm.s32 $0x2100;
	[sflag:s19] =	ssyncadd.s32 $0xFFFFC000  }
0x11e: {  	[spmem:s2] =	stream.indirect.scatter.add.f32 [tilespmem:s14], [sflag:$0x3], $0x80, s9, s17, $0xb8;
	[tilespmem:$0x1E400] =	vst v63  }
0x11f: {  	_ =	swait.ge [sflag:s20], $0x4000  }
0x120: {  	[sflag:s20] =	ssyncset.done $0x0  }
0x121: {  	s9 =	simm.s32 $0xE00;
	[sflag:s20] =	ssyncadd.s32 $0xFFFFC000  }
0x122: {  	[tilespmem:s14], [sflag:$0x1] =	stream.indirect.gather [hbm4b:s5+s17], $0x80, s9, s17, $0xb8;
	[tilespmem:$0x1E400] =	vst v63  }
0x123: {  	_ =	swait.ge [sflag:s22], $0x4000  }
0x124: {  	[sflag:s22] =	ssyncset.done $0x0  }
0x125: {  	s9 =	simm.s32 $0x2180;
	[sflag:s22] =	ssyncadd.s32 $0xFFFFC000  }
0x126: {  	[spmem:s2] =	stream.indirect.scatter.add.f32 [tilespmem:s18], [sflag:$0x4], $0x80, s9, s17, $0xb8;
	[tilespmem:$0x1E400] =	vst v63  }
0x127: {  	_ =	swait.ge [sflag:s25], $0x4000  }
0x128: {  	[sflag:s25] =	ssyncset.done $0x0  }
0x129: {  	s9 =	simm.s32 $0xE80;
	[sflag:s25] =	ssyncadd.s32 $0xFFFFC000  }
0x12a: {  	[tilespmem:s18], [sflag:$0x2] =	stream.indirect.gather [hbm4b:s5+s17], $0x80, s9, s17, $0xb8;
	[tilespmem:$0x1E400] =	vst v63  }
0x12b: {  	_ =	swait.ge [sflag:s19], $0x4000  }
0x12c: {  	[sflag:s19] =	ssyncset.done $0x0  }
0x12d: {  	s9 =	simm.s32 $0x2200;
	[sflag:s19] =	ssyncadd.s32 $0xFFFFC000  }
0x12e: {  	[spmem:s2] =	stream.indirect.scatter.add.f32 [tilespmem:s14], [sflag:$0x3], $0x80, s9, s17, $0xb8;
	[tilespmem:$0x1E400] =	vst v63  }
0x12f: {  	_ =	swait.ge [sflag:s20], $0x4000  }
0x130: {  	[sflag:s20] =	ssyncset.done $0x0  }
0x131: {  	s9 =	simm.s32 $0xF00;
	[sflag:s20] =	ssyncadd.s32 $0xFFFFC000  }
0x132: {  	[tilespmem:s14], [sflag:$0x1] =	stream.indirect.gather [hbm4b:s5+s17], $0x80, s9, s17, $0xb8;
	[tilespmem:$0x1E400] =	vst v63  }
0x133: {  	_ =	swait.ge [sflag:s22], $0x4000  }
0x134: {  	[sflag:s22] =	ssyncset.done $0x0  }
0x135: {  	s9 =	simm.s32 $0x2280;
	[sflag:s22] =	ssyncadd.s32 $0xFFFFC000  }
0x136: {  	[spmem:s2] =	stream.indirect.scatter.add.f32 [tilespmem:s18], [sflag:$0x4], $0x80, s9, s17, $0xb8;
	[tilespmem:$0x1E400] =	vst v63  }
0x137: {  	_ =	swait.ge [sflag:s25], $0x4000  }
0x138: {  	[sflag:s25] =	ssyncset.done $0x0  }
0x139: {  	s9 =	simm.s32 $0xF80;
	[sflag:s25] =	ssyncadd.s32 $0xFFFFC000  }
0x13a: {  	[tilespmem:s18], [sflag:$0x2] =	stream.indirect.gather [hbm4b:s5+s17], $0x80, s9, s17, $0xb8;
	[tilespmem:$0x1E400] =	vst v63  }
0x13b: {  	_ =	swait.ge [sflag:s19], $0x4000  }
0x13c: {  	[sflag:s19] =	ssyncset.done $0x0  }
0x13d: {  	s9 =	simm.s32 $0x2300;
	[sflag:s19] =	ssyncadd.s32 $0xFFFFC000  }
0x13e: {  	[spmem:s2] =	stream.indirect.scatter.add.f32 [tilespmem:s14], [sflag:$0x3], $0x80, s9, s17, $0xb8;
	[tilespmem:$0x1E400] =	vst v63  }
0x13f: {  	_ =	swait.ge [sflag:s20], $0x4000  }
0x140: {  	[sflag:s20] =	ssyncset.done $0x0  }
0x141: {  	s9 =	simm.s32 $0x1000;
	[sflag:s20] =	ssyncadd.s32 $0xFFFFC000  }
0x142: {  	[tilespmem:s14], [sflag:$0x1] =	stream.indirect.gather [hbm4b:s5+s17], $0x80, s9, s17, $0xb8;
	[tilespmem:$0x1E400] =	vst v63  }
0x143: {  	_ =	swait.ge [sflag:s22], $0x4000  }
0x144: {  	[sflag:s22] =	ssyncset.done $0x0  }
0x145: {  	s9 =	simm.s32 $0x2380;
	[sflag:s22] =	ssyncadd.s32 $0xFFFFC000  }
0x146: {  	[spmem:s2] =	stream.indirect.scatter.add.f32 [tilespmem:s18], [sflag:$0x4], $0x80, s9, s17, $0xb8;
	[tilespmem:$0x1E400] =	vst v63  }
0x147: {  	_ =	swait.ge [sflag:s25], $0x4000  }
0x148: {  	[sflag:s25] =	ssyncset.done $0x0  }
0x149: {  	[sflag:s25] =	ssyncadd.s32 $0xFFFFC000  }
0x14a: {  	[tilespmem:s18], [sflag:$0x2] =	stream.indirect.gather [hbm4b:s5+s17], $0x80, s7, s17, $0xb8;
	[tilespmem:$0x1E400] =	vst v63  }
0x14b: {  	_ =	swait.ge [sflag:s19], $0x4000  }
0x14c: {  	[sflag:s19] =	ssyncset.done $0x0  }
0x14d: {  	[sflag:s19] =	ssyncadd.s32 $0xFFFFC000  }
0x14e: {  	[spmem:s2] =	stream.indirect.scatter.add.f32 [tilespmem:s14], [sflag:$0x3], $0x80, s1, s17, $0xb8;
	[tilespmem:$0x1E400] =	vst v63  }
0x14f: {  	_ =	swait.ge [sflag:s20], $0x4000  }
0x150: {  	[sflag:s20] =	ssyncset.done $0x0  }
0x151: {  	[sflag:s20] =	ssyncadd.s32 $0xFFFFC000  }
0x152: {  	[tilespmem:s14], [sflag:$0x1] =	stream.indirect.gather [hbm4b:s5+s17], $0x80, s21, s17, $0xb8;
	[tilespmem:$0x1E400] =	vst v63  }
0x153: {  	_ =	swait.ge [sflag:s22], $0x4000  }
0x154: {  	[sflag:s22] =	ssyncset.done $0x0  }
0x155: {  	[sflag:s22] =	ssyncadd.s32 $0xFFFFC000  }
0x156: {  	[spmem:s2] =	stream.indirect.scatter.add.f32 [tilespmem:s18], [sflag:$0x4], $0x80, s23, s17, $0xb8;
	[tilespmem:$0x1E400] =	vst v63  }
0x157: {  	_ =	swait.ge [sflag:s25], $0x4000  }
0x158: {  	[sflag:s25] =	ssyncset.done $0x0  }
0x159: {  	[sflag:s25] =	ssyncadd.s32 $0xFFFFC000  }
0x15a: {  	[tilespmem:s18], [sflag:$0x2] =	stream.indirect.gather [hbm4b:s5+s17], $0x80, s26, s17, $0xb8;
	[tilespmem:$0x1E400] =	vst v63  }
0x15b: {  	_ =	swait.ge [sflag:s19], $0x4000  }
0x15c: {  	[sflag:s19] =	ssyncset.done $0x0  }
0x15d: {  	[sflag:s19] =	ssyncadd.s32 $0xFFFFC000  }
0x15e: {  	[spmem:s2] =	stream.indirect.scatter.add.f32 [tilespmem:s14], [sflag:$0x3], $0x80, s28, s17, $0xb8;
	[tilespmem:$0x1E400] =	vst v63  }
0x15f: {  	_ =	swait.ge [sflag:s20], $0x4000  }
0x160: {  	[sflag:s20] =	ssyncset.done $0x0  }
0x161: {  	[sflag:s20] =	ssyncadd.s32 $0xFFFFC000  }
0x162: {  	[tilespmem:s14], [sflag:$0x1] =	stream.indirect.gather [hbm4b:s5+s17], $0x80, s10, s17, $0xb8;
	[tilespmem:$0x1E400] =	vst v63  }
0x163: {  	_ =	swait.ge [sflag:s22], $0x4000  }
0x164: {  	[sflag:s22] =	ssyncset.done $0x0  }
0x165: {  	[sflag:s22] =	ssyncadd.s32 $0xFFFFC000  }
0x166: {  	[spmem:s2] =	stream.indirect.scatter.add.f32 [tilespmem:s18], [sflag:$0x4], $0x80, s29, s17, $0xb8;
	[tilespmem:$0x1E400] =	vst v63  }
0x167: {  	_ =	swait.ge [sflag:s25], $0x4000  }
0x168: {  	[sflag:s25] =	ssyncset.done $0x0  }
0x169: {  	[sflag:s25] =	ssyncadd.s32 $0xFFFFC000  }
0x16a: {  	[tilespmem:s18], [sflag:$0x2] =	stream.indirect.gather [hbm4b:s5+s17], $0x80, s30, s17, $0xb8;
	[tilespmem:$0x1E400] =	vst v63  }
0x16b: {  	_ =	swait.ge [sflag:s19], $0x4000  }
0x16c: {  	[sflag:s19] =	ssyncset.done $0x0  }
0x16d: {  	[sflag:s19] =	ssyncadd.s32 $0xFFFFC000  }
0x16e: {  	[spmem:s2] =	stream.indirect.scatter.add.f32 [tilespmem:s14], [sflag:$0x3], $0x80, s31, s17, $0xb8;
	[tilespmem:$0x1E400] =	vst v63  }
0x16f: {  	_ =	swait.ge [sflag:s20], $0x4000  }
0x170: {  	[sflag:s20] =	ssyncset.done $0x0  }
0x171: {  	[sflag:s20] =	ssyncadd.s32 $0xFFFFC000  }
0x172: {  	[tilespmem:s14], [sflag:$0x1] =	stream.indirect.gather [hbm4b:s5+s17], $0x80, s0, s17, $0xb8;
	[tilespmem:$0x1E400] =	vst v63  }
0x173: {  	_ =	swait.ge [sflag:s22], $0x4000  }
0x174: {  	[sflag:s22] =	ssyncset.done $0x0  }
0x175: {  	[sflag:s22] =	ssyncadd.s32 $0xFFFFC000  }
0x176: {  	[spmem:s2] =	stream.indirect.scatter.add.f32 [tilespmem:s18], [sflag:$0x4], $0x80, s3, s17, $0xb8;
	[tilespmem:$0x1E400] =	vst v63  }
0x177: {  	_ =	swait.ge [sflag:s25], $0x4000  }
0x178: {  	[sflag:s25] =	ssyncset.done $0x0  }
0x179: {  	[sflag:s25] =	ssyncadd.s32 $0xFFFFC000  }
0x17a: {  	[tilespmem:s18], [sflag:$0x2] =	stream.indirect.gather [hbm4b:s5+s17], $0x80, s11, s17, $0xb8;
	[tilespmem:$0x1E400] =	vst v63  }
0x17b: {  	_ =	swait.ge [sflag:s19], $0x4000  }
0x17c: {  	[sflag:s19] =	ssyncset.done $0x0  }
0x17d: {  	[sflag:s19] =	ssyncadd.s32 $0xFFFFC000  }
0x17e: {  	[spmem:s2] =	stream.indirect.scatter.add.f32 [tilespmem:s14], [sflag:$0x3], $0x80, s13, s17, $0xb8;
	[tilespmem:$0x1E400] =	vst v63  }
0x17f: {  	_ =	swait.ge [sflag:s22], $0x4000  }
0x180: {  	[sflag:s22] =	ssyncset.done $0x0  }
0x181: {  	[sflag:s22] =	ssyncadd.s32 $0xFFFFC000  }
0x182: {  	[spmem:s2] =	stream.indirect.scatter.add.f32 [tilespmem:s18], [sflag:$0x4], $0x80, s24, s17, $0xb8;
	[tilespmem:$0x1E400] =	vst v63  }
0x183: {  	p1 =	por p0, p0;
	_ =	swait.ge [sflag:s20], $0x4000  }
.Ltmp1:
0x184: {  	[sflag:s20] =	ssyncset.done $0x0;
	(pc) =	sbr.rel @p1 .LBB2_4-.Ltmp1, $4  }
0x185: {  	[sflag:s20] =	ssyncadd.s32 $0xFFFFC000  }
0x186: {  	_ =	swait.ge [sflag:s25], $0x4000  }
0x187: {  	[sflag:s25] =	ssyncset.done $0x0  }
0x188: {  	p0 =	por $0x0, $0x0;
	s8 =	simm.s32 $0x28;
	[sflag:s25] =	ssyncadd.s32 $0xFFFFC000  }
0x189: {  	s8 =	stileid.u32;
	[bflag:$0x0] =	sbarrier.arrive $0xFFFF  }
0x18a: {  	s8 =	sshll.u32 s8, $0x6;
	s9 =	rddreg [dreg:$0x4]  }
0x18b: {  	s10 =	rddreg [dreg:$0xa];
	s8 =	sor.u32 $0x1C05, s8;
	s9 =	sshrl.u32 s9, $0x3  }
0x18c: {  	[hbm:s10], [sflag:s8] =	dma.local [spmem:s9], $0x2780  }
0x18d: {  	_ =	swait.ge [sflag:s15], $0x2780  }
0x18e: {  	s0 =	rddreg [dreg:$0xb]  }
0x18f: {  	s10 =	rddreg [dreg:$0x9];
	s0 =	sadd.s32 $0x1, s0  }
0x190: {  	p0 =	sne.s32 s0, s10  }
.Ltmp2:
0x191: {  	_ = 	snop;
	(pc) =	sbr.rel @p0 .LBB2_1-.Ltmp2, $3  }
0x192: {  	_ =	sdelay $0x1  }
0x193: {  	[sflag:s15] =	ssyncset.done $0x0  }
0x194: {  	[sflag:s15] =	ssyncadd.s32 $0xFFFFD880  }
0x195: {  	_ =	sfence.sel $0x180000  }
0x196: {  	[bflag:$0x0] =	sbarrier.arrive $0xFFFF  }
0x197: {  	_ =	strace $0x9000004A  }
0x198: {  	s0 =	stileid.u32;
	[bflag:$0x2] =	sbarrier.arrive $0xFFFF  }
0x199: {  	p0 =	sne.s32 s0, $0x0;
	s0 =	rddreg [dreg:$0x3]  }
0x19a: {  	s0 =	sadd.s32 @!p0 $0x100000, s0  }
0x19b: {  	[sflag:s0] =	ssyncadd.tile.s32 @!p0 $0x1;
	_ =	shalt  }
.Lfunc_end2:
_tile_overlayer_lowered:
.L_overlay_start_2:
0x19c: {  	(tag) =	ssettag $0x2  }
0x19d: {  	s0 =	rddreg [dreg:$0x0];
	s2 =	stileid.u32  }
0x19e: {  	s1 =	rddreg [dreg:$0x1];
	p0 =	sne.s32 s2, $0x0  }
0x19f: {  	s3 =	rddreg [dreg:$0x2];
	[bflag:$0x3] =	sbarrier.arrive $0xFFFF;
	s2 =	simm.s32 @!p0 $0x1C05  }
0x1a0: {  	[timem:s3], [sflag:s2] =	dma.local @!p0 [hbm:s0], s1  }
0x1a1: {  	s0 =	simm.s32 @!p0 $0x5  }
0x1a2: {  	_ =	swait.ge @!p0 [sflag:s0], s1  }
0x1a3: {  	s1 =	ssub.s32 @!p0 $0x0, s1;
	[sflag:s0] =	ssyncset.done @!p0 $0x0  }
0x1a4: {  	[sflag:s0] =	ssyncadd.s32 @!p0 s1  }
0x1a5: {  	[bflag:$0x3] =	sbarrier.arrive $0xFFFF  }
0x1a6: {  	_ =	shalt  }

// kernel: kernel.7.cloned.1.call-start
scs
__scs_entry_jumppad:
0x0: {  	(pc) =	sbr.rel $0x88, $3  }
0x1: {  	(tag) =	ssettag $0x0;
	lr =	simm.s32 $0x1  }
0x2: {  	[smem:$0x3F9C] =	sst lr;
	_ =	strace $0xD0000000  }
0x3: {  	_ = 	snop  }
0x4: {  	_ = 	snop  }
0x5: {  	_ = 	snop  }
0x6: {  	_ = 	snop  }
0x7: {  	_ = 	snop  }
__scs_overlays_trampoline_lowered:
0x8: {  	[smem:$0x3FAB] =	sst s0  }
0x9: {  	[smem:$0x3FAC] =	sst s1  }
0xa: {  	[smem:$0x3FAD] =	sst s2  }
0xb: {  	[smem:$0x3FAE] =	sst s3  }
0xc: {  	[smem:$0x3FAF] =	sst s4  }
0xd: {  	[smem:$0x3FB0] =	sst s5  }
0xe: {  	[smem:$0x3FB1] =	sst s6  }
0xf: {  	[smem:$0x3FB2] =	sst s7  }
0x10: {  	[smem:$0x3FB3] =	sst s8  }
0x11: {  	[smem:$0x3FB4] =	sst s9;
	s0 =	simm.s32 @!p0 $0x0  }
0x12: {  	s1 =	sld [smem:$0x3F9A];
	s0 =	simm.s32 @p0 $0x1  }
0x13: {  	[smem:$0x3FB5] =	sst s0;
	s0 =	simm.s32 @!p1 $0x0  }
0x14: {  	s2 =	sld [smem:$0x3F99];
	s0 =	simm.s32 @p1 $0x1  }
0x15: {  	[smem:$0x3FB6] =	sst s0;
	s0 =	simm.s32 @!p2 $0x0  }
0x16: {  	s3 =	sld [smem:$0x3FDB];
	s0 =	simm.s32 @p2 $0x1  }
0x17: {  	s4 =	simm.s32 $0x1BF5;
	[smem:$0x3FB8] =	sst s0  }
0x18: {  	s0 =	sld [smem:$0x3F9B];
	_ =	swait.ge [sflag:s4], $0x0  }
0x19: {  	s7 =	sld [smem:$0x3F9C]  }
0x1a: {  	s8 =	sadd.s32 $0xFFFFE003, lr  }
0x1b: {  	s9 =	sadd.s32 $0xFFFFFEF7, lr;
	s5 =	simm.s32 $0xFFFFFFFF;
	p2 =	slt.u32 s8, $0xFFFFF086  }
0x1c: {  	p1 =	slt.u32 s9, $0xF7A;
	s5 =	simm.s32 @!p2 $0x0  }
0x1d: {  	s5 =	simm.s32 @p1 $0x1;
	p0 =	seq.s32 s7, s2  }
0x1e: {  	s7 =	smul.u32 @!p0 $0xF7A, s2;
	p2 =	seq.s32 @!p0 s5, $0x0  }
0x1f: {  	s9 =	smul.u32 $0xF7A, s1;
	s8 =	simm.s32 @!p0 $0x1BF5;
	p2 =	por !p2, p0  }
0x20: {  	[sflag:s8] =	ssyncset.s32 @!p0 $0xFFFFF086;
	s6 =	sadd.s32 @!p0 s3, s7;
	s7 =	simm.s32 @!p0 $0x108  }
0x21: {  	s3 =	sadd.s32 s3, s9;
	s6 =	sadd.s32 @!p0 $0x88, s6;
	s7 =	simm.s32 @p2 $0x1082  }
0x22: {  	[simem:s7], [sflag:s8] =	dma.local @!p0 [hbm:s6], $0xF7A  }
0x23: {  	s9 =	sor.u32 $0xD0000000, s2;
	s6 =	simm.s32 $0x108;
	_ =	swait.ge @!p0 [sflag:s8], $0x0  }
0x24: {  	s3 =	sadd.s32 $0x88, s3;
	s6 =	simm.s32 @!p1 $0x1082;
	[sflag:s4] =	ssyncset.s32 $0xFFFFF086  }
0x25: {  	[simem:s6], [sflag:s4] =	dma.local [hbm:s3], $0xF7A  }
0x26: {  	[smem:$0x3F9C] =	sst s1;
	(tag) =	ssettag s2;
	_ =	strace s9  }
0x27: {  	s1 =	sld [smem:$0x3FAC]  }
0x28: {  	s2 =	sld [smem:$0x3FAD]  }
0x29: {  	s4 =	sld [smem:$0x3FAF]  }
0x2a: {  	p0 =	seq.s32 s5, $0x0;
	s5 =	sld [smem:$0x3FB0]  }
0x2b: {  	s6 =	sld [smem:$0x3FB1]  }
0x2c: {  	s7 =	sld [smem:$0x3FB2]  }
0x2d: {  	s3 =	simm.s32 $0x108;
	s8 =	sld [smem:$0x3FB3]  }
0x2e: {  	s3 =	simm.s32 @!p0 $0x1082;
	s9 =	sld [smem:$0x3FB4]  }
0x2f: {  	lr =	sadd.s32 s0, s3;
	s0 =	sld [smem:$0x3FAB]  }
0x30: {  	s3 =	sld [smem:$0x3FAE]  }
0x31: {  	[smem:$0x3FB7] =	sst s10  }
0x32: {  	s10 =	sld [smem:$0x3FB5];
	_ =	sdelay $0x3  }
0x33: {  	p0 =	seq.s32 s10, $0x1;
	s10 =	sld [smem:$0x3FB7];
	_ =	sdelay $0x3  }
0x34: {  	[smem:$0x3FB7] =	sst s10  }
0x35: {  	s10 =	sld [smem:$0x3FB6];
	_ =	sdelay $0x3  }
0x36: {  	p1 =	seq.s32 s10, $0x1;
	s10 =	sld [smem:$0x3FB7];
	_ =	sdelay $0x3  }
0x37: {  	[smem:$0x3FB7] =	sst s10  }
0x38: {  	s10 =	sld [smem:$0x3FB8]  }
0x39: {  	_ = 	snop;
	(pc) =	sbr.ind lr, $3  }
0x3a: {  	_ = 	snop  }
0x3b: {  	_ = 	snop  }
0x3c: {  	p2 =	seq.s32 s10, $0x1;
	s10 =	sld [smem:$0x3FB7]  }
0x3d: {  	_ =	shalt  }
0x3e: {  	_ =	shalt  }
0x3f: {  	_ =	shalt  }
0x40: {  	_ =	shalt  }
0x41: {  	_ =	shalt  }
0x42: {  	_ =	shalt  }
0x43: {  	_ =	shalt  }
0x44: {  	_ =	shalt  }
0x45: {  	_ =	shalt  }
0x46: {  	_ =	shalt  }
0x47: {  	_ =	shalt  }
0x48: {  	_ =	shalt  }
0x49: {  	_ =	shalt  }
0x4a: {  	_ =	shalt  }
0x4b: {  	_ =	shalt  }
0x4c: {  	_ =	shalt  }
0x4d: {  	_ =	shalt  }
0x4e: {  	_ =	shalt  }
0x4f: {  	_ =	shalt  }
0x50: {  	_ =	shalt  }
0x51: {  	_ =	shalt  }
0x52: {  	_ =	shalt  }
0x53: {  	_ =	shalt  }
0x54: {  	_ =	shalt  }
0x55: {  	_ =	shalt  }
0x56: {  	_ =	shalt  }
0x57: {  	_ =	shalt  }
0x58: {  	_ =	shalt  }
0x59: {  	_ =	shalt  }
0x5a: {  	_ =	shalt  }
0x5b: {  	_ =	shalt  }
0x5c: {  	_ =	shalt  }
0x5d: {  	_ =	shalt  }
0x5e: {  	_ =	shalt  }
0x5f: {  	_ =	shalt  }
0x60: {  	_ =	shalt  }
0x61: {  	_ =	shalt  }
0x62: {  	_ =	shalt  }
0x63: {  	_ =	shalt  }
0x64: {  	_ =	shalt  }
0x65: {  	_ =	shalt  }
0x66: {  	_ =	shalt  }
0x67: {  	_ =	shalt  }
0x68: {  	_ =	shalt  }
0x69: {  	_ =	shalt  }
0x6a: {  	_ =	shalt  }
0x6b: {  	_ =	shalt  }
0x6c: {  	_ =	shalt  }
0x6d: {  	_ =	shalt  }
0x6e: {  	_ =	shalt  }
0x6f: {  	_ =	shalt  }
0x70: {  	_ =	shalt  }
0x71: {  	_ =	shalt  }
0x72: {  	_ =	shalt  }
0x73: {  	_ =	shalt  }
0x74: {  	_ =	shalt  }
0x75: {  	_ =	shalt  }
0x76: {  	_ =	shalt  }
0x77: {  	_ =	shalt  }
0x78: {  	_ =	shalt  }
0x79: {  	_ =	shalt  }
0x7a: {  	_ =	shalt  }
0x7b: {  	_ =	shalt  }
0x7c: {  	_ =	shalt  }
0x7d: {  	_ =	shalt  }
0x7e: {  	_ =	shalt  }
0x7f: {  	_ =	shalt  }
0x80: {  	_ =	shalt  }
0x81: {  	_ =	shalt  }
0x82: {  	_ =	shalt  }
0x83: {  	_ =	shalt  }
0x84: {  	_ =	shalt  }
0x85: {  	_ =	shalt  }
0x86: {  	_ =	shalt  }
0x87: {  	_ =	shalt  }
.Lfunc_end0:
.L_simem_size_0:
called_computation_lowered:
.L_overlay_start_0:
0x88: {  	s2 =	sld [smem:$0x3FD9]  }
0x89: {  	s3 =	sld [smem:$0x3FFE];
	_ =	sdelay $0x1  }
0x8a: {  	s1 =	srdreg.scid  }
0x8b: {  	s0 =	sand.u32 $0x1, s1  }
0x8c: {  	s17 =	sshll.u32 s0, $0xA;
	s2 =	sadd.s32 s3, s2  }
0x8d: {  	s2 =	sadd.s32 s2, s17  }
0x8e: {  	[smem:$0x3FC3] =	sst s2  }
0x8f: {  	_ = 	snop  }
0x90: {  	s2 =	sld [smem:$0x3FD0];
	(tm) =	ssettm $0x1  }
0x91: {  	s18 =	sld [smem:$0x3FFB];
	_ =	sdelay $0x3  }
0x92: {  	_ =	strace s18  }
0x93: {  	s3 =	sld [smem:$0x3FFC];
	_ =	sdelay $0x3  }
0x94: {  	_ =	strace s3  }
0x95: {  	s3 =	sld [smem:$0x3FFD];
	_ =	sdelay $0x3  }
0x96: {  	_ =	strace s3  }
0x97: {  	_ =	strace $0x8FFFFFFF  }
0x98: {  	s19 =	sld [smem:$0x3FDB];
	_ =	sdelay $0x1  }
0x99: {  	s4 =	simm.s32 $_scs_section_size  }
0x9a: {  	s5 =	simm.s32 $_size__tile_overlayer_lowered;
	s6 =	simm.s32 $_tile_overlayer_lowered  }
0x9b: {  	s22 =	simm.s32 $0x1BFF;
	s21 =	sshll.u32 s6, $0x1;
	s3 =	sadd.s32 s4, s19  }
0x9c: {  	s7 =	simm.s32 $0x0;
	s20 =	sshll.u32 s5, $0x1;
	s5 =	sadd.s32 s21, s3  }
0x9d: {  	[timem:s7], [sflag:s22] =	dma.local [hbm:s5], s20  }
0x9e: {  	_ =	swait.ge [sflag:s22], s20  }
0x9f: {  	s4 =	ssub.s32 $0x0, s20;
	[sflag:s22] =	ssyncset.done $0x0  }
0xa0: {  	[sflag:s22] =	ssyncadd.s32 s4;
	_ =	sdelay $0x1  }
0xa1: {  	s23 =	simm.s32 $0x1B8B  }
0xa2: {  	_ =	swait.ge [sflag:s23], $0x1  }
0xa3: {  	[sflag:s23] =	ssyncset.done $0x0  }
0xa4: {  	s25 =	simm.s32 $0x1B8E;
	s24 =	sld [smem:$0x3FFE];
	[sflag:s23] =	ssyncadd.s32 $0xFFFFFFFF  }
0xa5: {  	s26 =	simm.s32 $execute0_lowered;
	[smem:$0x3FD2] =	sst s25  }
0xa6: {  	s5 =	sshll.u32 s26, $0x1;
	_ =	strace $0x80000046;
	[dreg:$0x1] =	wrdreg $0xFFFFFFFF  }
0xa7: {  	s28 =	simm.s32 $_size_execute0_lowered;
	s3 =	sadd.s32 s3, s5;
	[dreg:$0x0] =	wrdreg $0x0  }
0xa8: {  	s5 =	sshll.u32 s28, $0x1;
	[dreg:$0x2] =	wrdreg s3  }
0xa9: {  	[dreg:$0x3] =	wrdreg s5  }
0xaa: {  	[dreg:$0x4] =	wrdreg $0xC0  }
0xab: {  	_ =	task [dreg:s7], $0x5FFFF  }
0xac: {  	[dreg:$0x1] =	wrdreg $0xFFFFFFFF  }
0xad: {  	[dreg:$0x0] =	wrdreg $0x60  }
0xae: {  	[dreg:$0x2] =	wrdreg s2  }
0xaf: {  	[dreg:$0x3] =	wrdreg s24  }
0xb0: {  	[dreg:$0x4] =	wrdreg $0x9  }
0xb1: {  	_ =	task.clear_ibuf [dreg:s7], $0x5FFFF;
	_ =	strace $0x90000046  }
0xb2: {  	s29 =	simm.s32 $0x9;
	_ =	strace $0x80000048  }
0xb3: {  	_ =	swait.ge [sflag:s29], $0x1  }
0xb4: {  	[sflag:s29] =	ssyncadd.s32 $0xFFFFFFFF  }
0xb5: {  	_ =	strace $0x90000048  }
0xb6: {  	_ =	sfence  }
0xb7: {  	s30 =	sld [smem:$0x0];
	_ =	sdelay $0x2  }
0xb8: {  	s31 =	sshll.u32 s1, $0xD;
	s1 =	sshrl.u32 s1, $0x2  }
0xb9: {  	s3 =	sand.u32 $0x4000, s31;
	s1 =	sadd.s32 s1, s30  }
0xba: {  	s0 =	sor.u32 s3, s0;
	s1 =	sshll.u32 s1, $0x11  }
0xbb: {  	s0 =	sor.u32 s1, s0  }
0xbc: {  	s0 =	sadd.s32 $0x8F2B, s0  }
0xbd: {  	[sflag:s0] =	ssyncadd.remote.s32 $0x1  }
0xbe: {  	_ =	sfence.sel $0xFFFF  }
0xbf: {  	[dreg:$0x0] =	wrdreg $0xFFFFFFFF;
	(pc) =	sbr.abs _section_cstart, $3  }
0xc0: {  	[dreg:$0x1] =	wrdreg $0xFFFFFFFF  }
0xc1: {  	_ =	task.clear_ibuf [dreg:s7], $0x2FFFF;
	_ =	strace $0x9FFFFFFF  }
0xc2: {  	(tm) =	ssettm $0x7FFFFFFF  }
0xc3: {  	_ =	shalt  }
tec
execute0_lowered:
.L_overlay_start_1:
0x0: {  	(tag) =	ssettag $0x1  }
0x1: {  	s3 =	rddreg [dreg:$0x0]  }
0x2: {  	s4 =	rddreg [dreg:$0x1];
	s2 =	srdreg.scid  }
0x3: {  	s0 =	rddreg [dreg:$0x2];
	s1 =	simm.s32 $0x0;
	s5 =	sand.u32 $0x1, s2  }
0x4: {  	s9 =	simm.s32 $0x2;
	[smem:$0x7FF] =	sst s1;
	s6 =	smul.u32 $0x5000, s5  }
0x5: {  	s2 =	stileid.u32;
	s7 =	ssub.s32 $0x2, s5;
	s5 =	smul.u32 $0xA000, s5  }
0x6: {  	s10 =	simm.s32 $0x0;
	_ =	strace $0x80000047;
	s8 =	smul.u32 $0xA00, s2  }
0x7: {  	v0 =	vlaneseq.u32;
	s30 =	smul.u32 $0x500, s2;
	s29 =	sshrl.u32 s7, $0x1;
	s4 =	sadd.s32 s6, s4  }
0x8: {  	v0 =	vmul.u32 $0x13C0, v0;
	s6 =	ssub.s32 s7, s29;
	s3 =	sadd.s32 s3, s5;
	s5 =	simm.s32 $0x1  }
0x9: {  	s3 =	sadd.s32 s8, s3;
	s31 =	sadd.s32 $0x1C00, s4;
	s4 =	smax.u32 s6, $0x1  }
0xa: {  	v1 =	vimm.f32 $0.0e+00;
	v2 =	vimm.f32 $1.000000000e+00;
	v3 =	vadd.s32 $0xFFFFEC40, v0;
	s6 =	simm.s32 $0x5000;
	s8 =	simm.s32 $0x18C00;
	s7 =	sadd.s32 s30, s31  }
.LBB2_1:
0xb: {  	[tilespmem:s1], [sflag:$0x1] =	stream.linear.gather [hbm4b:s3+s1], $0x5000, $0x38;
	[tilespmem:$0x1B400] =	vst v63  }
0xc: {  	s11 =	simm.s32 $0x0;
	s12 =	simm.s32 $0x400  }
.LBB2_2:
0xd: {  	p0 =	sne.s32 s12, $0x4EC00;
	[tilespmem:s11+$0x50F0] =	vst v1  }
0xe: {  	[tilespmem:s11+$0x5000] =	vst v1  }
0xf: {  	[tilespmem:s11+$0x5010] =	vst v1  }
0x10: {  	[tilespmem:s11+$0x5020] =	vst v1  }
0x11: {  	[tilespmem:s11+$0x5030] =	vst v1  }
0x12: {  	[tilespmem:s11+$0x5040] =	vst v1  }
0x13: {  	[tilespmem:s11+$0x5050] =	vst v1  }
0x14: {  	[tilespmem:s11+$0x5060] =	vst v1  }
0x15: {  	[tilespmem:s11+$0x5070] =	vst v1  }
0x16: {  	[tilespmem:s11+$0x5080] =	vst v1  }
0x17: {  	[tilespmem:s11+$0x5090] =	vst v1  }
.Ltmp0:
0x18: {  	[tilespmem:s11+$0x50A0] =	vst v1;
	(pc) =	sbr.rel @p0 .LBB2_2-.Ltmp0, $4  }
0x19: {  	[tilespmem:s11+$0x50B0] =	vst v1  }
0x1a: {  	[tilespmem:s11+$0x50C0] =	vst v1  }
0x1b: {  	[tilespmem:s11+$0x50D0] =	vst v1  }
0x1c: {  	[tilespmem:s11+$0x50E0] =	vst v1;
	s11 =	sshra.s32 s12, $0x2;
	s12 =	sadd.s32 $0x400, s12  }
0x1d: {  	[tilespmem:s11+$0x50F0] =	vst v1  }
0x1e: {  	[tilespmem:s11+$0x5000] =	vst v1  }
0x1f: {  	[tilespmem:s11+$0x5010] =	vst v1  }
0x20: {  	[tilespmem:s11+$0x5020] =	vst v1  }
0x21: {  	[tilespmem:s11+$0x5030] =	vst v1  }
0x22: {  	[tilespmem:s11+$0x5040] =	vst v1  }
0x23: {  	[tilespmem:s11+$0x5050] =	vst v1  }
0x24: {  	[tilespmem:s11+$0x5060] =	vst v1  }
0x25: {  	[tilespmem:s11+$0x5070] =	vst v1  }
0x26: {  	[tilespmem:s11+$0x5080] =	vst v1  }
0x27: {  	[tilespmem:s11+$0x5090] =	vst v1  }
0x28: {  	[tilespmem:s11+$0x50A0] =	vst v1  }
0x29: {  	[tilespmem:s11+$0x50B0] =	vst v1  }
0x2a: {  	[tilespmem:s11+$0x50C0] =	vst v1  }
0x2b: {  	[tilespmem:s11+$0x50D0] =	vst v1  }
0x2c: {  	[tilespmem:s11+$0x50E0] =	vst v1  }
0x2d: {  	_ =	swait.ge [sflag:s5], $0x5000  }
0x2e: {  	[sflag:s5] =	ssyncset.done $0x0  }
0x2f: {  	s11 =	simm.s32 $0x0;
	s12 =	simm.s32 $0x0;
	[sflag:s5] =	ssyncadd.s32 $0xFFFFB000  }
.LBB2_4:
0x30: {  	s13 =	sshra.s32 s12, $0x2  }
0x31: {  	v4 =	vld [tilespmem:s13+$0x0];
	_ =	sdelay $0x4  }
0x32: {  	vm0 =	vlt.u32 v4, $0x13C0  }
0x33: {  	v4 =	vadd.s32 v0, v4;
	_ =	sdelay $0x4  }
0x34: {  	[tilespmem:v4+s6+$0x0] =	vst.idx.add.f32.msk vm0, v2  }
0x35: {  	v4 =	vld [tilespmem:s13+$0x10];
	_ =	sdelay $0x4  }
0x36: {  	vm9 =	vlt.u32 v4, $0x13C0  }
0x37: {  	v4 =	vadd.s32 v0, v4;
	_ =	sdelay $0x4  }
0x38: {  	[tilespmem:v4+s6+$0x0] =	vst.idx.add.f32.msk vm9, v2  }
0x39: {  	v4 =	vld [tilespmem:s13+$0x20];
	_ =	sdelay $0x4  }
0x3a: {  	vm10 =	vlt.u32 v4, $0x13C0  }
0x3b: {  	v4 =	vadd.s32 v0, v4;
	_ =	sdelay $0x4  }
0x3c: {  	[tilespmem:v4+s6+$0x0] =	vst.idx.add.f32.msk vm10, v2  }
0x3d: {  	v4 =	vld [tilespmem:s13+$0x30];
	_ =	sdelay $0x4  }
0x3e: {  	vm11 =	vlt.u32 v4, $0x13C0  }
0x3f: {  	v4 =	vadd.s32 v0, v4;
	_ =	sdelay $0x4  }
0x40: {  	[tilespmem:v4+s6+$0x0] =	vst.idx.add.f32.msk vm11, v2  }
0x41: {  	v4 =	vld [tilespmem:s13+$0x40];
	_ =	sdelay $0x4  }
0x42: {  	vm12 =	vlt.u32 v4, $0x13C0  }
0x43: {  	v4 =	vadd.s32 v0, v4;
	_ =	sdelay $0x4  }
0x44: {  	[tilespmem:v4+s6+$0x0] =	vst.idx.add.f32.msk vm12, v2  }
0x45: {  	v4 =	vld [tilespmem:s13+$0x50];
	_ =	sdelay $0x4  }
0x46: {  	vm13 =	vlt.u32 v4, $0x13C0  }
0x47: {  	v4 =	vadd.s32 v0, v4;
	_ =	sdelay $0x4  }
0x48: {  	[tilespmem:v4+s6+$0x0] =	vst.idx.add.f32.msk vm13, v2  }
0x49: {  	v4 =	vld [tilespmem:s13+$0x60];
	_ =	sdelay $0x4  }
0x4a: {  	vm14 =	vlt.u32 v4, $0x13C0  }
0x4b: {  	v4 =	vadd.s32 v0, v4;
	_ =	sdelay $0x4  }
0x4c: {  	[tilespmem:v4+s6+$0x0] =	vst.idx.add.f32.msk vm14, v2  }
0x4d: {  	v4 =	vld [tilespmem:s13+$0x70];
	_ =	sdelay $0x4  }
0x4e: {  	vm15 =	vlt.u32 v4, $0x13C0  }
0x4f: {  	p0 =	sne.s32 s12, $0x13E00;
	v4 =	vadd.s32 v0, v4  }
.Ltmp1:
0x50: {  	_ = 	snop;
	(pc) =	sbr.rel @p0 .LBB2_4-.Ltmp1, $2  }
0x51: {  	_ =	sdelay $0x2  }
0x52: {  	s12 =	sadd.s32 $0x200, s12;
	[tilespmem:v4+s6+$0x0] =	vst.idx.add.f32.msk vm15, v2  }
0x53: {  	s12 =	simm.s32 $0x0  }
0x54: {  	v4 =	vld [tilespmem:s12+$0x63C0]  }
0x55: {  	v5 =	vld [tilespmem:s12+$0x5000]  }
0x56: {  	s13 =	sand.u32 $0x1FF0, s11  }
0x57: {  	v6 =	vld [tilespmem:s13+$0x7780];
	_ =	sdelay $0x1  }
0x58: {  	v7 =	vld [tilespmem:s12+$0x8B40]  }
0x59: {  	v4 =	vadd.f32 v4, v5  }
0x5a: {  	v5 =	vld [tilespmem:s13+$0x9F00]  }
0x5b: {  	v4 =	vadd.f32 v6, v4  }
0x5c: {  	v6 =	vld [tilespmem:s12+$0xB2C0]  }
0x5d: {  	v4 =	vadd.f32 v7, v4  }
0x5e: {  	v7 =	vld [tilespmem:s13+$0xC680]  }
0x5f: {  	v4 =	vadd.f32 v5, v4  }
0x60: {  	v5 =	vld [tilespmem:s12+$0xDA40]  }
0x61: {  	v4 =	vadd.f32 v6, v4  }
0x62: {  	v6 =	vld [tilespmem:s13+$0xEE00]  }
0x63: {  	v4 =	vadd.f32 v7, v4  }
0x64: {  	v7 =	vld [tilespmem:s12+$0x101C0]  }
0x65: {  	v4 =	vadd.f32 v5, v4  }
0x66: {  	v5 =	vld [tilespmem:s13+$0x11580]  }
0x67: {  	v4 =	vadd.f32 v6, v4  }
0x68: {  	v6 =	vld [tilespmem:s12+$0x12940]  }
0x69: {  	v4 =	vadd.f32 v7, v4  }
0x6a: {  	v7 =	vld [tilespmem:s13+$0x13D00]  }
0x6b: {  	v4 =	vadd.f32 v5, v4  }
0x6c: {  	v5 =	vld [tilespmem:s12+$0x150C0]  }
0x6d: {  	v4 =	vadd.f32 v6, v4  }
0x6e: {  	v6 =	vld [tilespmem:s13+$0x16480]  }
0x6f: {  	v4 =	vadd.f32 v7, v4  }
0x70: {  	v7 =	vld [tilespmem:s12+$0x17840]  }
0x71: {  	v4 =	vadd.f32 v5, v4;
	_ =	sdelay $0x1  }
0x72: {  	v4 =	vadd.f32 v6, v4  }
0x73: {  	s30 =	sand.u32 $0x7E00, s11  }
0x74: {  	s31 =	sand.u32 $0x70, s11;
	s12 =	sshrl.u32 s30, $0x2;
	v4 =	vadd.f32 v7, v4  }
0x75: {  	s12 =	sor.u32 s31, s12  }
0x76: {  	s13 =	simm.s32 $0x10;
	[tilespmem:s12+$0x18C00] =	vst v4  }
0x77: {  	s14 =	simm.s32 $0x80;
	s12 =	simm.s32 $0x40;
	v4 =	vld [tilespmem:s13+$0x63C0]  }
.LBB2_6:
0x78: {  	p0 =	sne.s32 s14, $0x4EC0;
	v5 =	vld [tilespmem:s13+$0x5000];
	s11 =	sadd.s32 $0x10, s11  }
0x79: {  	s15 =	sand.u32 $0x1FF0, s11  }
0x7a: {  	v6 =	vld [tilespmem:s15+$0x7780];
	_ =	sdelay $0x1  }
0x7b: {  	v7 =	vld [tilespmem:s13+$0x8B40]  }
0x7c: {  	v4 =	vadd.f32 v4, v5  }
0x7d: {  	v5 =	vld [tilespmem:s15+$0x9F00]  }
0x7e: {  	v4 =	vadd.f32 v6, v4  }
0x7f: {  	v6 =	vld [tilespmem:s13+$0xB2C0]  }
0x80: {  	v4 =	vadd.f32 v7, v4  }
0x81: {  	v7 =	vld [tilespmem:s15+$0xC680]  }
0x82: {  	v4 =	vadd.f32 v5, v4  }
0x83: {  	v5 =	vld [tilespmem:s13+$0xDA40]  }
0x84: {  	v4 =	vadd.f32 v6, v4  }
0x85: {  	v6 =	vld [tilespmem:s15+$0xEE00]  }
0x86: {  	v4 =	vadd.f32 v7, v4  }
0x87: {  	v7 =	vld [tilespmem:s13+$0x101C0]  }
0x88: {  	v4 =	vadd.f32 v5, v4  }
0x89: {  	v5 =	vld [tilespmem:s15+$0x11580]  }
0x8a: {  	v4 =	vadd.f32 v6, v4  }
0x8b: {  	v6 =	vld [tilespmem:s13+$0x12940]  }
0x8c: {  	v4 =	vadd.f32 v7, v4  }
0x8d: {  	v7 =	vld [tilespmem:s15+$0x13D00]  }
0x8e: {  	v4 =	vadd.f32 v5, v4  }
0x8f: {  	v5 =	vld [tilespmem:s13+$0x150C0]  }
0x90: {  	v4 =	vadd.f32 v6, v4  }
0x91: {  	v6 =	vld [tilespmem:s15+$0x16480]  }
0x92: {  	v4 =	vadd.f32 v7, v4  }
0x93: {  	v7 =	vld [tilespmem:s13+$0x17840]  }
0x94: {  	v4 =	vadd.f32 v5, v4;
	_ =	sdelay $0x1  }
0x95: {  	v4 =	vadd.f32 v6, v4  }
.Ltmp2:
0x96: {  	s13 =	sand.u32 $0x7E00, s12;
	s12 =	smov.u32 s14;
	(pc) =	sbr.rel @p0 .LBB2_6-.Ltmp2, $4  }
0x97: {  	s15 =	sand.u32 $0x70, s11;
	s13 =	sshrl.u32 s13, $0x2;
	v4 =	vadd.f32 v7, v4  }
0x98: {  	s15 =	sor.u32 s15, s13  }
0x99: {  	s13 =	sshra.s32 s14, $0x2;
	[tilespmem:s15+$0x18C00] =	vst v4  }
0x9a: {  	s14 =	sadd.s32 $0x40, s14;
	v4 =	vld [tilespmem:s13+$0x63C0]  }
0x9b: {  	v5 =	vld [tilespmem:s13+$0x5000];
	s11 =	sadd.s32 $0x10, s11  }
0x9c: {  	s14 =	sand.u32 $0x1FF0, s11  }
0x9d: {  	v6 =	vld [tilespmem:s14+$0x7780];
	_ =	sdelay $0x1  }
0x9e: {  	v7 =	vld [tilespmem:s13+$0x8B40]  }
0x9f: {  	v4 =	vadd.f32 v4, v5  }
0xa0: {  	v5 =	vld [tilespmem:s14+$0x9F00]  }
0xa1: {  	v4 =	vadd.f32 v6, v4  }
0xa2: {  	v56 =	vld [tilespmem:s13+$0xB2C0]  }
0xa3: {  	v4 =	vadd.f32 v7, v4  }
0xa4: {  	v57 =	vld [tilespmem:s14+$0xC680]  }
0xa5: {  	v4 =	vadd.f32 v5, v4  }
0xa6: {  	v5 =	vld [tilespmem:s13+$0xDA40]  }
0xa7: {  	v4 =	vadd.f32 v56, v4  }
0xa8: {  	v58 =	vld [tilespmem:s14+$0xEE00]  }
0xa9: {  	v4 =	vadd.f32 v57, v4  }
0xaa: {  	v59 =	vld [tilespmem:s13+$0x101C0]  }
0xab: {  	v4 =	vadd.f32 v5, v4  }
0xac: {  	v5 =	vld [tilespmem:s14+$0x11580]  }
0xad: {  	v4 =	vadd.f32 v58, v4  }
0xae: {  	v60 =	vld [tilespmem:s13+$0x12940]  }
0xaf: {  	v4 =	vadd.f32 v59, v4  }
0xb0: {  	v61 =	vld [tilespmem:s14+$0x13D00]  }
0xb1: {  	v4 =	vadd.f32 v5, v4  }
0xb2: {  	v5 =	vld [tilespmem:s13+$0x150C0]  }
0xb3: {  	v4 =	vadd.f32 v60, v4  }
0xb4: {  	v62 =	vld [tilespmem:s14+$0x16480]  }
0xb5: {  	v4 =	vadd.f32 v61, v4  }
0xb6: {  	v63 =	vld [tilespmem:s13+$0x17840]  }
0xb7: {  	v4 =	vadd.f32 v5, v4  }
0xb8: {  	p0 =	por $0x1, $0x1  }
.Ltmp3:
0xb9: {  	v4 =	vadd.f32 v62, v4;
	(pc) =	sbr.rel @!p0 .LBB2_9-.Ltmp3, $4  }
0xba: {  	s12 =	sand.u32 $0x7E00, s12  }
0xbb: {  	s11 =	sand.u32 $0x70, s11;
	s12 =	sshrl.u32 s12, $0x2;
	v4 =	vadd.f32 v63, v4  }
0xbc: {  	s11 =	sor.u32 s11, s12  }
0xbd: {  	s12 =	simm.s32 $0x0;
	s13 =	simm.s32 $0x400;
	[tilespmem:s11+$0x18C00] =	vst v4;
	s11 =	simm.s32 $0x0  }
.LBB2_8:
0xbe: {  	p0 =	sne.s32 s13, $0x4EC00;
	[tilespmem:s12+$0x50F0] =	vst v1  }
0xbf: {  	[tilespmem:s12+$0x5000] =	vst v1  }
0xc0: {  	[tilespmem:s12+$0x5010] =	vst v1  }
0xc1: {  	[tilespmem:s12+$0x5020] =	vst v1  }
0xc2: {  	[tilespmem:s12+$0x5030] =	vst v1  }
0xc3: {  	[tilespmem:s12+$0x5040] =	vst v1  }
0xc4: {  	[tilespmem:s12+$0x5050] =	vst v1  }
0xc5: {  	[tilespmem:s12+$0x5060] =	vst v1  }
0xc6: {  	[tilespmem:s12+$0x5070] =	vst v1  }
0xc7: {  	[tilespmem:s12+$0x5080] =	vst v1  }
0xc8: {  	[tilespmem:s12+$0x5090] =	vst v1  }
.Ltmp4:
0xc9: {  	[tilespmem:s12+$0x50A0] =	vst v1;
	(pc) =	sbr.rel @p0 .LBB2_8-.Ltmp4, $4  }
0xca: {  	[tilespmem:s12+$0x50B0] =	vst v1  }
0xcb: {  	[tilespmem:s12+$0x50C0] =	vst v1  }
0xcc: {  	[tilespmem:s12+$0x50D0] =	vst v1  }
0xcd: {  	[tilespmem:s12+$0x50E0] =	vst v1;
	s12 =	sshra.s32 s13, $0x2;
	s13 =	sadd.s32 $0x400, s13  }
.LBB2_9:
0xce: {  	[tilespmem:s12+$0x50F0] =	vst v1  }
0xcf: {  	[tilespmem:s12+$0x5000] =	vst v1  }
0xd0: {  	[tilespmem:s12+$0x5010] =	vst v1  }
0xd1: {  	[tilespmem:s12+$0x5020] =	vst v1  }
0xd2: {  	[tilespmem:s12+$0x5030] =	vst v1  }
0xd3: {  	[tilespmem:s12+$0x5040] =	vst v1  }
0xd4: {  	[tilespmem:s12+$0x5050] =	vst v1  }
0xd5: {  	[tilespmem:s12+$0x5060] =	vst v1  }
0xd6: {  	[tilespmem:s12+$0x5070] =	vst v1  }
0xd7: {  	[tilespmem:s12+$0x5080] =	vst v1  }
0xd8: {  	[tilespmem:s12+$0x5090] =	vst v1  }
0xd9: {  	[tilespmem:s12+$0x50A0] =	vst v1  }
0xda: {  	[tilespmem:s12+$0x50B0] =	vst v1  }
0xdb: {  	[tilespmem:s12+$0x50C0] =	vst v1  }
0xdc: {  	[tilespmem:s12+$0x50D0] =	vst v1  }
0xdd: {  	[tilespmem:s12+$0x50E0] =	vst v1  }
.LBB2_10:
0xde: {  	s12 =	sshra.s32 s11, $0x2  }
0xdf: {  	v4 =	vld [tilespmem:s12+$0x0];
	_ =	sdelay $0x4  }
0xe0: {  	v5 =	vadd.s32 $0xFFFFEC40, v4  }
0xe1: {  	vm0 =	vlt.u32 v5, $0x13C0  }
0xe2: {  	v4 =	vadd.s32 v3, v4;
	_ =	sdelay $0x4  }
0xe3: {  	[tilespmem:v4+s6+$0x0] =	vst.idx.add.f32.msk vm0, v2  }
0xe4: {  	v4 =	vld [tilespmem:s12+$0x10];
	_ =	sdelay $0x4  }
0xe5: {  	v5 =	vadd.s32 $0xFFFFEC40, v4  }
0xe6: {  	vm9 =	vlt.u32 v5, $0x13C0  }
0xe7: {  	v4 =	vadd.s32 v3, v4;
	_ =	sdelay $0x4  }
0xe8: {  	[tilespmem:v4+s6+$0x0] =	vst.idx.add.f32.msk vm9, v2  }
0xe9: {  	v4 =	vld [tilespmem:s12+$0x20];
	_ =	sdelay $0x4  }
0xea: {  	v5 =	vadd.s32 $0xFFFFEC40, v4  }
0xeb: {  	vm10 =	vlt.u32 v5, $0x13C0  }
0xec: {  	v4 =	vadd.s32 v3, v4;
	_ =	sdelay $0x4  }
0xed: {  	[tilespmem:v4+s6+$0x0] =	vst.idx.add.f32.msk vm10, v2  }
0xee: {  	v4 =	vld [tilespmem:s12+$0x30];
	_ =	sdelay $0x4  }
0xef: {  	v5 =	vadd.s32 $0xFFFFEC40, v4  }
0xf0: {  	vm11 =	vlt.u32 v5, $0x13C0  }
0xf1: {  	v4 =	vadd.s32 v3, v4;
	_ =	sdelay $0x4  }
0xf2: {  	[tilespmem:v4+s6+$0x0] =	vst.idx.add.f32.msk vm11, v2  }
0xf3: {  	v4 =	vld [tilespmem:s12+$0x40];
	_ =	sdelay $0x4  }
0xf4: {  	v5 =	vadd.s32 $0xFFFFEC40, v4  }
0xf5: {  	vm12 =	vlt.u32 v5, $0x13C0  }
0xf6: {  	v4 =	vadd.s32 v3, v4;
	_ =	sdelay $0x4  }
0xf7: {  	[tilespmem:v4+s6+$0x0] =	vst.idx.add.f32.msk vm12, v2  }
0xf8: {  	v4 =	vld [tilespmem:s12+$0x50];
	_ =	sdelay $0x4  }
0xf9: {  	v5 =	vadd.s32 $0xFFFFEC40, v4  }
0xfa: {  	vm13 =	vlt.u32 v5, $0x13C0  }
0xfb: {  	v4 =	vadd.s32 v3, v4;
	_ =	sdelay $0x4  }
0xfc: {  	[tilespmem:v4+s6+$0x0] =	vst.idx.add.f32.msk vm13, v2  }
0xfd: {  	v4 =	vld [tilespmem:s12+$0x60];
	_ =	sdelay $0x4  }
0xfe: {  	v5 =	vadd.s32 $0xFFFFEC40, v4  }
0xff: {  	vm14 =	vlt.u32 v5, $0x13C0  }
0x100: {  	v4 =	vadd.s32 v3, v4;
	_ =	sdelay $0x4  }
0x101: {  	[tilespmem:v4+s6+$0x0] =	vst.idx.add.f32.msk vm14, v2  }
0x102: {  	v4 =	vld [tilespmem:s12+$0x70];
	_ =	sdelay $0x4  }
0x103: {  	v5 =	vadd.s32 $0xFFFFEC40, v4  }
0x104: {  	vm15 =	vlt.u32 v5, $0x13C0  }
0x105: {  	p0 =	sne.s32 s11, $0x13E00;
	v4 =	vadd.s32 v3, v4  }
.Ltmp5:
0x106: {  	_ = 	snop;
	(pc) =	sbr.rel @p0 .LBB2_10-.Ltmp5, $2  }
0x107: {  	_ =	sdelay $0x2  }
0x108: {  	s11 =	sadd.s32 $0x200, s11;
	[tilespmem:v4+s6+$0x0] =	vst.idx.add.f32.msk vm15, v2  }
0x109: {  	s12 =	simm.s32 $0x0  }
0x10a: {  	v4 =	vld [tilespmem:s12+$0x63C0]  }
0x10b: {  	s11 =	simm.s32 $0x0;
	v5 =	vld [tilespmem:s12+$0x5000]  }
0x10c: {  	s13 =	sand.u32 $0x1FF0, s11  }
0x10d: {  	v6 =	vld [tilespmem:s13+$0x7780];
	_ =	sdelay $0x1  }
0x10e: {  	v7 =	vld [tilespmem:s12+$0x8B40]  }
0x10f: {  	v4 =	vadd.f32 v4, v5  }
0x110: {  	v5 =	vld [tilespmem:s13+$0x9F00]  }
0x111: {  	v4 =	vadd.f32 v6, v4  }
0x112: {  	v6 =	vld [tilespmem:s12+$0xB2C0]  }
0x113: {  	v4 =	vadd.f32 v7, v4  }
0x114: {  	v7 =	vld [tilespmem:s13+$0xC680]  }
0x115: {  	v4 =	vadd.f32 v5, v4  }
0x116: {  	v5 =	vld [tilespmem:s12+$0xDA40]  }
0x117: {  	v4 =	vadd.f32 v6, v4  }
0x118: {  	v6 =	vld [tilespmem:s13+$0xEE00]  }
0x119: {  	v4 =	vadd.f32 v7, v4  }
0x11a: {  	v7 =	vld [tilespmem:s12+$0x101C0]  }
0x11b: {  	v4 =	vadd.f32 v5, v4  }
0x11c: {  	v5 =	vld [tilespmem:s13+$0x11580]  }
0x11d: {  	v4 =	vadd.f32 v6, v4  }
0x11e: {  	v6 =	vld [tilespmem:s12+$0x12940]  }
0x11f: {  	v4 =	vadd.f32 v7, v4  }
0x120: {  	v7 =	vld [tilespmem:s13+$0x13D00]  }
0x121: {  	v4 =	vadd.f32 v5, v4  }
0x122: {  	v5 =	vld [tilespmem:s12+$0x150C0]  }
0x123: {  	v4 =	vadd.f32 v6, v4  }
0x124: {  	v6 =	vld [tilespmem:s13+$0x16480]  }
0x125: {  	v4 =	vadd.f32 v7, v4  }
0x126: {  	v7 =	vld [tilespmem:s12+$0x17840]  }
0x127: {  	v4 =	vadd.f32 v5, v4;
	_ =	sdelay $0x1  }
0x128: {  	s30 =	simm.s32 $0x4F00;
	v4 =	vadd.f32 v6, v4  }
0x129: {  	s31 =	simm.s32 $0x13C0;
	s12 =	sand.u32 $0xFE00, s30  }
0x12a: {  	s13 =	sand.u32 $0x70, s31;
	s12 =	sshrl.u32 s12, $0x2;
	v4 =	vadd.f32 v7, v4  }
0x12b: {  	s12 =	sor.u32 s13, s12  }
0x12c: {  	s13 =	simm.s32 $0x10;
	[tilespmem:s12+$0x18C00] =	vst v4  }
0x12d: {  	s14 =	simm.s32 $0x80;
	s12 =	simm.s32 $0x40;
	v4 =	vld [tilespmem:s13+$0x63C0]  }
.LBB2_12:
0x12e: {  	p0 =	sne.s32 s14, $0x4EC0;
	v5 =	vld [tilespmem:s13+$0x5000];
	s11 =	sadd.s32 $0x10, s11  }
0x12f: {  	s15 =	sand.u32 $0x1FF0, s11  }
0x130: {  	v6 =	vld [tilespmem:s15+$0x7780];
	_ =	sdelay $0x1  }
0x131: {  	v7 =	vld [tilespmem:s13+$0x8B40]  }
0x132: {  	v4 =	vadd.f32 v4, v5  }
0x133: {  	v5 =	vld [tilespmem:s15+$0x9F00]  }
0x134: {  	v4 =	vadd.f32 v6, v4  }
0x135: {  	v6 =	vld [tilespmem:s13+$0xB2C0]  }
0x136: {  	v4 =	vadd.f32 v7, v4  }
0x137: {  	v7 =	vld [tilespmem:s15+$0xC680]  }
0x138: {  	v4 =	vadd.f32 v5, v4  }
0x139: {  	v5 =	vld [tilespmem:s13+$0xDA40]  }
0x13a: {  	v4 =	vadd.f32 v6, v4  }
0x13b: {  	v6 =	vld [tilespmem:s15+$0xEE00]  }
0x13c: {  	v4 =	vadd.f32 v7, v4  }
0x13d: {  	v7 =	vld [tilespmem:s13+$0x101C0]  }
0x13e: {  	v4 =	vadd.f32 v5, v4  }
0x13f: {  	v5 =	vld [tilespmem:s15+$0x11580]  }
0x140: {  	v4 =	vadd.f32 v6, v4  }
0x141: {  	v6 =	vld [tilespmem:s13+$0x12940]  }
0x142: {  	v4 =	vadd.f32 v7, v4  }
0x143: {  	v7 =	vld [tilespmem:s15+$0x13D00]  }
0x144: {  	v4 =	vadd.f32 v5, v4  }
0x145: {  	v5 =	vld [tilespmem:s13+$0x150C0]  }
0x146: {  	v4 =	vadd.f32 v6, v4  }
0x147: {  	v6 =	vld [tilespmem:s15+$0x16480]  }
0x148: {  	v4 =	vadd.f32 v7, v4  }
0x149: {  	v7 =	vld [tilespmem:s13+$0x17840]  }
0x14a: {  	v4 =	vadd.f32 v5, v4;
	_ =	sdelay $0x1  }
0x14b: {  	s13 =	sadd.s32 $0x4F00, s12;
	s12 =	smov.u32 s14;
	v4 =	vadd.f32 v6, v4  }
.Ltmp6:
0x14c: {  	s15 =	sadd.s32 $0x13C0, s11;
	s13 =	sand.u32 $0xFE00, s13;
	(pc) =	sbr.rel @p0 .LBB2_12-.Ltmp6, $4  }
0x14d: {  	s15 =	sand.u32 $0x70, s15;
	s13 =	sshrl.u32 s13, $0x2;
	v4 =	vadd.f32 v7, v4  }
0x14e: {  	s15 =	sor.u32 s15, s13  }
0x14f: {  	s13 =	sshra.s32 s14, $0x2;
	[tilespmem:s15+$0x18C00] =	vst v4  }
0x150: {  	s14 =	sadd.s32 $0x40, s14;
	v4 =	vld [tilespmem:s13+$0x63C0]  }
0x151: {  	v5 =	vld [tilespmem:s13+$0x5000];
	s11 =	sadd.s32 $0x10, s11  }
0x152: {  	s14 =	sand.u32 $0x1FF0, s11  }
0x153: {  	v6 =	vld [tilespmem:s14+$0x7780];
	_ =	sdelay $0x1  }
0x154: {  	v7 =	vld [tilespmem:s13+$0x8B40]  }
0x155: {  	v4 =	vadd.f32 v4, v5  }
0x156: {  	v5 =	vld [tilespmem:s14+$0x9F00]  }
0x157: {  	v4 =	vadd.f32 v6, v4  }
0x158: {  	v56 =	vld [tilespmem:s13+$0xB2C0]  }
0x159: {  	v4 =	vadd.f32 v7, v4  }
0x15a: {  	v57 =	vld [tilespmem:s14+$0xC680]  }
0x15b: {  	v4 =	vadd.f32 v5, v4  }
0x15c: {  	v5 =	vld [tilespmem:s13+$0xDA40]  }
0x15d: {  	v4 =	vadd.f32 v56, v4  }
0x15e: {  	v58 =	vld [tilespmem:s14+$0xEE00]  }
0x15f: {  	v4 =	vadd.f32 v57, v4  }
0x160: {  	v59 =	vld [tilespmem:s13+$0x101C0]  }
0x161: {  	v4 =	vadd.f32 v5, v4  }
0x162: {  	v5 =	vld [tilespmem:s14+$0x11580]  }
0x163: {  	v4 =	vadd.f32 v58, v4  }
0x164: {  	v60 =	vld [tilespmem:s13+$0x12940]  }
0x165: {  	v4 =	vadd.f32 v59, v4  }
0x166: {  	v61 =	vld [tilespmem:s14+$0x13D00]  }
0x167: {  	v4 =	vadd.f32 v5, v4  }
0x168: {  	v5 =	vld [tilespmem:s13+$0x150C0]  }
0x169: {  	v4 =	vadd.f32 v60, v4  }
0x16a: {  	v62 =	vld [tilespmem:s14+$0x16480]  }
0x16b: {  	v4 =	vadd.f32 v61, v4  }
0x16c: {  	v63 =	vld [tilespmem:s13+$0x17840]  }
0x16d: {  	v4 =	vadd.f32 v5, v4;
	_ =	sdelay $0x1  }
0x16e: {  	s12 =	sadd.s32 $0x4F00, s12;
	v4 =	vadd.f32 v62, v4  }
0x16f: {  	s11 =	sadd.s32 $0x13C0, s11;
	s12 =	sand.u32 $0xFE00, s12  }
0x170: {  	s10 =	sadd.s32 $0x1, s10;
	s11 =	sand.u32 $0x70, s11;
	s12 =	sshrl.u32 s12, $0x2;
	v4 =	vadd.f32 v63, v4  }
0x171: {  	p0 =	sne.s32 s10, s4;
	s11 =	sor.u32 s11, s12  }
.Ltmp7:
0x172: {  	[tilespmem:s11+$0x18C00] =	vst v4;
	(pc) =	sbr.rel @p0 .LBB2_1-.Ltmp7, $4  }
0x173: {  	[hbm4b:s7+s1] =	stream.linear.scatter [tilespmem:s8], [sflag:$0x2], $0x2780, $0x38;
	[tilespmem:$0x1B400] =	vst v63  }
0x174: {  	_ =	swait.ge [sflag:s9], $0x2780  }
0x175: {  	[sflag:s9] =	ssyncset.done $0x0  }
0x176: {  	[sflag:s9] =	ssyncadd.s32 $0xFFFFD880  }
0x177: {  	_ =	sfence.sel $0x180000  }
0x178: {  	[bflag:$0x0] =	sbarrier.arrive $0xFFFF  }
0x179: {  	p0 =	sne.s32 s2, $0x0;
	_ =	strace $0x90000047  }
0x17a: {  	s0 =	sadd.s32 @!p0 $0x100000, s0;
	[bflag:$0x2] =	sbarrier.arrive $0xFFFF  }
0x17b: {  	[sflag:s0] =	ssyncadd.tile.s32 @!p0 $0x1;
	_ =	shalt  }
.Lfunc_end2:
_tile_overlayer_lowered:
.L_overlay_start_2:
0x17c: {  	(tag) =	ssettag $0x2  }
0x17d: {  	s0 =	rddreg [dreg:$0x0];
	s2 =	stileid.u32  }
0x17e: {  	s1 =	rddreg [dreg:$0x1];
	p0 =	sne.s32 s2, $0x0  }
0x17f: {  	s3 =	rddreg [dreg:$0x2];
	[bflag:$0x3] =	sbarrier.arrive $0xFFFF;
	s2 =	simm.s32 @!p0 $0x1C02  }
0x180: {  	[timem:s3], [sflag:s2] =	dma.local @!p0 [hbm:s0], s1  }
0x181: {  	s0 =	simm.s32 @!p0 $0x2  }
0x182: {  	_ =	swait.ge @!p0 [sflag:s0], s1  }
0x183: {  	s1 =	ssub.s32 @!p0 $0x0, s1;
	[sflag:s0] =	ssyncset.done @!p0 $0x0  }
0x184: {  	[sflag:s0] =	ssyncadd.s32 @!p0 s1  }
0x185: {  	[bflag:$0x3] =	sbarrier.arrive $0xFFFF  }
0x186: {  	_ =	shalt  }

</sc_bundles>
